<compile_context>
chip_gen: v7x
topology: tpu7x:2x2x1
jax: 0.10.2.dev20260603
libtpu: 0.0.44.dev20260713+nightly
codegen_flags: <defaults>
</compile_context>

<pallas_src>
import functools

import jax
import jax.numpy as jnp
from jax import lax
from jax.experimental import pallas as pl
from jax.experimental.pallas import tpu as pltpu
from jax.experimental.pallas import tpu_sc as plsc

H = 128
EPS = 1e-5
NC, NS, L = 2, 16, 16
NW = NC * NS
CH = 128
NG = 50000
QR = 12504
Q3 = NG - 3 * QR
BC = 96
CAPW = 5216
SROWS = 12576



def _bdot(a, b):
    return jnp.dot(a, b, preferred_element_type=jnp.float32)


def _mm_body(x_ref, w_ref, o_ref):
    o_ref[...] = _bdot(x_ref[...], w_ref[...])


def _matmul(x, w, bn):
    n, k = x.shape
    m = w.shape[1]
    return pl.pallas_call(
        _mm_body,
        grid=(n // bn,),
        in_specs=[pl.BlockSpec((bn, k), lambda i: (i, 0)),
                  pl.BlockSpec((k, m), lambda i: (0, 0))],
        out_specs=pl.BlockSpec((bn, m), lambda i: (i, 0)),
        out_shape=jax.ShapeDtypeStruct((n, m), jnp.float32),
    )(x, w)


def _ln_tc(h, g, b):
    mu = jnp.mean(h, axis=-1, keepdims=True)
    var = jnp.mean((h - mu) * (h - mu), axis=-1, keepdims=True)
    return (h - mu) * lax.rsqrt(var + EPS) * g + b


def _silu(x):
    return x * jax.nn.sigmoid(x)


def _edge_body(em_ref, g_ref, w1_ref, b1_ref, lg_ref, lb_ref, w2_ref, b2_ref,
               o_ref):
    em = em_ref[...]
    pre = _bdot(em, w1_ref[...]) + g_ref[...] + b1_ref[...]
    h = _ln_tc(_silu(pre), lg_ref[...], lb_ref[...])
    o_ref[...] = em + _bdot(h, w2_ref[...]) + b2_ref[...]


def _edge_mlp(em, g, w1, b1, lg, lb, w2, b2, be):
    n = em.shape[0]
    vec = lambda v: v.reshape(1, H)
    row_spec = pl.BlockSpec((1, H), lambda i: (0, 0))
    return pl.pallas_call(
        _edge_body,
        grid=(n // be,),
        in_specs=[pl.BlockSpec((be, H), lambda i: (i, 0)),
                  pl.BlockSpec((be, H), lambda i: (i, 0)),
                  pl.BlockSpec((H, H), lambda i: (0, 0)),
                  row_spec, row_spec, row_spec,
                  pl.BlockSpec((H, H), lambda i: (0, 0)),
                  row_spec],
        out_specs=pl.BlockSpec((be, H), lambda i: (i, 0)),
        out_shape=jax.ShapeDtypeStruct((n, H), jnp.float32),
    )(em, g, w1, vec(b1), vec(lg), vec(lb), w2, vec(b2))


def _node_body(vg_ref, agg_ref, w1a_ref, w1b_ref, b1_ref, lg_ref, lb_ref,
               w2_ref, b2_ref, ow1_ref, ob1_ref, ow2_ref, ob2_ref, o_ref):
    vg = vg_ref[...]
    pre = (_bdot(vg, w1a_ref[...]) + _bdot(agg_ref[...], w1b_ref[...])
           + b1_ref[...])
    h = _ln_tc(_silu(pre), lg_ref[...], lb_ref[...])
    vg2 = vg + _bdot(h, w2_ref[...]) + b2_ref[...]
    h2 = _silu(_bdot(vg2, ow1_ref[...]) + ob1_ref[...])
    o_ref[...] = _bdot(h2, ow2_ref[...]) + ob2_ref[...]


def _node_mlp(vg, agg, w1a, w1b, b1, lg, lb, w2, b2, ow1, ob1, ow2, ob2, bn):
    n = vg.shape[0]
    out = ow2.shape[1]
    vec = lambda v: v.reshape(1, -1)
    row_spec = pl.BlockSpec((1, H), lambda i: (0, 0))
    orow_spec = pl.BlockSpec((1, out), lambda i: (0, 0))
    return pl.pallas_call(
        _node_body,
        grid=(n // bn,),
        in_specs=[pl.BlockSpec((bn, H), lambda i: (i, 0)),
                  pl.BlockSpec((bn, H), lambda i: (i, 0)),
                  pl.BlockSpec((H, H), lambda i: (0, 0)),
                  pl.BlockSpec((H, H), lambda i: (0, 0)),
                  row_spec, row_spec, row_spec,
                  pl.BlockSpec((H, H), lambda i: (0, 0)),
                  row_spec,
                  pl.BlockSpec((H, out), lambda i: (0, 0)),
                  orow_spec,
                  pl.BlockSpec((H, out), lambda i: (0, 0)),
                  orow_spec],
        out_specs=pl.BlockSpec((bn, out), lambda i: (i, 0)),
        out_shape=jax.ShapeDtypeStruct((n, out), jnp.float32),
    )(vg, agg, w1a, w1b, vec(b1), vec(lg), vec(lb), w2, vec(b2),
      ow1, vec(ob1), ow2, vec(ob2))



def _sc_gather_sum(tS, tR, send_p, recv_p):
    ep = send_p.shape[0]
    nch = ep // CH
    per_w = nch // NW
    npair = per_w // 2
    mesh = plsc.VectorSubcoreMesh(core_axis_name="c", subcore_axis_name="s")

    @functools.partial(
        pl.kernel,
        out_type=jax.ShapeDtypeStruct((ep, H), jnp.float32),
        mesh=mesh,
        scratch_types=[pltpu.VMEM((per_w * CH,), jnp.int32),
                       pltpu.VMEM((per_w * CH,), jnp.int32),
                       pltpu.VMEM((CH, H), jnp.float32),
                       pltpu.VMEM((CH, H), jnp.float32),
                       pltpu.VMEM((CH, H), jnp.float32),
                       pltpu.VMEM((CH, H), jnp.float32),
                       pltpu.SemaphoreType.DMA,
                       pltpu.SemaphoreType.DMA,
                       pltpu.SemaphoreType.DMA,
                       pltpu.SemaphoreType.DMA],
    )
    def k(ts_hbm, tr_hbm, s_hbm, r_hbm, g_hbm, idxa, idxb,
          a0, b0, a1, b1, sa0, sb0, sa1, sb1):
        wid = lax.axis_index("s") * NC + lax.axis_index("c")
        wbase = wid * per_w * CH
        pltpu.sync_copy(s_hbm.at[pl.ds(wbase, per_w * CH)], idxa)
        pltpu.sync_copy(r_hbm.at[pl.ds(wbase, per_w * CH)], idxb)

        def start(i, abuf, bbuf, asem, bsem):
            off = pl.ds(i * CH, CH)
            pltpu.async_copy(ts_hbm.at[idxa.at[off]], abuf, asem)
            pltpu.async_copy(tr_hbm.at[idxb.at[off]], bbuf, bsem)

        def finish(i, abuf, bbuf, asem, bsem):
            pltpu.make_async_copy(ts_hbm.at[idxa.at[pl.ds(0, CH)]],
                                  abuf, asem).wait()
            pltpu.make_async_copy(tr_hbm.at[idxb.at[pl.ds(0, CH)]],
                                  bbuf, bsem).wait()

            @pl.loop(0, CH)
            def _(rr):
                @pl.loop(0, H, step=L)
                def _(jj):
                    slc = (pl.ds(rr, 1), pl.ds(jj, L))
                    abuf.at[slc][...] = abuf.at[slc][...] + bbuf.at[slc][...]

            pltpu.sync_copy(abuf, g_hbm.at[pl.ds(wbase + i * CH, CH)])

        start(0, a0, b0, sa0, sb0)

        @pl.loop(0, npair)
        def _(j):
            c0 = 2 * j
            start(c0 + 1, a1, b1, sa1, sb1)
            finish(c0, a0, b0, sa0, sb0)

            @pl.when(j + 1 < npair)
            def _():
                start(c0 + 2, a0, b0, sa0, sb0)

            finish(c0 + 1, a1, b1, sa1, sb1)

    return k(tS, tR, send_p, recv_p)


def _sc_bucket(recv_b):
    ep = recv_b.shape[0]
    per_w = ep // NW
    mesh = plsc.VectorSubcoreMesh(core_axis_name="c", subcore_axis_name="s")

    @functools.partial(
        pl.kernel,
        out_type=(jax.ShapeDtypeStruct((NW * 4 * CAPW,), jnp.int32),
                  jax.ShapeDtypeStruct((NW * 4 * CAPW,), jnp.int32),
                  jax.ShapeDtypeStruct((NW * L,), jnp.int32)),
        mesh=mesh,
        scratch_types=[pltpu.VMEM((per_w,), jnp.int32),
                       pltpu.VMEM((4 * CAPW,), jnp.int32),
                       pltpu.VMEM((4 * CAPW,), jnp.int32),
                       pltpu.VMEM((L,), jnp.int32),
                       pltpu.SMEM((8,), jnp.int32)],
        compiler_params=pltpu.CompilerParams(needs_layout_passes=False),
    )
    def k(r_hbm, ids_hbm, lxs_hbm, cnts_hbm, rbuf, bid, blx, cbuf, offs):
        wid = lax.axis_index("s") * NC + lax.axis_index("c")
        wbase = wid * per_w
        pltpu.sync_copy(r_hbm.at[pl.ds(wbase, per_w)], rbuf)
        lane = lax.iota(jnp.int32, L)
        for q in range(4):
            offs[q] = 0

        @pl.loop(0, per_w, step=L)
        def _(i):
            rv = rbuf.at[pl.ds(i, L)][...]
            idv = wbase + i + lane
            for q in range(4):
                lv = rv - q * QR
                cq = QR if q < 3 else Q3
                m = (lv >= 0) & (lv < cq)
                off = offs[q]
                mi = m.astype(jnp.int32)
                pos = q * CAPW + off + lax.cumsum(mi) - 1
                plsc.store_scatter(bid, [pos], idv, mask=m)
                plsc.store_scatter(blx, [pos], lv, mask=m)
                offs[q] = off + jnp.sum(mi)

        cvec = jnp.zeros((L,), jnp.int32)
        for q in range(4):
            off = offs[q]
            for t in range(BC // L):
                bid.at[pl.ds(q * CAPW + off + t * L, L)][...] = (
                    jnp.full((L,), 0, jnp.int32) + wbase)
                blx.at[pl.ds(q * CAPW + off + t * L, L)][...] = (
                    jnp.full((L,), QR, jnp.int32))
            nchq = (jnp.full((L,), BC - 1, jnp.int32) + off) // BC
            cvec = cvec + jnp.where(lane == q, nchq, 0)
            pltpu.sync_copy(bid.at[pl.ds(q * CAPW, CAPW)],
                            ids_hbm.at[pl.ds((wid * 4 + q) * CAPW, CAPW)])
            pltpu.sync_copy(blx.at[pl.ds(q * CAPW, CAPW)],
                            lxs_hbm.at[pl.ds((wid * 4 + q) * CAPW, CAPW)])
        cbuf[...] = cvec
        pltpu.sync_copy(cbuf, cnts_hbm.at[pl.ds(wid * L, L)])

    return k(recv_b)


def _sc_scatter_add(e, ids, lxs, cnts):
    mesh = plsc.VectorSubcoreMesh(core_axis_name="c", subcore_axis_name="s")

    @functools.partial(
        pl.kernel,
        out_type=jax.ShapeDtypeStruct((NG, H), jnp.float32),
        mesh=mesh,
        scratch_types=[pltpu.VMEM((BC,), jnp.int32),
                       pltpu.VMEM((BC,), jnp.int32),
                       pltpu.VMEM((BC,), jnp.int32),
                       pltpu.VMEM((BC,), jnp.int32),
                       pltpu.VMEM((L,), jnp.int32),
                       pltpu.VMEM((L,), jnp.int32),
                       pltpu.VMEM((BC, H), jnp.float32),
                       pltpu.VMEM((BC, H), jnp.float32),
                       pltpu.VMEM_SHARED((SROWS, H), jnp.float32),
                       pltpu.SemaphoreType.DMA,
                       pltpu.SemaphoreType.DMA],
        compiler_params=pltpu.CompilerParams(needs_layout_passes=False),
    )
    def k(e_hbm, ids_hbm, lxs_hbm, cnts_hbm, z_hbm, agg_hbm,
          id0, id1, lx0, lx1, cb0, cb1, e0, e1, acc, se0, se1):
        cid = lax.axis_index("c")
        sid = lax.axis_index("s")
        lane = lax.iota(jnp.int32, L)

        @pl.loop(0, 2)
        def _(p):
            q = 2 * p + cid
            lo = q * QR
            cnt = jnp.where(q < 3, QR, Q3)

            @pl.loop(sid, SROWS // BC, step=NS)
            def _(b):
                pltpu.sync_copy(z_hbm, acc.at[pl.ds(b * BC, BC)])

            plsc.subcore_barrier()

            w0 = 2 * sid
            w1 = w0 + 1
            pltpu.sync_copy(cnts_hbm.at[pl.ds(w0 * L, L)], cb0)
            pltpu.sync_copy(cnts_hbm.at[pl.ds(w1 * L, L)], cb1)
            n0 = jnp.max(jnp.where(lane == q, cb0[...], 0))
            n1 = jnp.max(jnp.where(lane == q, cb1[...], 0))
            total = n0 + n1

            def seg_off(i):
                in0 = i < n0
                w = jnp.where(in0, w0, w1)
                c = jnp.where(in0, i, i - n0)
                return (w * 4 + q) * CAPW + c * BC

            def start(i, ebuf, idb, lxb, se):
                off = seg_off(i)
                pltpu.sync_copy(ids_hbm.at[pl.ds(off, BC)], idb)
                pltpu.sync_copy(lxs_hbm.at[pl.ds(off, BC)], lxb)
                pltpu.async_copy(e_hbm.at[idb], ebuf, se)

            def finish(i, ebuf, idb, lxb, se):
                pltpu.make_async_copy(e_hbm.at[pl.ds(0, BC)], ebuf,
                                      se).wait()
                pltpu.sync_copy(ebuf, acc.at[lxb], add=True)

            npr = lax.shift_right_logical(total, 1)
            odd = total - 2 * npr

            @pl.when(total > 0)
            def _():
                start(0, e0, id0, lx0, se0)

            @pl.loop(0, npr)
            def _(j):
                c0 = 2 * j
                start(c0 + 1, e1, id1, lx1, se1)
                finish(c0, e0, id0, lx0, se0)

                @pl.when(c0 + 2 < total)
                def _():
                    start(c0 + 2, e0, id0, lx0, se0)

                finish(c0 + 1, e1, id1, lx1, se1)

            @pl.when(odd == 1)
            def _():
                finish(total - 1, e0, id0, lx0, se0)

            plsc.subcore_barrier()

            @pl.loop(sid, cnt // 8, step=NS)
            def _(b):
                pltpu.sync_copy(acc.at[pl.ds(b * 8, 8)],
                                agg_hbm.at[pl.ds(lo + b * 8, 8)])

            plsc.subcore_barrier()

    return k(e, ids, lxs, cnts, jnp.zeros((BC, H), jnp.float32))



def kernel(vM, vG, eM2G, senders, receivers, e_W1, e_b1, e_g, e_beta, e_W2,
           e_b2, n_W1, n_b1, n_g, n_beta, n_W2, n_b2, o_W1, o_b1, o_W2, o_b2):
    vm0 = vM[0]
    vg0 = vG[0]
    E = senders.shape[0]
    ep = ((E + NW * CH - 1) // (NW * CH)) * (NW * CH)
    pad = ep - E

    w1e, w1m, w1g = e_W1[:H], e_W1[H:2 * H], e_W1[2 * H:]
    nw1a, nw1b = n_W1[:H], n_W1[H:]

    send_p = jnp.concatenate([senders, jnp.zeros((pad,), jnp.int32)])
    recv_g = jnp.concatenate([receivers, jnp.zeros((pad,), jnp.int32)])
    recv_s = jnp.concatenate(
        [receivers, jnp.full((pad,), jnp.int32(1 << 30))])
    em_p = jnp.concatenate([eM2G, jnp.zeros((pad, H), jnp.float32)])

    ids, lxs, cnts = _sc_bucket(recv_s)
    tS = _matmul(vm0, w1m, 2000)
    tR = _matmul(vg0, w1g, 2000)
    G = _sc_gather_sum(tS, tR, send_p, recv_g)
    e = _edge_mlp(em_p, G, w1e, e_b1, e_g, e_beta, e_W2, e_b2, 4096)
    agg = _sc_scatter_add(e, ids, lxs, cnts)
    out = _node_mlp(vg0, agg, nw1a, nw1b, n_b1, n_g, n_beta, n_W2, n_b2,
                    o_W1, o_b1, o_W2, o_b2, 2000)
    return out[None]

# --- scband reference (transcript-rebuilt; emitter-appended) ---
"""Pipeline reference for scband-decoder-83794811945681 (READ-ONLY COPY).

The authoritative reference and input builder live on the scoring server;
editing this copy changes nothing except your own understanding.
"""

import jax, jax.numpy as jnp
import numpy as np

B, Nm, Ng, E, H, OUT = 1, 10000, 50000, 160000, 128, 128
EPS = 1e-5

def _ln(h, g, b):
    mu = jnp.mean(h, axis=-1, keepdims=True)
    var = jnp.var(h, axis=-1, keepdims=True)
    return (h - mu) / jnp.sqrt(var + EPS) * g + b

def _mlp_norm(x, W1, b1, g, beta, W2, b2):
    h = jax.nn.silu(x @ W1 + b1)
    h = _ln(h, g, beta)
    return h @ W2 + b2

def _mlp_plain(x, W1, b1, W2, b2):
    h = jax.nn.silu(x @ W1 + b1)
    return h @ W2 + b2

def _forward(vM, vG, eM2G, senders, receivers, p):
    e_in = jnp.concatenate([jnp.broadcast_to(eM2G[None], (B, E, H)), vM[:, senders], vG[:, receivers]], axis=-1)
    e = eM2G[None] + _mlp_norm(e_in, p['e_W1'], p['e_b1'], p['e_g'], p['e_beta'], p['e_W2'], p['e_b2'])
    agg = jnp.zeros((B, Ng, H), vG.dtype).at[:, receivers, :].add(e)
    vg_in = jnp.concatenate([vG, agg], axis=-1)
    vg = vG + _mlp_norm(vg_in, p['n_W1'], p['n_b1'], p['n_g'], p['n_beta'], p['n_W2'], p['n_b2'])
    return _mlp_plain(vg, p['o_W1'], p['o_b1'], p['o_W2'], p['o_b2'])

def setup_inputs(seed: int = 0):
    key = jax.random.key(seed)
    ks = jax.random.split(key, 16)
    def nrm(i, shape, s=0.05):
        return jax.random.normal(ks[i], shape, jnp.float32) * s
    return {
        'vM': jax.random.normal(ks[0], (B, Nm, H), jnp.float32),
        'vG': jax.random.normal(ks[1], (B, Ng, H), jnp.float32),
        'eM2G': jax.random.normal(ks[2], (E, H), jnp.float32),
        'senders': jax.random.randint(ks[3], (E,), 0, Nm, jnp.int32),
        'receivers': jax.random.randint(ks[4], (E,), 0, Ng, jnp.int32),
        'e_W1': nrm(5, (3 * H, H)), 'e_b1': jnp.zeros((H,), jnp.float32),
        'e_g': jnp.ones((H,), jnp.float32), 'e_beta': jnp.zeros((H,), jnp.float32),
        'e_W2': nrm(6, (H, H)), 'e_b2': jnp.zeros((H,), jnp.float32),
        'n_W1': nrm(7, (2 * H, H)), 'n_b1': jnp.zeros((H,), jnp.float32),
        'n_g': jnp.ones((H,), jnp.float32), 'n_beta': jnp.zeros((H,), jnp.float32),
        'n_W2': nrm(8, (H, H)), 'n_b2': jnp.zeros((H,), jnp.float32),
        'o_W1': nrm(9, (H, H)), 'o_b1': jnp.zeros((H,), jnp.float32),
        'o_W2': nrm(10, (H, OUT)), 'o_b2': jnp.zeros((OUT,), jnp.float32),
    }

def reference(vM, vG, eM2G, senders, receivers, e_W1, e_b1, e_g, e_beta, e_W2, e_b2, n_W1, n_b1, n_g, n_beta, n_W2, n_b2, o_W1, o_b1, o_W2, o_b2):
    p = dict(e_W1=e_W1, e_b1=e_b1, e_g=e_g, e_beta=e_beta, e_W2=e_W2, e_b2=e_b2,
             n_W1=n_W1, n_b1=n_b1, n_g=n_g, n_beta=n_beta, n_W2=n_W2, n_b2=n_b2,
             o_W1=o_W1, o_b1=o_b1, o_W2=o_W2, o_b2=o_b2)
    return _forward(vM, vG, eM2G, senders, receivers, p)

if __name__ == "__main__":
    import jax
    _d = setup_inputs()
    print(jax.jit(kernel)(*tuple(_d.values())))

</pallas_src>

<mosaic_0001>
#map = affine_map<(d0, d1) -> (0)>
module attributes {stable_mosaic.version = 14 : i64} {
  func.func @k(%arg0: i32, %arg1: i32, %arg2: memref<163840xi32, #tpu.memory_space<hbm>>, %arg3: memref<667648xi32, #tpu.memory_space<hbm>>, %arg4: memref<667648xi32, #tpu.memory_space<hbm>>, %arg5: memref<512xi32, #tpu.memory_space<hbm>>, %arg6: memref<5120xi32, #tpu.memory_space<vmem>>, %arg7: memref<20864xi32, #tpu.memory_space<vmem>>, %arg8: memref<20864xi32, #tpu.memory_space<vmem>>, %arg9: memref<16xi32, #tpu.memory_space<vmem>>, %arg10: memref<8xi32, #tpu.memory_space<smem>>) attributes {dimension_semantics = [#tpu.dimension_semantics<core_parallel>, #tpu.dimension_semantics<subcore_parallel>], iteration_bounds = array<i64: 2, 16>, scalar_prefetch = 0 : i64, scratch_operands = 5 : i64, tpu.core_type = #tpu.core_type<sc_vector_subcore>, window_params = [{transform_indices = #map}, {transform_indices = #map}, {transform_indices = #map}, {transform_indices = #map}]} {
    %mul3A = arith.constant 2 : i32
    %mul3A_0 = arith.muli %arg1, %mul3A : i32
    %add3A = arith.addi %mul3A_0, %arg0 : i32
    %mul3A_1 = arith.constant 5120 : i32
    %mul3A_2 = arith.muli %add3A, %mul3A_1 : i32
    "tpu.region"() ({
      %run_scoped3A = tpu.sem_alloc : memref<!tpu.dma_semaphore, #tpu.memory_space<semaphore_mem>>
      %dma_start3A = tpu.memref_slice %arg2[%mul3A_2] : memref<163840xi32, #tpu.memory_space<hbm>> -> memref<5120xi32, #tpu.memory_space<hbm>>
      %dma_start3A_677 = tpu.memref_slice %arg2[%mul3A_2] : memref<163840xi32, #tpu.memory_space<hbm>> -> memref<5120xi32, #tpu.memory_space<hbm>>
      tpu.enqueue_dma source(%dma_start3A_677 : memref<5120xi32, #tpu.memory_space<hbm>>) target(%arg6 : memref<5120xi32, #tpu.memory_space<vmem>>) target_semaphore(%run_scoped3A : memref<!tpu.dma_semaphore, #tpu.memory_space<semaphore_mem>>)
      %dma_wait3A = tpu.memref_slice %arg2[%mul3A_2] : memref<163840xi32, #tpu.memory_space<hbm>> -> memref<5120xi32, #tpu.memory_space<hbm>>
      %dma_wait3A_678 = tpu.memref_slice %arg2[%mul3A_2] : memref<163840xi32, #tpu.memory_space<hbm>> -> memref<5120xi32, #tpu.memory_space<hbm>>
      tpu.wait_dma2 semaphore(%run_scoped3A : memref<!tpu.dma_semaphore, #tpu.memory_space<semaphore_mem>>) src(%dma_wait3A_678 : memref<5120xi32, #tpu.memory_space<hbm>>) dst(%arg6 : memref<5120xi32, #tpu.memory_space<vmem>>)
      tpu.yield
    }) : () -> ()
    %iota3A = tpu.iota {dimensions = array<i32: 0>} : vector<16xi32>
    %swap3A = arith.constant 0 : i32
    %swap3A_3 = arith.constant 0 : i32
    %swap3A_4 = arith.index_cast %swap3A_3 : i32 to index
    %swap3A_5 = memref.load %arg10[%swap3A_4] : memref<8xi32, #tpu.memory_space<smem>>
    memref.store %swap3A, %arg10[%swap3A_4] : memref<8xi32, #tpu.memory_space<smem>>
    %swap3A_6 = arith.constant 0 : i32
    %swap3A_7 = arith.constant 1 : i32
    %swap3A_8 = arith.index_cast %swap3A_7 : i32 to index
    %swap3A_9 = memref.load %arg10[%swap3A_8] : memref<8xi32, #tpu.memory_space<smem>>
    memref.store %swap3A_6, %arg10[%swap3A_8] : memref<8xi32, #tpu.memory_space<smem>>
    %swap3A_10 = arith.constant 0 : i32
    %swap3A_11 = arith.constant 2 : i32
    %swap3A_12 = arith.index_cast %swap3A_11 : i32 to index
    %swap3A_13 = memref.load %arg10[%swap3A_12] : memref<8xi32, #tpu.memory_space<smem>>
    memref.store %swap3A_10, %arg10[%swap3A_12] : memref<8xi32, #tpu.memory_space<smem>>
    %swap3A_14 = arith.constant 0 : i32
    %swap3A_15 = arith.constant 3 : i32
    %swap3A_16 = arith.index_cast %swap3A_15 : i32 to index
    %swap3A_17 = memref.load %arg10[%swap3A_16] : memref<8xi32, #tpu.memory_space<smem>>
    memref.store %swap3A_14, %arg10[%swap3A_16] : memref<8xi32, #tpu.memory_space<smem>>
    %scan3A = arith.constant 0 : i32
    %scan3A_18 = arith.constant 320 : i32
    %scan3A_19 = arith.addi %scan3A, %scan3A_18 : i32
    %scan3A_20 = arith.constant 1 : i32
    scf.for %scan3A_677 = %scan3A to %scan3A_19 step %scan3A_20  : i32 {
      %mul3A_678 = arith.constant 16 : i32
      %mul3A_679 = arith.muli %scan3A_677, %mul3A_678 : i32
      %add3A_680 = arith.constant 0 : i32
      %add3A_681 = arith.addi %add3A_680, %mul3A_679 : i32
      %get3A_682 = arith.index_cast %add3A_681 : i32 to index
      %get3A_683 = tpu.vector_load %arg6[%get3A_682] {strides = array<i32>} : memref<5120xi32, #tpu.memory_space<vmem>>, vector<16xi32>,
      %add3A_684 = arith.addi %mul3A_2, %add3A_681 : i32
      %add3A_685 = vector.broadcast %add3A_684 : i32 to vector<16xi32>
      %add3A_686 = arith.addi %add3A_685, %iota3A : vector<16xi32>
      %sub3A_687 = arith.constant 0 : i32
      %sub3A_688 = vector.broadcast %sub3A_687 : i32 to vector<16xi32>
      %sub3A_689 = arith.subi %get3A_683, %sub3A_688 : vector<16xi32>
      %ge3A = arith.constant 0 : i32
      %ge3A_690 = vector.broadcast %ge3A : i32 to vector<16xi32>
      %ge3A_691 = arith.cmpi sge, %sub3A_689, %ge3A_690 : vector<16xi32>
      %lt3A = arith.constant 12504 : i32
      %lt3A_692 = vector.broadcast %lt3A : i32 to vector<16xi32>
      %lt3A_693 = arith.cmpi slt, %sub3A_689, %lt3A_692 : vector<16xi32>
      %and3A_694 = arith.andi %ge3A_691, %lt3A_693 : vector<16xi1>
      %get3A_695 = arith.constant 0 : i32
      %get3A_696 = arith.index_cast %get3A_695 : i32 to index
      %get3A_697 = memref.load %arg10[%get3A_696] : memref<8xi32, #tpu.memory_space<smem>>
      %convert_element_type3A = arith.extui %and3A_694 : vector<16xi1> to vector<16xi32>
      %add3A_698 = arith.constant 0 : i32
      %add3A_699 = arith.addi %add3A_698, %get3A_697 : i32
      %cumsum3A = arith.constant true
      %cumsum3A_700 = vector.broadcast %cumsum3A : i1 to vector<16xi1>
      %cumsum3A_701 = tpu.scan <sum>, %convert_element_type3A masked %cumsum3A_700 : vector<16xi32>, vector<16xi1> -> vector<16xi32>
      %add3A_702 = vector.broadcast %add3A_699 : i32 to vector<16xi32>
      %add3A_703 = arith.addi %add3A_702, %cumsum3A_701 : vector<16xi32>
      %sub3A_704 = arith.constant 1 : i32
      %sub3A_705 = vector.broadcast %sub3A_704 : i32 to vector<16xi32>
      %sub3A_706 = arith.subi %add3A_703, %sub3A_705 : vector<16xi32>
      tpu.vector_store_idx %arg7[%sub3A_706], %add3A_686 masked %and3A_694 : memref<20864xi32, #tpu.memory_space<vmem>>[vector<16xi32>], vector<16xi32>, vector<16xi1>
      tpu.vector_store_idx %arg8[%sub3A_706], %sub3A_689 masked %and3A_694 : memref<20864xi32, #tpu.memory_space<vmem>>[vector<16xi32>], vector<16xi32>, vector<16xi1>
      %reduce_sum3A = arith.constant true
      %reduce_sum3A_707 = vector.broadcast %reduce_sum3A : i1 to vector<16xi1>
      %reduce_sum3A_708 = tpu.scan <sum>, %convert_element_type3A masked %reduce_sum3A_707 : vector<16xi32>, vector<16xi1> -> vector<16xi32>
      %reduce_sum3A_709 = vector.extract %reduce_sum3A_708[15] : i32 from vector<16xi32>
      %add3A_710 = arith.addi %get3A_697, %reduce_sum3A_709 : i32
      %swap3A_711 = arith.constant 0 : i32
      %swap3A_712 = arith.index_cast %swap3A_711 : i32 to index
      %swap3A_713 = memref.load %arg10[%swap3A_712] : memref<8xi32, #tpu.memory_space<smem>>
      memref.store %add3A_710, %arg10[%swap3A_712] : memref<8xi32, #tpu.memory_space<smem>>
      %sub3A_714 = arith.constant 12504 : i32
      %sub3A_715 = vector.broadcast %sub3A_714 : i32 to vector<16xi32>
      %sub3A_716 = arith.subi %get3A_683, %sub3A_715 : vector<16xi32>
      %ge3A_717 = arith.constant 0 : i32
      %ge3A_718 = vector.broadcast %ge3A_717 : i32 to vector<16xi32>
      %ge3A_719 = arith.cmpi sge, %sub3A_716, %ge3A_718 : vector<16xi32>
      %lt3A_720 = arith.constant 12504 : i32
      %lt3A_721 = vector.broadcast %lt3A_720 : i32 to vector<16xi32>
      %lt3A_722 = arith.cmpi slt, %sub3A_716, %lt3A_721 : vector<16xi32>
      %and3A_723 = arith.andi %ge3A_719, %lt3A_722 : vector<16xi1>
      %get3A_724 = arith.constant 1 : i32
      %get3A_725 = arith.index_cast %get3A_724 : i32 to index
      %get3A_726 = memref.load %arg10[%get3A_725] : memref<8xi32, #tpu.memory_space<smem>>
      %convert_element_type3A_727 = arith.extui %and3A_723 : vector<16xi1> to vector<16xi32>
      %add3A_728 = arith.constant 5216 : i32
      %add3A_729 = arith.addi %add3A_728, %get3A_726 : i32
      %cumsum3A_730 = arith.constant true
      %cumsum3A_731 = vector.broadcast %cumsum3A_730 : i1 to vector<16xi1>
      %cumsum3A_732 = tpu.scan <sum>, %convert_element_type3A_727 masked %cumsum3A_731 : vector<16xi32>, vector<16xi1> -> vector<16xi32>
      %add3A_733 = vector.broadcast %add3A_729 : i32 to vector<16xi32>
      %add3A_734 = arith.addi %add3A_733, %cumsum3A_732 : vector<16xi32>
      %sub3A_735 = arith.constant 1 : i32
      %sub3A_736 = vector.broadcast %sub3A_735 : i32 to vector<16xi32>
      %sub3A_737 = arith.subi %add3A_734, %sub3A_736 : vector<16xi32>
      tpu.vector_store_idx %arg7[%sub3A_737], %add3A_686 masked %and3A_723 : memref<20864xi32, #tpu.memory_space<vmem>>[vector<16xi32>], vector<16xi32>, vector<16xi1>
      tpu.vector_store_idx %arg8[%sub3A_737], %sub3A_716 masked %and3A_723 : memref<20864xi32, #tpu.memory_space<vmem>>[vector<16xi32>], vector<16xi32>, vector<16xi1>
      %reduce_sum3A_738 = arith.constant true
      %reduce_sum3A_739 = vector.broadcast %reduce_sum3A_738 : i1 to vector<16xi1>
      %reduce_sum3A_740 = tpu.scan <sum>, %convert_element_type3A_727 masked %reduce_sum3A_739 : vector<16xi32>, vector<16xi1> -> vector<16xi32>
      %reduce_sum3A_741 = vector.extract %reduce_sum3A_740[15] : i32 from vector<16xi32>
      %add3A_742 = arith.addi %get3A_726, %reduce_sum3A_741 : i32
      %swap3A_743 = arith.constant 1 : i32
      %swap3A_744 = arith.index_cast %swap3A_743 : i32 to index
      %swap3A_745 = memref.load %arg10[%swap3A_744] : memref<8xi32, #tpu.memory_space<smem>>
      memref.store %add3A_742, %arg10[%swap3A_744] : memref<8xi32, #tpu.memory_space<smem>>
      %sub3A_746 = arith.constant 25008 : i32
      %sub3A_747 = vector.broadcast %sub3A_746 : i32 to vector<16xi32>
      %sub3A_748 = arith.subi %get3A_683, %sub3A_747 : vector<16xi32>
      %ge3A_749 = arith.constant 0 : i32
      %ge3A_750 = vector.broadcast %ge3A_749 : i32 to vector<16xi32>
      %ge3A_751 = arith.cmpi sge, %sub3A_748, %ge3A_750 : vector<16xi32>
      %lt3A_752 = arith.constant 12504 : i32
      %lt3A_753 = vector.broadcast %lt3A_752 : i32 to vector<16xi32>
      %lt3A_754 = arith.cmpi slt, %sub3A_748, %lt3A_753 : vector<16xi32>
      %and3A_755 = arith.andi %ge3A_751, %lt3A_754 : vector<16xi1>
      %get3A_756 = arith.constant 2 : i32
      %get3A_757 = arith.index_cast %get3A_756 : i32 to index
      %get3A_758 = memref.load %arg10[%get3A_757] : memref<8xi32, #tpu.memory_space<smem>>
      %convert_element_type3A_759 = arith.extui %and3A_755 : vector<16xi1> to vector<16xi32>
      %add3A_760 = arith.constant 10432 : i32
      %add3A_761 = arith.addi %add3A_760, %get3A_758 : i32
      %cumsum3A_762 = arith.constant true
      %cumsum3A_763 = vector.broadcast %cumsum3A_762 : i1 to vector<16xi1>
      %cumsum3A_764 = tpu.scan <sum>, %convert_element_type3A_759 masked %cumsum3A_763 : vector<16xi32>, vector<16xi1> -> vector<16xi32>
      %add3A_765 = vector.broadcast %add3A_761 : i32 to vector<16xi32>
      %add3A_766 = arith.addi %add3A_765, %cumsum3A_764 : vector<16xi32>
      %sub3A_767 = arith.constant 1 : i32
      %sub3A_768 = vector.broadcast %sub3A_767 : i32 to vector<16xi32>
      %sub3A_769 = arith.subi %add3A_766, %sub3A_768 : vector<16xi32>
      tpu.vector_store_idx %arg7[%sub3A_769], %add3A_686 masked %and3A_755 : memref<20864xi32, #tpu.memory_space<vmem>>[vector<16xi32>], vector<16xi32>, vector<16xi1>
      tpu.vector_store_idx %arg8[%sub3A_769], %sub3A_748 masked %and3A_755 : memref<20864xi32, #tpu.memory_space<vmem>>[vector<16xi32>], vector<16xi32>, vector<16xi1>
      %reduce_sum3A_770 = arith.constant true
      %reduce_sum3A_771 = vector.broadcast %reduce_sum3A_770 : i1 to vector<16xi1>
      %reduce_sum3A_772 = tpu.scan <sum>, %convert_element_type3A_759 masked %reduce_sum3A_771 : vector<16xi32>, vector<16xi1> -> vector<16xi32>
      %reduce_sum3A_773 = vector.extract %reduce_sum3A_772[15] : i32 from vector<16xi32>
      %add3A_774 = arith.addi %get3A_758, %reduce_sum3A_773 : i32
      %swap3A_775 = arith.constant 2 : i32
      %swap3A_776 = arith.index_cast %swap3A_775 : i32 to index
      %swap3A_777 = memref.load %arg10[%swap3A_776] : memref<8xi32, #tpu.memory_space<smem>>
      memref.store %add3A_774, %arg10[%swap3A_776] : memref<8xi32, #tpu.memory_space<smem>>
      %sub3A_778 = arith.constant 37512 : i32
      %sub3A_779 = vector.broadcast %sub3A_778 : i32 to vector<16xi32>
      %sub3A_780 = arith.subi %get3A_683, %sub3A_779 : vector<16xi32>
      %ge3A_781 = arith.constant 0 : i32
      %ge3A_782 = vector.broadcast %ge3A_781 : i32 to vector<16xi32>
      %ge3A_783 = arith.cmpi sge, %sub3A_780, %ge3A_782 : vector<16xi32>
      %lt3A_784 = arith.constant 12488 : i32
      %lt3A_785 = vector.broadcast %lt3A_784 : i32 to vector<16xi32>
      %lt3A_786 = arith.cmpi slt, %sub3A_780, %lt3A_785 : vector<16xi32>
      %and3A_787 = arith.andi %ge3A_783, %lt3A_786 : vector<16xi1>
      %get3A_788 = arith.constant 3 : i32
      %get3A_789 = arith.index_cast %get3A_788 : i32 to index
      %get3A_790 = memref.load %arg10[%get3A_789] : memref<8xi32, #tpu.memory_space<smem>>
      %convert_element_type3A_791 = arith.extui %and3A_787 : vector<16xi1> to vector<16xi32>
      %add3A_792 = arith.constant 15648 : i32
      %add3A_793 = arith.addi %add3A_792, %get3A_790 : i32
      %cumsum3A_794 = arith.constant true
      %cumsum3A_795 = vector.broadcast %cumsum3A_794 : i1 to vector<16xi1>
      %cumsum3A_796 = tpu.scan <sum>, %convert_element_type3A_791 masked %cumsum3A_795 : vector<16xi32>, vector<16xi1> -> vector<16xi32>
      %add3A_797 = vector.broadcast %add3A_793 : i32 to vector<16xi32>
      %add3A_798 = arith.addi %add3A_797, %cumsum3A_796 : vector<16xi32>
      %sub3A_799 = arith.constant 1 : i32
      %sub3A_800 = vector.broadcast %sub3A_799 : i32 to vector<16xi32>
      %sub3A_801 = arith.subi %add3A_798, %sub3A_800 : vector<16xi32>
      tpu.vector_store_idx %arg7[%sub3A_801], %add3A_686 masked %and3A_787 : memref<20864xi32, #tpu.memory_space<vmem>>[vector<16xi32>], vector<16xi32>, vector<16xi1>
      tpu.vector_store_idx %arg8[%sub3A_801], %sub3A_780 masked %and3A_787 : memref<20864xi32, #tpu.memory_space<vmem>>[vector<16xi32>], vector<16xi32>, vector<16xi1>
      %reduce_sum3A_802 = arith.constant true
      %reduce_sum3A_803 = vector.broadcast %reduce_sum3A_802 : i1 to vector<16xi1>
      %reduce_sum3A_804 = tpu.scan <sum>, %convert_element_type3A_791 masked %reduce_sum3A_803 : vector<16xi32>, vector<16xi1> -> vector<16xi32>
      %reduce_sum3A_805 = vector.extract %reduce_sum3A_804[15] : i32 from vector<16xi32>
      %add3A_806 = arith.addi %get3A_790, %reduce_sum3A_805 : i32
      %swap3A_807 = arith.constant 3 : i32
      %swap3A_808 = arith.index_cast %swap3A_807 : i32 to index
      %swap3A_809 = memref.load %arg10[%swap3A_808] : memref<8xi32, #tpu.memory_space<smem>>
      memref.store %add3A_806, %arg10[%swap3A_808] : memref<8xi32, #tpu.memory_space<smem>>
    }
    %scan3A_21 = arith.constant 320 : i32
    %broadcast_in_dim3A = arith.constant 0 : i32
    %broadcast_in_dim3A_22 = vector.broadcast %broadcast_in_dim3A : i32 to vector<16xi32>
    %get3A = arith.constant 0 : i32
    %get3A_23 = arith.index_cast %get3A : i32 to index
    %get3A_24 = memref.load %arg10[%get3A_23] : memref<8xi32, #tpu.memory_space<smem>>
    %broadcast_in_dim3A_25 = arith.constant 0 : i32
    %broadcast_in_dim3A_26 = vector.broadcast %broadcast_in_dim3A_25 : i32 to vector<16xi32>
    %add3A_27 = vector.broadcast %mul3A_2 : i32 to vector<16xi32>
    %add3A_28 = arith.addi %broadcast_in_dim3A_26, %add3A_27 : vector<16xi32>
    %add3A_29 = arith.constant 0 : i32
    %add3A_30 = arith.addi %add3A_29, %get3A_24 : i32
    %add3A_31 = arith.constant 0 : i32
    %add3A_32 = arith.addi %add3A_30, %add3A_31 : i32
    %swap3A_33 = arith.index_cast %add3A_32 : i32 to index
    %swap3A_34 = tpu.vector_load %arg7[%swap3A_33] {strides = array<i32>} : memref<20864xi32, #tpu.memory_space<vmem>>, vector<16xi32>,
    tpu.vector_store %arg7[%swap3A_33], %add3A_28 {strides = array<i32>} : memref<20864xi32, #tpu.memory_space<vmem>>, vector<16xi32>,
    %broadcast_in_dim3A_35 = arith.constant 12504 : i32
    %broadcast_in_dim3A_36 = vector.broadcast %broadcast_in_dim3A_35 : i32 to vector<16xi32>
    %add3A_37 = arith.constant 0 : i32
    %add3A_38 = arith.addi %add3A_37, %get3A_24 : i32
    %add3A_39 = arith.constant 0 : i32
    %add3A_40 = arith.addi %add3A_38, %add3A_39 : i32
    %swap3A_41 = arith.index_cast %add3A_40 : i32 to index
    %swap3A_42 = tpu.vector_load %arg8[%swap3A_41] {strides = array<i32>} : memref<20864xi32, #tpu.memory_space<vmem>>, vector<16xi32>,
    tpu.vector_store %arg8[%swap3A_41], %broadcast_in_dim3A_36 {strides = array<i32>} : memref<20864xi32, #tpu.memory_space<vmem>>, vector<16xi32>,
    %broadcast_in_dim3A_43 = arith.constant 0 : i32
    %broadcast_in_dim3A_44 = vector.broadcast %broadcast_in_dim3A_43 : i32 to vector<16xi32>
    %add3A_45 = vector.broadcast %mul3A_2 : i32 to vector<16xi32>
    %add3A_46 = arith.addi %broadcast_in_dim3A_44, %add3A_45 : vector<16xi32>
    %add3A_47 = arith.constant 0 : i32
    %add3A_48 = arith.addi %add3A_47, %get3A_24 : i32
    %add3A_49 = arith.constant 16 : i32
    %add3A_50 = arith.addi %add3A_48, %add3A_49 : i32
    %swap3A_51 = arith.index_cast %add3A_50 : i32 to index
    %swap3A_52 = tpu.vector_load %arg7[%swap3A_51] {strides = array<i32>} : memref<20864xi32, #tpu.memory_space<vmem>>, vector<16xi32>,
    tpu.vector_store %arg7[%swap3A_51], %add3A_46 {strides = array<i32>} : memref<20864xi32, #tpu.memory_space<vmem>>, vector<16xi32>,
    %broadcast_in_dim3A_53 = arith.constant 12504 : i32
    %broadcast_in_dim3A_54 = vector.broadcast %broadcast_in_dim3A_53 : i32 to vector<16xi32>
    %add3A_55 = arith.constant 0 : i32
    %add3A_56 = arith.addi %add3A_55, %get3A_24 : i32
    %add3A_57 = arith.constant 16 : i32
    %add3A_58 = arith.addi %add3A_56, %add3A_57 : i32
    %swap3A_59 = arith.index_cast %add3A_58 : i32 to index
    %swap3A_60 = tpu.vector_load %arg8[%swap3A_59] {strides = array<i32>} : memref<20864xi32, #tpu.memory_space<vmem>>, vector<16xi32>,
    tpu.vector_store %arg8[%swap3A_59], %broadcast_in_dim3A_54 {strides = array<i32>} : memref<20864xi32, #tpu.memory_space<vmem>>, vector<16xi32>,
    %broadcast_in_dim3A_61 = arith.constant 0 : i32
    %broadcast_in_dim3A_62 = vector.broadcast %broadcast_in_dim3A_61 : i32 to vector<16xi32>
    %add3A_63 = vector.broadcast %mul3A_2 : i32 to vector<16xi32>
    %add3A_64 = arith.addi %broadcast_in_dim3A_62, %add3A_63 : vector<16xi32>
    %add3A_65 = arith.constant 0 : i32
    %add3A_66 = arith.addi %add3A_65, %get3A_24 : i32
    %add3A_67 = arith.constant 32 : i32
    %add3A_68 = arith.addi %add3A_66, %add3A_67 : i32
    %swap3A_69 = arith.index_cast %add3A_68 : i32 to index
    %swap3A_70 = tpu.vector_load %arg7[%swap3A_69] {strides = array<i32>} : memref<20864xi32, #tpu.memory_space<vmem>>, vector<16xi32>,
    tpu.vector_store %arg7[%swap3A_69], %add3A_64 {strides = array<i32>} : memref<20864xi32, #tpu.memory_space<vmem>>, vector<16xi32>,
    %broadcast_in_dim3A_71 = arith.constant 12504 : i32
    %broadcast_in_dim3A_72 = vector.broadcast %broadcast_in_dim3A_71 : i32 to vector<16xi32>
    %add3A_73 = arith.constant 0 : i32
    %add3A_74 = arith.addi %add3A_73, %get3A_24 : i32
    %add3A_75 = arith.constant 32 : i32
    %add3A_76 = arith.addi %add3A_74, %add3A_75 : i32
    %swap3A_77 = arith.index_cast %add3A_76 : i32 to index
    %swap3A_78 = tpu.vector_load %arg8[%swap3A_77] {strides = array<i32>} : memref<20864xi32, #tpu.memory_space<vmem>>, vector<16xi32>,
    tpu.vector_store %arg8[%swap3A_77], %broadcast_in_dim3A_72 {strides = array<i32>} : memref<20864xi32, #tpu.memory_space<vmem>>, vector<16xi32>,
    %broadcast_in_dim3A_79 = arith.constant 0 : i32
    %broadcast_in_dim3A_80 = vector.broadcast %broadcast_in_dim3A_79 : i32 to vector<16xi32>
    %add3A_81 = vector.broadcast %mul3A_2 : i32 to vector<16xi32>
    %add3A_82 = arith.addi %broadcast_in_dim3A_80, %add3A_81 : vector<16xi32>
    %add3A_83 = arith.constant 0 : i32
    %add3A_84 = arith.addi %add3A_83, %get3A_24 : i32
    %add3A_85 = arith.constant 48 : i32
    %add3A_86 = arith.addi %add3A_84, %add3A_85 : i32
    %swap3A_87 = arith.index_cast %add3A_86 : i32 to index
    %swap3A_88 = tpu.vector_load %arg7[%swap3A_87] {strides = array<i32>} : memref<20864xi32, #tpu.memory_space<vmem>>, vector<16xi32>,
    tpu.vector_store %arg7[%swap3A_87], %add3A_82 {strides = array<i32>} : memref<20864xi32, #tpu.memory_space<vmem>>, vector<16xi32>,
    %broadcast_in_dim3A_89 = arith.constant 12504 : i32
    %broadcast_in_dim3A_90 = vector.broadcast %broadcast_in_dim3A_89 : i32 to vector<16xi32>
    %add3A_91 = arith.constant 0 : i32
    %add3A_92 = arith.addi %add3A_91, %get3A_24 : i32
    %add3A_93 = arith.constant 48 : i32
    %add3A_94 = arith.addi %add3A_92, %add3A_93 : i32
    %swap3A_95 = arith.index_cast %add3A_94 : i32 to index
    %swap3A_96 = tpu.vector_load %arg8[%swap3A_95] {strides = array<i32>} : memref<20864xi32, #tpu.memory_space<vmem>>, vector<16xi32>,
    tpu.vector_store %arg8[%swap3A_95], %broadcast_in_dim3A_90 {strides = array<i32>} : memref<20864xi32, #tpu.memory_space<vmem>>, vector<16xi32>,
    %broadcast_in_dim3A_97 = arith.constant 0 : i32
    %broadcast_in_dim3A_98 = vector.broadcast %broadcast_in_dim3A_97 : i32 to vector<16xi32>
    %add3A_99 = vector.broadcast %mul3A_2 : i32 to vector<16xi32>
    %add3A_100 = arith.addi %broadcast_in_dim3A_98, %add3A_99 : vector<16xi32>
    %add3A_101 = arith.constant 0 : i32
    %add3A_102 = arith.addi %add3A_101, %get3A_24 : i32
    %add3A_103 = arith.constant 64 : i32
    %add3A_104 = arith.addi %add3A_102, %add3A_103 : i32
    %swap3A_105 = arith.index_cast %add3A_104 : i32 to index
    %swap3A_106 = tpu.vector_load %arg7[%swap3A_105] {strides = array<i32>} : memref<20864xi32, #tpu.memory_space<vmem>>, vector<16xi32>,
    tpu.vector_store %arg7[%swap3A_105], %add3A_100 {strides = array<i32>} : memref<20864xi32, #tpu.memory_space<vmem>>, vector<16xi32>,
    %broadcast_in_dim3A_107 = arith.constant 12504 : i32
    %broadcast_in_dim3A_108 = vector.broadcast %broadcast_in_dim3A_107 : i32 to vector<16xi32>
    %add3A_109 = arith.constant 0 : i32
    %add3A_110 = arith.addi %add3A_109, %get3A_24 : i32
    %add3A_111 = arith.constant 64 : i32
    %add3A_112 = arith.addi %add3A_110, %add3A_111 : i32
    %swap3A_113 = arith.index_cast %add3A_112 : i32 to index
    %swap3A_114 = tpu.vector_load %arg8[%swap3A_113] {strides = array<i32>} : memref<20864xi32, #tpu.memory_space<vmem>>, vector<16xi32>,
    tpu.vector_store %arg8[%swap3A_113], %broadcast_in_dim3A_108 {strides = array<i32>} : memref<20864xi32, #tpu.memory_space<vmem>>, vector<16xi32>,
    %broadcast_in_dim3A_115 = arith.constant 0 : i32
    %broadcast_in_dim3A_116 = vector.broadcast %broadcast_in_dim3A_115 : i32 to vector<16xi32>
    %add3A_117 = vector.broadcast %mul3A_2 : i32 to vector<16xi32>
    %add3A_118 = arith.addi %broadcast_in_dim3A_116, %add3A_117 : vector<16xi32>
    %add3A_119 = arith.constant 0 : i32
    %add3A_120 = arith.addi %add3A_119, %get3A_24 : i32
    %add3A_121 = arith.constant 80 : i32
    %add3A_122 = arith.addi %add3A_120, %add3A_121 : i32
    %swap3A_123 = arith.index_cast %add3A_122 : i32 to index
    %swap3A_124 = tpu.vector_load %arg7[%swap3A_123] {strides = array<i32>} : memref<20864xi32, #tpu.memory_space<vmem>>, vector<16xi32>,
    tpu.vector_store %arg7[%swap3A_123], %add3A_118 {strides = array<i32>} : memref<20864xi32, #tpu.memory_space<vmem>>, vector<16xi32>,
    %broadcast_in_dim3A_125 = arith.constant 12504 : i32
    %broadcast_in_dim3A_126 = vector.broadcast %broadcast_in_dim3A_125 : i32 to vector<16xi32>
    %add3A_127 = arith.constant 0 : i32
    %add3A_128 = arith.addi %add3A_127, %get3A_24 : i32
    %add3A_129 = arith.constant 80 : i32
    %add3A_130 = arith.addi %add3A_128, %add3A_129 : i32
    %swap3A_131 = arith.index_cast %add3A_130 : i32 to index
    %swap3A_132 = tpu.vector_load %arg8[%swap3A_131] {strides = array<i32>} : memref<20864xi32, #tpu.memory_space<vmem>>, vector<16xi32>,
    tpu.vector_store %arg8[%swap3A_131], %broadcast_in_dim3A_126 {strides = array<i32>} : memref<20864xi32, #tpu.memory_space<vmem>>, vector<16xi32>,
    %broadcast_in_dim3A_133 = arith.constant 95 : i32
    %broadcast_in_dim3A_134 = vector.broadcast %broadcast_in_dim3A_133 : i32 to vector<16xi32>
    %add3A_135 = vector.broadcast %get3A_24 : i32 to vector<16xi32>
    %add3A_136 = arith.addi %broadcast_in_dim3A_134, %add3A_135 : vector<16xi32>
    %jit3A = arith.constant 96 : i32
    %div3A = vector.broadcast %jit3A : i32 to vector<16xi32>
    %div3A_137 = arith.divsi %add3A_136, %div3A : vector<16xi32>
    %sign3A = arith.constant 0 : i32
    %sign3A_138 = vector.broadcast %sign3A : i32 to vector<16xi32>
    %sign3A_139 = arith.cmpi sgt, %add3A_136, %sign3A_138 : vector<16xi32>
    %sign3A_140 = arith.extui %sign3A_139 : vector<16xi1> to vector<16xi32>
    %sign3A_141 = arith.constant 0 : i32
    %sign3A_142 = vector.broadcast %sign3A_141 : i32 to vector<16xi32>
    %sign3A_143 = arith.cmpi slt, %add3A_136, %sign3A_142 : vector<16xi32>
    %sign3A_144 = arith.extui %sign3A_143 : vector<16xi1> to vector<16xi32>
    %sign3A_145 = arith.subi %sign3A_140, %sign3A_144 : vector<16xi32>
    %sign3A_146 = arith.constant 0 : i32
    %sign3A_147 = arith.cmpi sgt, %jit3A, %sign3A_146 : i32
    %sign3A_148 = arith.extui %sign3A_147 : i1 to i32
    %sign3A_149 = arith.constant 0 : i32
    %sign3A_150 = arith.cmpi slt, %jit3A, %sign3A_149 : i32
    %sign3A_151 = arith.extui %sign3A_150 : i1 to i32
    %sign3A_152 = arith.subi %sign3A_148, %sign3A_151 : i32
    %ne3A = vector.broadcast %sign3A_152 : i32 to vector<16xi32>
    %ne3A_153 = arith.cmpi ne, %sign3A_145, %ne3A : vector<16xi32>
    %rem3A = vector.broadcast %jit3A : i32 to vector<16xi32>
    %rem3A_154 = arith.remsi %add3A_136, %rem3A : vector<16xi32>
    %ne3A_155 = arith.constant 0 : i32
    %ne3A_156 = vector.broadcast %ne3A_155 : i32 to vector<16xi32>
    %ne3A_157 = arith.cmpi ne, %rem3A_154, %ne3A_156 : vector<16xi32>
    %and3A = arith.andi %ne3A_153, %ne3A_157 : vector<16xi1>
    %sub3A = arith.constant 1 : i32
    %sub3A_158 = vector.broadcast %sub3A : i32 to vector<16xi32>
    %sub3A_159 = arith.subi %div3A_137, %sub3A_158 : vector<16xi32>
    %select_n3A = arith.select %and3A, %sub3A_159, %div3A_137 : vector<16xi1>, vector<16xi32>
    %eq3A = arith.constant 0 : i32
    %eq3A_160 = vector.broadcast %eq3A : i32 to vector<16xi32>
    %eq3A_161 = arith.cmpi eq, %iota3A, %eq3A_160 : vector<16xi32>
    %jit3A_162 = arith.constant 0 : i32
    %broadcast_in_dim3A_163 = vector.broadcast %jit3A_162 : i32 to vector<16xi32>
    %select_n3A_164 = arith.select %eq3A_161, %select_n3A, %broadcast_in_dim3A_163 : vector<16xi1>, vector<16xi32>
    %add3A_165 = arith.addi %broadcast_in_dim3A_22, %select_n3A_164 : vector<16xi32>
    %mul3A_166 = arith.constant 4 : i32
    %mul3A_167 = arith.muli %add3A, %mul3A_166 : i32
    %add3A_168 = arith.constant 0 : i32
    %add3A_169 = arith.addi %mul3A_167, %add3A_168 : i32
    %mul3A_170 = arith.constant 5216 : i32
    %mul3A_171 = arith.muli %add3A_169, %mul3A_170 : i32
    "tpu.region"() ({
      %run_scoped3A = tpu.sem_alloc : memref<!tpu.dma_semaphore, #tpu.memory_space<semaphore_mem>>
      %dma_start3A = arith.constant 0 : i32
      %dma_start3A_677 = tpu.memref_slice %arg7[%dma_start3A] : memref<20864xi32, #tpu.memory_space<vmem>> -> memref<5216xi32, #tpu.memory_space<vmem>>
      %dma_start3A_678 = tpu.memref_slice %arg3[%mul3A_171] : memref<667648xi32, #tpu.memory_space<hbm>> -> memref<5216xi32, #tpu.memory_space<hbm>>
      %dma_start3A_679 = tpu.memref_slice %arg3[%mul3A_171] : memref<667648xi32, #tpu.memory_space<hbm>> -> memref<5216xi32, #tpu.memory_space<hbm>>
      %dma_start3A_680 = arith.constant 0 : i32
      %dma_start3A_681 = tpu.memref_slice %arg7[%dma_start3A_680] : memref<20864xi32, #tpu.memory_space<vmem>> -> memref<5216xi32, #tpu.memory_space<vmem>>
      tpu.enqueue_dma source(%dma_start3A_681 : memref<5216xi32, #tpu.memory_space<vmem>>) target(%dma_start3A_679 : memref<5216xi32, #tpu.memory_space<hbm>>) target_semaphore(%run_scoped3A : memref<!tpu.dma_semaphore, #tpu.memory_space<semaphore_mem>>)
      %dma_wait3A = arith.constant 0 : i32
      %dma_wait3A_682 = tpu.memref_slice %arg7[%dma_wait3A] : memref<20864xi32, #tpu.memory_space<vmem>> -> memref<5216xi32, #tpu.memory_space<vmem>>
      %dma_wait3A_683 = tpu.memref_slice %arg3[%mul3A_171] : memref<667648xi32, #tpu.memory_space<hbm>> -> memref<5216xi32, #tpu.memory_space<hbm>>
      %dma_wait3A_684 = tpu.memref_slice %arg3[%mul3A_171] : memref<667648xi32, #tpu.memory_space<hbm>> -> memref<5216xi32, #tpu.memory_space<hbm>>
      %dma_wait3A_685 = arith.constant 0 : i32
      %dma_wait3A_686 = tpu.memref_slice %arg7[%dma_wait3A_685] : memref<20864xi32, #tpu.memory_space<vmem>> -> memref<5216xi32, #tpu.memory_space<vmem>>
      tpu.wait_dma2 semaphore(%run_scoped3A : memref<!tpu.dma_semaphore, #tpu.memory_space<semaphore_mem>>) src(%dma_wait3A_686 : memref<5216xi32, #tpu.memory_space<vmem>>) dst(%dma_wait3A_684 : memref<5216xi32, #tpu.memory_space<hbm>>)
      tpu.yield
    }) : () -> ()
    %mul3A_172 = arith.constant 4 : i32
    %mul3A_173 = arith.muli %add3A, %mul3A_172 : i32
    %add3A_174 = arith.constant 0 : i32
    %add3A_175 = arith.addi %mul3A_173, %add3A_174 : i32
    %mul3A_176 = arith.constant 5216 : i32
    %mul3A_177 = arith.muli %add3A_175, %mul3A_176 : i32
    "tpu.region"() ({
      %run_scoped3A = tpu.sem_alloc : memref<!tpu.dma_semaphore, #tpu.memory_space<semaphore_mem>>
      %dma_start3A = arith.constant 0 : i32
      %dma_start3A_677 = tpu.memref_slice %arg8[%dma_start3A] : memref<20864xi32, #tpu.memory_space<vmem>> -> memref<5216xi32, #tpu.memory_space<vmem>>
      %dma_start3A_678 = tpu.memref_slice %arg4[%mul3A_177] : memref<667648xi32, #tpu.memory_space<hbm>> -> memref<5216xi32, #tpu.memory_space<hbm>>
      %dma_start3A_679 = tpu.memref_slice %arg4[%mul3A_177] : memref<667648xi32, #tpu.memory_space<hbm>> -> memref<5216xi32, #tpu.memory_space<hbm>>
      %dma_start3A_680 = arith.constant 0 : i32
      %dma_start3A_681 = tpu.memref_slice %arg8[%dma_start3A_680] : memref<20864xi32, #tpu.memory_space<vmem>> -> memref<5216xi32, #tpu.memory_space<vmem>>
      tpu.enqueue_dma source(%dma_start3A_681 : memref<5216xi32, #tpu.memory_space<vmem>>) target(%dma_start3A_679 : memref<5216xi32, #tpu.memory_space<hbm>>) target_semaphore(%run_scoped3A : memref<!tpu.dma_semaphore, #tpu.memory_space<semaphore_mem>>)
      %dma_wait3A = arith.constant 0 : i32
      %dma_wait3A_682 = tpu.memref_slice %arg8[%dma_wait3A] : memref<20864xi32, #tpu.memory_space<vmem>> -> memref<5216xi32, #tpu.memory_space<vmem>>
      %dma_wait3A_683 = tpu.memref_slice %arg4[%mul3A_177] : memref<667648xi32, #tpu.memory_space<hbm>> -> memref<5216xi32, #tpu.memory_space<hbm>>
      %dma_wait3A_684 = tpu.memref_slice %arg4[%mul3A_177] : memref<667648xi32, #tpu.memory_space<hbm>> -> memref<5216xi32, #tpu.memory_space<hbm>>
      %dma_wait3A_685 = arith.constant 0 : i32
      %dma_wait3A_686 = tpu.memref_slice %arg8[%dma_wait3A_685] : memref<20864xi32, #tpu.memory_space<vmem>> -> memref<5216xi32, #tpu.memory_space<vmem>>
      tpu.wait_dma2 semaphore(%run_scoped3A : memref<!tpu.dma_semaphore, #tpu.memory_space<semaphore_mem>>) src(%dma_wait3A_686 : memref<5216xi32, #tpu.memory_space<vmem>>) dst(%dma_wait3A_684 : memref<5216xi32, #tpu.memory_space<hbm>>)
      tpu.yield
    }) : () -> ()
    %get3A_178 = arith.constant 1 : i32
    %get3A_179 = arith.index_cast %get3A_178 : i32 to index
    %get3A_180 = memref.load %arg10[%get3A_179] : memref<8xi32, #tpu.memory_space<smem>>
    %broadcast_in_dim3A_181 = arith.constant 0 : i32
    %broadcast_in_dim3A_182 = vector.broadcast %broadcast_in_dim3A_181 : i32 to vector<16xi32>
    %add3A_183 = vector.broadcast %mul3A_2 : i32 to vector<16xi32>
    %add3A_184 = arith.addi %broadcast_in_dim3A_182, %add3A_183 : vector<16xi32>
    %add3A_185 = arith.constant 5216 : i32
    %add3A_186 = arith.addi %add3A_185, %get3A_180 : i32
    %add3A_187 = arith.constant 0 : i32
    %add3A_188 = arith.addi %add3A_186, %add3A_187 : i32
    %swap3A_189 = arith.index_cast %add3A_188 : i32 to index
    %swap3A_190 = tpu.vector_load %arg7[%swap3A_189] {strides = array<i32>} : memref<20864xi32, #tpu.memory_space<vmem>>, vector<16xi32>,
    tpu.vector_store %arg7[%swap3A_189], %add3A_184 {strides = array<i32>} : memref<20864xi32, #tpu.memory_space<vmem>>, vector<16xi32>,
    %broadcast_in_dim3A_191 = arith.constant 12504 : i32
    %broadcast_in_dim3A_192 = vector.broadcast %broadcast_in_dim3A_191 : i32 to vector<16xi32>
    %add3A_193 = arith.constant 5216 : i32
    %add3A_194 = arith.addi %add3A_193, %get3A_180 : i32
    %add3A_195 = arith.constant 0 : i32
    %add3A_196 = arith.addi %add3A_194, %add3A_195 : i32
    %swap3A_197 = arith.index_cast %add3A_196 : i32 to index
    %swap3A_198 = tpu.vector_load %arg8[%swap3A_197] {strides = array<i32>} : memref<20864xi32, #tpu.memory_space<vmem>>, vector<16xi32>,
    tpu.vector_store %arg8[%swap3A_197], %broadcast_in_dim3A_192 {strides = array<i32>} : memref<20864xi32, #tpu.memory_space<vmem>>, vector<16xi32>,
    %broadcast_in_dim3A_199 = arith.constant 0 : i32
    %broadcast_in_dim3A_200 = vector.broadcast %broadcast_in_dim3A_199 : i32 to vector<16xi32>
    %add3A_201 = vector.broadcast %mul3A_2 : i32 to vector<16xi32>
    %add3A_202 = arith.addi %broadcast_in_dim3A_200, %add3A_201 : vector<16xi32>
    %add3A_203 = arith.constant 5216 : i32
    %add3A_204 = arith.addi %add3A_203, %get3A_180 : i32
    %add3A_205 = arith.constant 16 : i32
    %add3A_206 = arith.addi %add3A_204, %add3A_205 : i32
    %swap3A_207 = arith.index_cast %add3A_206 : i32 to index
    %swap3A_208 = tpu.vector_load %arg7[%swap3A_207] {strides = array<i32>} : memref<20864xi32, #tpu.memory_space<vmem>>, vector<16xi32>,
    tpu.vector_store %arg7[%swap3A_207], %add3A_202 {strides = array<i32>} : memref<20864xi32, #tpu.memory_space<vmem>>, vector<16xi32>,
    %broadcast_in_dim3A_209 = arith.constant 12504 : i32
    %broadcast_in_dim3A_210 = vector.broadcast %broadcast_in_dim3A_209 : i32 to vector<16xi32>
    %add3A_211 = arith.constant 5216 : i32
    %add3A_212 = arith.addi %add3A_211, %get3A_180 : i32
    %add3A_213 = arith.constant 16 : i32
    %add3A_214 = arith.addi %add3A_212, %add3A_213 : i32
    %swap3A_215 = arith.index_cast %add3A_214 : i32 to index
    %swap3A_216 = tpu.vector_load %arg8[%swap3A_215] {strides = array<i32>} : memref<20864xi32, #tpu.memory_space<vmem>>, vector<16xi32>,
    tpu.vector_store %arg8[%swap3A_215], %broadcast_in_dim3A_210 {strides = array<i32>} : memref<20864xi32, #tpu.memory_space<vmem>>, vector<16xi32>,
    %broadcast_in_dim3A_217 = arith.constant 0 : i32
    %broadcast_in_dim3A_218 = vector.broadcast %broadcast_in_dim3A_217 : i32 to vector<16xi32>
    %add3A_219 = vector.broadcast %mul3A_2 : i32 to vector<16xi32>
    %add3A_220 = arith.addi %broadcast_in_dim3A_218, %add3A_219 : vector<16xi32>
    %add3A_221 = arith.constant 5216 : i32
    %add3A_222 = arith.addi %add3A_221, %get3A_180 : i32
    %add3A_223 = arith.constant 32 : i32
    %add3A_224 = arith.addi %add3A_222, %add3A_223 : i32
    %swap3A_225 = arith.index_cast %add3A_224 : i32 to index
    %swap3A_226 = tpu.vector_load %arg7[%swap3A_225] {strides = array<i32>} : memref<20864xi32, #tpu.memory_space<vmem>>, vector<16xi32>,
    tpu.vector_store %arg7[%swap3A_225], %add3A_220 {strides = array<i32>} : memref<20864xi32, #tpu.memory_space<vmem>>, vector<16xi32>,
    %broadcast_in_dim3A_227 = arith.constant 12504 : i32
    %broadcast_in_dim3A_228 = vector.broadcast %broadcast_in_dim3A_227 : i32 to vector<16xi32>
    %add3A_229 = arith.constant 5216 : i32
    %add3A_230 = arith.addi %add3A_229, %get3A_180 : i32
    %add3A_231 = arith.constant 32 : i32
    %add3A_232 = arith.addi %add3A_230, %add3A_231 : i32
    %swap3A_233 = arith.index_cast %add3A_232 : i32 to index
    %swap3A_234 = tpu.vector_load %arg8[%swap3A_233] {strides = array<i32>} : memref<20864xi32, #tpu.memory_space<vmem>>, vector<16xi32>,
    tpu.vector_store %arg8[%swap3A_233], %broadcast_in_dim3A_228 {strides = array<i32>} : memref<20864xi32, #tpu.memory_space<vmem>>, vector<16xi32>,
    %broadcast_in_dim3A_235 = arith.constant 0 : i32
    %broadcast_in_dim3A_236 = vector.broadcast %broadcast_in_dim3A_235 : i32 to vector<16xi32>
    %add3A_237 = vector.broadcast %mul3A_2 : i32 to vector<16xi32>
    %add3A_238 = arith.addi %broadcast_in_dim3A_236, %add3A_237 : vector<16xi32>
    %add3A_239 = arith.constant 5216 : i32
    %add3A_240 = arith.addi %add3A_239, %get3A_180 : i32
    %add3A_241 = arith.constant 48 : i32
    %add3A_242 = arith.addi %add3A_240, %add3A_241 : i32
    %swap3A_243 = arith.index_cast %add3A_242 : i32 to index
    %swap3A_244 = tpu.vector_load %arg7[%swap3A_243] {strides = array<i32>} : memref<20864xi32, #tpu.memory_space<vmem>>, vector<16xi32>,
    tpu.vector_store %arg7[%swap3A_243], %add3A_238 {strides = array<i32>} : memref<20864xi32, #tpu.memory_space<vmem>>, vector<16xi32>,
    %broadcast_in_dim3A_245 = arith.constant 12504 : i32
    %broadcast_in_dim3A_246 = vector.broadcast %broadcast_in_dim3A_245 : i32 to vector<16xi32>
    %add3A_247 = arith.constant 5216 : i32
    %add3A_248 = arith.addi %add3A_247, %get3A_180 : i32
    %add3A_249 = arith.constant 48 : i32
    %add3A_250 = arith.addi %add3A_248, %add3A_249 : i32
    %swap3A_251 = arith.index_cast %add3A_250 : i32 to index
    %swap3A_252 = tpu.vector_load %arg8[%swap3A_251] {strides = array<i32>} : memref<20864xi32, #tpu.memory_space<vmem>>, vector<16xi32>,
    tpu.vector_store %arg8[%swap3A_251], %broadcast_in_dim3A_246 {strides = array<i32>} : memref<20864xi32, #tpu.memory_space<vmem>>, vector<16xi32>,
    %broadcast_in_dim3A_253 = arith.constant 0 : i32
    %broadcast_in_dim3A_254 = vector.broadcast %broadcast_in_dim3A_253 : i32 to vector<16xi32>
    %add3A_255 = vector.broadcast %mul3A_2 : i32 to vector<16xi32>
    %add3A_256 = arith.addi %broadcast_in_dim3A_254, %add3A_255 : vector<16xi32>
    %add3A_257 = arith.constant 5216 : i32
    %add3A_258 = arith.addi %add3A_257, %get3A_180 : i32
    %add3A_259 = arith.constant 64 : i32
    %add3A_260 = arith.addi %add3A_258, %add3A_259 : i32
    %swap3A_261 = arith.index_cast %add3A_260 : i32 to index
    %swap3A_262 = tpu.vector_load %arg7[%swap3A_261] {strides = array<i32>} : memref<20864xi32, #tpu.memory_space<vmem>>, vector<16xi32>,
    tpu.vector_store %arg7[%swap3A_261], %add3A_256 {strides = array<i32>} : memref<20864xi32, #tpu.memory_space<vmem>>, vector<16xi32>,
    %broadcast_in_dim3A_263 = arith.constant 12504 : i32
    %broadcast_in_dim3A_264 = vector.broadcast %broadcast_in_dim3A_263 : i32 to vector<16xi32>
    %add3A_265 = arith.constant 5216 : i32
    %add3A_266 = arith.addi %add3A_265, %get3A_180 : i32
    %add3A_267 = arith.constant 64 : i32
    %add3A_268 = arith.addi %add3A_266, %add3A_267 : i32
    %swap3A_269 = arith.index_cast %add3A_268 : i32 to index
    %swap3A_270 = tpu.vector_load %arg8[%swap3A_269] {strides = array<i32>} : memref<20864xi32, #tpu.memory_space<vmem>>, vector<16xi32>,
    tpu.vector_store %arg8[%swap3A_269], %broadcast_in_dim3A_264 {strides = array<i32>} : memref<20864xi32, #tpu.memory_space<vmem>>, vector<16xi32>,
    %broadcast_in_dim3A_271 = arith.constant 0 : i32
    %broadcast_in_dim3A_272 = vector.broadcast %broadcast_in_dim3A_271 : i32 to vector<16xi32>
    %add3A_273 = vector.broadcast %mul3A_2 : i32 to vector<16xi32>
    %add3A_274 = arith.addi %broadcast_in_dim3A_272, %add3A_273 : vector<16xi32>
    %add3A_275 = arith.constant 5216 : i32
    %add3A_276 = arith.addi %add3A_275, %get3A_180 : i32
    %add3A_277 = arith.constant 80 : i32
    %add3A_278 = arith.addi %add3A_276, %add3A_277 : i32
    %swap3A_279 = arith.index_cast %add3A_278 : i32 to index
    %swap3A_280 = tpu.vector_load %arg7[%swap3A_279] {strides = array<i32>} : memref<20864xi32, #tpu.memory_space<vmem>>, vector<16xi32>,
    tpu.vector_store %arg7[%swap3A_279], %add3A_274 {strides = array<i32>} : memref<20864xi32, #tpu.memory_space<vmem>>, vector<16xi32>,
    %broadcast_in_dim3A_281 = arith.constant 12504 : i32
    %broadcast_in_dim3A_282 = vector.broadcast %broadcast_in_dim3A_281 : i32 to vector<16xi32>
    %add3A_283 = arith.constant 5216 : i32
    %add3A_284 = arith.addi %add3A_283, %get3A_180 : i32
    %add3A_285 = arith.constant 80 : i32
    %add3A_286 = arith.addi %add3A_284, %add3A_285 : i32
    %swap3A_287 = arith.index_cast %add3A_286 : i32 to index
    %swap3A_288 = tpu.vector_load %arg8[%swap3A_287] {strides = array<i32>} : memref<20864xi32, #tpu.memory_space<vmem>>, vector<16xi32>,
    tpu.vector_store %arg8[%swap3A_287], %broadcast_in_dim3A_282 {strides = array<i32>} : memref<20864xi32, #tpu.memory_space<vmem>>, vector<16xi32>,
    %broadcast_in_dim3A_289 = arith.constant 95 : i32
    %broadcast_in_dim3A_290 = vector.broadcast %broadcast_in_dim3A_289 : i32 to vector<16xi32>
    %add3A_291 = vector.broadcast %get3A_180 : i32 to vector<16xi32>
    %add3A_292 = arith.addi %broadcast_in_dim3A_290, %add3A_291 : vector<16xi32>
    %jit3A_293 = arith.constant 96 : i32
    %div3A_294 = vector.broadcast %jit3A_293 : i32 to vector<16xi32>
    %div3A_295 = arith.divsi %add3A_292, %div3A_294 : vector<16xi32>
    %sign3A_296 = arith.constant 0 : i32
    %sign3A_297 = vector.broadcast %sign3A_296 : i32 to vector<16xi32>
    %sign3A_298 = arith.cmpi sgt, %add3A_292, %sign3A_297 : vector<16xi32>
    %sign3A_299 = arith.extui %sign3A_298 : vector<16xi1> to vector<16xi32>
    %sign3A_300 = arith.constant 0 : i32
    %sign3A_301 = vector.broadcast %sign3A_300 : i32 to vector<16xi32>
    %sign3A_302 = arith.cmpi slt, %add3A_292, %sign3A_301 : vector<16xi32>
    %sign3A_303 = arith.extui %sign3A_302 : vector<16xi1> to vector<16xi32>
    %sign3A_304 = arith.subi %sign3A_299, %sign3A_303 : vector<16xi32>
    %sign3A_305 = arith.constant 0 : i32
    %sign3A_306 = arith.cmpi sgt, %jit3A_293, %sign3A_305 : i32
    %sign3A_307 = arith.extui %sign3A_306 : i1 to i32
    %sign3A_308 = arith.constant 0 : i32
    %sign3A_309 = arith.cmpi slt, %jit3A_293, %sign3A_308 : i32
    %sign3A_310 = arith.extui %sign3A_309 : i1 to i32
    %sign3A_311 = arith.subi %sign3A_307, %sign3A_310 : i32
    %ne3A_312 = vector.broadcast %sign3A_311 : i32 to vector<16xi32>
    %ne3A_313 = arith.cmpi ne, %sign3A_304, %ne3A_312 : vector<16xi32>
    %rem3A_314 = vector.broadcast %jit3A_293 : i32 to vector<16xi32>
    %rem3A_315 = arith.remsi %add3A_292, %rem3A_314 : vector<16xi32>
    %ne3A_316 = arith.constant 0 : i32
    %ne3A_317 = vector.broadcast %ne3A_316 : i32 to vector<16xi32>
    %ne3A_318 = arith.cmpi ne, %rem3A_315, %ne3A_317 : vector<16xi32>
    %and3A_319 = arith.andi %ne3A_313, %ne3A_318 : vector<16xi1>
    %sub3A_320 = arith.constant 1 : i32
    %sub3A_321 = vector.broadcast %sub3A_320 : i32 to vector<16xi32>
    %sub3A_322 = arith.subi %div3A_295, %sub3A_321 : vector<16xi32>
    %select_n3A_323 = arith.select %and3A_319, %sub3A_322, %div3A_295 : vector<16xi1>, vector<16xi32>
    %eq3A_324 = arith.constant 1 : i32
    %eq3A_325 = vector.broadcast %eq3A_324 : i32 to vector<16xi32>
    %eq3A_326 = arith.cmpi eq, %iota3A, %eq3A_325 : vector<16xi32>
    %jit3A_327 = arith.constant 0 : i32
    %broadcast_in_dim3A_328 = vector.broadcast %jit3A_327 : i32 to vector<16xi32>
    %select_n3A_329 = arith.select %eq3A_326, %select_n3A_323, %broadcast_in_dim3A_328 : vector<16xi1>, vector<16xi32>
    %add3A_330 = arith.addi %add3A_165, %select_n3A_329 : vector<16xi32>
    %mul3A_331 = arith.constant 4 : i32
    %mul3A_332 = arith.muli %add3A, %mul3A_331 : i32
    %add3A_333 = arith.constant 1 : i32
    %add3A_334 = arith.addi %mul3A_332, %add3A_333 : i32
    %mul3A_335 = arith.constant 5216 : i32
    %mul3A_336 = arith.muli %add3A_334, %mul3A_335 : i32
    "tpu.region"() ({
      %run_scoped3A = tpu.sem_alloc : memref<!tpu.dma_semaphore, #tpu.memory_space<semaphore_mem>>
      %dma_start3A = arith.constant 5216 : i32
      %dma_start3A_677 = tpu.memref_slice %arg7[%dma_start3A] : memref<20864xi32, #tpu.memory_space<vmem>> -> memref<5216xi32, #tpu.memory_space<vmem>>
      %dma_start3A_678 = tpu.memref_slice %arg3[%mul3A_336] : memref<667648xi32, #tpu.memory_space<hbm>> -> memref<5216xi32, #tpu.memory_space<hbm>>
      %dma_start3A_679 = tpu.memref_slice %arg3[%mul3A_336] : memref<667648xi32, #tpu.memory_space<hbm>> -> memref<5216xi32, #tpu.memory_space<hbm>>
      %dma_start3A_680 = arith.constant 5216 : i32
      %dma_start3A_681 = tpu.memref_slice %arg7[%dma_start3A_680] : memref<20864xi32, #tpu.memory_space<vmem>> -> memref<5216xi32, #tpu.memory_space<vmem>>
      tpu.enqueue_dma source(%dma_start3A_681 : memref<5216xi32, #tpu.memory_space<vmem>>) target(%dma_start3A_679 : memref<5216xi32, #tpu.memory_space<hbm>>) target_semaphore(%run_scoped3A : memref<!tpu.dma_semaphore, #tpu.memory_space<semaphore_mem>>)
      %dma_wait3A = arith.constant 5216 : i32
      %dma_wait3A_682 = tpu.memref_slice %arg7[%dma_wait3A] : memref<20864xi32, #tpu.memory_space<vmem>> -> memref<5216xi32, #tpu.memory_space<vmem>>
      %dma_wait3A_683 = tpu.memref_slice %arg3[%mul3A_336] : memref<667648xi32, #tpu.memory_space<hbm>> -> memref<5216xi32, #tpu.memory_space<hbm>>
      %dma_wait3A_684 = tpu.memref_slice %arg3[%mul3A_336] : memref<667648xi32, #tpu.memory_space<hbm>> -> memref<5216xi32, #tpu.memory_space<hbm>>
      %dma_wait3A_685 = arith.constant 5216 : i32
      %dma_wait3A_686 = tpu.memref_slice %arg7[%dma_wait3A_685] : memref<20864xi32, #tpu.memory_space<vmem>> -> memref<5216xi32, #tpu.memory_space<vmem>>
      tpu.wait_dma2 semaphore(%run_scoped3A : memref<!tpu.dma_semaphore, #tpu.memory_space<semaphore_mem>>) src(%dma_wait3A_686 : memref<5216xi32, #tpu.memory_space<vmem>>) dst(%dma_wait3A_684 : memref<5216xi32, #tpu.memory_space<hbm>>)
      tpu.yield
    }) : () -> ()
    %mul3A_337 = arith.constant 4 : i32
    %mul3A_338 = arith.muli %add3A, %mul3A_337 : i32
    %add3A_339 = arith.constant 1 : i32
    %add3A_340 = arith.addi %mul3A_338, %add3A_339 : i32
    %mul3A_341 = arith.constant 5216 : i32
    %mul3A_342 = arith.muli %add3A_340, %mul3A_341 : i32
    "tpu.region"() ({
      %run_scoped3A = tpu.sem_alloc : memref<!tpu.dma_semaphore, #tpu.memory_space<semaphore_mem>>
      %dma_start3A = arith.constant 5216 : i32
      %dma_start3A_677 = tpu.memref_slice %arg8[%dma_start3A] : memref<20864xi32, #tpu.memory_space<vmem>> -> memref<5216xi32, #tpu.memory_space<vmem>>
      %dma_start3A_678 = tpu.memref_slice %arg4[%mul3A_342] : memref<667648xi32, #tpu.memory_space<hbm>> -> memref<5216xi32, #tpu.memory_space<hbm>>
      %dma_start3A_679 = tpu.memref_slice %arg4[%mul3A_342] : memref<667648xi32, #tpu.memory_space<hbm>> -> memref<5216xi32, #tpu.memory_space<hbm>>
      %dma_start3A_680 = arith.constant 5216 : i32
      %dma_start3A_681 = tpu.memref_slice %arg8[%dma_start3A_680] : memref<20864xi32, #tpu.memory_space<vmem>> -> memref<5216xi32, #tpu.memory_space<vmem>>
      tpu.enqueue_dma source(%dma_start3A_681 : memref<5216xi32, #tpu.memory_space<vmem>>) target(%dma_start3A_679 : memref<5216xi32, #tpu.memory_space<hbm>>) target_semaphore(%run_scoped3A : memref<!tpu.dma_semaphore, #tpu.memory_space<semaphore_mem>>)
      %dma_wait3A = arith.constant 5216 : i32
      %dma_wait3A_682 = tpu.memref_slice %arg8[%dma_wait3A] : memref<20864xi32, #tpu.memory_space<vmem>> -> memref<5216xi32, #tpu.memory_space<vmem>>
      %dma_wait3A_683 = tpu.memref_slice %arg4[%mul3A_342] : memref<667648xi32, #tpu.memory_space<hbm>> -> memref<5216xi32, #tpu.memory_space<hbm>>
      %dma_wait3A_684 = tpu.memref_slice %arg4[%mul3A_342] : memref<667648xi32, #tpu.memory_space<hbm>> -> memref<5216xi32, #tpu.memory_space<hbm>>
      %dma_wait3A_685 = arith.constant 5216 : i32
      %dma_wait3A_686 = tpu.memref_slice %arg8[%dma_wait3A_685] : memref<20864xi32, #tpu.memory_space<vmem>> -> memref<5216xi32, #tpu.memory_space<vmem>>
      tpu.wait_dma2 semaphore(%run_scoped3A : memref<!tpu.dma_semaphore, #tpu.memory_space<semaphore_mem>>) src(%dma_wait3A_686 : memref<5216xi32, #tpu.memory_space<vmem>>) dst(%dma_wait3A_684 : memref<5216xi32, #tpu.memory_space<hbm>>)
      tpu.yield
    }) : () -> ()
    %get3A_343 = arith.constant 2 : i32
    %get3A_344 = arith.index_cast %get3A_343 : i32 to index
    %get3A_345 = memref.load %arg10[%get3A_344] : memref<8xi32, #tpu.memory_space<smem>>
    %broadcast_in_dim3A_346 = arith.constant 0 : i32
    %broadcast_in_dim3A_347 = vector.broadcast %broadcast_in_dim3A_346 : i32 to vector<16xi32>
    %add3A_348 = vector.broadcast %mul3A_2 : i32 to vector<16xi32>
    %add3A_349 = arith.addi %broadcast_in_dim3A_347, %add3A_348 : vector<16xi32>
    %add3A_350 = arith.constant 10432 : i32
    %add3A_351 = arith.addi %add3A_350, %get3A_345 : i32
    %add3A_352 = arith.constant 0 : i32
    %add3A_353 = arith.addi %add3A_351, %add3A_352 : i32
    %swap3A_354 = arith.index_cast %add3A_353 : i32 to index
    %swap3A_355 = tpu.vector_load %arg7[%swap3A_354] {strides = array<i32>} : memref<20864xi32, #tpu.memory_space<vmem>>, vector<16xi32>,
    tpu.vector_store %arg7[%swap3A_354], %add3A_349 {strides = array<i32>} : memref<20864xi32, #tpu.memory_space<vmem>>, vector<16xi32>,
    %broadcast_in_dim3A_356 = arith.constant 12504 : i32
    %broadcast_in_dim3A_357 = vector.broadcast %broadcast_in_dim3A_356 : i32 to vector<16xi32>
    %add3A_358 = arith.constant 10432 : i32
    %add3A_359 = arith.addi %add3A_358, %get3A_345 : i32
    %add3A_360 = arith.constant 0 : i32
    %add3A_361 = arith.addi %add3A_359, %add3A_360 : i32
    %swap3A_362 = arith.index_cast %add3A_361 : i32 to index
    %swap3A_363 = tpu.vector_load %arg8[%swap3A_362] {strides = array<i32>} : memref<20864xi32, #tpu.memory_space<vmem>>, vector<16xi32>,
    tpu.vector_store %arg8[%swap3A_362], %broadcast_in_dim3A_357 {strides = array<i32>} : memref<20864xi32, #tpu.memory_space<vmem>>, vector<16xi32>,
    %broadcast_in_dim3A_364 = arith.constant 0 : i32
    %broadcast_in_dim3A_365 = vector.broadcast %broadcast_in_dim3A_364 : i32 to vector<16xi32>
    %add3A_366 = vector.broadcast %mul3A_2 : i32 to vector<16xi32>
    %add3A_367 = arith.addi %broadcast_in_dim3A_365, %add3A_366 : vector<16xi32>
    %add3A_368 = arith.constant 10432 : i32
    %add3A_369 = arith.addi %add3A_368, %get3A_345 : i32
    %add3A_370 = arith.constant 16 : i32
    %add3A_371 = arith.addi %add3A_369, %add3A_370 : i32
    %swap3A_372 = arith.index_cast %add3A_371 : i32 to index
    %swap3A_373 = tpu.vector_load %arg7[%swap3A_372] {strides = array<i32>} : memref<20864xi32, #tpu.memory_space<vmem>>, vector<16xi32>,
    tpu.vector_store %arg7[%swap3A_372], %add3A_367 {strides = array<i32>} : memref<20864xi32, #tpu.memory_space<vmem>>, vector<16xi32>,
    %broadcast_in_dim3A_374 = arith.constant 12504 : i32
    %broadcast_in_dim3A_375 = vector.broadcast %broadcast_in_dim3A_374 : i32 to vector<16xi32>
    %add3A_376 = arith.constant 10432 : i32
    %add3A_377 = arith.addi %add3A_376, %get3A_345 : i32
    %add3A_378 = arith.constant 16 : i32
    %add3A_379 = arith.addi %add3A_377, %add3A_378 : i32
    %swap3A_380 = arith.index_cast %add3A_379 : i32 to index
    %swap3A_381 = tpu.vector_load %arg8[%swap3A_380] {strides = array<i32>} : memref<20864xi32, #tpu.memory_space<vmem>>, vector<16xi32>,
    tpu.vector_store %arg8[%swap3A_380], %broadcast_in_dim3A_375 {strides = array<i32>} : memref<20864xi32, #tpu.memory_space<vmem>>, vector<16xi32>,
    %broadcast_in_dim3A_382 = arith.constant 0 : i32
    %broadcast_in_dim3A_383 = vector.broadcast %broadcast_in_dim3A_382 : i32 to vector<16xi32>
    %add3A_384 = vector.broadcast %mul3A_2 : i32 to vector<16xi32>
    %add3A_385 = arith.addi %broadcast_in_dim3A_383, %add3A_384 : vector<16xi32>
    %add3A_386 = arith.constant 10432 : i32
    %add3A_387 = arith.addi %add3A_386, %get3A_345 : i32
    %add3A_388 = arith.constant 32 : i32
    %add3A_389 = arith.addi %add3A_387, %add3A_388 : i32
    %swap3A_390 = arith.index_cast %add3A_389 : i32 to index
    %swap3A_391 = tpu.vector_load %arg7[%swap3A_390] {strides = array<i32>} : memref<20864xi32, #tpu.memory_space<vmem>>, vector<16xi32>,
    tpu.vector_store %arg7[%swap3A_390], %add3A_385 {strides = array<i32>} : memref<20864xi32, #tpu.memory_space<vmem>>, vector<16xi32>,
    %broadcast_in_dim3A_392 = arith.constant 12504 : i32
    %broadcast_in_dim3A_393 = vector.broadcast %broadcast_in_dim3A_392 : i32 to vector<16xi32>
    %add3A_394 = arith.constant 10432 : i32
    %add3A_395 = arith.addi %add3A_394, %get3A_345 : i32
    %add3A_396 = arith.constant 32 : i32
    %add3A_397 = arith.addi %add3A_395, %add3A_396 : i32
    %swap3A_398 = arith.index_cast %add3A_397 : i32 to index
    %swap3A_399 = tpu.vector_load %arg8[%swap3A_398] {strides = array<i32>} : memref<20864xi32, #tpu.memory_space<vmem>>, vector<16xi32>,
    tpu.vector_store %arg8[%swap3A_398], %broadcast_in_dim3A_393 {strides = array<i32>} : memref<20864xi32, #tpu.memory_space<vmem>>, vector<16xi32>,
    %broadcast_in_dim3A_400 = arith.constant 0 : i32
    %broadcast_in_dim3A_401 = vector.broadcast %broadcast_in_dim3A_400 : i32 to vector<16xi32>
    %add3A_402 = vector.broadcast %mul3A_2 : i32 to vector<16xi32>
    %add3A_403 = arith.addi %broadcast_in_dim3A_401, %add3A_402 : vector<16xi32>
    %add3A_404 = arith.constant 10432 : i32
    %add3A_405 = arith.addi %add3A_404, %get3A_345 : i32
    %add3A_406 = arith.constant 48 : i32
    %add3A_407 = arith.addi %add3A_405, %add3A_406 : i32
    %swap3A_408 = arith.index_cast %add3A_407 : i32 to index
    %swap3A_409 = tpu.vector_load %arg7[%swap3A_408] {strides = array<i32>} : memref<20864xi32, #tpu.memory_space<vmem>>, vector<16xi32>,
    tpu.vector_store %arg7[%swap3A_408], %add3A_403 {strides = array<i32>} : memref<20864xi32, #tpu.memory_space<vmem>>, vector<16xi32>,
    %broadcast_in_dim3A_410 = arith.constant 12504 : i32
    %broadcast_in_dim3A_411 = vector.broadcast %broadcast_in_dim3A_410 : i32 to vector<16xi32>
    %add3A_412 = arith.constant 10432 : i32
    %add3A_413 = arith.addi %add3A_412, %get3A_345 : i32
    %add3A_414 = arith.constant 48 : i32
    %add3A_415 = arith.addi %add3A_413, %add3A_414 : i32
    %swap3A_416 = arith.index_cast %add3A_415 : i32 to index
    %swap3A_417 = tpu.vector_load %arg8[%swap3A_416] {strides = array<i32>} : memref<20864xi32, #tpu.memory_space<vmem>>, vector<16xi32>,
    tpu.vector_store %arg8[%swap3A_416], %broadcast_in_dim3A_411 {strides = array<i32>} : memref<20864xi32, #tpu.memory_space<vmem>>, vector<16xi32>,
    %broadcast_in_dim3A_418 = arith.constant 0 : i32
    %broadcast_in_dim3A_419 = vector.broadcast %broadcast_in_dim3A_418 : i32 to vector<16xi32>
    %add3A_420 = vector.broadcast %mul3A_2 : i32 to vector<16xi32>
    %add3A_421 = arith.addi %broadcast_in_dim3A_419, %add3A_420 : vector<16xi32>
    %add3A_422 = arith.constant 10432 : i32
    %add3A_423 = arith.addi %add3A_422, %get3A_345 : i32
    %add3A_424 = arith.constant 64 : i32
    %add3A_425 = arith.addi %add3A_423, %add3A_424 : i32
    %swap3A_426 = arith.index_cast %add3A_425 : i32 to index
    %swap3A_427 = tpu.vector_load %arg7[%swap3A_426] {strides = array<i32>} : memref<20864xi32, #tpu.memory_space<vmem>>, vector<16xi32>,
    tpu.vector_store %arg7[%swap3A_426], %add3A_421 {strides = array<i32>} : memref<20864xi32, #tpu.memory_space<vmem>>, vector<16xi32>,
    %broadcast_in_dim3A_428 = arith.constant 12504 : i32
    %broadcast_in_dim3A_429 = vector.broadcast %broadcast_in_dim3A_428 : i32 to vector<16xi32>
    %add3A_430 = arith.constant 10432 : i32
    %add3A_431 = arith.addi %add3A_430, %get3A_345 : i32
    %add3A_432 = arith.constant 64 : i32
    %add3A_433 = arith.addi %add3A_431, %add3A_432 : i32
    %swap3A_434 = arith.index_cast %add3A_433 : i32 to index
    %swap3A_435 = tpu.vector_load %arg8[%swap3A_434] {strides = array<i32>} : memref<20864xi32, #tpu.memory_space<vmem>>, vector<16xi32>,
    tpu.vector_store %arg8[%swap3A_434], %broadcast_in_dim3A_429 {strides = array<i32>} : memref<20864xi32, #tpu.memory_space<vmem>>, vector<16xi32>,
    %broadcast_in_dim3A_436 = arith.constant 0 : i32
    %broadcast_in_dim3A_437 = vector.broadcast %broadcast_in_dim3A_436 : i32 to vector<16xi32>
    %add3A_438 = vector.broadcast %mul3A_2 : i32 to vector<16xi32>
    %add3A_439 = arith.addi %broadcast_in_dim3A_437, %add3A_438 : vector<16xi32>
    %add3A_440 = arith.constant 10432 : i32
    %add3A_441 = arith.addi %add3A_440, %get3A_345 : i32
    %add3A_442 = arith.constant 80 : i32
    %add3A_443 = arith.addi %add3A_441, %add3A_442 : i32
    %swap3A_444 = arith.index_cast %add3A_443 : i32 to index
    %swap3A_445 = tpu.vector_load %arg7[%swap3A_444] {strides = array<i32>} : memref<20864xi32, #tpu.memory_space<vmem>>, vector<16xi32>,
    tpu.vector_store %arg7[%swap3A_444], %add3A_439 {strides = array<i32>} : memref<20864xi32, #tpu.memory_space<vmem>>, vector<16xi32>,
    %broadcast_in_dim3A_446 = arith.constant 12504 : i32
    %broadcast_in_dim3A_447 = vector.broadcast %broadcast_in_dim3A_446 : i32 to vector<16xi32>
    %add3A_448 = arith.constant 10432 : i32
    %add3A_449 = arith.addi %add3A_448, %get3A_345 : i32
    %add3A_450 = arith.constant 80 : i32
    %add3A_451 = arith.addi %add3A_449, %add3A_450 : i32
    %swap3A_452 = arith.index_cast %add3A_451 : i32 to index
    %swap3A_453 = tpu.vector_load %arg8[%swap3A_452] {strides = array<i32>} : memref<20864xi32, #tpu.memory_space<vmem>>, vector<16xi32>,
    tpu.vector_store %arg8[%swap3A_452], %broadcast_in_dim3A_447 {strides = array<i32>} : memref<20864xi32, #tpu.memory_space<vmem>>, vector<16xi32>,
    %broadcast_in_dim3A_454 = arith.constant 95 : i32
    %broadcast_in_dim3A_455 = vector.broadcast %broadcast_in_dim3A_454 : i32 to vector<16xi32>
    %add3A_456 = vector.broadcast %get3A_345 : i32 to vector<16xi32>
    %add3A_457 = arith.addi %broadcast_in_dim3A_455, %add3A_456 : vector<16xi32>
    %jit3A_458 = arith.constant 96 : i32
    %div3A_459 = vector.broadcast %jit3A_458 : i32 to vector<16xi32>
    %div3A_460 = arith.divsi %add3A_457, %div3A_459 : vector<16xi32>
    %sign3A_461 = arith.constant 0 : i32
    %sign3A_462 = vector.broadcast %sign3A_461 : i32 to vector<16xi32>
    %sign3A_463 = arith.cmpi sgt, %add3A_457, %sign3A_462 : vector<16xi32>
    %sign3A_464 = arith.extui %sign3A_463 : vector<16xi1> to vector<16xi32>
    %sign3A_465 = arith.constant 0 : i32
    %sign3A_466 = vector.broadcast %sign3A_465 : i32 to vector<16xi32>
    %sign3A_467 = arith.cmpi slt, %add3A_457, %sign3A_466 : vector<16xi32>
    %sign3A_468 = arith.extui %sign3A_467 : vector<16xi1> to vector<16xi32>
    %sign3A_469 = arith.subi %sign3A_464, %sign3A_468 : vector<16xi32>
    %sign3A_470 = arith.constant 0 : i32
    %sign3A_471 = arith.cmpi sgt, %jit3A_458, %sign3A_470 : i32
    %sign3A_472 = arith.extui %sign3A_471 : i1 to i32
    %sign3A_473 = arith.constant 0 : i32
    %sign3A_474 = arith.cmpi slt, %jit3A_458, %sign3A_473 : i32
    %sign3A_475 = arith.extui %sign3A_474 : i1 to i32
    %sign3A_476 = arith.subi %sign3A_472, %sign3A_475 : i32
    %ne3A_477 = vector.broadcast %sign3A_476 : i32 to vector<16xi32>
    %ne3A_478 = arith.cmpi ne, %sign3A_469, %ne3A_477 : vector<16xi32>
    %rem3A_479 = vector.broadcast %jit3A_458 : i32 to vector<16xi32>
    %rem3A_480 = arith.remsi %add3A_457, %rem3A_479 : vector<16xi32>
    %ne3A_481 = arith.constant 0 : i32
    %ne3A_482 = vector.broadcast %ne3A_481 : i32 to vector<16xi32>
    %ne3A_483 = arith.cmpi ne, %rem3A_480, %ne3A_482 : vector<16xi32>
    %and3A_484 = arith.andi %ne3A_478, %ne3A_483 : vector<16xi1>
    %sub3A_485 = arith.constant 1 : i32
    %sub3A_486 = vector.broadcast %sub3A_485 : i32 to vector<16xi32>
    %sub3A_487 = arith.subi %div3A_460, %sub3A_486 : vector<16xi32>
    %select_n3A_488 = arith.select %and3A_484, %sub3A_487, %div3A_460 : vector<16xi1>, vector<16xi32>
    %eq3A_489 = arith.constant 2 : i32
    %eq3A_490 = vector.broadcast %eq3A_489 : i32 to vector<16xi32>
    %eq3A_491 = arith.cmpi eq, %iota3A, %eq3A_490 : vector<16xi32>
    %jit3A_492 = arith.constant 0 : i32
    %broadcast_in_dim3A_493 = vector.broadcast %jit3A_492 : i32 to vector<16xi32>
    %select_n3A_494 = arith.select %eq3A_491, %select_n3A_488, %broadcast_in_dim3A_493 : vector<16xi1>, vector<16xi32>
    %add3A_495 = arith.addi %add3A_330, %select_n3A_494 : vector<16xi32>
    %mul3A_496 = arith.constant 4 : i32
    %mul3A_497 = arith.muli %add3A, %mul3A_496 : i32
    %add3A_498 = arith.constant 2 : i32
    %add3A_499 = arith.addi %mul3A_497, %add3A_498 : i32
    %mul3A_500 = arith.constant 5216 : i32
    %mul3A_501 = arith.muli %add3A_499, %mul3A_500 : i32
    "tpu.region"() ({
      %run_scoped3A = tpu.sem_alloc : memref<!tpu.dma_semaphore, #tpu.memory_space<semaphore_mem>>
      %dma_start3A = arith.constant 10432 : i32
      %dma_start3A_677 = tpu.memref_slice %arg7[%dma_start3A] : memref<20864xi32, #tpu.memory_space<vmem>> -> memref<5216xi32, #tpu.memory_space<vmem>>
      %dma_start3A_678 = tpu.memref_slice %arg3[%mul3A_501] : memref<667648xi32, #tpu.memory_space<hbm>> -> memref<5216xi32, #tpu.memory_space<hbm>>
      %dma_start3A_679 = tpu.memref_slice %arg3[%mul3A_501] : memref<667648xi32, #tpu.memory_space<hbm>> -> memref<5216xi32, #tpu.memory_space<hbm>>
      %dma_start3A_680 = arith.constant 10432 : i32
      %dma_start3A_681 = tpu.memref_slice %arg7[%dma_start3A_680] : memref<20864xi32, #tpu.memory_space<vmem>> -> memref<5216xi32, #tpu.memory_space<vmem>>
      tpu.enqueue_dma source(%dma_start3A_681 : memref<5216xi32, #tpu.memory_space<vmem>>) target(%dma_start3A_679 : memref<5216xi32, #tpu.memory_space<hbm>>) target_semaphore(%run_scoped3A : memref<!tpu.dma_semaphore, #tpu.memory_space<semaphore_mem>>)
      %dma_wait3A = arith.constant 10432 : i32
      %dma_wait3A_682 = tpu.memref_slice %arg7[%dma_wait3A] : memref<20864xi32, #tpu.memory_space<vmem>> -> memref<5216xi32, #tpu.memory_space<vmem>>
      %dma_wait3A_683 = tpu.memref_slice %arg3[%mul3A_501] : memref<667648xi32, #tpu.memory_space<hbm>> -> memref<5216xi32, #tpu.memory_space<hbm>>
      %dma_wait3A_684 = tpu.memref_slice %arg3[%mul3A_501] : memref<667648xi32, #tpu.memory_space<hbm>> -> memref<5216xi32, #tpu.memory_space<hbm>>
      %dma_wait3A_685 = arith.constant 10432 : i32
      %dma_wait3A_686 = tpu.memref_slice %arg7[%dma_wait3A_685] : memref<20864xi32, #tpu.memory_space<vmem>> -> memref<5216xi32, #tpu.memory_space<vmem>>
      tpu.wait_dma2 semaphore(%run_scoped3A : memref<!tpu.dma_semaphore, #tpu.memory_space<semaphore_mem>>) src(%dma_wait3A_686 : memref<5216xi32, #tpu.memory_space<vmem>>) dst(%dma_wait3A_684 : memref<5216xi32, #tpu.memory_space<hbm>>)
      tpu.yield
    }) : () -> ()
    %mul3A_502 = arith.constant 4 : i32
    %mul3A_503 = arith.muli %add3A, %mul3A_502 : i32
    %add3A_504 = arith.constant 2 : i32
    %add3A_505 = arith.addi %mul3A_503, %add3A_504 : i32
    %mul3A_506 = arith.constant 5216 : i32
    %mul3A_507 = arith.muli %add3A_505, %mul3A_506 : i32
    "tpu.region"() ({
      %run_scoped3A = tpu.sem_alloc : memref<!tpu.dma_semaphore, #tpu.memory_space<semaphore_mem>>
      %dma_start3A = arith.constant 10432 : i32
      %dma_start3A_677 = tpu.memref_slice %arg8[%dma_start3A] : memref<20864xi32, #tpu.memory_space<vmem>> -> memref<5216xi32, #tpu.memory_space<vmem>>
      %dma_start3A_678 = tpu.memref_slice %arg4[%mul3A_507] : memref<667648xi32, #tpu.memory_space<hbm>> -> memref<5216xi32, #tpu.memory_space<hbm>>
      %dma_start3A_679 = tpu.memref_slice %arg4[%mul3A_507] : memref<667648xi32, #tpu.memory_space<hbm>> -> memref<5216xi32, #tpu.memory_space<hbm>>
      %dma_start3A_680 = arith.constant 10432 : i32
      %dma_start3A_681 = tpu.memref_slice %arg8[%dma_start3A_680] : memref<20864xi32, #tpu.memory_space<vmem>> -> memref<5216xi32, #tpu.memory_space<vmem>>
      tpu.enqueue_dma source(%dma_start3A_681 : memref<5216xi32, #tpu.memory_space<vmem>>) target(%dma_start3A_679 : memref<5216xi32, #tpu.memory_space<hbm>>) target_semaphore(%run_scoped3A : memref<!tpu.dma_semaphore, #tpu.memory_space<semaphore_mem>>)
      %dma_wait3A = arith.constant 10432 : i32
      %dma_wait3A_682 = tpu.memref_slice %arg8[%dma_wait3A] : memref<20864xi32, #tpu.memory_space<vmem>> -> memref<5216xi32, #tpu.memory_space<vmem>>
      %dma_wait3A_683 = tpu.memref_slice %arg4[%mul3A_507] : memref<667648xi32, #tpu.memory_space<hbm>> -> memref<5216xi32, #tpu.memory_space<hbm>>
      %dma_wait3A_684 = tpu.memref_slice %arg4[%mul3A_507] : memref<667648xi32, #tpu.memory_space<hbm>> -> memref<5216xi32, #tpu.memory_space<hbm>>
      %dma_wait3A_685 = arith.constant 10432 : i32
      %dma_wait3A_686 = tpu.memref_slice %arg8[%dma_wait3A_685] : memref<20864xi32, #tpu.memory_space<vmem>> -> memref<5216xi32, #tpu.memory_space<vmem>>
      tpu.wait_dma2 semaphore(%run_scoped3A : memref<!tpu.dma_semaphore, #tpu.memory_space<semaphore_mem>>) src(%dma_wait3A_686 : memref<5216xi32, #tpu.memory_space<vmem>>) dst(%dma_wait3A_684 : memref<5216xi32, #tpu.memory_space<hbm>>)
      tpu.yield
    }) : () -> ()
    %get3A_508 = arith.constant 3 : i32
    %get3A_509 = arith.index_cast %get3A_508 : i32 to index
    %get3A_510 = memref.load %arg10[%get3A_509] : memref<8xi32, #tpu.memory_space<smem>>
    %broadcast_in_dim3A_511 = arith.constant 0 : i32
    %broadcast_in_dim3A_512 = vector.broadcast %broadcast_in_dim3A_511 : i32 to vector<16xi32>
    %add3A_513 = vector.broadcast %mul3A_2 : i32 to vector<16xi32>
    %add3A_514 = arith.addi %broadcast_in_dim3A_512, %add3A_513 : vector<16xi32>
    %add3A_515 = arith.constant 15648 : i32
    %add3A_516 = arith.addi %add3A_515, %get3A_510 : i32
    %add3A_517 = arith.constant 0 : i32
    %add3A_518 = arith.addi %add3A_516, %add3A_517 : i32
    %swap3A_519 = arith.index_cast %add3A_518 : i32 to index
    %swap3A_520 = tpu.vector_load %arg7[%swap3A_519] {strides = array<i32>} : memref<20864xi32, #tpu.memory_space<vmem>>, vector<16xi32>,
    tpu.vector_store %arg7[%swap3A_519], %add3A_514 {strides = array<i32>} : memref<20864xi32, #tpu.memory_space<vmem>>, vector<16xi32>,
    %broadcast_in_dim3A_521 = arith.constant 12504 : i32
    %broadcast_in_dim3A_522 = vector.broadcast %broadcast_in_dim3A_521 : i32 to vector<16xi32>
    %add3A_523 = arith.constant 15648 : i32
    %add3A_524 = arith.addi %add3A_523, %get3A_510 : i32
    %add3A_525 = arith.constant 0 : i32
    %add3A_526 = arith.addi %add3A_524, %add3A_525 : i32
    %swap3A_527 = arith.index_cast %add3A_526 : i32 to index
    %swap3A_528 = tpu.vector_load %arg8[%swap3A_527] {strides = array<i32>} : memref<20864xi32, #tpu.memory_space<vmem>>, vector<16xi32>,
    tpu.vector_store %arg8[%swap3A_527], %broadcast_in_dim3A_522 {strides = array<i32>} : memref<20864xi32, #tpu.memory_space<vmem>>, vector<16xi32>,
    %broadcast_in_dim3A_529 = arith.constant 0 : i32
    %broadcast_in_dim3A_530 = vector.broadcast %broadcast_in_dim3A_529 : i32 to vector<16xi32>
    %add3A_531 = vector.broadcast %mul3A_2 : i32 to vector<16xi32>
    %add3A_532 = arith.addi %broadcast_in_dim3A_530, %add3A_531 : vector<16xi32>
    %add3A_533 = arith.constant 15648 : i32
    %add3A_534 = arith.addi %add3A_533, %get3A_510 : i32
    %add3A_535 = arith.constant 16 : i32
    %add3A_536 = arith.addi %add3A_534, %add3A_535 : i32
    %swap3A_537 = arith.index_cast %add3A_536 : i32 to index
    %swap3A_538 = tpu.vector_load %arg7[%swap3A_537] {strides = array<i32>} : memref<20864xi32, #tpu.memory_space<vmem>>, vector<16xi32>,
    tpu.vector_store %arg7[%swap3A_537], %add3A_532 {strides = array<i32>} : memref<20864xi32, #tpu.memory_space<vmem>>, vector<16xi32>,
    %broadcast_in_dim3A_539 = arith.constant 12504 : i32
    %broadcast_in_dim3A_540 = vector.broadcast %broadcast_in_dim3A_539 : i32 to vector<16xi32>
    %add3A_541 = arith.constant 15648 : i32
    %add3A_542 = arith.addi %add3A_541, %get3A_510 : i32
    %add3A_543 = arith.constant 16 : i32
    %add3A_544 = arith.addi %add3A_542, %add3A_543 : i32
    %swap3A_545 = arith.index_cast %add3A_544 : i32 to index
    %swap3A_546 = tpu.vector_load %arg8[%swap3A_545] {strides = array<i32>} : memref<20864xi32, #tpu.memory_space<vmem>>, vector<16xi32>,
    tpu.vector_store %arg8[%swap3A_545], %broadcast_in_dim3A_540 {strides = array<i32>} : memref<20864xi32, #tpu.memory_space<vmem>>, vector<16xi32>,
    %broadcast_in_dim3A_547 = arith.constant 0 : i32
    %broadcast_in_dim3A_548 = vector.broadcast %broadcast_in_dim3A_547 : i32 to vector<16xi32>
    %add3A_549 = vector.broadcast %mul3A_2 : i32 to vector<16xi32>
    %add3A_550 = arith.addi %broadcast_in_dim3A_548, %add3A_549 : vector<16xi32>
    %add3A_551 = arith.constant 15648 : i32
    %add3A_552 = arith.addi %add3A_551, %get3A_510 : i32
    %add3A_553 = arith.constant 32 : i32
    %add3A_554 = arith.addi %add3A_552, %add3A_553 : i32
    %swap3A_555 = arith.index_cast %add3A_554 : i32 to index
    %swap3A_556 = tpu.vector_load %arg7[%swap3A_555] {strides = array<i32>} : memref<20864xi32, #tpu.memory_space<vmem>>, vector<16xi32>,
    tpu.vector_store %arg7[%swap3A_555], %add3A_550 {strides = array<i32>} : memref<20864xi32, #tpu.memory_space<vmem>>, vector<16xi32>,
    %broadcast_in_dim3A_557 = arith.constant 12504 : i32
    %broadcast_in_dim3A_558 = vector.broadcast %broadcast_in_dim3A_557 : i32 to vector<16xi32>
    %add3A_559 = arith.constant 15648 : i32
    %add3A_560 = arith.addi %add3A_559, %get3A_510 : i32
    %add3A_561 = arith.constant 32 : i32
    %add3A_562 = arith.addi %add3A_560, %add3A_561 : i32
    %swap3A_563 = arith.index_cast %add3A_562 : i32 to index
    %swap3A_564 = tpu.vector_load %arg8[%swap3A_563] {strides = array<i32>} : memref<20864xi32, #tpu.memory_space<vmem>>, vector<16xi32>,
    tpu.vector_store %arg8[%swap3A_563], %broadcast_in_dim3A_558 {strides = array<i32>} : memref<20864xi32, #tpu.memory_space<vmem>>, vector<16xi32>,
    %broadcast_in_dim3A_565 = arith.constant 0 : i32
    %broadcast_in_dim3A_566 = vector.broadcast %broadcast_in_dim3A_565 : i32 to vector<16xi32>
    %add3A_567 = vector.broadcast %mul3A_2 : i32 to vector<16xi32>
    %add3A_568 = arith.addi %broadcast_in_dim3A_566, %add3A_567 : vector<16xi32>
    %add3A_569 = arith.constant 15648 : i32
    %add3A_570 = arith.addi %add3A_569, %get3A_510 : i32
    %add3A_571 = arith.constant 48 : i32
    %add3A_572 = arith.addi %add3A_570, %add3A_571 : i32
    %swap3A_573 = arith.index_cast %add3A_572 : i32 to index
    %swap3A_574 = tpu.vector_load %arg7[%swap3A_573] {strides = array<i32>} : memref<20864xi32, #tpu.memory_space<vmem>>, vector<16xi32>,
    tpu.vector_store %arg7[%swap3A_573], %add3A_568 {strides = array<i32>} : memref<20864xi32, #tpu.memory_space<vmem>>, vector<16xi32>,
    %broadcast_in_dim3A_575 = arith.constant 12504 : i32
    %broadcast_in_dim3A_576 = vector.broadcast %broadcast_in_dim3A_575 : i32 to vector<16xi32>
    %add3A_577 = arith.constant 15648 : i32
    %add3A_578 = arith.addi %add3A_577, %get3A_510 : i32
    %add3A_579 = arith.constant 48 : i32
    %add3A_580 = arith.addi %add3A_578, %add3A_579 : i32
    %swap3A_581 = arith.index_cast %add3A_580 : i32 to index
    %swap3A_582 = tpu.vector_load %arg8[%swap3A_581] {strides = array<i32>} : memref<20864xi32, #tpu.memory_space<vmem>>, vector<16xi32>,
    tpu.vector_store %arg8[%swap3A_581], %broadcast_in_dim3A_576 {strides = array<i32>} : memref<20864xi32, #tpu.memory_space<vmem>>, vector<16xi32>,
    %broadcast_in_dim3A_583 = arith.constant 0 : i32
    %broadcast_in_dim3A_584 = vector.broadcast %broadcast_in_dim3A_583 : i32 to vector<16xi32>
    %add3A_585 = vector.broadcast %mul3A_2 : i32 to vector<16xi32>
    %add3A_586 = arith.addi %broadcast_in_dim3A_584, %add3A_585 : vector<16xi32>
    %add3A_587 = arith.constant 15648 : i32
    %add3A_588 = arith.addi %add3A_587, %get3A_510 : i32
    %add3A_589 = arith.constant 64 : i32
    %add3A_590 = arith.addi %add3A_588, %add3A_589 : i32
    %swap3A_591 = arith.index_cast %add3A_590 : i32 to index
    %swap3A_592 = tpu.vector_load %arg7[%swap3A_591] {strides = array<i32>} : memref<20864xi32, #tpu.memory_space<vmem>>, vector<16xi32>,
    tpu.vector_store %arg7[%swap3A_591], %add3A_586 {strides = array<i32>} : memref<20864xi32, #tpu.memory_space<vmem>>, vector<16xi32>,
    %broadcast_in_dim3A_593 = arith.constant 12504 : i32
    %broadcast_in_dim3A_594 = vector.broadcast %broadcast_in_dim3A_593 : i32 to vector<16xi32>
    %add3A_595 = arith.constant 15648 : i32
    %add3A_596 = arith.addi %add3A_595, %get3A_510 : i32
    %add3A_597 = arith.constant 64 : i32
    %add3A_598 = arith.addi %add3A_596, %add3A_597 : i32
    %swap3A_599 = arith.index_cast %add3A_598 : i32 to index
    %swap3A_600 = tpu.vector_load %arg8[%swap3A_599] {strides = array<i32>} : memref<20864xi32, #tpu.memory_space<vmem>>, vector<16xi32>,
    tpu.vector_store %arg8[%swap3A_599], %broadcast_in_dim3A_594 {strides = array<i32>} : memref<20864xi32, #tpu.memory_space<vmem>>, vector<16xi32>,
    %broadcast_in_dim3A_601 = arith.constant 0 : i32
    %broadcast_in_dim3A_602 = vector.broadcast %broadcast_in_dim3A_601 : i32 to vector<16xi32>
    %add3A_603 = vector.broadcast %mul3A_2 : i32 to vector<16xi32>
    %add3A_604 = arith.addi %broadcast_in_dim3A_602, %add3A_603 : vector<16xi32>
    %add3A_605 = arith.constant 15648 : i32
    %add3A_606 = arith.addi %add3A_605, %get3A_510 : i32
    %add3A_607 = arith.constant 80 : i32
    %add3A_608 = arith.addi %add3A_606, %add3A_607 : i32
    %swap3A_609 = arith.index_cast %add3A_608 : i32 to index
    %swap3A_610 = tpu.vector_load %arg7[%swap3A_609] {strides = array<i32>} : memref<20864xi32, #tpu.memory_space<vmem>>, vector<16xi32>,
    tpu.vector_store %arg7[%swap3A_609], %add3A_604 {strides = array<i32>} : memref<20864xi32, #tpu.memory_space<vmem>>, vector<16xi32>,
    %broadcast_in_dim3A_611 = arith.constant 12504 : i32
    %broadcast_in_dim3A_612 = vector.broadcast %broadcast_in_dim3A_611 : i32 to vector<16xi32>
    %add3A_613 = arith.constant 15648 : i32
    %add3A_614 = arith.addi %add3A_613, %get3A_510 : i32
    %add3A_615 = arith.constant 80 : i32
    %add3A_616 = arith.addi %add3A_614, %add3A_615 : i32
    %swap3A_617 = arith.index_cast %add3A_616 : i32 to index
    %swap3A_618 = tpu.vector_load %arg8[%swap3A_617] {strides = array<i32>} : memref<20864xi32, #tpu.memory_space<vmem>>, vector<16xi32>,
    tpu.vector_store %arg8[%swap3A_617], %broadcast_in_dim3A_612 {strides = array<i32>} : memref<20864xi32, #tpu.memory_space<vmem>>, vector<16xi32>,
    %broadcast_in_dim3A_619 = arith.constant 95 : i32
    %broadcast_in_dim3A_620 = vector.broadcast %broadcast_in_dim3A_619 : i32 to vector<16xi32>
    %add3A_621 = vector.broadcast %get3A_510 : i32 to vector<16xi32>
    %add3A_622 = arith.addi %broadcast_in_dim3A_620, %add3A_621 : vector<16xi32>
    %jit3A_623 = arith.constant 96 : i32
    %div3A_624 = vector.broadcast %jit3A_623 : i32 to vector<16xi32>
    %div3A_625 = arith.divsi %add3A_622, %div3A_624 : vector<16xi32>
    %sign3A_626 = arith.constant 0 : i32
    %sign3A_627 = vector.broadcast %sign3A_626 : i32 to vector<16xi32>
    %sign3A_628 = arith.cmpi sgt, %add3A_622, %sign3A_627 : vector<16xi32>
    %sign3A_629 = arith.extui %sign3A_628 : vector<16xi1> to vector<16xi32>
    %sign3A_630 = arith.constant 0 : i32
    %sign3A_631 = vector.broadcast %sign3A_630 : i32 to vector<16xi32>
    %sign3A_632 = arith.cmpi slt, %add3A_622, %sign3A_631 : vector<16xi32>
    %sign3A_633 = arith.extui %sign3A_632 : vector<16xi1> to vector<16xi32>
    %sign3A_634 = arith.subi %sign3A_629, %sign3A_633 : vector<16xi32>
    %sign3A_635 = arith.constant 0 : i32
    %sign3A_636 = arith.cmpi sgt, %jit3A_623, %sign3A_635 : i32
    %sign3A_637 = arith.extui %sign3A_636 : i1 to i32
    %sign3A_638 = arith.constant 0 : i32
    %sign3A_639 = arith.cmpi slt, %jit3A_623, %sign3A_638 : i32
    %sign3A_640 = arith.extui %sign3A_639 : i1 to i32
    %sign3A_641 = arith.subi %sign3A_637, %sign3A_640 : i32
    %ne3A_642 = vector.broadcast %sign3A_641 : i32 to vector<16xi32>
    %ne3A_643 = arith.cmpi ne, %sign3A_634, %ne3A_642 : vector<16xi32>
    %rem3A_644 = vector.broadcast %jit3A_623 : i32 to vector<16xi32>
    %rem3A_645 = arith.remsi %add3A_622, %rem3A_644 : vector<16xi32>
    %ne3A_646 = arith.constant 0 : i32
    %ne3A_647 = vector.broadcast %ne3A_646 : i32 to vector<16xi32>
    %ne3A_648 = arith.cmpi ne, %rem3A_645, %ne3A_647 : vector<16xi32>
    %and3A_649 = arith.andi %ne3A_643, %ne3A_648 : vector<16xi1>
    %sub3A_650 = arith.constant 1 : i32
    %sub3A_651 = vector.broadcast %sub3A_650 : i32 to vector<16xi32>
    %sub3A_652 = arith.subi %div3A_625, %sub3A_651 : vector<16xi32>
    %select_n3A_653 = arith.select %and3A_649, %sub3A_652, %div3A_625 : vector<16xi1>, vector<16xi32>
    %eq3A_654 = arith.constant 3 : i32
    %eq3A_655 = vector.broadcast %eq3A_654 : i32 to vector<16xi32>
    %eq3A_656 = arith.cmpi eq, %iota3A, %eq3A_655 : vector<16xi32>
    %jit3A_657 = arith.constant 0 : i32
    %broadcast_in_dim3A_658 = vector.broadcast %jit3A_657 : i32 to vector<16xi32>
    %select_n3A_659 = arith.select %eq3A_656, %select_n3A_653, %broadcast_in_dim3A_658 : vector<16xi1>, vector<16xi32>
    %add3A_660 = arith.addi %add3A_495, %select_n3A_659 : vector<16xi32>
    %mul3A_661 = arith.constant 4 : i32
    %mul3A_662 = arith.muli %add3A, %mul3A_661 : i32
    %add3A_663 = arith.constant 3 : i32
    %add3A_664 = arith.addi %mul3A_662, %add3A_663 : i32
    %mul3A_665 = arith.constant 5216 : i32
    %mul3A_666 = arith.muli %add3A_664, %mul3A_665 : i32
    "tpu.region"() ({
      %run_scoped3A = tpu.sem_alloc : memref<!tpu.dma_semaphore, #tpu.memory_space<semaphore_mem>>
      %dma_start3A = arith.constant 15648 : i32
      %dma_start3A_677 = tpu.memref_slice %arg7[%dma_start3A] : memref<20864xi32, #tpu.memory_space<vmem>> -> memref<5216xi32, #tpu.memory_space<vmem>>
      %dma_start3A_678 = tpu.memref_slice %arg3[%mul3A_666] : memref<667648xi32, #tpu.memory_space<hbm>> -> memref<5216xi32, #tpu.memory_space<hbm>>
      %dma_start3A_679 = tpu.memref_slice %arg3[%mul3A_666] : memref<667648xi32, #tpu.memory_space<hbm>> -> memref<5216xi32, #tpu.memory_space<hbm>>
      %dma_start3A_680 = arith.constant 15648 : i32
      %dma_start3A_681 = tpu.memref_slice %arg7[%dma_start3A_680] : memref<20864xi32, #tpu.memory_space<vmem>> -> memref<5216xi32, #tpu.memory_space<vmem>>
      tpu.enqueue_dma source(%dma_start3A_681 : memref<5216xi32, #tpu.memory_space<vmem>>) target(%dma_start3A_679 : memref<5216xi32, #tpu.memory_space<hbm>>) target_semaphore(%run_scoped3A : memref<!tpu.dma_semaphore, #tpu.memory_space<semaphore_mem>>)
      %dma_wait3A = arith.constant 15648 : i32
      %dma_wait3A_682 = tpu.memref_slice %arg7[%dma_wait3A] : memref<20864xi32, #tpu.memory_space<vmem>> -> memref<5216xi32, #tpu.memory_space<vmem>>
      %dma_wait3A_683 = tpu.memref_slice %arg3[%mul3A_666] : memref<667648xi32, #tpu.memory_space<hbm>> -> memref<5216xi32, #tpu.memory_space<hbm>>
      %dma_wait3A_684 = tpu.memref_slice %arg3[%mul3A_666] : memref<667648xi32, #tpu.memory_space<hbm>> -> memref<5216xi32, #tpu.memory_space<hbm>>
      %dma_wait3A_685 = arith.constant 15648 : i32
      %dma_wait3A_686 = tpu.memref_slice %arg7[%dma_wait3A_685] : memref<20864xi32, #tpu.memory_space<vmem>> -> memref<5216xi32, #tpu.memory_space<vmem>>
      tpu.wait_dma2 semaphore(%run_scoped3A : memref<!tpu.dma_semaphore, #tpu.memory_space<semaphore_mem>>) src(%dma_wait3A_686 : memref<5216xi32, #tpu.memory_space<vmem>>) dst(%dma_wait3A_684 : memref<5216xi32, #tpu.memory_space<hbm>>)
      tpu.yield
    }) : () -> ()
    %mul3A_667 = arith.constant 4 : i32
    %mul3A_668 = arith.muli %add3A, %mul3A_667 : i32
    %add3A_669 = arith.constant 3 : i32
    %add3A_670 = arith.addi %mul3A_668, %add3A_669 : i32
    %mul3A_671 = arith.constant 5216 : i32
    %mul3A_672 = arith.muli %add3A_670, %mul3A_671 : i32
    "tpu.region"() ({
      %run_scoped3A = tpu.sem_alloc : memref<!tpu.dma_semaphore, #tpu.memory_space<semaphore_mem>>
      %dma_start3A = arith.constant 15648 : i32
      %dma_start3A_677 = tpu.memref_slice %arg8[%dma_start3A] : memref<20864xi32, #tpu.memory_space<vmem>> -> memref<5216xi32, #tpu.memory_space<vmem>>
      %dma_start3A_678 = tpu.memref_slice %arg4[%mul3A_672] : memref<667648xi32, #tpu.memory_space<hbm>> -> memref<5216xi32, #tpu.memory_space<hbm>>
      %dma_start3A_679 = tpu.memref_slice %arg4[%mul3A_672] : memref<667648xi32, #tpu.memory_space<hbm>> -> memref<5216xi32, #tpu.memory_space<hbm>>
      %dma_start3A_680 = arith.constant 15648 : i32
      %dma_start3A_681 = tpu.memref_slice %arg8[%dma_start3A_680] : memref<20864xi32, #tpu.memory_space<vmem>> -> memref<5216xi32, #tpu.memory_space<vmem>>
      tpu.enqueue_dma source(%dma_start3A_681 : memref<5216xi32, #tpu.memory_space<vmem>>) target(%dma_start3A_679 : memref<5216xi32, #tpu.memory_space<hbm>>) target_semaphore(%run_scoped3A : memref<!tpu.dma_semaphore, #tpu.memory_space<semaphore_mem>>)
      %dma_wait3A = arith.constant 15648 : i32
      %dma_wait3A_682 = tpu.memref_slice %arg8[%dma_wait3A] : memref<20864xi32, #tpu.memory_space<vmem>> -> memref<5216xi32, #tpu.memory_space<vmem>>
      %dma_wait3A_683 = tpu.memref_slice %arg4[%mul3A_672] : memref<667648xi32, #tpu.memory_space<hbm>> -> memref<5216xi32, #tpu.memory_space<hbm>>
      %dma_wait3A_684 = tpu.memref_slice %arg4[%mul3A_672] : memref<667648xi32, #tpu.memory_space<hbm>> -> memref<5216xi32, #tpu.memory_space<hbm>>
      %dma_wait3A_685 = arith.constant 15648 : i32
      %dma_wait3A_686 = tpu.memref_slice %arg8[%dma_wait3A_685] : memref<20864xi32, #tpu.memory_space<vmem>> -> memref<5216xi32, #tpu.memory_space<vmem>>
      tpu.wait_dma2 semaphore(%run_scoped3A : memref<!tpu.dma_semaphore, #tpu.memory_space<semaphore_mem>>) src(%dma_wait3A_686 : memref<5216xi32, #tpu.memory_space<vmem>>) dst(%dma_wait3A_684 : memref<5216xi32, #tpu.memory_space<hbm>>)
      tpu.yield
    }) : () -> ()
    %swap3A_673 = arith.constant 0 : index
    %swap3A_674 = tpu.vector_load %arg9[%swap3A_673] {strides = array<i32>} : memref<16xi32, #tpu.memory_space<vmem>>, vector<16xi32>,
    tpu.vector_store %arg9[%swap3A_673], %add3A_660 {strides = array<i32>} : memref<16xi32, #tpu.memory_space<vmem>>, vector<16xi32>,
    %mul3A_675 = arith.constant 16 : i32
    %mul3A_676 = arith.muli %add3A, %mul3A_675 : i32
    "tpu.region"() ({
      %run_scoped3A = tpu.sem_alloc : memref<!tpu.dma_semaphore, #tpu.memory_space<semaphore_mem>>
      %dma_start3A = tpu.memref_slice %arg5[%mul3A_676] : memref<512xi32, #tpu.memory_space<hbm>> -> memref<16xi32, #tpu.memory_space<hbm>>
      %dma_start3A_677 = tpu.memref_slice %arg5[%mul3A_676] : memref<512xi32, #tpu.memory_space<hbm>> -> memref<16xi32, #tpu.memory_space<hbm>>
      tpu.enqueue_dma source(%arg9 : memref<16xi32, #tpu.memory_space<vmem>>) target(%dma_start3A_677 : memref<16xi32, #tpu.memory_space<hbm>>) target_semaphore(%run_scoped3A : memref<!tpu.dma_semaphore, #tpu.memory_space<semaphore_mem>>)
      %dma_wait3A = tpu.memref_slice %arg5[%mul3A_676] : memref<512xi32, #tpu.memory_space<hbm>> -> memref<16xi32, #tpu.memory_space<hbm>>
      %dma_wait3A_678 = tpu.memref_slice %arg5[%mul3A_676] : memref<512xi32, #tpu.memory_space<hbm>> -> memref<16xi32, #tpu.memory_space<hbm>>
      tpu.wait_dma2 semaphore(%run_scoped3A : memref<!tpu.dma_semaphore, #tpu.memory_space<semaphore_mem>>) src(%arg9 : memref<16xi32, #tpu.memory_space<vmem>>) dst(%dma_wait3A_678 : memref<16xi32, #tpu.memory_space<hbm>>)
      tpu.yield
    }) : () -> ()
    return
  }
}

#map = affine_map<(d0, d1) -> (0, 0)>
#map1 = affine_map<(d0, d1) -> (0)>
module attributes {stable_mosaic.version = 14 : i64} {
  func.func @k(%arg0: i32, %arg1: i32, %arg2: memref<10000x128xf32, #tpu.memory_space<hbm>>, %arg3: memref<50000x128xf32, #tpu.memory_space<hbm>>, %arg4: memref<163840xi32, #tpu.memory_space<hbm>>, %arg5: memref<163840xi32, #tpu.memory_space<hbm>>, %arg6: memref<163840x128xf32, #tpu.memory_space<hbm>>, %arg7: memref<5120xi32, #tpu.memory_space<vmem>>, %arg8: memref<5120xi32, #tpu.memory_space<vmem>>, %arg9: memref<128x128xf32, #tpu.memory_space<vmem>>, %arg10: memref<128x128xf32, #tpu.memory_space<vmem>>, %arg11: memref<128x128xf32, #tpu.memory_space<vmem>>, %arg12: memref<128x128xf32, #tpu.memory_space<vmem>>, %arg13: memref<!tpu.dma_semaphore, #tpu.memory_space<semaphore_mem>>, %arg14: memref<!tpu.dma_semaphore, #tpu.memory_space<semaphore_mem>>, %arg15: memref<!tpu.dma_semaphore, #tpu.memory_space<semaphore_mem>>, %arg16: memref<!tpu.dma_semaphore, #tpu.memory_space<semaphore_mem>>) attributes {dimension_semantics = [#tpu.dimension_semantics<core_parallel>, #tpu.dimension_semantics<subcore_parallel>], iteration_bounds = array<i64: 2, 16>, scalar_prefetch = 0 : i64, scratch_operands = 10 : i64, tpu.core_type = #tpu.core_type<sc_vector_subcore>, window_params = [{transform_indices = #map}, {transform_indices = #map}, {transform_indices = #map1}, {transform_indices = #map1}, {transform_indices = #map}]} {
    %mul3A = arith.constant 2 : i32
    %mul3A_0 = arith.muli %arg1, %mul3A : i32
    %add3A = arith.addi %mul3A_0, %arg0 : i32
    %mul3A_1 = arith.constant 40 : i32
    %mul3A_2 = arith.muli %add3A, %mul3A_1 : i32
    %mul3A_3 = arith.constant 128 : i32
    %mul3A_4 = arith.muli %mul3A_2, %mul3A_3 : i32
    "tpu.region"() ({
      %run_scoped3A = tpu.sem_alloc : memref<!tpu.dma_semaphore, #tpu.memory_space<semaphore_mem>>
      %dma_start3A_18 = tpu.memref_slice %arg4[%mul3A_4] : memref<163840xi32, #tpu.memory_space<hbm>> -> memref<5120xi32, #tpu.memory_space<hbm>>
      %dma_start3A_19 = tpu.memref_slice %arg4[%mul3A_4] : memref<163840xi32, #tpu.memory_space<hbm>> -> memref<5120xi32, #tpu.memory_space<hbm>>
      tpu.enqueue_dma source(%dma_start3A_19 : memref<5120xi32, #tpu.memory_space<hbm>>) target(%arg7 : memref<5120xi32, #tpu.memory_space<vmem>>) target_semaphore(%run_scoped3A : memref<!tpu.dma_semaphore, #tpu.memory_space<semaphore_mem>>)
      %dma_wait3A = tpu.memref_slice %arg4[%mul3A_4] : memref<163840xi32, #tpu.memory_space<hbm>> -> memref<5120xi32, #tpu.memory_space<hbm>>
      %dma_wait3A_20 = tpu.memref_slice %arg4[%mul3A_4] : memref<163840xi32, #tpu.memory_space<hbm>> -> memref<5120xi32, #tpu.memory_space<hbm>>
      tpu.wait_dma2 semaphore(%run_scoped3A : memref<!tpu.dma_semaphore, #tpu.memory_space<semaphore_mem>>) src(%dma_wait3A_20 : memref<5120xi32, #tpu.memory_space<hbm>>) dst(%arg7 : memref<5120xi32, #tpu.memory_space<vmem>>)
      tpu.yield
    }) : () -> ()
    "tpu.region"() ({
      %run_scoped3A = tpu.sem_alloc : memref<!tpu.dma_semaphore, #tpu.memory_space<semaphore_mem>>
      %dma_start3A_18 = tpu.memref_slice %arg5[%mul3A_4] : memref<163840xi32, #tpu.memory_space<hbm>> -> memref<5120xi32, #tpu.memory_space<hbm>>
      %dma_start3A_19 = tpu.memref_slice %arg5[%mul3A_4] : memref<163840xi32, #tpu.memory_space<hbm>> -> memref<5120xi32, #tpu.memory_space<hbm>>
      tpu.enqueue_dma source(%dma_start3A_19 : memref<5120xi32, #tpu.memory_space<hbm>>) target(%arg8 : memref<5120xi32, #tpu.memory_space<vmem>>) target_semaphore(%run_scoped3A : memref<!tpu.dma_semaphore, #tpu.memory_space<semaphore_mem>>)
      %dma_wait3A = tpu.memref_slice %arg5[%mul3A_4] : memref<163840xi32, #tpu.memory_space<hbm>> -> memref<5120xi32, #tpu.memory_space<hbm>>
      %dma_wait3A_20 = tpu.memref_slice %arg5[%mul3A_4] : memref<163840xi32, #tpu.memory_space<hbm>> -> memref<5120xi32, #tpu.memory_space<hbm>>
      tpu.wait_dma2 semaphore(%run_scoped3A : memref<!tpu.dma_semaphore, #tpu.memory_space<semaphore_mem>>) src(%dma_wait3A_20 : memref<5120xi32, #tpu.memory_space<hbm>>) dst(%arg8 : memref<5120xi32, #tpu.memory_space<vmem>>)
      tpu.yield
    }) : () -> ()
    %dma_start3A = arith.constant 0 : i32
    %dma_start3A_5 = tpu.memref_slice %arg7[%dma_start3A] : memref<5120xi32, #tpu.memory_space<vmem>> -> memref<128xi32, #tpu.memory_space<vmem>>
    %dma_start3A_6 = arith.constant 0 : i32
    %dma_start3A_7 = arith.constant 0 : i32
    %dma_start3A_8 = tpu.memref_slice %arg2[%dma_start3A_6, %dma_start3A_7] : memref<10000x128xf32, #tpu.memory_space<hbm>> -> memref<10000x128xf32, #tpu.memory_space<hbm>>
    tpu.enqueue_indirect_dma source(%dma_start3A_8 : memref<10000x128xf32, #tpu.memory_space<hbm>>) target(%arg9 : memref<128x128xf32, #tpu.memory_space<vmem>>) offsets(%dma_start3A_5 : memref<128xi32, #tpu.memory_space<vmem>>) semaphore(%arg13 : memref<!tpu.dma_semaphore, #tpu.memory_space<semaphore_mem>>)
    %dma_start3A_9 = arith.constant 0 : i32
    %dma_start3A_10 = tpu.memref_slice %arg8[%dma_start3A_9] : memref<5120xi32, #tpu.memory_space<vmem>> -> memref<128xi32, #tpu.memory_space<vmem>>
    %dma_start3A_11 = arith.constant 0 : i32
    %dma_start3A_12 = arith.constant 0 : i32
    %dma_start3A_13 = tpu.memref_slice %arg3[%dma_start3A_11, %dma_start3A_12] : memref<50000x128xf32, #tpu.memory_space<hbm>> -> memref<50000x128xf32, #tpu.memory_space<hbm>>
    tpu.enqueue_indirect_dma source(%dma_start3A_13 : memref<50000x128xf32, #tpu.memory_space<hbm>>) target(%arg10 : memref<128x128xf32, #tpu.memory_space<vmem>>) offsets(%dma_start3A_10 : memref<128xi32, #tpu.memory_space<vmem>>) semaphore(%arg14 : memref<!tpu.dma_semaphore, #tpu.memory_space<semaphore_mem>>)
    %scan3A = arith.constant 0 : i32
    %scan3A_14 = arith.constant 20 : i32
    %scan3A_15 = arith.addi %scan3A, %scan3A_14 : i32
    %scan3A_16 = arith.constant 1 : i32
    scf.for %scan3A_18 = %scan3A to %scan3A_15 step %scan3A_16  : i32 {
      %mul3A_19 = arith.constant 1 : i32
      %mul3A_20 = arith.muli %scan3A_18, %mul3A_19 : i32
      %add3A_21 = arith.constant 0 : i32
      %add3A_22 = arith.addi %add3A_21, %mul3A_20 : i32
      %mul3A_23 = arith.constant 2 : i32
      %mul3A_24 = arith.muli %mul3A_23, %add3A_22 : i32
      %add3A_25 = arith.constant 1 : i32
      %add3A_26 = arith.addi %mul3A_24, %add3A_25 : i32
      %mul3A_27 = arith.constant 128 : i32
      %mul3A_28 = arith.muli %add3A_26, %mul3A_27 : i32
      %dma_start3A_29 = tpu.memref_slice %arg7[%mul3A_28] : memref<5120xi32, #tpu.memory_space<vmem>> -> memref<128xi32, #tpu.memory_space<vmem>>
      %dma_start3A_30 = arith.constant 0 : i32
      %dma_start3A_31 = arith.constant 0 : i32
      %dma_start3A_32 = tpu.memref_slice %arg2[%dma_start3A_30, %dma_start3A_31] : memref<10000x128xf32, #tpu.memory_space<hbm>> -> memref<10000x128xf32, #tpu.memory_space<hbm>>
      tpu.enqueue_indirect_dma source(%dma_start3A_32 : memref<10000x128xf32, #tpu.memory_space<hbm>>) target(%arg11 : memref<128x128xf32, #tpu.memory_space<vmem>>) offsets(%dma_start3A_29 : memref<128xi32, #tpu.memory_space<vmem>>) semaphore(%arg15 : memref<!tpu.dma_semaphore, #tpu.memory_space<semaphore_mem>>)
      %dma_start3A_33 = tpu.memref_slice %arg8[%mul3A_28] : memref<5120xi32, #tpu.memory_space<vmem>> -> memref<128xi32, #tpu.memory_space<vmem>>
      %dma_start3A_34 = arith.constant 0 : i32
      %dma_start3A_35 = arith.constant 0 : i32
      %dma_start3A_36 = tpu.memref_slice %arg3[%dma_start3A_34, %dma_start3A_35] : memref<50000x128xf32, #tpu.memory_space<hbm>> -> memref<50000x128xf32, #tpu.memory_space<hbm>>
      tpu.enqueue_indirect_dma source(%dma_start3A_36 : memref<50000x128xf32, #tpu.memory_space<hbm>>) target(%arg12 : memref<128x128xf32, #tpu.memory_space<vmem>>) offsets(%dma_start3A_33 : memref<128xi32, #tpu.memory_space<vmem>>) semaphore(%arg16 : memref<!tpu.dma_semaphore, #tpu.memory_space<semaphore_mem>>)
      %dma_wait3A = arith.constant 0 : i32
      %dma_wait3A_37 = tpu.memref_slice %arg7[%dma_wait3A] : memref<5120xi32, #tpu.memory_space<vmem>> -> memref<128xi32, #tpu.memory_space<vmem>>
      %dma_wait3A_38 = arith.constant 0 : i32
      %dma_wait3A_39 = arith.constant 0 : i32
      %dma_wait3A_40 = tpu.memref_slice %arg2[%dma_wait3A_38, %dma_wait3A_39] : memref<10000x128xf32, #tpu.memory_space<hbm>> -> memref<10000x128xf32, #tpu.memory_space<hbm>>
      tpu.wait_indirect_dma semaphore(%arg13 : memref<!tpu.dma_semaphore, #tpu.memory_space<semaphore_mem>>) src(%dma_wait3A_40 : memref<10000x128xf32, #tpu.memory_space<hbm>>) dst(%arg9 : memref<128x128xf32, #tpu.memory_space<vmem>>)
      %dma_wait3A_41 = arith.constant 0 : i32
      %dma_wait3A_42 = tpu.memref_slice %arg8[%dma_wait3A_41] : memref<5120xi32, #tpu.memory_space<vmem>> -> memref<128xi32, #tpu.memory_space<vmem>>
      %dma_wait3A_43 = arith.constant 0 : i32
      %dma_wait3A_44 = arith.constant 0 : i32
      %dma_wait3A_45 = tpu.memref_slice %arg3[%dma_wait3A_43, %dma_wait3A_44] : memref<50000x128xf32, #tpu.memory_space<hbm>> -> memref<50000x128xf32, #tpu.memory_space<hbm>>
      tpu.wait_indirect_dma semaphore(%arg14 : memref<!tpu.dma_semaphore, #tpu.memory_space<semaphore_mem>>) src(%dma_wait3A_45 : memref<50000x128xf32, #tpu.memory_space<hbm>>) dst(%arg10 : memref<128x128xf32, #tpu.memory_space<vmem>>)
      %scan3A_46 = arith.constant 0 : i32
      %scan3A_47 = arith.constant 128 : i32
      %scan3A_48 = arith.addi %scan3A_46, %scan3A_47 : i32
      %scan3A_49 = arith.constant 1 : i32
      scf.for %scan3A_78 = %scan3A_46 to %scan3A_48 step %scan3A_49  : i32 {
        %mul3A_79 = arith.constant 1 : i32
        %mul3A_80 = arith.muli %scan3A_78, %mul3A_79 : i32
        %add3A_81 = arith.constant 0 : i32
        %add3A_82 = arith.addi %add3A_81, %mul3A_80 : i32
        %scan3A_83 = arith.constant 0 : i32
        %scan3A_84 = arith.constant 8 : i32
        %scan3A_85 = arith.addi %scan3A_83, %scan3A_84 : i32
        %scan3A_86 = arith.constant 1 : i32
        scf.for %scan3A_88 = %scan3A_83 to %scan3A_85 step %scan3A_86  : i32 {
          %mul3A_89 = arith.constant 16 : i32
          %mul3A_90 = arith.muli %scan3A_88, %mul3A_89 : i32
          %add3A_91 = arith.constant 0 : i32
          %add3A_92 = arith.addi %add3A_91, %mul3A_90 : i32
          %get3A = arith.index_cast %add3A_82 : i32 to index
          %get3A_93 = arith.index_cast %add3A_92 : i32 to index
          %get3A_94 = tpu.vector_load %arg9[%get3A, %get3A_93] {strides = array<i32>} : memref<128x128xf32, #tpu.memory_space<vmem>>, vector<1x16xf32>,
          %get3A_95 = vector.shape_cast %get3A_94 : vector<1x16xf32> to vector<1x16xf32>
          %get3A_96 = arith.index_cast %add3A_82 : i32 to index
          %get3A_97 = arith.index_cast %add3A_92 : i32 to index
          %get3A_98 = tpu.vector_load %arg10[%get3A_96, %get3A_97] {strides = array<i32>} : memref<128x128xf32, #tpu.memory_space<vmem>>, vector<1x16xf32>,
          %get3A_99 = vector.shape_cast %get3A_98 : vector<1x16xf32> to vector<1x16xf32>
          %add3A_100 = arith.addf %get3A_95, %get3A_99 : vector<1x16xf32>
          %swap3A = arith.index_cast %add3A_82 : i32 to index
          %swap3A_101 = arith.index_cast %add3A_92 : i32 to index
          %swap3A_102 = tpu.vector_load %arg9[%swap3A, %swap3A_101] {strides = array<i32>} : memref<128x128xf32, #tpu.memory_space<vmem>>, vector<1x16xf32>,
          %swap3A_103 = vector.shape_cast %swap3A_102 : vector<1x16xf32> to vector<1x16xf32>
          %swap3A_104 = vector.shape_cast %add3A_100 : vector<1x16xf32> to vector<1x16xf32>
          tpu.vector_store %arg9[%swap3A, %swap3A_101], %swap3A_104 {strides = array<i32>} : memref<128x128xf32, #tpu.memory_space<vmem>>, vector<1x16xf32>,
        }
        %scan3A_87 = arith.constant 8 : i32
      }
      %scan3A_50 = arith.constant 128 : i32
      %mul3A_51 = arith.constant 128 : i32
      %mul3A_52 = arith.muli %mul3A_24, %mul3A_51 : i32
      %add3A_53 = arith.addi %mul3A_4, %mul3A_52 : i32
      "tpu.region"() ({
        %run_scoped3A = tpu.sem_alloc : memref<!tpu.dma_semaphore, #tpu.memory_space<semaphore_mem>>
        %dma_start3A_78 = arith.constant 0 : i32
        %dma_start3A_79 = tpu.memref_slice %arg6[%add3A_53, %dma_start3A_78] : memref<163840x128xf32, #tpu.memory_space<hbm>> -> memref<128x128xf32, #tpu.memory_space<hbm>>
        %dma_start3A_80 = arith.constant 0 : i32
        %dma_start3A_81 = tpu.memref_slice %arg6[%add3A_53, %dma_start3A_80] : memref<163840x128xf32, #tpu.memory_space<hbm>> -> memref<128x128xf32, #tpu.memory_space<hbm>>
        tpu.enqueue_dma source(%arg9 : memref<128x128xf32, #tpu.memory_space<vmem>>) target(%dma_start3A_81 : memref<128x128xf32, #tpu.memory_space<hbm>>) target_semaphore(%run_scoped3A : memref<!tpu.dma_semaphore, #tpu.memory_space<semaphore_mem>>)
        %dma_wait3A_82 = arith.constant 0 : i32
        %dma_wait3A_83 = tpu.memref_slice %arg6[%add3A_53, %dma_wait3A_82] : memref<163840x128xf32, #tpu.memory_space<hbm>> -> memref<128x128xf32, #tpu.memory_space<hbm>>
        %dma_wait3A_84 = arith.constant 0 : i32
        %dma_wait3A_85 = tpu.memref_slice %arg6[%add3A_53, %dma_wait3A_84] : memref<163840x128xf32, #tpu.memory_space<hbm>> -> memref<128x128xf32, #tpu.memory_space<hbm>>
        tpu.wait_dma2 semaphore(%run_scoped3A : memref<!tpu.dma_semaphore, #tpu.memory_space<semaphore_mem>>) src(%arg9 : memref<128x128xf32, #tpu.memory_space<vmem>>) dst(%dma_wait3A_85 : memref<128x128xf32, #tpu.memory_space<hbm>>)
        tpu.yield
      }) : () -> ()
      %add3A_54 = arith.constant 1 : i32
      %add3A_55 = arith.addi %add3A_22, %add3A_54 : i32
      %lt3A = arith.constant 20 : i32
      %lt3A_56 = arith.cmpi slt, %add3A_55, %lt3A : i32
      %convert_element_type3A = arith.extui %lt3A_56 : i1 to i32
      %cond3A = arith.constant 0 : i32
      %cond3A_57 = arith.cmpi ne, %convert_element_type3A, %cond3A : i32
      scf.if %cond3A_57 {
        %add3A_78 = arith.constant 2 : i32
        %add3A_79 = arith.addi %mul3A_24, %add3A_78 : i32
        %mul3A_80 = arith.constant 128 : i32
        %mul3A_81 = arith.muli %add3A_79, %mul3A_80 : i32
        %dma_start3A_82 = tpu.memref_slice %arg7[%mul3A_81] : memref<5120xi32, #tpu.memory_space<vmem>> -> memref<128xi32, #tpu.memory_space<vmem>>
        %dma_start3A_83 = arith.constant 0 : i32
        %dma_start3A_84 = arith.constant 0 : i32
        %dma_start3A_85 = tpu.memref_slice %arg2[%dma_start3A_83, %dma_start3A_84] : memref<10000x128xf32, #tpu.memory_space<hbm>> -> memref<10000x128xf32, #tpu.memory_space<hbm>>
        tpu.enqueue_indirect_dma source(%dma_start3A_85 : memref<10000x128xf32, #tpu.memory_space<hbm>>) target(%arg9 : memref<128x128xf32, #tpu.memory_space<vmem>>) offsets(%dma_start3A_82 : memref<128xi32, #tpu.memory_space<vmem>>) semaphore(%arg13 : memref<!tpu.dma_semaphore, #tpu.memory_space<semaphore_mem>>)
        %dma_start3A_86 = tpu.memref_slice %arg8[%mul3A_81] : memref<5120xi32, #tpu.memory_space<vmem>> -> memref<128xi32, #tpu.memory_space<vmem>>
        %dma_start3A_87 = arith.constant 0 : i32
        %dma_start3A_88 = arith.constant 0 : i32
        %dma_start3A_89 = tpu.memref_slice %arg3[%dma_start3A_87, %dma_start3A_88] : memref<50000x128xf32, #tpu.memory_space<hbm>> -> memref<50000x128xf32, #tpu.memory_space<hbm>>
        tpu.enqueue_indirect_dma source(%dma_start3A_89 : memref<50000x128xf32, #tpu.memory_space<hbm>>) target(%arg10 : memref<128x128xf32, #tpu.memory_space<vmem>>) offsets(%dma_start3A_86 : memref<128xi32, #tpu.memory_space<vmem>>) semaphore(%arg14 : memref<!tpu.dma_semaphore, #tpu.memory_space<semaphore_mem>>)
      } else {
      }
      %add3A_58 = arith.constant 1 : i32
      %add3A_59 = arith.addi %mul3A_24, %add3A_58 : i32
      %dma_wait3A_60 = arith.constant 0 : i32
      %dma_wait3A_61 = tpu.memref_slice %arg7[%dma_wait3A_60] : memref<5120xi32, #tpu.memory_space<vmem>> -> memref<128xi32, #tpu.memory_space<vmem>>
      %dma_wait3A_62 = arith.constant 0 : i32
      %dma_wait3A_63 = arith.constant 0 : i32
      %dma_wait3A_64 = tpu.memref_slice %arg2[%dma_wait3A_62, %dma_wait3A_63] : memref<10000x128xf32, #tpu.memory_space<hbm>> -> memref<10000x128xf32, #tpu.memory_space<hbm>>
      tpu.wait_indirect_dma semaphore(%arg15 : memref<!tpu.dma_semaphore, #tpu.memory_space<semaphore_mem>>) src(%dma_wait3A_64 : memref<10000x128xf32, #tpu.memory_space<hbm>>) dst(%arg11 : memref<128x128xf32, #tpu.memory_space<vmem>>)
      %dma_wait3A_65 = arith.constant 0 : i32
      %dma_wait3A_66 = tpu.memref_slice %arg8[%dma_wait3A_65] : memref<5120xi32, #tpu.memory_space<vmem>> -> memref<128xi32, #tpu.memory_space<vmem>>
      %dma_wait3A_67 = arith.constant 0 : i32
      %dma_wait3A_68 = arith.constant 0 : i32
      %dma_wait3A_69 = tpu.memref_slice %arg3[%dma_wait3A_67, %dma_wait3A_68] : memref<50000x128xf32, #tpu.memory_space<hbm>> -> memref<50000x128xf32, #tpu.memory_space<hbm>>
      tpu.wait_indirect_dma semaphore(%arg16 : memref<!tpu.dma_semaphore, #tpu.memory_space<semaphore_mem>>) src(%dma_wait3A_69 : memref<50000x128xf32, #tpu.memory_space<hbm>>) dst(%arg12 : memref<128x128xf32, #tpu.memory_space<vmem>>)
      %scan3A_70 = arith.constant 0 : i32
      %scan3A_71 = arith.constant 128 : i32
      %scan3A_72 = arith.addi %scan3A_70, %scan3A_71 : i32
      %scan3A_73 = arith.constant 1 : i32
      scf.for %scan3A_78 = %scan3A_70 to %scan3A_72 step %scan3A_73  : i32 {
        %mul3A_79 = arith.constant 1 : i32
        %mul3A_80 = arith.muli %scan3A_78, %mul3A_79 : i32
        %add3A_81 = arith.constant 0 : i32
        %add3A_82 = arith.addi %add3A_81, %mul3A_80 : i32
        %scan3A_83 = arith.constant 0 : i32
        %scan3A_84 = arith.constant 8 : i32
        %scan3A_85 = arith.addi %scan3A_83, %scan3A_84 : i32
        %scan3A_86 = arith.constant 1 : i32
        scf.for %scan3A_88 = %scan3A_83 to %scan3A_85 step %scan3A_86  : i32 {
          %mul3A_89 = arith.constant 16 : i32
          %mul3A_90 = arith.muli %scan3A_88, %mul3A_89 : i32
          %add3A_91 = arith.constant 0 : i32
          %add3A_92 = arith.addi %add3A_91, %mul3A_90 : i32
          %get3A = arith.index_cast %add3A_82 : i32 to index
          %get3A_93 = arith.index_cast %add3A_92 : i32 to index
          %get3A_94 = tpu.vector_load %arg11[%get3A, %get3A_93] {strides = array<i32>} : memref<128x128xf32, #tpu.memory_space<vmem>>, vector<1x16xf32>,
          %get3A_95 = vector.shape_cast %get3A_94 : vector<1x16xf32> to vector<1x16xf32>
          %get3A_96 = arith.index_cast %add3A_82 : i32 to index
          %get3A_97 = arith.index_cast %add3A_92 : i32 to index
          %get3A_98 = tpu.vector_load %arg12[%get3A_96, %get3A_97] {strides = array<i32>} : memref<128x128xf32, #tpu.memory_space<vmem>>, vector<1x16xf32>,
          %get3A_99 = vector.shape_cast %get3A_98 : vector<1x16xf32> to vector<1x16xf32>
          %add3A_100 = arith.addf %get3A_95, %get3A_99 : vector<1x16xf32>
          %swap3A = arith.index_cast %add3A_82 : i32 to index
          %swap3A_101 = arith.index_cast %add3A_92 : i32 to index
          %swap3A_102 = tpu.vector_load %arg11[%swap3A, %swap3A_101] {strides = array<i32>} : memref<128x128xf32, #tpu.memory_space<vmem>>, vector<1x16xf32>,
          %swap3A_103 = vector.shape_cast %swap3A_102 : vector<1x16xf32> to vector<1x16xf32>
          %swap3A_104 = vector.shape_cast %add3A_100 : vector<1x16xf32> to vector<1x16xf32>
          tpu.vector_store %arg11[%swap3A, %swap3A_101], %swap3A_104 {strides = array<i32>} : memref<128x128xf32, #tpu.memory_space<vmem>>, vector<1x16xf32>,
        }
        %scan3A_87 = arith.constant 8 : i32
      }
      %scan3A_74 = arith.constant 128 : i32
      %mul3A_75 = arith.constant 128 : i32
      %mul3A_76 = arith.muli %add3A_59, %mul3A_75 : i32
      %add3A_77 = arith.addi %mul3A_4, %mul3A_76 : i32
      "tpu.region"() ({
        %run_scoped3A = tpu.sem_alloc : memref<!tpu.dma_semaphore, #tpu.memory_space<semaphore_mem>>
        %dma_start3A_78 = arith.constant 0 : i32
        %dma_start3A_79 = tpu.memref_slice %arg6[%add3A_77, %dma_start3A_78] : memref<163840x128xf32, #tpu.memory_space<hbm>> -> memref<128x128xf32, #tpu.memory_space<hbm>>
        %dma_start3A_80 = arith.constant 0 : i32
        %dma_start3A_81 = tpu.memref_slice %arg6[%add3A_77, %dma_start3A_80] : memref<163840x128xf32, #tpu.memory_space<hbm>> -> memref<128x128xf32, #tpu.memory_space<hbm>>
        tpu.enqueue_dma source(%arg11 : memref<128x128xf32, #tpu.memory_space<vmem>>) target(%dma_start3A_81 : memref<128x128xf32, #tpu.memory_space<hbm>>) target_semaphore(%run_scoped3A : memref<!tpu.dma_semaphore, #tpu.memory_space<semaphore_mem>>)
        %dma_wait3A_82 = arith.constant 0 : i32
        %dma_wait3A_83 = tpu.memref_slice %arg6[%add3A_77, %dma_wait3A_82] : memref<163840x128xf32, #tpu.memory_space<hbm>> -> memref<128x128xf32, #tpu.memory_space<hbm>>
        %dma_wait3A_84 = arith.constant 0 : i32
        %dma_wait3A_85 = tpu.memref_slice %arg6[%add3A_77, %dma_wait3A_84] : memref<163840x128xf32, #tpu.memory_space<hbm>> -> memref<128x128xf32, #tpu.memory_space<hbm>>
        tpu.wait_dma2 semaphore(%run_scoped3A : memref<!tpu.dma_semaphore, #tpu.memory_space<semaphore_mem>>) src(%arg11 : memref<128x128xf32, #tpu.memory_space<vmem>>) dst(%dma_wait3A_85 : memref<128x128xf32, #tpu.memory_space<hbm>>)
        tpu.yield
      }) : () -> ()
    }
    %scan3A_17 = arith.constant 20 : i32
    return
  }
}

#map = affine_map<(d0, d1) -> (0, 0)>
#map1 = affine_map<(d0, d1) -> (0)>
module attributes {stable_mosaic.version = 14 : i64} {
  func.func @k(%arg0: i32, %arg1: i32, %arg2: memref<163840x128xf32, #tpu.memory_space<hbm>>, %arg3: memref<667648xi32, #tpu.memory_space<hbm>>, %arg4: memref<667648xi32, #tpu.memory_space<hbm>>, %arg5: memref<512xi32, #tpu.memory_space<hbm>>, %arg6: memref<96x128xf32, #tpu.memory_space<hbm>>, %arg7: memref<50000x128xf32, #tpu.memory_space<hbm>>, %arg8: memref<96xi32, #tpu.memory_space<vmem>>, %arg9: memref<96xi32, #tpu.memory_space<vmem>>, %arg10: memref<96xi32, #tpu.memory_space<vmem>>, %arg11: memref<96xi32, #tpu.memory_space<vmem>>, %arg12: memref<16xi32, #tpu.memory_space<vmem>>, %arg13: memref<16xi32, #tpu.memory_space<vmem>>, %arg14: memref<96x128xf32, #tpu.memory_space<vmem>>, %arg15: memref<96x128xf32, #tpu.memory_space<vmem>>, %arg16: memref<12576x128xf32, #tpu.memory_space<vmem_shared>>, %arg17: memref<!tpu.dma_semaphore, #tpu.memory_space<semaphore_mem>>, %arg18: memref<!tpu.dma_semaphore, #tpu.memory_space<semaphore_mem>>) attributes {dimension_semantics = [#tpu.dimension_semantics<core_parallel>, #tpu.dimension_semantics<subcore_parallel>], iteration_bounds = array<i64: 2, 16>, scalar_prefetch = 0 : i64, scratch_operands = 11 : i64, tpu.core_type = #tpu.core_type<sc_vector_subcore>, window_params = [{transform_indices = #map}, {transform_indices = #map1}, {transform_indices = #map1}, {transform_indices = #map1}, {transform_indices = #map}, {transform_indices = #map}]} {
    %iota3A = tpu.iota {dimensions = array<i32: 0>} : vector<16xi32>
    %scan3A = arith.constant 0 : i32
    %scan3A_0 = arith.constant 2 : i32
    %scan3A_1 = arith.addi %scan3A, %scan3A_0 : i32
    %scan3A_2 = arith.constant 1 : i32
    scf.for %scan3A_4 = %scan3A to %scan3A_1 step %scan3A_2  : i32 {
      %mul3A = arith.constant 1 : i32
      %mul3A_5 = arith.muli %scan3A_4, %mul3A : i32
      %add3A = arith.constant 0 : i32
      %add3A_6 = arith.addi %add3A, %mul3A_5 : i32
      %mul3A_7 = arith.constant 2 : i32
      %mul3A_8 = arith.muli %mul3A_7, %add3A_6 : i32
      %add3A_9 = arith.addi %mul3A_8, %arg0 : i32
      %mul3A_10 = arith.constant 12504 : i32
      %mul3A_11 = arith.muli %add3A_9, %mul3A_10 : i32
      %lt3A = arith.constant 3 : i32
      %lt3A_12 = arith.cmpi slt, %add3A_9, %lt3A : i32
      %jit3A = arith.constant 12504 : i32
      %jit3A_13 = arith.constant 12488 : i32
      %select_n3A = arith.select %lt3A_12, %jit3A, %jit3A_13 : i32
      %sub3A = arith.constant 131 : i32
      %sub3A_14 = arith.subi %sub3A, %arg1 : i32
      %sub3A_15 = arith.constant 16 : i32
      %sub3A_16 = arith.constant 1 : i32
      %sub3A_17 = arith.subi %sub3A_15, %sub3A_16 : i32
      %add3A_18 = arith.addi %sub3A_14, %sub3A_17 : i32
      %div3A = arith.constant 16 : i32
      %div3A_19 = arith.divsi %add3A_18, %div3A : i32
      %while3A = arith.constant 16 : i32
      %while3A_20 = arith.constant 0 : i32
      %while3A_21 = arith.subi %div3A_19, %while3A_20 : i32
      %while3A_22 = arith.addi %while3A_20, %while3A_21 : i32
      %while3A_23 = arith.constant 1 : i32
      %while3A_24 = arith.divsi %while3A_21, %while3A_23 : i32
      %while3A_25 = arith.muli %while3A_24, %while3A_23 : i32
      %while3A_26 = arith.addi %while3A_20, %while3A_25 : i32
      %while3A_27 = arith.constant 1 : i32
      scf.for %while3A_133 = %while3A_20 to %while3A_26 step %while3A_27  : i32 {
        %mul3A_134 = arith.muli %while3A_133, %while3A : i32
        %add3A_135 = arith.addi %arg1, %mul3A_134 : i32
        %mul3A_136 = arith.constant 96 : i32
        %mul3A_137 = arith.muli %add3A_135, %mul3A_136 : i32
        "tpu.region"() ({
          %run_scoped3A = tpu.sem_alloc : memref<!tpu.dma_semaphore, #tpu.memory_space<semaphore_mem>>
          %dma_start3A = arith.constant 0 : i32
          %dma_start3A_138 = tpu.memref_slice %arg16[%mul3A_137, %dma_start3A] : memref<12576x128xf32, #tpu.memory_space<vmem_shared>> -> memref<96x128xf32, #tpu.memory_space<vmem_shared>>
          tpu.enqueue_dma source(%arg6 : memref<96x128xf32, #tpu.memory_space<hbm>>) target(%dma_start3A_138 : memref<96x128xf32, #tpu.memory_space<vmem_shared>>) target_semaphore(%run_scoped3A : memref<!tpu.dma_semaphore, #tpu.memory_space<semaphore_mem>>)
          %dma_wait3A = arith.constant 0 : i32
          %dma_wait3A_139 = tpu.memref_slice %arg16[%mul3A_137, %dma_wait3A] : memref<12576x128xf32, #tpu.memory_space<vmem_shared>> -> memref<96x128xf32, #tpu.memory_space<vmem_shared>>
          tpu.wait_dma2 semaphore(%run_scoped3A : memref<!tpu.dma_semaphore, #tpu.memory_space<semaphore_mem>>) src(%arg6 : memref<96x128xf32, #tpu.memory_space<hbm>>) dst(%dma_wait3A_139 : memref<96x128xf32, #tpu.memory_space<vmem_shared>>)
          tpu.yield
        }) : () -> ()
      }
      %while3A_28 = arith.constant 1 : i32
      scf.for %while3A_133 = %while3A_26 to %while3A_22 step %while3A_28  : i32 {
        %mul3A_134 = arith.muli %while3A_133, %while3A : i32
        %add3A_135 = arith.addi %arg1, %mul3A_134 : i32
        %mul3A_136 = arith.constant 96 : i32
        %mul3A_137 = arith.muli %add3A_135, %mul3A_136 : i32
        "tpu.region"() ({
          %run_scoped3A = tpu.sem_alloc : memref<!tpu.dma_semaphore, #tpu.memory_space<semaphore_mem>>
          %dma_start3A = arith.constant 0 : i32
          %dma_start3A_138 = tpu.memref_slice %arg16[%mul3A_137, %dma_start3A] : memref<12576x128xf32, #tpu.memory_space<vmem_shared>> -> memref<96x128xf32, #tpu.memory_space<vmem_shared>>
          tpu.enqueue_dma source(%arg6 : memref<96x128xf32, #tpu.memory_space<hbm>>) target(%dma_start3A_138 : memref<96x128xf32, #tpu.memory_space<vmem_shared>>) target_semaphore(%run_scoped3A : memref<!tpu.dma_semaphore, #tpu.memory_space<semaphore_mem>>)
          %dma_wait3A = arith.constant 0 : i32
          %dma_wait3A_139 = tpu.memref_slice %arg16[%mul3A_137, %dma_wait3A] : memref<12576x128xf32, #tpu.memory_space<vmem_shared>> -> memref<96x128xf32, #tpu.memory_space<vmem_shared>>
          tpu.wait_dma2 semaphore(%run_scoped3A : memref<!tpu.dma_semaphore, #tpu.memory_space<semaphore_mem>>) src(%arg6 : memref<96x128xf32, #tpu.memory_space<hbm>>) dst(%dma_wait3A_139 : memref<96x128xf32, #tpu.memory_space<vmem_shared>>)
          tpu.yield
        }) : () -> ()
      }
      %barrier3A = arith.constant 0 : index
      tpu.barrier barrier_id(%barrier3A)
      %mul3A_29 = arith.constant 2 : i32
      %mul3A_30 = arith.muli %mul3A_29, %arg1 : i32
      %add3A_31 = arith.constant 1 : i32
      %add3A_32 = arith.addi %mul3A_30, %add3A_31 : i32
      %mul3A_33 = arith.constant 16 : i32
      %mul3A_34 = arith.muli %mul3A_30, %mul3A_33 : i32
      "tpu.region"() ({
        %run_scoped3A = tpu.sem_alloc : memref<!tpu.dma_semaphore, #tpu.memory_space<semaphore_mem>>
        %dma_start3A = tpu.memref_slice %arg5[%mul3A_34] : memref<512xi32, #tpu.memory_space<hbm>> -> memref<16xi32, #tpu.memory_space<hbm>>
        %dma_start3A_133 = tpu.memref_slice %arg5[%mul3A_34] : memref<512xi32, #tpu.memory_space<hbm>> -> memref<16xi32, #tpu.memory_space<hbm>>
        tpu.enqueue_dma source(%dma_start3A_133 : memref<16xi32, #tpu.memory_space<hbm>>) target(%arg12 : memref<16xi32, #tpu.memory_space<vmem>>) target_semaphore(%run_scoped3A : memref<!tpu.dma_semaphore, #tpu.memory_space<semaphore_mem>>)
        %dma_wait3A = tpu.memref_slice %arg5[%mul3A_34] : memref<512xi32, #tpu.memory_space<hbm>> -> memref<16xi32, #tpu.memory_space<hbm>>
        %dma_wait3A_134 = tpu.memref_slice %arg5[%mul3A_34] : memref<512xi32, #tpu.memory_space<hbm>> -> memref<16xi32, #tpu.memory_space<hbm>>
        tpu.wait_dma2 semaphore(%run_scoped3A : memref<!tpu.dma_semaphore, #tpu.memory_space<semaphore_mem>>) src(%dma_wait3A_134 : memref<16xi32, #tpu.memory_space<hbm>>) dst(%arg12 : memref<16xi32, #tpu.memory_space<vmem>>)
        tpu.yield
      }) : () -> ()
      %mul3A_35 = arith.constant 16 : i32
      %mul3A_36 = arith.muli %add3A_32, %mul3A_35 : i32
      "tpu.region"() ({
        %run_scoped3A = tpu.sem_alloc : memref<!tpu.dma_semaphore, #tpu.memory_space<semaphore_mem>>
        %dma_start3A = tpu.memref_slice %arg5[%mul3A_36] : memref<512xi32, #tpu.memory_space<hbm>> -> memref<16xi32, #tpu.memory_space<hbm>>
        %dma_start3A_133 = tpu.memref_slice %arg5[%mul3A_36] : memref<512xi32, #tpu.memory_space<hbm>> -> memref<16xi32, #tpu.memory_space<hbm>>
        tpu.enqueue_dma source(%dma_start3A_133 : memref<16xi32, #tpu.memory_space<hbm>>) target(%arg13 : memref<16xi32, #tpu.memory_space<vmem>>) target_semaphore(%run_scoped3A : memref<!tpu.dma_semaphore, #tpu.memory_space<semaphore_mem>>)
        %dma_wait3A = tpu.memref_slice %arg5[%mul3A_36] : memref<512xi32, #tpu.memory_space<hbm>> -> memref<16xi32, #tpu.memory_space<hbm>>
        %dma_wait3A_134 = tpu.memref_slice %arg5[%mul3A_36] : memref<512xi32, #tpu.memory_space<hbm>> -> memref<16xi32, #tpu.memory_space<hbm>>
        tpu.wait_dma2 semaphore(%run_scoped3A : memref<!tpu.dma_semaphore, #tpu.memory_space<semaphore_mem>>) src(%dma_wait3A_134 : memref<16xi32, #tpu.memory_space<hbm>>) dst(%arg13 : memref<16xi32, #tpu.memory_space<vmem>>)
        tpu.yield
      }) : () -> ()
      %eq3A = vector.broadcast %add3A_9 : i32 to vector<16xi32>
      %eq3A_37 = arith.cmpi eq, %iota3A, %eq3A : vector<16xi32>
      %get3A = arith.constant 0 : index
      %get3A_38 = tpu.vector_load %arg12[%get3A] {strides = array<i32>} : memref<16xi32, #tpu.memory_space<vmem>>, vector<16xi32>,
      %jit3A_39 = arith.constant 0 : i32
      %broadcast_in_dim3A = vector.broadcast %jit3A_39 : i32 to vector<16xi32>
      %select_n3A_40 = arith.select %eq3A_37, %get3A_38, %broadcast_in_dim3A : vector<16xi1>, vector<16xi32>
      %reduce_max3A = arith.constant true
      %reduce_max3A_41 = vector.broadcast %reduce_max3A : i1 to vector<16xi1>
      %reduce_max3A_42 = arith.constant -2147483648 : i32
      %reduce_max3A_43 = vector.broadcast %reduce_max3A_42 : i32 to vector<16xi32>
      %reduce_max3A_44 = arith.xori %select_n3A_40, %reduce_max3A_43 : vector<16xi32>
      %reduce_max3A_45 = tpu.scan <max>, %reduce_max3A_44 masked %reduce_max3A_41 : vector<16xi32>, vector<16xi1> -> vector<16xi32>
      %reduce_max3A_46 = arith.xori %reduce_max3A_45, %reduce_max3A_43 : vector<16xi32>
      %reduce_max3A_47 = vector.extract %reduce_max3A_46[15] : i32 from vector<16xi32>
      %eq3A_48 = vector.broadcast %add3A_9 : i32 to vector<16xi32>
      %eq3A_49 = arith.cmpi eq, %iota3A, %eq3A_48 : vector<16xi32>
      %get3A_50 = arith.constant 0 : index
      %get3A_51 = tpu.vector_load %arg13[%get3A_50] {strides = array<i32>} : memref<16xi32, #tpu.memory_space<vmem>>, vector<16xi32>,
      %jit3A_52 = arith.constant 0 : i32
      %broadcast_in_dim3A_53 = vector.broadcast %jit3A_52 : i32 to vector<16xi32>
      %select_n3A_54 = arith.select %eq3A_49, %get3A_51, %broadcast_in_dim3A_53 : vector<16xi1>, vector<16xi32>
      %reduce_max3A_55 = arith.constant true
      %reduce_max3A_56 = vector.broadcast %reduce_max3A_55 : i1 to vector<16xi1>
      %reduce_max3A_57 = arith.constant -2147483648 : i32
      %reduce_max3A_58 = vector.broadcast %reduce_max3A_57 : i32 to vector<16xi32>
      %reduce_max3A_59 = arith.xori %select_n3A_54, %reduce_max3A_58 : vector<16xi32>
      %reduce_max3A_60 = tpu.scan <max>, %reduce_max3A_59 masked %reduce_max3A_56 : vector<16xi32>, vector<16xi1> -> vector<16xi32>
      %reduce_max3A_61 = arith.xori %reduce_max3A_60, %reduce_max3A_58 : vector<16xi32>
      %reduce_max3A_62 = vector.extract %reduce_max3A_61[15] : i32 from vector<16xi32>
      %add3A_63 = arith.addi %reduce_max3A_47, %reduce_max3A_62 : i32
      %shift_right_logical3A = arith.constant 1 : i32
      %shift_right_logical3A_64 = arith.shrui %add3A_63, %shift_right_logical3A : i32
      %mul3A_65 = arith.constant 2 : i32
      %mul3A_66 = arith.muli %mul3A_65, %shift_right_logical3A_64 : i32
      %sub3A_67 = arith.subi %add3A_63, %mul3A_66 : i32
      %gt3A = arith.constant 0 : i32
      %gt3A_68 = arith.cmpi sgt, %add3A_63, %gt3A : i32
      %convert_element_type3A = arith.extui %gt3A_68 : i1 to i32
      %cond3A = arith.constant 0 : i32
      %cond3A_69 = arith.cmpi ne, %convert_element_type3A, %cond3A : i32
      scf.if %cond3A_69 {
        %gt3A_133 = arith.constant 0 : i32
        %gt3A_134 = arith.cmpi sgt, %reduce_max3A_47, %gt3A_133 : i32
        %select_n3A_135 = arith.select %gt3A_134, %mul3A_30, %add3A_32 : i32
        %sub3A_136 = arith.constant 0 : i32
        %sub3A_137 = arith.subi %sub3A_136, %reduce_max3A_47 : i32
        %jit3A_138 = arith.constant 0 : i32
        %select_n3A_139 = arith.select %gt3A_134, %jit3A_138, %sub3A_137 : i32
        %mul3A_140 = arith.constant 4 : i32
        %mul3A_141 = arith.muli %select_n3A_135, %mul3A_140 : i32
        %add3A_142 = arith.addi %mul3A_141, %add3A_9 : i32
        %mul3A_143 = arith.constant 5216 : i32
        %mul3A_144 = arith.muli %add3A_142, %mul3A_143 : i32
        %mul3A_145 = arith.constant 96 : i32
        %mul3A_146 = arith.muli %select_n3A_139, %mul3A_145 : i32
        %add3A_147 = arith.addi %mul3A_144, %mul3A_146 : i32
        "tpu.region"() ({
          %run_scoped3A = tpu.sem_alloc : memref<!tpu.dma_semaphore, #tpu.memory_space<semaphore_mem>>
          %dma_start3A_150 = tpu.memref_slice %arg3[%add3A_147] : memref<667648xi32, #tpu.memory_space<hbm>> -> memref<96xi32, #tpu.memory_space<hbm>>
          %dma_start3A_151 = tpu.memref_slice %arg3[%add3A_147] : memref<667648xi32, #tpu.memory_space<hbm>> -> memref<96xi32, #tpu.memory_space<hbm>>
          tpu.enqueue_dma source(%dma_start3A_151 : memref<96xi32, #tpu.memory_space<hbm>>) target(%arg8 : memref<96xi32, #tpu.memory_space<vmem>>) target_semaphore(%run_scoped3A : memref<!tpu.dma_semaphore, #tpu.memory_space<semaphore_mem>>)
          %dma_wait3A = tpu.memref_slice %arg3[%add3A_147] : memref<667648xi32, #tpu.memory_space<hbm>> -> memref<96xi32, #tpu.memory_space<hbm>>
          %dma_wait3A_152 = tpu.memref_slice %arg3[%add3A_147] : memref<667648xi32, #tpu.memory_space<hbm>> -> memref<96xi32, #tpu.memory_space<hbm>>
          tpu.wait_dma2 semaphore(%run_scoped3A : memref<!tpu.dma_semaphore, #tpu.memory_space<semaphore_mem>>) src(%dma_wait3A_152 : memref<96xi32, #tpu.memory_space<hbm>>) dst(%arg8 : memref<96xi32, #tpu.memory_space<vmem>>)
          tpu.yield
        }) : () -> ()
        "tpu.region"() ({
          %run_scoped3A = tpu.sem_alloc : memref<!tpu.dma_semaphore, #tpu.memory_space<semaphore_mem>>
          %dma_start3A_150 = tpu.memref_slice %arg4[%add3A_147] : memref<667648xi32, #tpu.memory_space<hbm>> -> memref<96xi32, #tpu.memory_space<hbm>>
          %dma_start3A_151 = tpu.memref_slice %arg4[%add3A_147] : memref<667648xi32, #tpu.memory_space<hbm>> -> memref<96xi32, #tpu.memory_space<hbm>>
          tpu.enqueue_dma source(%dma_start3A_151 : memref<96xi32, #tpu.memory_space<hbm>>) target(%arg10 : memref<96xi32, #tpu.memory_space<vmem>>) target_semaphore(%run_scoped3A : memref<!tpu.dma_semaphore, #tpu.memory_space<semaphore_mem>>)
          %dma_wait3A = tpu.memref_slice %arg4[%add3A_147] : memref<667648xi32, #tpu.memory_space<hbm>> -> memref<96xi32, #tpu.memory_space<hbm>>
          %dma_wait3A_152 = tpu.memref_slice %arg4[%add3A_147] : memref<667648xi32, #tpu.memory_space<hbm>> -> memref<96xi32, #tpu.memory_space<hbm>>
          tpu.wait_dma2 semaphore(%run_scoped3A : memref<!tpu.dma_semaphore, #tpu.memory_space<semaphore_mem>>) src(%dma_wait3A_152 : memref<96xi32, #tpu.memory_space<hbm>>) dst(%arg10 : memref<96xi32, #tpu.memory_space<vmem>>)
          tpu.yield
        }) : () -> ()
        %dma_start3A = arith.constant 0 : i32
        %dma_start3A_148 = arith.constant 0 : i32
        %dma_start3A_149 = tpu.memref_slice %arg2[%dma_start3A, %dma_start3A_148] : memref<163840x128xf32, #tpu.memory_space<hbm>> -> memref<163840x128xf32, #tpu.memory_space<hbm>>
        tpu.enqueue_indirect_dma source(%dma_start3A_149 : memref<163840x128xf32, #tpu.memory_space<hbm>>) target(%arg14 : memref<96x128xf32, #tpu.memory_space<vmem>>) offsets(%arg8 : memref<96xi32, #tpu.memory_space<vmem>>) semaphore(%arg17 : memref<!tpu.dma_semaphore, #tpu.memory_space<semaphore_mem>>)
      } else {
      }
      %sub3A_70 = arith.constant 0 : i32
      %sub3A_71 = arith.subi %shift_right_logical3A_64, %sub3A_70 : i32
      %sub3A_72 = arith.constant 1 : i32
      %sub3A_73 = arith.constant 1 : i32
      %sub3A_74 = arith.subi %sub3A_72, %sub3A_73 : i32
      %add3A_75 = arith.addi %sub3A_71, %sub3A_74 : i32
      %div3A_76 = arith.constant 1 : i32
      %div3A_77 = arith.divsi %add3A_75, %div3A_76 : i32
      %while3A_78 = arith.constant 1 : i32
      %while3A_79 = arith.constant 0 : i32
      %while3A_80 = arith.constant 0 : i32
      %while3A_81 = arith.subi %div3A_77, %while3A_80 : i32
      %while3A_82 = arith.addi %while3A_80, %while3A_81 : i32
      %while3A_83 = arith.constant 1 : i32
      %while3A_84 = arith.divsi %while3A_81, %while3A_83 : i32
      %while3A_85 = arith.muli %while3A_84, %while3A_83 : i32
      %while3A_86 = arith.addi %while3A_80, %while3A_85 : i32
      %while3A_87 = arith.constant 1 : i32
      scf.for %while3A_133 = %while3A_80 to %while3A_86 step %while3A_87  : i32 {
        %mul3A_134 = arith.muli %while3A_133, %while3A_78 : i32
        %add3A_135 = arith.addi %while3A_79, %mul3A_134 : i32
        %mul3A_136 = arith.constant 2 : i32
        %mul3A_137 = arith.muli %mul3A_136, %add3A_135 : i32
        %add3A_138 = arith.constant 1 : i32
        %add3A_139 = arith.addi %mul3A_137, %add3A_138 : i32
        %lt3A_140 = arith.cmpi slt, %add3A_139, %reduce_max3A_47 : i32
        %select_n3A_141 = arith.select %lt3A_140, %mul3A_30, %add3A_32 : i32
        %sub3A_142 = arith.subi %add3A_139, %reduce_max3A_47 : i32
        %select_n3A_143 = arith.select %lt3A_140, %add3A_139, %sub3A_142 : i32
        %mul3A_144 = arith.constant 4 : i32
        %mul3A_145 = arith.muli %select_n3A_141, %mul3A_144 : i32
        %add3A_146 = arith.addi %mul3A_145, %add3A_9 : i32
        %mul3A_147 = arith.constant 5216 : i32
        %mul3A_148 = arith.muli %add3A_146, %mul3A_147 : i32
        %mul3A_149 = arith.constant 96 : i32
        %mul3A_150 = arith.muli %select_n3A_143, %mul3A_149 : i32
        %add3A_151 = arith.addi %mul3A_148, %mul3A_150 : i32
        "tpu.region"() ({
          %run_scoped3A = tpu.sem_alloc : memref<!tpu.dma_semaphore, #tpu.memory_space<semaphore_mem>>
          %dma_start3A_173 = tpu.memref_slice %arg3[%add3A_151] : memref<667648xi32, #tpu.memory_space<hbm>> -> memref<96xi32, #tpu.memory_space<hbm>>
          %dma_start3A_174 = tpu.memref_slice %arg3[%add3A_151] : memref<667648xi32, #tpu.memory_space<hbm>> -> memref<96xi32, #tpu.memory_space<hbm>>
          tpu.enqueue_dma source(%dma_start3A_174 : memref<96xi32, #tpu.memory_space<hbm>>) target(%arg9 : memref<96xi32, #tpu.memory_space<vmem>>) target_semaphore(%run_scoped3A : memref<!tpu.dma_semaphore, #tpu.memory_space<semaphore_mem>>)
          %dma_wait3A_175 = tpu.memref_slice %arg3[%add3A_151] : memref<667648xi32, #tpu.memory_space<hbm>> -> memref<96xi32, #tpu.memory_space<hbm>>
          %dma_wait3A_176 = tpu.memref_slice %arg3[%add3A_151] : memref<667648xi32, #tpu.memory_space<hbm>> -> memref<96xi32, #tpu.memory_space<hbm>>
          tpu.wait_dma2 semaphore(%run_scoped3A : memref<!tpu.dma_semaphore, #tpu.memory_space<semaphore_mem>>) src(%dma_wait3A_176 : memref<96xi32, #tpu.memory_space<hbm>>) dst(%arg9 : memref<96xi32, #tpu.memory_space<vmem>>)
          tpu.yield
        }) : () -> ()
        "tpu.region"() ({
          %run_scoped3A = tpu.sem_alloc : memref<!tpu.dma_semaphore, #tpu.memory_space<semaphore_mem>>
          %dma_start3A_173 = tpu.memref_slice %arg4[%add3A_151] : memref<667648xi32, #tpu.memory_space<hbm>> -> memref<96xi32, #tpu.memory_space<hbm>>
          %dma_start3A_174 = tpu.memref_slice %arg4[%add3A_151] : memref<667648xi32, #tpu.memory_space<hbm>> -> memref<96xi32, #tpu.memory_space<hbm>>
          tpu.enqueue_dma source(%dma_start3A_174 : memref<96xi32, #tpu.memory_space<hbm>>) target(%arg11 : memref<96xi32, #tpu.memory_space<vmem>>) target_semaphore(%run_scoped3A : memref<!tpu.dma_semaphore, #tpu.memory_space<semaphore_mem>>)
          %dma_wait3A_175 = tpu.memref_slice %arg4[%add3A_151] : memref<667648xi32, #tpu.memory_space<hbm>> -> memref<96xi32, #tpu.memory_space<hbm>>
          %dma_wait3A_176 = tpu.memref_slice %arg4[%add3A_151] : memref<667648xi32, #tpu.memory_space<hbm>> -> memref<96xi32, #tpu.memory_space<hbm>>
          tpu.wait_dma2 semaphore(%run_scoped3A : memref<!tpu.dma_semaphore, #tpu.memory_space<semaphore_mem>>) src(%dma_wait3A_176 : memref<96xi32, #tpu.memory_space<hbm>>) dst(%arg11 : memref<96xi32, #tpu.memory_space<vmem>>)
          tpu.yield
        }) : () -> ()
        %dma_start3A = arith.constant 0 : i32
        %dma_start3A_152 = arith.constant 0 : i32
        %dma_start3A_153 = tpu.memref_slice %arg2[%dma_start3A, %dma_start3A_152] : memref<163840x128xf32, #tpu.memory_space<hbm>> -> memref<163840x128xf32, #tpu.memory_space<hbm>>
        tpu.enqueue_indirect_dma source(%dma_start3A_153 : memref<163840x128xf32, #tpu.memory_space<hbm>>) target(%arg15 : memref<96x128xf32, #tpu.memory_space<vmem>>) offsets(%arg9 : memref<96xi32, #tpu.memory_space<vmem>>) semaphore(%arg18 : memref<!tpu.dma_semaphore, #tpu.memory_space<semaphore_mem>>)
        %dma_wait3A = arith.constant 0 : i32
        %dma_wait3A_154 = arith.constant 0 : i32
        %dma_wait3A_155 = tpu.memref_slice %arg2[%dma_wait3A, %dma_wait3A_154] : memref<163840x128xf32, #tpu.memory_space<hbm>> -> memref<96x128xf32, #tpu.memory_space<hbm>>
        %dma_wait3A_156 = arith.constant 0 : i32
        %dma_wait3A_157 = arith.constant 0 : i32
        %dma_wait3A_158 = tpu.memref_slice %arg2[%dma_wait3A_156, %dma_wait3A_157] : memref<163840x128xf32, #tpu.memory_space<hbm>> -> memref<96x128xf32, #tpu.memory_space<hbm>>
        tpu.wait_dma2 semaphore(%arg17 : memref<!tpu.dma_semaphore, #tpu.memory_space<semaphore_mem>>) src(%dma_wait3A_158 : memref<96x128xf32, #tpu.memory_space<hbm>>) dst(%arg14 : memref<96x128xf32, #tpu.memory_space<vmem>>)
        "tpu.region"() ({
          %run_scoped3A = tpu.sem_alloc : memref<!tpu.dma_semaphore, #tpu.memory_space<semaphore_mem>>
          %dma_start3A_173 = arith.constant 0 : i32
          %dma_start3A_174 = arith.constant 0 : i32
          %dma_start3A_175 = tpu.memref_slice %arg16[%dma_start3A_173, %dma_start3A_174] : memref<12576x128xf32, #tpu.memory_space<vmem_shared>> -> memref<12576x128xf32, #tpu.memory_space<vmem_shared>>
          tpu.enqueue_indirect_dma source(%arg14 : memref<96x128xf32, #tpu.memory_space<vmem>>) target(%dma_start3A_175 : memref<12576x128xf32, #tpu.memory_space<vmem_shared>>) offsets(%arg10 : memref<96xi32, #tpu.memory_space<vmem>>) semaphore(%run_scoped3A : memref<!tpu.dma_semaphore, #tpu.memory_space<semaphore_mem>>) {add = true}
          %dma_wait3A_176 = arith.constant 0 : i32
          %dma_wait3A_177 = arith.constant 0 : i32
          %dma_wait3A_178 = tpu.memref_slice %arg16[%dma_wait3A_176, %dma_wait3A_177] : memref<12576x128xf32, #tpu.memory_space<vmem_shared>> -> memref<12576x128xf32, #tpu.memory_space<vmem_shared>>
          tpu.wait_indirect_dma semaphore(%run_scoped3A : memref<!tpu.dma_semaphore, #tpu.memory_space<semaphore_mem>>) src(%arg14 : memref<96x128xf32, #tpu.memory_space<vmem>>) dst(%dma_wait3A_178 : memref<12576x128xf32, #tpu.memory_space<vmem_shared>>)
          tpu.yield
        }) : () -> ()
        %add3A_159 = arith.constant 2 : i32
        %add3A_160 = arith.addi %mul3A_137, %add3A_159 : i32
        %lt3A_161 = arith.cmpi slt, %add3A_160, %add3A_63 : i32
        %convert_element_type3A_162 = arith.extui %lt3A_161 : i1 to i32
        %cond3A_163 = arith.constant 0 : i32
        %cond3A_164 = arith.cmpi ne, %convert_element_type3A_162, %cond3A_163 : i32
        scf.if %cond3A_164 {
          %add3A_173 = arith.constant 2 : i32
          %add3A_174 = arith.addi %mul3A_137, %add3A_173 : i32
          %lt3A_175 = arith.cmpi slt, %add3A_174, %reduce_max3A_47 : i32
          %select_n3A_176 = arith.select %lt3A_175, %mul3A_30, %add3A_32 : i32
          %sub3A_177 = arith.subi %add3A_174, %reduce_max3A_47 : i32
          %select_n3A_178 = arith.select %lt3A_175, %add3A_174, %sub3A_177 : i32
          %mul3A_179 = arith.constant 4 : i32
          %mul3A_180 = arith.muli %select_n3A_176, %mul3A_179 : i32
          %add3A_181 = arith.addi %mul3A_180, %add3A_9 : i32
          %mul3A_182 = arith.constant 5216 : i32
          %mul3A_183 = arith.muli %add3A_181, %mul3A_182 : i32
          %mul3A_184 = arith.constant 96 : i32
          %mul3A_185 = arith.muli %select_n3A_178, %mul3A_184 : i32
          %add3A_186 = arith.addi %mul3A_183, %mul3A_185 : i32
          "tpu.region"() ({
            %run_scoped3A = tpu.sem_alloc : memref<!tpu.dma_semaphore, #tpu.memory_space<semaphore_mem>>
            %dma_start3A_190 = tpu.memref_slice %arg3[%add3A_186] : memref<667648xi32, #tpu.memory_space<hbm>> -> memref<96xi32, #tpu.memory_space<hbm>>
            %dma_start3A_191 = tpu.memref_slice %arg3[%add3A_186] : memref<667648xi32, #tpu.memory_space<hbm>> -> memref<96xi32, #tpu.memory_space<hbm>>
            tpu.enqueue_dma source(%dma_start3A_191 : memref<96xi32, #tpu.memory_space<hbm>>) target(%arg8 : memref<96xi32, #tpu.memory_space<vmem>>) target_semaphore(%run_scoped3A : memref<!tpu.dma_semaphore, #tpu.memory_space<semaphore_mem>>)
            %dma_wait3A_192 = tpu.memref_slice %arg3[%add3A_186] : memref<667648xi32, #tpu.memory_space<hbm>> -> memref<96xi32, #tpu.memory_space<hbm>>
            %dma_wait3A_193 = tpu.memref_slice %arg3[%add3A_186] : memref<667648xi32, #tpu.memory_space<hbm>> -> memref<96xi32, #tpu.memory_space<hbm>>
            tpu.wait_dma2 semaphore(%run_scoped3A : memref<!tpu.dma_semaphore, #tpu.memory_space<semaphore_mem>>) src(%dma_wait3A_193 : memref<96xi32, #tpu.memory_space<hbm>>) dst(%arg8 : memref<96xi32, #tpu.memory_space<vmem>>)
            tpu.yield
          }) : () -> ()
          "tpu.region"() ({
            %run_scoped3A = tpu.sem_alloc : memref<!tpu.dma_semaphore, #tpu.memory_space<semaphore_mem>>
            %dma_start3A_190 = tpu.memref_slice %arg4[%add3A_186] : memref<667648xi32, #tpu.memory_space<hbm>> -> memref<96xi32, #tpu.memory_space<hbm>>
            %dma_start3A_191 = tpu.memref_slice %arg4[%add3A_186] : memref<667648xi32, #tpu.memory_space<hbm>> -> memref<96xi32, #tpu.memory_space<hbm>>
            tpu.enqueue_dma source(%dma_start3A_191 : memref<96xi32, #tpu.memory_space<hbm>>) target(%arg10 : memref<96xi32, #tpu.memory_space<vmem>>) target_semaphore(%run_scoped3A : memref<!tpu.dma_semaphore, #tpu.memory_space<semaphore_mem>>)
            %dma_wait3A_192 = tpu.memref_slice %arg4[%add3A_186] : memref<667648xi32, #tpu.memory_space<hbm>> -> memref<96xi32, #tpu.memory_space<hbm>>
            %dma_wait3A_193 = tpu.memref_slice %arg4[%add3A_186] : memref<667648xi32, #tpu.memory_space<hbm>> -> memref<96xi32, #tpu.memory_space<hbm>>
            tpu.wait_dma2 semaphore(%run_scoped3A : memref<!tpu.dma_semaphore, #tpu.memory_space<semaphore_mem>>) src(%dma_wait3A_193 : memref<96xi32, #tpu.memory_space<hbm>>) dst(%arg10 : memref<96xi32, #tpu.memory_space<vmem>>)
            tpu.yield
          }) : () -> ()
          %dma_start3A_187 = arith.constant 0 : i32
          %dma_start3A_188 = arith.constant 0 : i32
          %dma_start3A_189 = tpu.memref_slice %arg2[%dma_start3A_187, %dma_start3A_188] : memref<163840x128xf32, #tpu.memory_space<hbm>> -> memref<163840x128xf32, #tpu.memory_space<hbm>>
          tpu.enqueue_indirect_dma source(%dma_start3A_189 : memref<163840x128xf32, #tpu.memory_space<hbm>>) target(%arg14 : memref<96x128xf32, #tpu.memory_space<vmem>>) offsets(%arg8 : memref<96xi32, #tpu.memory_space<vmem>>) semaphore(%arg17 : memref<!tpu.dma_semaphore, #tpu.memory_space<semaphore_mem>>)
        } else {
        }
        %add3A_165 = arith.constant 1 : i32
        %add3A_166 = arith.addi %mul3A_137, %add3A_165 : i32
        %dma_wait3A_167 = arith.constant 0 : i32
        %dma_wait3A_168 = arith.constant 0 : i32
        %dma_wait3A_169 = tpu.memref_slice %arg2[%dma_wait3A_167, %dma_wait3A_168] : memref<163840x128xf32, #tpu.memory_space<hbm>> -> memref<96x128xf32, #tpu.memory_space<hbm>>
        %dma_wait3A_170 = arith.constant 0 : i32
        %dma_wait3A_171 = arith.constant 0 : i32
        %dma_wait3A_172 = tpu.memref_slice %arg2[%dma_wait3A_170, %dma_wait3A_171] : memref<163840x128xf32, #tpu.memory_space<hbm>> -> memref<96x128xf32, #tpu.memory_space<hbm>>
        tpu.wait_dma2 semaphore(%arg18 : memref<!tpu.dma_semaphore, #tpu.memory_space<semaphore_mem>>) src(%dma_wait3A_172 : memref<96x128xf32, #tpu.memory_space<hbm>>) dst(%arg15 : memref<96x128xf32, #tpu.memory_space<vmem>>)
        "tpu.region"() ({
          %run_scoped3A = tpu.sem_alloc : memref<!tpu.dma_semaphore, #tpu.memory_space<semaphore_mem>>
          %dma_start3A_173 = arith.constant 0 : i32
          %dma_start3A_174 = arith.constant 0 : i32
          %dma_start3A_175 = tpu.memref_slice %arg16[%dma_start3A_173, %dma_start3A_174] : memref<12576x128xf32, #tpu.memory_space<vmem_shared>> -> memref<12576x128xf32, #tpu.memory_space<vmem_shared>>
          tpu.enqueue_indirect_dma source(%arg15 : memref<96x128xf32, #tpu.memory_space<vmem>>) target(%dma_start3A_175 : memref<12576x128xf32, #tpu.memory_space<vmem_shared>>) offsets(%arg11 : memref<96xi32, #tpu.memory_space<vmem>>) semaphore(%run_scoped3A : memref<!tpu.dma_semaphore, #tpu.memory_space<semaphore_mem>>) {add = true}
          %dma_wait3A_176 = arith.constant 0 : i32
          %dma_wait3A_177 = arith.constant 0 : i32
          %dma_wait3A_178 = tpu.memref_slice %arg16[%dma_wait3A_176, %dma_wait3A_177] : memref<12576x128xf32, #tpu.memory_space<vmem_shared>> -> memref<12576x128xf32, #tpu.memory_space<vmem_shared>>
          tpu.wait_indirect_dma semaphore(%run_scoped3A : memref<!tpu.dma_semaphore, #tpu.memory_space<semaphore_mem>>) src(%arg15 : memref<96x128xf32, #tpu.memory_space<vmem>>) dst(%dma_wait3A_178 : memref<12576x128xf32, #tpu.memory_space<vmem_shared>>)
          tpu.yield
        }) : () -> ()
      }
      %while3A_88 = arith.constant 1 : i32
      scf.for %while3A_133 = %while3A_86 to %while3A_82 step %while3A_88  : i32 {
        %mul3A_134 = arith.muli %while3A_133, %while3A_78 : i32
        %add3A_135 = arith.addi %while3A_79, %mul3A_134 : i32
        %mul3A_136 = arith.constant 2 : i32
        %mul3A_137 = arith.muli %mul3A_136, %add3A_135 : i32
        %add3A_138 = arith.constant 1 : i32
        %add3A_139 = arith.addi %mul3A_137, %add3A_138 : i32
        %lt3A_140 = arith.cmpi slt, %add3A_139, %reduce_max3A_47 : i32
        %select_n3A_141 = arith.select %lt3A_140, %mul3A_30, %add3A_32 : i32
        %sub3A_142 = arith.subi %add3A_139, %reduce_max3A_47 : i32
        %select_n3A_143 = arith.select %lt3A_140, %add3A_139, %sub3A_142 : i32
        %mul3A_144 = arith.constant 4 : i32
        %mul3A_145 = arith.muli %select_n3A_141, %mul3A_144 : i32
        %add3A_146 = arith.addi %mul3A_145, %add3A_9 : i32
        %mul3A_147 = arith.constant 5216 : i32
        %mul3A_148 = arith.muli %add3A_146, %mul3A_147 : i32
        %mul3A_149 = arith.constant 96 : i32
        %mul3A_150 = arith.muli %select_n3A_143, %mul3A_149 : i32
        %add3A_151 = arith.addi %mul3A_148, %mul3A_150 : i32
        "tpu.region"() ({
          %run_scoped3A = tpu.sem_alloc : memref<!tpu.dma_semaphore, #tpu.memory_space<semaphore_mem>>
          %dma_start3A_173 = tpu.memref_slice %arg3[%add3A_151] : memref<667648xi32, #tpu.memory_space<hbm>> -> memref<96xi32, #tpu.memory_space<hbm>>
          %dma_start3A_174 = tpu.memref_slice %arg3[%add3A_151] : memref<667648xi32, #tpu.memory_space<hbm>> -> memref<96xi32, #tpu.memory_space<hbm>>
          tpu.enqueue_dma source(%dma_start3A_174 : memref<96xi32, #tpu.memory_space<hbm>>) target(%arg9 : memref<96xi32, #tpu.memory_space<vmem>>) target_semaphore(%run_scoped3A : memref<!tpu.dma_semaphore, #tpu.memory_space<semaphore_mem>>)
          %dma_wait3A_175 = tpu.memref_slice %arg3[%add3A_151] : memref<667648xi32, #tpu.memory_space<hbm>> -> memref<96xi32, #tpu.memory_space<hbm>>
          %dma_wait3A_176 = tpu.memref_slice %arg3[%add3A_151] : memref<667648xi32, #tpu.memory_space<hbm>> -> memref<96xi32, #tpu.memory_space<hbm>>
          tpu.wait_dma2 semaphore(%run_scoped3A : memref<!tpu.dma_semaphore, #tpu.memory_space<semaphore_mem>>) src(%dma_wait3A_176 : memref<96xi32, #tpu.memory_space<hbm>>) dst(%arg9 : memref<96xi32, #tpu.memory_space<vmem>>)
          tpu.yield
        }) : () -> ()
        "tpu.region"() ({
          %run_scoped3A = tpu.sem_alloc : memref<!tpu.dma_semaphore, #tpu.memory_space<semaphore_mem>>
          %dma_start3A_173 = tpu.memref_slice %arg4[%add3A_151] : memref<667648xi32, #tpu.memory_space<hbm>> -> memref<96xi32, #tpu.memory_space<hbm>>
          %dma_start3A_174 = tpu.memref_slice %arg4[%add3A_151] : memref<667648xi32, #tpu.memory_space<hbm>> -> memref<96xi32, #tpu.memory_space<hbm>>
          tpu.enqueue_dma source(%dma_start3A_174 : memref<96xi32, #tpu.memory_space<hbm>>) target(%arg11 : memref<96xi32, #tpu.memory_space<vmem>>) target_semaphore(%run_scoped3A : memref<!tpu.dma_semaphore, #tpu.memory_space<semaphore_mem>>)
          %dma_wait3A_175 = tpu.memref_slice %arg4[%add3A_151] : memref<667648xi32, #tpu.memory_space<hbm>> -> memref<96xi32, #tpu.memory_space<hbm>>
          %dma_wait3A_176 = tpu.memref_slice %arg4[%add3A_151] : memref<667648xi32, #tpu.memory_space<hbm>> -> memref<96xi32, #tpu.memory_space<hbm>>
          tpu.wait_dma2 semaphore(%run_scoped3A : memref<!tpu.dma_semaphore, #tpu.memory_space<semaphore_mem>>) src(%dma_wait3A_176 : memref<96xi32, #tpu.memory_space<hbm>>) dst(%arg11 : memref<96xi32, #tpu.memory_space<vmem>>)
          tpu.yield
        }) : () -> ()
        %dma_start3A = arith.constant 0 : i32
        %dma_start3A_152 = arith.constant 0 : i32
        %dma_start3A_153 = tpu.memref_slice %arg2[%dma_start3A, %dma_start3A_152] : memref<163840x128xf32, #tpu.memory_space<hbm>> -> memref<163840x128xf32, #tpu.memory_space<hbm>>
        tpu.enqueue_indirect_dma source(%dma_start3A_153 : memref<163840x128xf32, #tpu.memory_space<hbm>>) target(%arg15 : memref<96x128xf32, #tpu.memory_space<vmem>>) offsets(%arg9 : memref<96xi32, #tpu.memory_space<vmem>>) semaphore(%arg18 : memref<!tpu.dma_semaphore, #tpu.memory_space<semaphore_mem>>)
        %dma_wait3A = arith.constant 0 : i32
        %dma_wait3A_154 = arith.constant 0 : i32
        %dma_wait3A_155 = tpu.memref_slice %arg2[%dma_wait3A, %dma_wait3A_154] : memref<163840x128xf32, #tpu.memory_space<hbm>> -> memref<96x128xf32, #tpu.memory_space<hbm>>
        %dma_wait3A_156 = arith.constant 0 : i32
        %dma_wait3A_157 = arith.constant 0 : i32
        %dma_wait3A_158 = tpu.memref_slice %arg2[%dma_wait3A_156, %dma_wait3A_157] : memref<163840x128xf32, #tpu.memory_space<hbm>> -> memref<96x128xf32, #tpu.memory_space<hbm>>
        tpu.wait_dma2 semaphore(%arg17 : memref<!tpu.dma_semaphore, #tpu.memory_space<semaphore_mem>>) src(%dma_wait3A_158 : memref<96x128xf32, #tpu.memory_space<hbm>>) dst(%arg14 : memref<96x128xf32, #tpu.memory_space<vmem>>)
        "tpu.region"() ({
          %run_scoped3A = tpu.sem_alloc : memref<!tpu.dma_semaphore, #tpu.memory_space<semaphore_mem>>
          %dma_start3A_173 = arith.constant 0 : i32
          %dma_start3A_174 = arith.constant 0 : i32
          %dma_start3A_175 = tpu.memref_slice %arg16[%dma_start3A_173, %dma_start3A_174] : memref<12576x128xf32, #tpu.memory_space<vmem_shared>> -> memref<12576x128xf32, #tpu.memory_space<vmem_shared>>
          tpu.enqueue_indirect_dma source(%arg14 : memref<96x128xf32, #tpu.memory_space<vmem>>) target(%dma_start3A_175 : memref<12576x128xf32, #tpu.memory_space<vmem_shared>>) offsets(%arg10 : memref<96xi32, #tpu.memory_space<vmem>>) semaphore(%run_scoped3A : memref<!tpu.dma_semaphore, #tpu.memory_space<semaphore_mem>>) {add = true}
          %dma_wait3A_176 = arith.constant 0 : i32
          %dma_wait3A_177 = arith.constant 0 : i32
          %dma_wait3A_178 = tpu.memref_slice %arg16[%dma_wait3A_176, %dma_wait3A_177] : memref<12576x128xf32, #tpu.memory_space<vmem_shared>> -> memref<12576x128xf32, #tpu.memory_space<vmem_shared>>
          tpu.wait_indirect_dma semaphore(%run_scoped3A : memref<!tpu.dma_semaphore, #tpu.memory_space<semaphore_mem>>) src(%arg14 : memref<96x128xf32, #tpu.memory_space<vmem>>) dst(%dma_wait3A_178 : memref<12576x128xf32, #tpu.memory_space<vmem_shared>>)
          tpu.yield
        }) : () -> ()
        %add3A_159 = arith.constant 2 : i32
        %add3A_160 = arith.addi %mul3A_137, %add3A_159 : i32
        %lt3A_161 = arith.cmpi slt, %add3A_160, %add3A_63 : i32
        %convert_element_type3A_162 = arith.extui %lt3A_161 : i1 to i32
        %cond3A_163 = arith.constant 0 : i32
        %cond3A_164 = arith.cmpi ne, %convert_element_type3A_162, %cond3A_163 : i32
        scf.if %cond3A_164 {
          %add3A_173 = arith.constant 2 : i32
          %add3A_174 = arith.addi %mul3A_137, %add3A_173 : i32
          %lt3A_175 = arith.cmpi slt, %add3A_174, %reduce_max3A_47 : i32
          %select_n3A_176 = arith.select %lt3A_175, %mul3A_30, %add3A_32 : i32
          %sub3A_177 = arith.subi %add3A_174, %reduce_max3A_47 : i32
          %select_n3A_178 = arith.select %lt3A_175, %add3A_174, %sub3A_177 : i32
          %mul3A_179 = arith.constant 4 : i32
          %mul3A_180 = arith.muli %select_n3A_176, %mul3A_179 : i32
          %add3A_181 = arith.addi %mul3A_180, %add3A_9 : i32
          %mul3A_182 = arith.constant 5216 : i32
          %mul3A_183 = arith.muli %add3A_181, %mul3A_182 : i32
          %mul3A_184 = arith.constant 96 : i32
          %mul3A_185 = arith.muli %select_n3A_178, %mul3A_184 : i32
          %add3A_186 = arith.addi %mul3A_183, %mul3A_185 : i32
          "tpu.region"() ({
            %run_scoped3A = tpu.sem_alloc : memref<!tpu.dma_semaphore, #tpu.memory_space<semaphore_mem>>
            %dma_start3A_190 = tpu.memref_slice %arg3[%add3A_186] : memref<667648xi32, #tpu.memory_space<hbm>> -> memref<96xi32, #tpu.memory_space<hbm>>
            %dma_start3A_191 = tpu.memref_slice %arg3[%add3A_186] : memref<667648xi32, #tpu.memory_space<hbm>> -> memref<96xi32, #tpu.memory_space<hbm>>
            tpu.enqueue_dma source(%dma_start3A_191 : memref<96xi32, #tpu.memory_space<hbm>>) target(%arg8 : memref<96xi32, #tpu.memory_space<vmem>>) target_semaphore(%run_scoped3A : memref<!tpu.dma_semaphore, #tpu.memory_space<semaphore_mem>>)
            %dma_wait3A_192 = tpu.memref_slice %arg3[%add3A_186] : memref<667648xi32, #tpu.memory_space<hbm>> -> memref<96xi32, #tpu.memory_space<hbm>>
            %dma_wait3A_193 = tpu.memref_slice %arg3[%add3A_186] : memref<667648xi32, #tpu.memory_space<hbm>> -> memref<96xi32, #tpu.memory_space<hbm>>
            tpu.wait_dma2 semaphore(%run_scoped3A : memref<!tpu.dma_semaphore, #tpu.memory_space<semaphore_mem>>) src(%dma_wait3A_193 : memref<96xi32, #tpu.memory_space<hbm>>) dst(%arg8 : memref<96xi32, #tpu.memory_space<vmem>>)
            tpu.yield
          }) : () -> ()
          "tpu.region"() ({
            %run_scoped3A = tpu.sem_alloc : memref<!tpu.dma_semaphore, #tpu.memory_space<semaphore_mem>>
            %dma_start3A_190 = tpu.memref_slice %arg4[%add3A_186] : memref<667648xi32, #tpu.memory_space<hbm>> -> memref<96xi32, #tpu.memory_space<hbm>>
            %dma_start3A_191 = tpu.memref_slice %arg4[%add3A_186] : memref<667648xi32, #tpu.memory_space<hbm>> -> memref<96xi32, #tpu.memory_space<hbm>>
            tpu.enqueue_dma source(%dma_start3A_191 : memref<96xi32, #tpu.memory_space<hbm>>) target(%arg10 : memref<96xi32, #tpu.memory_space<vmem>>) target_semaphore(%run_scoped3A : memref<!tpu.dma_semaphore, #tpu.memory_space<semaphore_mem>>)
            %dma_wait3A_192 = tpu.memref_slice %arg4[%add3A_186] : memref<667648xi32, #tpu.memory_space<hbm>> -> memref<96xi32, #tpu.memory_space<hbm>>
            %dma_wait3A_193 = tpu.memref_slice %arg4[%add3A_186] : memref<667648xi32, #tpu.memory_space<hbm>> -> memref<96xi32, #tpu.memory_space<hbm>>
            tpu.wait_dma2 semaphore(%run_scoped3A : memref<!tpu.dma_semaphore, #tpu.memory_space<semaphore_mem>>) src(%dma_wait3A_193 : memref<96xi32, #tpu.memory_space<hbm>>) dst(%arg10 : memref<96xi32, #tpu.memory_space<vmem>>)
            tpu.yield
          }) : () -> ()
          %dma_start3A_187 = arith.constant 0 : i32
          %dma_start3A_188 = arith.constant 0 : i32
          %dma_start3A_189 = tpu.memref_slice %arg2[%dma_start3A_187, %dma_start3A_188] : memref<163840x128xf32, #tpu.memory_space<hbm>> -> memref<163840x128xf32, #tpu.memory_space<hbm>>
          tpu.enqueue_indirect_dma source(%dma_start3A_189 : memref<163840x128xf32, #tpu.memory_space<hbm>>) target(%arg14 : memref<96x128xf32, #tpu.memory_space<vmem>>) offsets(%arg8 : memref<96xi32, #tpu.memory_space<vmem>>) semaphore(%arg17 : memref<!tpu.dma_semaphore, #tpu.memory_space<semaphore_mem>>)
        } else {
        }
        %add3A_165 = arith.constant 1 : i32
        %add3A_166 = arith.addi %mul3A_137, %add3A_165 : i32
        %dma_wait3A_167 = arith.constant 0 : i32
        %dma_wait3A_168 = arith.constant 0 : i32
        %dma_wait3A_169 = tpu.memref_slice %arg2[%dma_wait3A_167, %dma_wait3A_168] : memref<163840x128xf32, #tpu.memory_space<hbm>> -> memref<96x128xf32, #tpu.memory_space<hbm>>
        %dma_wait3A_170 = arith.constant 0 : i32
        %dma_wait3A_171 = arith.constant 0 : i32
        %dma_wait3A_172 = tpu.memref_slice %arg2[%dma_wait3A_170, %dma_wait3A_171] : memref<163840x128xf32, #tpu.memory_space<hbm>> -> memref<96x128xf32, #tpu.memory_space<hbm>>
        tpu.wait_dma2 semaphore(%arg18 : memref<!tpu.dma_semaphore, #tpu.memory_space<semaphore_mem>>) src(%dma_wait3A_172 : memref<96x128xf32, #tpu.memory_space<hbm>>) dst(%arg15 : memref<96x128xf32, #tpu.memory_space<vmem>>)
        "tpu.region"() ({
          %run_scoped3A = tpu.sem_alloc : memref<!tpu.dma_semaphore, #tpu.memory_space<semaphore_mem>>
          %dma_start3A_173 = arith.constant 0 : i32
          %dma_start3A_174 = arith.constant 0 : i32
          %dma_start3A_175 = tpu.memref_slice %arg16[%dma_start3A_173, %dma_start3A_174] : memref<12576x128xf32, #tpu.memory_space<vmem_shared>> -> memref<12576x128xf32, #tpu.memory_space<vmem_shared>>
          tpu.enqueue_indirect_dma source(%arg15 : memref<96x128xf32, #tpu.memory_space<vmem>>) target(%dma_start3A_175 : memref<12576x128xf32, #tpu.memory_space<vmem_shared>>) offsets(%arg11 : memref<96xi32, #tpu.memory_space<vmem>>) semaphore(%run_scoped3A : memref<!tpu.dma_semaphore, #tpu.memory_space<semaphore_mem>>) {add = true}
          %dma_wait3A_176 = arith.constant 0 : i32
          %dma_wait3A_177 = arith.constant 0 : i32
          %dma_wait3A_178 = tpu.memref_slice %arg16[%dma_wait3A_176, %dma_wait3A_177] : memref<12576x128xf32, #tpu.memory_space<vmem_shared>> -> memref<12576x128xf32, #tpu.memory_space<vmem_shared>>
          tpu.wait_indirect_dma semaphore(%run_scoped3A : memref<!tpu.dma_semaphore, #tpu.memory_space<semaphore_mem>>) src(%arg15 : memref<96x128xf32, #tpu.memory_space<vmem>>) dst(%dma_wait3A_178 : memref<12576x128xf32, #tpu.memory_space<vmem_shared>>)
          tpu.yield
        }) : () -> ()
      }
      %eq3A_89 = arith.constant 1 : i32
      %eq3A_90 = arith.cmpi eq, %sub3A_67, %eq3A_89 : i32
      %convert_element_type3A_91 = arith.extui %eq3A_90 : i1 to i32
      %cond3A_92 = arith.constant 0 : i32
      %cond3A_93 = arith.cmpi ne, %convert_element_type3A_91, %cond3A_92 : i32
      scf.if %cond3A_93 {
        %sub3A_133 = arith.constant 1 : i32
        %sub3A_134 = arith.subi %add3A_63, %sub3A_133 : i32
        %dma_wait3A = arith.constant 0 : i32
        %dma_wait3A_135 = arith.constant 0 : i32
        %dma_wait3A_136 = tpu.memref_slice %arg2[%dma_wait3A, %dma_wait3A_135] : memref<163840x128xf32, #tpu.memory_space<hbm>> -> memref<96x128xf32, #tpu.memory_space<hbm>>
        %dma_wait3A_137 = arith.constant 0 : i32
        %dma_wait3A_138 = arith.constant 0 : i32
        %dma_wait3A_139 = tpu.memref_slice %arg2[%dma_wait3A_137, %dma_wait3A_138] : memref<163840x128xf32, #tpu.memory_space<hbm>> -> memref<96x128xf32, #tpu.memory_space<hbm>>
        tpu.wait_dma2 semaphore(%arg17 : memref<!tpu.dma_semaphore, #tpu.memory_space<semaphore_mem>>) src(%dma_wait3A_139 : memref<96x128xf32, #tpu.memory_space<hbm>>) dst(%arg14 : memref<96x128xf32, #tpu.memory_space<vmem>>)
        "tpu.region"() ({
          %run_scoped3A = tpu.sem_alloc : memref<!tpu.dma_semaphore, #tpu.memory_space<semaphore_mem>>
          %dma_start3A = arith.constant 0 : i32
          %dma_start3A_140 = arith.constant 0 : i32
          %dma_start3A_141 = tpu.memref_slice %arg16[%dma_start3A, %dma_start3A_140] : memref<12576x128xf32, #tpu.memory_space<vmem_shared>> -> memref<12576x128xf32, #tpu.memory_space<vmem_shared>>
          tpu.enqueue_indirect_dma source(%arg14 : memref<96x128xf32, #tpu.memory_space<vmem>>) target(%dma_start3A_141 : memref<12576x128xf32, #tpu.memory_space<vmem_shared>>) offsets(%arg10 : memref<96xi32, #tpu.memory_space<vmem>>) semaphore(%run_scoped3A : memref<!tpu.dma_semaphore, #tpu.memory_space<semaphore_mem>>) {add = true}
          %dma_wait3A_142 = arith.constant 0 : i32
          %dma_wait3A_143 = arith.constant 0 : i32
          %dma_wait3A_144 = tpu.memref_slice %arg16[%dma_wait3A_142, %dma_wait3A_143] : memref<12576x128xf32, #tpu.memory_space<vmem_shared>> -> memref<12576x128xf32, #tpu.memory_space<vmem_shared>>
          tpu.wait_indirect_dma semaphore(%run_scoped3A : memref<!tpu.dma_semaphore, #tpu.memory_space<semaphore_mem>>) src(%arg14 : memref<96x128xf32, #tpu.memory_space<vmem>>) dst(%dma_wait3A_144 : memref<12576x128xf32, #tpu.memory_space<vmem_shared>>)
          tpu.yield
        }) : () -> ()
      } else {
      }
      %barrier3A_94 = arith.constant 0 : index
      tpu.barrier barrier_id(%barrier3A_94)
      %jit3A_95 = arith.constant 8 : i32
      %div3A_96 = arith.divsi %select_n3A, %jit3A_95 : i32
      %sign3A = arith.constant 0 : i32
      %sign3A_97 = arith.cmpi sgt, %select_n3A, %sign3A : i32
      %sign3A_98 = arith.extui %sign3A_97 : i1 to i32
      %sign3A_99 = arith.constant 0 : i32
      %sign3A_100 = arith.cmpi slt, %select_n3A, %sign3A_99 : i32
      %sign3A_101 = arith.extui %sign3A_100 : i1 to i32
      %sign3A_102 = arith.subi %sign3A_98, %sign3A_101 : i32
      %sign3A_103 = arith.constant 0 : i32
      %sign3A_104 = arith.cmpi sgt, %jit3A_95, %sign3A_103 : i32
      %sign3A_105 = arith.extui %sign3A_104 : i1 to i32
      %sign3A_106 = arith.constant 0 : i32
      %sign3A_107 = arith.cmpi slt, %jit3A_95, %sign3A_106 : i32
      %sign3A_108 = arith.extui %sign3A_107 : i1 to i32
      %sign3A_109 = arith.subi %sign3A_105, %sign3A_108 : i32
      %ne3A = arith.cmpi ne, %sign3A_102, %sign3A_109 : i32
      %rem3A = arith.remsi %select_n3A, %jit3A_95 : i32
      %ne3A_110 = arith.constant 0 : i32
      %ne3A_111 = arith.cmpi ne, %rem3A, %ne3A_110 : i32
      %and3A = arith.andi %ne3A, %ne3A_111 : i1
      %sub3A_112 = arith.constant 1 : i32
      %sub3A_113 = arith.subi %div3A_96, %sub3A_112 : i32
      %select_n3A_114 = arith.select %and3A, %sub3A_113, %div3A_96 : i32
      %sub3A_115 = arith.subi %select_n3A_114, %arg1 : i32
      %sub3A_116 = arith.constant 16 : i32
      %sub3A_117 = arith.constant 1 : i32
      %sub3A_118 = arith.subi %sub3A_116, %sub3A_117 : i32
      %add3A_119 = arith.addi %sub3A_115, %sub3A_118 : i32
      %div3A_120 = arith.constant 16 : i32
      %div3A_121 = arith.divsi %add3A_119, %div3A_120 : i32
      %while3A_122 = arith.constant 16 : i32
      %while3A_123 = arith.constant 0 : i32
      %while3A_124 = arith.subi %div3A_121, %while3A_123 : i32
      %while3A_125 = arith.addi %while3A_123, %while3A_124 : i32
      %while3A_126 = arith.constant 1 : i32
      %while3A_127 = arith.divsi %while3A_124, %while3A_126 : i32
      %while3A_128 = arith.muli %while3A_127, %while3A_126 : i32
      %while3A_129 = arith.addi %while3A_123, %while3A_128 : i32
      %while3A_130 = arith.constant 1 : i32
      scf.for %while3A_133 = %while3A_123 to %while3A_129 step %while3A_130  : i32 {
        %mul3A_134 = arith.muli %while3A_133, %while3A_122 : i32
        %add3A_135 = arith.addi %arg1, %mul3A_134 : i32
        %mul3A_136 = arith.constant 8 : i32
        %mul3A_137 = arith.muli %add3A_135, %mul3A_136 : i32
        %mul3A_138 = arith.constant 8 : i32
        %mul3A_139 = arith.muli %add3A_135, %mul3A_138 : i32
        %add3A_140 = arith.addi %mul3A_11, %mul3A_139 : i32
        "tpu.region"() ({
          %run_scoped3A = tpu.sem_alloc : memref<!tpu.dma_semaphore, #tpu.memory_space<semaphore_mem>>
          %dma_start3A = arith.constant 0 : i32
          %dma_start3A_141 = tpu.memref_slice %arg7[%add3A_140, %dma_start3A] : memref<50000x128xf32, #tpu.memory_space<hbm>> -> memref<8x128xf32, #tpu.memory_space<hbm>>
          %dma_start3A_142 = arith.constant 0 : i32
          %dma_start3A_143 = tpu.memref_slice %arg16[%mul3A_137, %dma_start3A_142] : memref<12576x128xf32, #tpu.memory_space<vmem_shared>> -> memref<8x128xf32, #tpu.memory_space<vmem_shared>>
          tpu.enqueue_dma source(%dma_start3A_143 : memref<8x128xf32, #tpu.memory_space<vmem_shared>>) target(%dma_start3A_141 : memref<8x128xf32, #tpu.memory_space<hbm>>) target_semaphore(%run_scoped3A : memref<!tpu.dma_semaphore, #tpu.memory_space<semaphore_mem>>)
          %dma_wait3A = arith.constant 0 : i32
          %dma_wait3A_144 = tpu.memref_slice %arg7[%add3A_140, %dma_wait3A] : memref<50000x128xf32, #tpu.memory_space<hbm>> -> memref<8x128xf32, #tpu.memory_space<hbm>>
          %dma_wait3A_145 = arith.constant 0 : i32
          %dma_wait3A_146 = tpu.memref_slice %arg16[%mul3A_137, %dma_wait3A_145] : memref<12576x128xf32, #tpu.memory_space<vmem_shared>> -> memref<8x128xf32, #tpu.memory_space<vmem_shared>>
          tpu.wait_dma2 semaphore(%run_scoped3A : memref<!tpu.dma_semaphore, #tpu.memory_space<semaphore_mem>>) src(%dma_wait3A_146 : memref<8x128xf32, #tpu.memory_space<vmem_shared>>) dst(%dma_wait3A_144 : memref<8x128xf32, #tpu.memory_space<hbm>>)
          tpu.yield
        }) : () -> ()
      }
      %while3A_131 = arith.constant 1 : i32
      scf.for %while3A_133 = %while3A_129 to %while3A_125 step %while3A_131  : i32 {
        %mul3A_134 = arith.muli %while3A_133, %while3A_122 : i32
        %add3A_135 = arith.addi %arg1, %mul3A_134 : i32
        %mul3A_136 = arith.constant 8 : i32
        %mul3A_137 = arith.muli %add3A_135, %mul3A_136 : i32
        %mul3A_138 = arith.constant 8 : i32
        %mul3A_139 = arith.muli %add3A_135, %mul3A_138 : i32
        %add3A_140 = arith.addi %mul3A_11, %mul3A_139 : i32
        "tpu.region"() ({
          %run_scoped3A = tpu.sem_alloc : memref<!tpu.dma_semaphore, #tpu.memory_space<semaphore_mem>>
          %dma_start3A = arith.constant 0 : i32
          %dma_start3A_141 = tpu.memref_slice %arg7[%add3A_140, %dma_start3A] : memref<50000x128xf32, #tpu.memory_space<hbm>> -> memref<8x128xf32, #tpu.memory_space<hbm>>
          %dma_start3A_142 = arith.constant 0 : i32
          %dma_start3A_143 = tpu.memref_slice %arg16[%mul3A_137, %dma_start3A_142] : memref<12576x128xf32, #tpu.memory_space<vmem_shared>> -> memref<8x128xf32, #tpu.memory_space<vmem_shared>>
          tpu.enqueue_dma source(%dma_start3A_143 : memref<8x128xf32, #tpu.memory_space<vmem_shared>>) target(%dma_start3A_141 : memref<8x128xf32, #tpu.memory_space<hbm>>) target_semaphore(%run_scoped3A : memref<!tpu.dma_semaphore, #tpu.memory_space<semaphore_mem>>)
          %dma_wait3A = arith.constant 0 : i32
          %dma_wait3A_144 = tpu.memref_slice %arg7[%add3A_140, %dma_wait3A] : memref<50000x128xf32, #tpu.memory_space<hbm>> -> memref<8x128xf32, #tpu.memory_space<hbm>>
          %dma_wait3A_145 = arith.constant 0 : i32
          %dma_wait3A_146 = tpu.memref_slice %arg16[%mul3A_137, %dma_wait3A_145] : memref<12576x128xf32, #tpu.memory_space<vmem_shared>> -> memref<8x128xf32, #tpu.memory_space<vmem_shared>>
          tpu.wait_dma2 semaphore(%run_scoped3A : memref<!tpu.dma_semaphore, #tpu.memory_space<semaphore_mem>>) src(%dma_wait3A_146 : memref<8x128xf32, #tpu.memory_space<vmem_shared>>) dst(%dma_wait3A_144 : memref<8x128xf32, #tpu.memory_space<hbm>>)
          tpu.yield
        }) : () -> ()
      }
      %barrier3A_132 = arith.constant 0 : index
      tpu.barrier barrier_id(%barrier3A_132)
    }
    %scan3A_3 = arith.constant 2 : i32
    return
  }
}

module attributes {stable_mosaic.version = 14 : i64} {
  func.func @_mm_body(%arg0: i32, %arg1: memref<2000x128xf32, #tpu.memory_space<vmem>>, %arg2: memref<128x128xf32, #tpu.memory_space<vmem>>, %arg3: memref<2000x128xf32, #tpu.memory_space<vmem>>) attributes {dimension_semantics = [#tpu.dimension_semantics<arbitrary>], iteration_bounds = array<i64: 5>, scalar_prefetch = 0 : i64, scratch_operands = 0 : i64, tpu.core_type = #tpu.core_type<tc>, window_params = [{transform_indices = @transform_0, window_bounds = array<i64: 2000, 128>}, {pipeline_mode = #tpu.pipeline_mode<synchronous>, transform_indices = @transform_1, window_bounds = array<i64: 128, 128>}, {transform_indices = @transform_2, window_bounds = array<i64: 2000, 128>}]} {
    %get3A = arith.constant 0 : index
    %get3A_0 = arith.constant 0 : index
    %get3A_1 = vector.load %arg1[%get3A, %get3A_0] : memref<2000x128xf32, #tpu.memory_space<vmem>>, vector<2000x128xf32>
    %get3A_2 = arith.constant 0 : index
    %get3A_3 = arith.constant 0 : index
    %get3A_4 = vector.load %arg2[%get3A_2, %get3A_3] : memref<128x128xf32, #tpu.memory_space<vmem>>, vector<128x128xf32>
    %dot_general3A = arith.constant dense<0.000000e+00> : vector<2000x128xf32>
    %dot_general3A_5 = tpu.matmul %get3A_1, %get3A_4, %dot_general3A {dimension_numbers = #tpu.dot_dimension_numbers<[1], [0], [0], [1], [0, 0, 1, 1], [], []>, transpose_lhs_hint = false} : vector<2000x128xf32>, vector<128x128xf32>, vector<2000x128xf32> -> vector<2000x128xf32>
    %swap3A = arith.constant 0 : index
    %swap3A_6 = arith.constant 0 : index
    %swap3A_7 = vector.load %arg3[%swap3A, %swap3A_6] : memref<2000x128xf32, #tpu.memory_space<vmem>>, vector<2000x128xf32>
    tpu.vector_store %arg3[%swap3A, %swap3A_6], %dot_general3A_5 {strides = array<i32>} : memref<2000x128xf32, #tpu.memory_space<vmem>>, vector<2000x128xf32>,
    return
  }
  func.func @transform_0(%arg0: i32) -> (i32, i32) {
    %c0_i32 = arith.constant 0 : i32
    %c0_i32_0 = arith.constant 0 : i32
    return %arg0, %c0_i32 : i32, i32
  }
  func.func @transform_1(%arg0: i32) -> (i32, i32) {
    %c0_i32 = arith.constant 0 : i32
    %c0_i32_0 = arith.constant 0 : i32
    %c0_i32_1 = arith.constant 0 : i32
    return %c0_i32, %c0_i32_0 : i32, i32
  }
  func.func @transform_2(%arg0: i32) -> (i32, i32) {
    %c0_i32 = arith.constant 0 : i32
    %c0_i32_0 = arith.constant 0 : i32
    return %arg0, %c0_i32 : i32, i32
  }
}

module attributes {stable_mosaic.version = 14 : i64} {
  func.func @_mm_body(%arg0: i32, %arg1: memref<2000x128xf32, #tpu.memory_space<vmem>>, %arg2: memref<128x128xf32, #tpu.memory_space<vmem>>, %arg3: memref<2000x128xf32, #tpu.memory_space<vmem>>) attributes {dimension_semantics = [#tpu.dimension_semantics<arbitrary>], iteration_bounds = array<i64: 25>, scalar_prefetch = 0 : i64, scratch_operands = 0 : i64, tpu.core_type = #tpu.core_type<tc>, window_params = [{transform_indices = @transform_0, window_bounds = array<i64: 2000, 128>}, {pipeline_mode = #tpu.pipeline_mode<synchronous>, transform_indices = @transform_1, window_bounds = array<i64: 128, 128>}, {transform_indices = @transform_2, window_bounds = array<i64: 2000, 128>}]} {
    %get3A = arith.constant 0 : index
    %get3A_0 = arith.constant 0 : index
    %get3A_1 = vector.load %arg1[%get3A, %get3A_0] : memref<2000x128xf32, #tpu.memory_space<vmem>>, vector<2000x128xf32>
    %get3A_2 = arith.constant 0 : index
    %get3A_3 = arith.constant 0 : index
    %get3A_4 = vector.load %arg2[%get3A_2, %get3A_3] : memref<128x128xf32, #tpu.memory_space<vmem>>, vector<128x128xf32>
    %dot_general3A = arith.constant dense<0.000000e+00> : vector<2000x128xf32>
    %dot_general3A_5 = tpu.matmul %get3A_1, %get3A_4, %dot_general3A {dimension_numbers = #tpu.dot_dimension_numbers<[1], [0], [0], [1], [0, 0, 1, 1], [], []>, transpose_lhs_hint = false} : vector<2000x128xf32>, vector<128x128xf32>, vector<2000x128xf32> -> vector<2000x128xf32>
    %swap3A = arith.constant 0 : index
    %swap3A_6 = arith.constant 0 : index
    %swap3A_7 = vector.load %arg3[%swap3A, %swap3A_6] : memref<2000x128xf32, #tpu.memory_space<vmem>>, vector<2000x128xf32>
    tpu.vector_store %arg3[%swap3A, %swap3A_6], %dot_general3A_5 {strides = array<i32>} : memref<2000x128xf32, #tpu.memory_space<vmem>>, vector<2000x128xf32>,
    return
  }
  func.func @transform_0(%arg0: i32) -> (i32, i32) {
    %c0_i32 = arith.constant 0 : i32
    %c0_i32_0 = arith.constant 0 : i32
    return %arg0, %c0_i32 : i32, i32
  }
  func.func @transform_1(%arg0: i32) -> (i32, i32) {
    %c0_i32 = arith.constant 0 : i32
    %c0_i32_0 = arith.constant 0 : i32
    %c0_i32_1 = arith.constant 0 : i32
    return %c0_i32, %c0_i32_0 : i32, i32
  }
  func.func @transform_2(%arg0: i32) -> (i32, i32) {
    %c0_i32 = arith.constant 0 : i32
    %c0_i32_0 = arith.constant 0 : i32
    return %arg0, %c0_i32 : i32, i32
  }
}

module attributes {stable_mosaic.version = 14 : i64} {
  func.func @_edge_body(%arg0: i32, %arg1: memref<4096x128xf32, #tpu.memory_space<vmem>>, %arg2: memref<4096x128xf32, #tpu.memory_space<vmem>>, %arg3: memref<128x128xf32, #tpu.memory_space<vmem>>, %arg4: memref<1x128xf32, #tpu.memory_space<vmem>>, %arg5: memref<1x128xf32, #tpu.memory_space<vmem>>, %arg6: memref<1x128xf32, #tpu.memory_space<vmem>>, %arg7: memref<128x128xf32, #tpu.memory_space<vmem>>, %arg8: memref<1x128xf32, #tpu.memory_space<vmem>>, %arg9: memref<4096x128xf32, #tpu.memory_space<vmem>>) attributes {dimension_semantics = [#tpu.dimension_semantics<arbitrary>], iteration_bounds = array<i64: 40>, scalar_prefetch = 0 : i64, scratch_operands = 0 : i64, tpu.core_type = #tpu.core_type<tc>, window_params = [{transform_indices = @transform_0, window_bounds = array<i64: 4096, 128>}, {transform_indices = @transform_1, window_bounds = array<i64: 4096, 128>}, {pipeline_mode = #tpu.pipeline_mode<synchronous>, transform_indices = @transform_2, window_bounds = array<i64: 128, 128>}, {pipeline_mode = #tpu.pipeline_mode<synchronous>, transform_indices = @transform_3, window_bounds = array<i64: 1, 128>}, {pipeline_mode = #tpu.pipeline_mode<synchronous>, transform_indices = @transform_4, window_bounds = array<i64: 1, 128>}, {pipeline_mode = #tpu.pipeline_mode<synchronous>, transform_indices = @transform_5, window_bounds = array<i64: 1, 128>}, {pipeline_mode = #tpu.pipeline_mode<synchronous>, transform_indices = @transform_6, window_bounds = array<i64: 128, 128>}, {pipeline_mode = #tpu.pipeline_mode<synchronous>, transform_indices = @transform_7, window_bounds = array<i64: 1, 128>}, {transform_indices = @transform_8, window_bounds = array<i64: 4096, 128>}]} {
    %get3A = arith.constant 0 : index
    %get3A_0 = arith.constant 0 : index
    %get3A_1 = vector.load %arg1[%get3A, %get3A_0] : memref<4096x128xf32, #tpu.memory_space<vmem>>, vector<4096x128xf32>
    %get3A_2 = arith.constant 0 : index
    %get3A_3 = arith.constant 0 : index
    %get3A_4 = vector.load %arg3[%get3A_2, %get3A_3] : memref<128x128xf32, #tpu.memory_space<vmem>>, vector<128x128xf32>
    %dot_general3A = arith.constant dense<0.000000e+00> : vector<4096x128xf32>
    %dot_general3A_5 = tpu.matmul %get3A_1, %get3A_4, %dot_general3A {dimension_numbers = #tpu.dot_dimension_numbers<[1], [0], [0], [1], [0, 0, 1, 1], [], []>, transpose_lhs_hint = false} : vector<4096x128xf32>, vector<128x128xf32>, vector<4096x128xf32> -> vector<4096x128xf32>
    %get3A_6 = arith.constant 0 : index
    %get3A_7 = arith.constant 0 : index
    %get3A_8 = vector.load %arg2[%get3A_6, %get3A_7] : memref<4096x128xf32, #tpu.memory_space<vmem>>, vector<4096x128xf32>
    %add3A = arith.addf %dot_general3A_5, %get3A_8 : vector<4096x128xf32>
    %get3A_9 = arith.constant 0 : index
    %get3A_10 = arith.constant 0 : index
    %get3A_11 = vector.load %arg4[%get3A_9, %get3A_10] : memref<1x128xf32, #tpu.memory_space<vmem>>, vector<1x128xf32>
    %add3A_12 = vector.broadcast %get3A_11 : vector<1x128xf32> to vector<4096x128xf32>
    %add3A_13 = arith.addf %add3A, %add3A_12 : vector<4096x128xf32>
    %logistic3A = arith.negf %add3A_13 : vector<4096x128xf32>
    %logistic3A_14 = math.exp %logistic3A : vector<4096x128xf32>
    %logistic3A_15 = arith.constant 1.000000e+00 : f32
    %logistic3A_16 = vector.broadcast %logistic3A_15 : f32 to vector<4096x128xf32>
    %logistic3A_17 = arith.addf %logistic3A_16, %logistic3A_14 : vector<4096x128xf32>
    %logistic3A_18 = arith.divf %logistic3A_16, %logistic3A_17 : vector<4096x128xf32>
    %mul3A = arith.mulf %add3A_13, %logistic3A_18 : vector<4096x128xf32>
    %get3A_19 = arith.constant 0 : index
    %get3A_20 = arith.constant 0 : index
    %get3A_21 = vector.load %arg5[%get3A_19, %get3A_20] : memref<1x128xf32, #tpu.memory_space<vmem>>, vector<1x128xf32>
    %get3A_22 = arith.constant 0 : index
    %get3A_23 = arith.constant 0 : index
    %get3A_24 = vector.load %arg6[%get3A_22, %get3A_23] : memref<1x128xf32, #tpu.memory_space<vmem>>, vector<1x128xf32>
    %reduce_sum3A = arith.constant dense<0.000000e+00> : vector<4096xf32>
    %reduce_sum3A_25 = vector.multi_reduction <add>, %mul3A, %reduce_sum3A [1] : vector<4096x128xf32> to vector<4096xf32>
    %broadcast_in_dim3A = vector.shape_cast %reduce_sum3A_25 : vector<4096xf32> to vector<4096x1xf32>
    %div3A = arith.constant 1.280000e+02 : f32
    %div3A_26 = vector.broadcast %div3A : f32 to vector<4096x1xf32>
    %div3A_27 = arith.divf %broadcast_in_dim3A, %div3A_26 : vector<4096x1xf32>
    %sub3A = vector.broadcast %div3A_27 : vector<4096x1xf32> to vector<4096x128xf32>
    %sub3A_28 = arith.subf %mul3A, %sub3A : vector<4096x128xf32>
    %sub3A_29 = vector.broadcast %div3A_27 : vector<4096x1xf32> to vector<4096x128xf32>
    %sub3A_30 = arith.subf %mul3A, %sub3A_29 : vector<4096x128xf32>
    %mul3A_31 = arith.mulf %sub3A_28, %sub3A_30 : vector<4096x128xf32>
    %reduce_sum3A_32 = arith.constant dense<0.000000e+00> : vector<4096xf32>
    %reduce_sum3A_33 = vector.multi_reduction <add>, %mul3A_31, %reduce_sum3A_32 [1] : vector<4096x128xf32> to vector<4096xf32>
    %broadcast_in_dim3A_34 = vector.shape_cast %reduce_sum3A_33 : vector<4096xf32> to vector<4096x1xf32>
    %div3A_35 = arith.constant 1.280000e+02 : f32
    %div3A_36 = vector.broadcast %div3A_35 : f32 to vector<4096x1xf32>
    %div3A_37 = arith.divf %broadcast_in_dim3A_34, %div3A_36 : vector<4096x1xf32>
    %sub3A_38 = vector.broadcast %div3A_27 : vector<4096x1xf32> to vector<4096x128xf32>
    %sub3A_39 = arith.subf %mul3A, %sub3A_38 : vector<4096x128xf32>
    %add3A_40 = arith.constant 9.99999974E-6 : f32
    %add3A_41 = vector.broadcast %add3A_40 : f32 to vector<4096x1xf32>
    %add3A_42 = arith.addf %div3A_37, %add3A_41 : vector<4096x1xf32>
    %rsqrt3A = math.rsqrt %add3A_42 : vector<4096x1xf32>
    %mul3A_43 = vector.broadcast %rsqrt3A : vector<4096x1xf32> to vector<4096x128xf32>
    %mul3A_44 = arith.mulf %sub3A_39, %mul3A_43 : vector<4096x128xf32>
    %mul3A_45 = vector.broadcast %get3A_21 : vector<1x128xf32> to vector<4096x128xf32>
    %mul3A_46 = arith.mulf %mul3A_44, %mul3A_45 : vector<4096x128xf32>
    %add3A_47 = vector.broadcast %get3A_24 : vector<1x128xf32> to vector<4096x128xf32>
    %add3A_48 = arith.addf %mul3A_46, %add3A_47 : vector<4096x128xf32>
    %get3A_49 = arith.constant 0 : index
    %get3A_50 = arith.constant 0 : index
    %get3A_51 = vector.load %arg7[%get3A_49, %get3A_50] : memref<128x128xf32, #tpu.memory_space<vmem>>, vector<128x128xf32>
    %dot_general3A_52 = arith.constant dense<0.000000e+00> : vector<4096x128xf32>
    %dot_general3A_53 = tpu.matmul %add3A_48, %get3A_51, %dot_general3A_52 {dimension_numbers = #tpu.dot_dimension_numbers<[1], [0], [0], [1], [0, 0, 1, 1], [], []>, transpose_lhs_hint = false} : vector<4096x128xf32>, vector<128x128xf32>, vector<4096x128xf32> -> vector<4096x128xf32>
    %add3A_54 = arith.addf %get3A_1, %dot_general3A_53 : vector<4096x128xf32>
    %get3A_55 = arith.constant 0 : index
    %get3A_56 = arith.constant 0 : index
    %get3A_57 = vector.load %arg8[%get3A_55, %get3A_56] : memref<1x128xf32, #tpu.memory_space<vmem>>, vector<1x128xf32>
    %add3A_58 = vector.broadcast %get3A_57 : vector<1x128xf32> to vector<4096x128xf32>
    %add3A_59 = arith.addf %add3A_54, %add3A_58 : vector<4096x128xf32>
    %swap3A = arith.constant 0 : index
    %swap3A_60 = arith.constant 0 : index
    %swap3A_61 = vector.load %arg9[%swap3A, %swap3A_60] : memref<4096x128xf32, #tpu.memory_space<vmem>>, vector<4096x128xf32>
    tpu.vector_store %arg9[%swap3A, %swap3A_60], %add3A_59 {strides = array<i32>} : memref<4096x128xf32, #tpu.memory_space<vmem>>, vector<4096x128xf32>,
    return
  }
  func.func @transform_0(%arg0: i32) -> (i32, i32) {
    %c0_i32 = arith.constant 0 : i32
    %c0_i32_0 = arith.constant 0 : i32
    return %arg0, %c0_i32 : i32, i32
  }
  func.func @transform_1(%arg0: i32) -> (i32, i32) {
    %c0_i32 = arith.constant 0 : i32
    %c0_i32_0 = arith.constant 0 : i32
    return %arg0, %c0_i32 : i32, i32
  }
  func.func @transform_2(%arg0: i32) -> (i32, i32) {
    %c0_i32 = arith.constant 0 : i32
    %c0_i32_0 = arith.constant 0 : i32
    %c0_i32_1 = arith.constant 0 : i32
    return %c0_i32, %c0_i32_0 : i32, i32
  }
  func.func @transform_3(%arg0: i32) -> (i32, i32) {
    %c0_i32 = arith.constant 0 : i32
    %c0_i32_0 = arith.constant 0 : i32
    %c0_i32_1 = arith.constant 0 : i32
    return %c0_i32, %c0_i32_0 : i32, i32
  }
  func.func @transform_4(%arg0: i32) -> (i32, i32) {
    %c0_i32 = arith.constant 0 : i32
    %c0_i32_0 = arith.constant 0 : i32
    %c0_i32_1 = arith.constant 0 : i32
    return %c0_i32, %c0_i32_0 : i32, i32
  }
  func.func @transform_5(%arg0: i32) -> (i32, i32) {
    %c0_i32 = arith.constant 0 : i32
    %c0_i32_0 = arith.constant 0 : i32
    %c0_i32_1 = arith.constant 0 : i32
    return %c0_i32, %c0_i32_0 : i32, i32
  }
  func.func @transform_6(%arg0: i32) -> (i32, i32) {
    %c0_i32 = arith.constant 0 : i32
    %c0_i32_0 = arith.constant 0 : i32
    %c0_i32_1 = arith.constant 0 : i32
    return %c0_i32, %c0_i32_0 : i32, i32
  }
  func.func @transform_7(%arg0: i32) -> (i32, i32) {
    %c0_i32 = arith.constant 0 : i32
    %c0_i32_0 = arith.constant 0 : i32
    %c0_i32_1 = arith.constant 0 : i32
    return %c0_i32, %c0_i32_0 : i32, i32
  }
  func.func @transform_8(%arg0: i32) -> (i32, i32) {
    %c0_i32 = arith.constant 0 : i32
    %c0_i32_0 = arith.constant 0 : i32
    return %arg0, %c0_i32 : i32, i32
  }
}

module attributes {stable_mosaic.version = 14 : i64} {
  func.func @_node_body(%arg0: i32, %arg1: memref<2000x128xf32, #tpu.memory_space<vmem>>, %arg2: memref<2000x128xf32, #tpu.memory_space<vmem>>, %arg3: memref<128x128xf32, #tpu.memory_space<vmem>>, %arg4: memref<128x128xf32, #tpu.memory_space<vmem>>, %arg5: memref<1x128xf32, #tpu.memory_space<vmem>>, %arg6: memref<1x128xf32, #tpu.memory_space<vmem>>, %arg7: memref<1x128xf32, #tpu.memory_space<vmem>>, %arg8: memref<128x128xf32, #tpu.memory_space<vmem>>, %arg9: memref<1x128xf32, #tpu.memory_space<vmem>>, %arg10: memref<128x128xf32, #tpu.memory_space<vmem>>, %arg11: memref<1x128xf32, #tpu.memory_space<vmem>>, %arg12: memref<128x128xf32, #tpu.memory_space<vmem>>, %arg13: memref<1x128xf32, #tpu.memory_space<vmem>>, %arg14: memref<2000x128xf32, #tpu.memory_space<vmem>>) attributes {dimension_semantics = [#tpu.dimension_semantics<arbitrary>], iteration_bounds = array<i64: 25>, scalar_prefetch = 0 : i64, scratch_operands = 0 : i64, tpu.core_type = #tpu.core_type<tc>, window_params = [{transform_indices = @transform_0, window_bounds = array<i64: 2000, 128>}, {transform_indices = @transform_1, window_bounds = array<i64: 2000, 128>}, {pipeline_mode = #tpu.pipeline_mode<synchronous>, transform_indices = @transform_2, window_bounds = array<i64: 128, 128>}, {pipeline_mode = #tpu.pipeline_mode<synchronous>, transform_indices = @transform_3, window_bounds = array<i64: 128, 128>}, {pipeline_mode = #tpu.pipeline_mode<synchronous>, transform_indices = @transform_4, window_bounds = array<i64: 1, 128>}, {pipeline_mode = #tpu.pipeline_mode<synchronous>, transform_indices = @transform_5, window_bounds = array<i64: 1, 128>}, {pipeline_mode = #tpu.pipeline_mode<synchronous>, transform_indices = @transform_6, window_bounds = array<i64: 1, 128>}, {pipeline_mode = #tpu.pipeline_mode<synchronous>, transform_indices = @transform_7, window_bounds = array<i64: 128, 128>}, {pipeline_mode = #tpu.pipeline_mode<synchronous>, transform_indices = @transform_8, window_bounds = array<i64: 1, 128>}, {pipeline_mode = #tpu.pipeline_mode<synchronous>, transform_indices = @transform_9, window_bounds = array<i64: 128, 128>}, {pipeline_mode = #tpu.pipeline_mode<synchronous>, transform_indices = @transform_10, window_bounds = array<i64: 1, 128>}, {pipeline_mode = #tpu.pipeline_mode<synchronous>, transform_indices = @transform_11, window_bounds = array<i64: 128, 128>}, {pipeline_mode = #tpu.pipeline_mode<synchronous>, transform_indices = @transform_12, window_bounds = array<i64: 1, 128>}, {transform_indices = @transform_13, window_bounds = array<i64: 2000, 128>}]} {
    %get3A = arith.constant 0 : index
    %get3A_0 = arith.constant 0 : index
    %get3A_1 = vector.load %arg1[%get3A, %get3A_0] : memref<2000x128xf32, #tpu.memory_space<vmem>>, vector<2000x128xf32>
    %get3A_2 = arith.constant 0 : index
    %get3A_3 = arith.constant 0 : index
    %get3A_4 = vector.load %arg3[%get3A_2, %get3A_3] : memref<128x128xf32, #tpu.memory_space<vmem>>, vector<128x128xf32>
    %dot_general3A = arith.constant dense<0.000000e+00> : vector<2000x128xf32>
    %dot_general3A_5 = tpu.matmul %get3A_1, %get3A_4, %dot_general3A {dimension_numbers = #tpu.dot_dimension_numbers<[1], [0], [0], [1], [0, 0, 1, 1], [], []>, transpose_lhs_hint = false} : vector<2000x128xf32>, vector<128x128xf32>, vector<2000x128xf32> -> vector<2000x128xf32>
    %get3A_6 = arith.constant 0 : index
    %get3A_7 = arith.constant 0 : index
    %get3A_8 = vector.load %arg2[%get3A_6, %get3A_7] : memref<2000x128xf32, #tpu.memory_space<vmem>>, vector<2000x128xf32>
    %get3A_9 = arith.constant 0 : index
    %get3A_10 = arith.constant 0 : index
    %get3A_11 = vector.load %arg4[%get3A_9, %get3A_10] : memref<128x128xf32, #tpu.memory_space<vmem>>, vector<128x128xf32>
    %dot_general3A_12 = arith.constant dense<0.000000e+00> : vector<2000x128xf32>
    %dot_general3A_13 = tpu.matmul %get3A_8, %get3A_11, %dot_general3A_12 {dimension_numbers = #tpu.dot_dimension_numbers<[1], [0], [0], [1], [0, 0, 1, 1], [], []>, transpose_lhs_hint = false} : vector<2000x128xf32>, vector<128x128xf32>, vector<2000x128xf32> -> vector<2000x128xf32>
    %add3A = arith.addf %dot_general3A_5, %dot_general3A_13 : vector<2000x128xf32>
    %get3A_14 = arith.constant 0 : index
    %get3A_15 = arith.constant 0 : index
    %get3A_16 = vector.load %arg5[%get3A_14, %get3A_15] : memref<1x128xf32, #tpu.memory_space<vmem>>, vector<1x128xf32>
    %add3A_17 = vector.broadcast %get3A_16 : vector<1x128xf32> to vector<2000x128xf32>
    %add3A_18 = arith.addf %add3A, %add3A_17 : vector<2000x128xf32>
    %logistic3A = arith.negf %add3A_18 : vector<2000x128xf32>
    %logistic3A_19 = math.exp %logistic3A : vector<2000x128xf32>
    %logistic3A_20 = arith.constant 1.000000e+00 : f32
    %logistic3A_21 = vector.broadcast %logistic3A_20 : f32 to vector<2000x128xf32>
    %logistic3A_22 = arith.addf %logistic3A_21, %logistic3A_19 : vector<2000x128xf32>
    %logistic3A_23 = arith.divf %logistic3A_21, %logistic3A_22 : vector<2000x128xf32>
    %mul3A = arith.mulf %add3A_18, %logistic3A_23 : vector<2000x128xf32>
    %get3A_24 = arith.constant 0 : index
    %get3A_25 = arith.constant 0 : index
    %get3A_26 = vector.load %arg6[%get3A_24, %get3A_25] : memref<1x128xf32, #tpu.memory_space<vmem>>, vector<1x128xf32>
    %get3A_27 = arith.constant 0 : index
    %get3A_28 = arith.constant 0 : index
    %get3A_29 = vector.load %arg7[%get3A_27, %get3A_28] : memref<1x128xf32, #tpu.memory_space<vmem>>, vector<1x128xf32>
    %reduce_sum3A = arith.constant dense<0.000000e+00> : vector<2000xf32>
    %reduce_sum3A_30 = vector.multi_reduction <add>, %mul3A, %reduce_sum3A [1] : vector<2000x128xf32> to vector<2000xf32>
    %broadcast_in_dim3A = vector.shape_cast %reduce_sum3A_30 : vector<2000xf32> to vector<2000x1xf32>
    %div3A = arith.constant 1.280000e+02 : f32
    %div3A_31 = vector.broadcast %div3A : f32 to vector<2000x1xf32>
    %div3A_32 = arith.divf %broadcast_in_dim3A, %div3A_31 : vector<2000x1xf32>
    %sub3A = vector.broadcast %div3A_32 : vector<2000x1xf32> to vector<2000x128xf32>
    %sub3A_33 = arith.subf %mul3A, %sub3A : vector<2000x128xf32>
    %sub3A_34 = vector.broadcast %div3A_32 : vector<2000x1xf32> to vector<2000x128xf32>
    %sub3A_35 = arith.subf %mul3A, %sub3A_34 : vector<2000x128xf32>
    %mul3A_36 = arith.mulf %sub3A_33, %sub3A_35 : vector<2000x128xf32>
    %reduce_sum3A_37 = arith.constant dense<0.000000e+00> : vector<2000xf32>
    %reduce_sum3A_38 = vector.multi_reduction <add>, %mul3A_36, %reduce_sum3A_37 [1] : vector<2000x128xf32> to vector<2000xf32>
    %broadcast_in_dim3A_39 = vector.shape_cast %reduce_sum3A_38 : vector<2000xf32> to vector<2000x1xf32>
    %div3A_40 = arith.constant 1.280000e+02 : f32
    %div3A_41 = vector.broadcast %div3A_40 : f32 to vector<2000x1xf32>
    %div3A_42 = arith.divf %broadcast_in_dim3A_39, %div3A_41 : vector<2000x1xf32>
    %sub3A_43 = vector.broadcast %div3A_32 : vector<2000x1xf32> to vector<2000x128xf32>
    %sub3A_44 = arith.subf %mul3A, %sub3A_43 : vector<2000x128xf32>
    %add3A_45 = arith.constant 9.99999974E-6 : f32
    %add3A_46 = vector.broadcast %add3A_45 : f32 to vector<2000x1xf32>
    %add3A_47 = arith.addf %div3A_42, %add3A_46 : vector<2000x1xf32>
    %rsqrt3A = math.rsqrt %add3A_47 : vector<2000x1xf32>
    %mul3A_48 = vector.broadcast %rsqrt3A : vector<2000x1xf32> to vector<2000x128xf32>
    %mul3A_49 = arith.mulf %sub3A_44, %mul3A_48 : vector<2000x128xf32>
    %mul3A_50 = vector.broadcast %get3A_26 : vector<1x128xf32> to vector<2000x128xf32>
    %mul3A_51 = arith.mulf %mul3A_49, %mul3A_50 : vector<2000x128xf32>
    %add3A_52 = vector.broadcast %get3A_29 : vector<1x128xf32> to vector<2000x128xf32>
    %add3A_53 = arith.addf %mul3A_51, %add3A_52 : vector<2000x128xf32>
    %get3A_54 = arith.constant 0 : index
    %get3A_55 = arith.constant 0 : index
    %get3A_56 = vector.load %arg8[%get3A_54, %get3A_55] : memref<128x128xf32, #tpu.memory_space<vmem>>, vector<128x128xf32>
    %dot_general3A_57 = arith.constant dense<0.000000e+00> : vector<2000x128xf32>
    %dot_general3A_58 = tpu.matmul %add3A_53, %get3A_56, %dot_general3A_57 {dimension_numbers = #tpu.dot_dimension_numbers<[1], [0], [0], [1], [0, 0, 1, 1], [], []>, transpose_lhs_hint = false} : vector<2000x128xf32>, vector<128x128xf32>, vector<2000x128xf32> -> vector<2000x128xf32>
    %add3A_59 = arith.addf %get3A_1, %dot_general3A_58 : vector<2000x128xf32>
    %get3A_60 = arith.constant 0 : index
    %get3A_61 = arith.constant 0 : index
    %get3A_62 = vector.load %arg9[%get3A_60, %get3A_61] : memref<1x128xf32, #tpu.memory_space<vmem>>, vector<1x128xf32>
    %add3A_63 = vector.broadcast %get3A_62 : vector<1x128xf32> to vector<2000x128xf32>
    %add3A_64 = arith.addf %add3A_59, %add3A_63 : vector<2000x128xf32>
    %get3A_65 = arith.constant 0 : index
    %get3A_66 = arith.constant 0 : index
    %get3A_67 = vector.load %arg10[%get3A_65, %get3A_66] : memref<128x128xf32, #tpu.memory_space<vmem>>, vector<128x128xf32>
    %dot_general3A_68 = arith.constant dense<0.000000e+00> : vector<2000x128xf32>
    %dot_general3A_69 = tpu.matmul %add3A_64, %get3A_67, %dot_general3A_68 {dimension_numbers = #tpu.dot_dimension_numbers<[1], [0], [0], [1], [0, 0, 1, 1], [], []>, transpose_lhs_hint = false} : vector<2000x128xf32>, vector<128x128xf32>, vector<2000x128xf32> -> vector<2000x128xf32>
    %get3A_70 = arith.constant 0 : index
    %get3A_71 = arith.constant 0 : index
    %get3A_72 = vector.load %arg11[%get3A_70, %get3A_71] : memref<1x128xf32, #tpu.memory_space<vmem>>, vector<1x128xf32>
    %add3A_73 = vector.broadcast %get3A_72 : vector<1x128xf32> to vector<2000x128xf32>
    %add3A_74 = arith.addf %dot_general3A_69, %add3A_73 : vector<2000x128xf32>
    %logistic3A_75 = arith.negf %add3A_74 : vector<2000x128xf32>
    %logistic3A_76 = math.exp %logistic3A_75 : vector<2000x128xf32>
    %logistic3A_77 = arith.constant 1.000000e+00 : f32
    %logistic3A_78 = vector.broadcast %logistic3A_77 : f32 to vector<2000x128xf32>
    %logistic3A_79 = arith.addf %logistic3A_78, %logistic3A_76 : vector<2000x128xf32>
    %logistic3A_80 = arith.divf %logistic3A_78, %logistic3A_79 : vector<2000x128xf32>
    %mul3A_81 = arith.mulf %add3A_74, %logistic3A_80 : vector<2000x128xf32>
    %get3A_82 = arith.constant 0 : index
    %get3A_83 = arith.constant 0 : index
    %get3A_84 = vector.load %arg12[%get3A_82, %get3A_83] : memref<128x128xf32, #tpu.memory_space<vmem>>, vector<128x128xf32>
    %dot_general3A_85 = arith.constant dense<0.000000e+00> : vector<2000x128xf32>
    %dot_general3A_86 = tpu.matmul %mul3A_81, %get3A_84, %dot_general3A_85 {dimension_numbers = #tpu.dot_dimension_numbers<[1], [0], [0], [1], [0, 0, 1, 1], [], []>, transpose_lhs_hint = false} : vector<2000x128xf32>, vector<128x128xf32>, vector<2000x128xf32> -> vector<2000x128xf32>
    %get3A_87 = arith.constant 0 : index
    %get3A_88 = arith.constant 0 : index
    %get3A_89 = vector.load %arg13[%get3A_87, %get3A_88] : memref<1x128xf32, #tpu.memory_space<vmem>>, vector<1x128xf32>
    %add3A_90 = vector.broadcast %get3A_89 : vector<1x128xf32> to vector<2000x128xf32>
    %add3A_91 = arith.addf %dot_general3A_86, %add3A_90 : vector<2000x128xf32>
    %swap3A = arith.constant 0 : index
    %swap3A_92 = arith.constant 0 : index
    %swap3A_93 = vector.load %arg14[%swap3A, %swap3A_92] : memref<2000x128xf32, #tpu.memory_space<vmem>>, vector<2000x128xf32>
    tpu.vector_store %arg14[%swap3A, %swap3A_92], %add3A_91 {strides = array<i32>} : memref<2000x128xf32, #tpu.memory_space<vmem>>, vector<2000x128xf32>,
    return
  }
  func.func @transform_0(%arg0: i32) -> (i32, i32) {
    %c0_i32 = arith.constant 0 : i32
    %c0_i32_0 = arith.constant 0 : i32
    return %arg0, %c0_i32 : i32, i32
  }
  func.func @transform_1(%arg0: i32) -> (i32, i32) {
    %c0_i32 = arith.constant 0 : i32
    %c0_i32_0 = arith.constant 0 : i32
    return %arg0, %c0_i32 : i32, i32
  }
  func.func @transform_2(%arg0: i32) -> (i32, i32) {
    %c0_i32 = arith.constant 0 : i32
    %c0_i32_0 = arith.constant 0 : i32
    %c0_i32_1 = arith.constant 0 : i32
    return %c0_i32, %c0_i32_0 : i32, i32
  }
  func.func @transform_3(%arg0: i32) -> (i32, i32) {
    %c0_i32 = arith.constant 0 : i32
    %c0_i32_0 = arith.constant 0 : i32
    %c0_i32_1 = arith.constant 0 : i32
    return %c0_i32, %c0_i32_0 : i32, i32
  }
  func.func @transform_4(%arg0: i32) -> (i32, i32) {
    %c0_i32 = arith.constant 0 : i32
    %c0_i32_0 = arith.constant 0 : i32
    %c0_i32_1 = arith.constant 0 : i32
    return %c0_i32, %c0_i32_0 : i32, i32
  }
  func.func @transform_5(%arg0: i32) -> (i32, i32) {
    %c0_i32 = arith.constant 0 : i32
    %c0_i32_0 = arith.constant 0 : i32
    %c0_i32_1 = arith.constant 0 : i32
    return %c0_i32, %c0_i32_0 : i32, i32
  }
  func.func @transform_6(%arg0: i32) -> (i32, i32) {
    %c0_i32 = arith.constant 0 : i32
    %c0_i32_0 = arith.constant 0 : i32
    %c0_i32_1 = arith.constant 0 : i32
    return %c0_i32, %c0_i32_0 : i32, i32
  }
  func.func @transform_7(%arg0: i32) -> (i32, i32) {
    %c0_i32 = arith.constant 0 : i32
    %c0_i32_0 = arith.constant 0 : i32
    %c0_i32_1 = arith.constant 0 : i32
    return %c0_i32, %c0_i32_0 : i32, i32
  }
  func.func @transform_8(%arg0: i32) -> (i32, i32) {
    %c0_i32 = arith.constant 0 : i32
    %c0_i32_0 = arith.constant 0 : i32
    %c0_i32_1 = arith.constant 0 : i32
    return %c0_i32, %c0_i32_0 : i32, i32
  }
  func.func @transform_9(%arg0: i32) -> (i32, i32) {
    %c0_i32 = arith.constant 0 : i32
    %c0_i32_0 = arith.constant 0 : i32
    %c0_i32_1 = arith.constant 0 : i32
    return %c0_i32, %c0_i32_0 : i32, i32
  }
  func.func @transform_10(%arg0: i32) -> (i32, i32) {
    %c0_i32 = arith.constant 0 : i32
    %c0_i32_0 = arith.constant 0 : i32
    %c0_i32_1 = arith.constant 0 : i32
    return %c0_i32, %c0_i32_0 : i32, i32
  }
  func.func @transform_11(%arg0: i32) -> (i32, i32) {
    %c0_i32 = arith.constant 0 : i32
    %c0_i32_0 = arith.constant 0 : i32
    %c0_i32_1 = arith.constant 0 : i32
    return %c0_i32, %c0_i32_0 : i32, i32
  }
  func.func @transform_12(%arg0: i32) -> (i32, i32) {
    %c0_i32 = arith.constant 0 : i32
    %c0_i32_0 = arith.constant 0 : i32
    %c0_i32_1 = arith.constant 0 : i32
    return %c0_i32, %c0_i32_0 : i32, i32
  }
  func.func @transform_13(%arg0: i32) -> (i32, i32) {
    %c0_i32 = arith.constant 0 : i32
    %c0_i32_0 = arith.constant 0 : i32
    return %arg0, %c0_i32 : i32, i32
  }
}

</mosaic_0001>

<sc_bundles>
// kernel: kernel.12.cloned.1.call-start
scs
__scs_entry_jumppad:
0x0: {  	(pc) =	sbr.rel $0x88, $3  }
0x1: {  	(tag) =	ssettag $0x0;
	lr =	simm.s32 $0x1  }
0x2: {  	[smem:$0x3F8C] =	sst lr;
	_ =	strace $0xD0000000  }
0x3: {  	_ = 	snop  }
0x4: {  	_ = 	snop  }
0x5: {  	_ = 	snop  }
0x6: {  	_ = 	snop  }
0x7: {  	_ = 	snop  }
__scs_overlays_trampoline_lowered:
0x8: {  	[smem:$0x3F9B] =	sst s0  }
0x9: {  	[smem:$0x3F9C] =	sst s1  }
0xa: {  	[smem:$0x3F9D] =	sst s2  }
0xb: {  	[smem:$0x3F9E] =	sst s3  }
0xc: {  	[smem:$0x3F9F] =	sst s4  }
0xd: {  	[smem:$0x3FA0] =	sst s5  }
0xe: {  	[smem:$0x3FA1] =	sst s6  }
0xf: {  	[smem:$0x3FA2] =	sst s7  }
0x10: {  	[smem:$0x3FA3] =	sst s8  }
0x11: {  	[smem:$0x3FA4] =	sst s9;
	s0 =	simm.s32 @!p0 $0x0  }
0x12: {  	s1 =	sld [smem:$0x3F8A];
	s0 =	simm.s32 @p0 $0x1  }
0x13: {  	[smem:$0x3FA5] =	sst s0;
	s0 =	simm.s32 @!p1 $0x0  }
0x14: {  	s2 =	sld [smem:$0x3F89];
	s0 =	simm.s32 @p1 $0x1  }
0x15: {  	[smem:$0x3FA6] =	sst s0;
	s0 =	simm.s32 @!p2 $0x0  }
0x16: {  	s3 =	sld [smem:$0x3FDB];
	s0 =	simm.s32 @p2 $0x1  }
0x17: {  	s4 =	simm.s32 $0x1BF5;
	[smem:$0x3FA8] =	sst s0  }
0x18: {  	s0 =	sld [smem:$0x3F8B];
	_ =	swait.ge [sflag:s4], $0x0  }
0x19: {  	s7 =	sld [smem:$0x3F8C]  }
0x1a: {  	s8 =	sadd.s32 $0xFFFFE003, lr  }
0x1b: {  	s9 =	sadd.s32 $0xFFFFFEF7, lr;
	s5 =	simm.s32 $0xFFFFFFFF;
	p2 =	slt.u32 s8, $0xFFFFF086  }
0x1c: {  	p1 =	slt.u32 s9, $0xF7A;
	s5 =	simm.s32 @!p2 $0x0  }
0x1d: {  	s5 =	simm.s32 @p1 $0x1;
	p0 =	seq.s32 s7, s2  }
0x1e: {  	s7 =	smul.u32 @!p0 $0xF7A, s2;
	p2 =	seq.s32 @!p0 s5, $0x0  }
0x1f: {  	s9 =	smul.u32 $0xF7A, s1;
	s8 =	simm.s32 @!p0 $0x1BF5;
	p2 =	por !p2, p0  }
0x20: {  	[sflag:s8] =	ssyncset.s32 @!p0 $0xFFFFF086;
	s6 =	sadd.s32 @!p0 s3, s7;
	s7 =	simm.s32 @!p0 $0x108  }
0x21: {  	s3 =	sadd.s32 s3, s9;
	s6 =	sadd.s32 @!p0 $0x88, s6;
	s7 =	simm.s32 @p2 $0x1082  }
0x22: {  	[simem:s7], [sflag:s8] =	dma.local @!p0 [hbm:s6], $0xF7A  }
0x23: {  	s9 =	sor.u32 $0xD0000000, s2;
	s6 =	simm.s32 $0x108;
	_ =	swait.ge @!p0 [sflag:s8], $0x0  }
0x24: {  	s3 =	sadd.s32 $0x88, s3;
	s6 =	simm.s32 @!p1 $0x1082;
	[sflag:s4] =	ssyncset.s32 $0xFFFFF086  }
0x25: {  	[simem:s6], [sflag:s4] =	dma.local [hbm:s3], $0xF7A  }
0x26: {  	[smem:$0x3F8C] =	sst s1;
	(tag) =	ssettag s2;
	_ =	strace s9  }
0x27: {  	s1 =	sld [smem:$0x3F9C]  }
0x28: {  	s2 =	sld [smem:$0x3F9D]  }
0x29: {  	s4 =	sld [smem:$0x3F9F]  }
0x2a: {  	p0 =	seq.s32 s5, $0x0;
	s5 =	sld [smem:$0x3FA0]  }
0x2b: {  	s6 =	sld [smem:$0x3FA1]  }
0x2c: {  	s7 =	sld [smem:$0x3FA2]  }
0x2d: {  	s3 =	simm.s32 $0x108;
	s8 =	sld [smem:$0x3FA3]  }
0x2e: {  	s3 =	simm.s32 @!p0 $0x1082;
	s9 =	sld [smem:$0x3FA4]  }
0x2f: {  	lr =	sadd.s32 s0, s3;
	s0 =	sld [smem:$0x3F9B]  }
0x30: {  	s3 =	sld [smem:$0x3F9E]  }
0x31: {  	[smem:$0x3FA7] =	sst s10  }
0x32: {  	s10 =	sld [smem:$0x3FA5];
	_ =	sdelay $0x3  }
0x33: {  	p0 =	seq.s32 s10, $0x1;
	s10 =	sld [smem:$0x3FA7];
	_ =	sdelay $0x3  }
0x34: {  	[smem:$0x3FA7] =	sst s10  }
0x35: {  	s10 =	sld [smem:$0x3FA6];
	_ =	sdelay $0x3  }
0x36: {  	p1 =	seq.s32 s10, $0x1;
	s10 =	sld [smem:$0x3FA7];
	_ =	sdelay $0x3  }
0x37: {  	[smem:$0x3FA7] =	sst s10  }
0x38: {  	s10 =	sld [smem:$0x3FA8]  }
0x39: {  	_ = 	snop;
	(pc) =	sbr.ind lr, $3  }
0x3a: {  	_ = 	snop  }
0x3b: {  	_ = 	snop  }
0x3c: {  	p2 =	seq.s32 s10, $0x1;
	s10 =	sld [smem:$0x3FA7]  }
0x3d: {  	_ =	shalt  }
0x3e: {  	_ =	shalt  }
0x3f: {  	_ =	shalt  }
0x40: {  	_ =	shalt  }
0x41: {  	_ =	shalt  }
0x42: {  	_ =	shalt  }
0x43: {  	_ =	shalt  }
0x44: {  	_ =	shalt  }
0x45: {  	_ =	shalt  }
0x46: {  	_ =	shalt  }
0x47: {  	_ =	shalt  }
0x48: {  	_ =	shalt  }
0x49: {  	_ =	shalt  }
0x4a: {  	_ =	shalt  }
0x4b: {  	_ =	shalt  }
0x4c: {  	_ =	shalt  }
0x4d: {  	_ =	shalt  }
0x4e: {  	_ =	shalt  }
0x4f: {  	_ =	shalt  }
0x50: {  	_ =	shalt  }
0x51: {  	_ =	shalt  }
0x52: {  	_ =	shalt  }
0x53: {  	_ =	shalt  }
0x54: {  	_ =	shalt  }
0x55: {  	_ =	shalt  }
0x56: {  	_ =	shalt  }
0x57: {  	_ =	shalt  }
0x58: {  	_ =	shalt  }
0x59: {  	_ =	shalt  }
0x5a: {  	_ =	shalt  }
0x5b: {  	_ =	shalt  }
0x5c: {  	_ =	shalt  }
0x5d: {  	_ =	shalt  }
0x5e: {  	_ =	shalt  }
0x5f: {  	_ =	shalt  }
0x60: {  	_ =	shalt  }
0x61: {  	_ =	shalt  }
0x62: {  	_ =	shalt  }
0x63: {  	_ =	shalt  }
0x64: {  	_ =	shalt  }
0x65: {  	_ =	shalt  }
0x66: {  	_ =	shalt  }
0x67: {  	_ =	shalt  }
0x68: {  	_ =	shalt  }
0x69: {  	_ =	shalt  }
0x6a: {  	_ =	shalt  }
0x6b: {  	_ =	shalt  }
0x6c: {  	_ =	shalt  }
0x6d: {  	_ =	shalt  }
0x6e: {  	_ =	shalt  }
0x6f: {  	_ =	shalt  }
0x70: {  	_ =	shalt  }
0x71: {  	_ =	shalt  }
0x72: {  	_ =	shalt  }
0x73: {  	_ =	shalt  }
0x74: {  	_ =	shalt  }
0x75: {  	_ =	shalt  }
0x76: {  	_ =	shalt  }
0x77: {  	_ =	shalt  }
0x78: {  	_ =	shalt  }
0x79: {  	_ =	shalt  }
0x7a: {  	_ =	shalt  }
0x7b: {  	_ =	shalt  }
0x7c: {  	_ =	shalt  }
0x7d: {  	_ =	shalt  }
0x7e: {  	_ =	shalt  }
0x7f: {  	_ =	shalt  }
0x80: {  	_ =	shalt  }
0x81: {  	_ =	shalt  }
0x82: {  	_ =	shalt  }
0x83: {  	_ =	shalt  }
0x84: {  	_ =	shalt  }
0x85: {  	_ =	shalt  }
0x86: {  	_ =	shalt  }
0x87: {  	_ =	shalt  }
.Lfunc_end0:
.L_simem_size_0:
called_computation.1_lowered:
.L_overlay_start_0:
0x88: {  	s2 =	sld [smem:$0x3FD9]  }
0x89: {  	s3 =	sld [smem:$0x3FFE];
	_ =	sdelay $0x1  }
0x8a: {  	s1 =	srdreg.scid  }
0x8b: {  	s0 =	sand.u32 $0x1, s1  }
0x8c: {  	s17 =	sshll.u32 s0, $0xA;
	s2 =	sadd.s32 s3, s2  }
0x8d: {  	s2 =	sadd.s32 s2, s17  }
0x8e: {  	[smem:$0x3FB3] =	sst s2  }
0x8f: {  	_ = 	snop  }
0x90: {  	s2 =	sld [smem:$0x3FD0];
	(tm) =	ssettm $0x1  }
0x91: {  	s18 =	sld [smem:$0x3FFB];
	_ =	sdelay $0x3  }
0x92: {  	_ =	strace s18  }
0x93: {  	s3 =	sld [smem:$0x3FFC];
	_ =	sdelay $0x3  }
0x94: {  	_ =	strace s3  }
0x95: {  	s3 =	sld [smem:$0x3FFD];
	_ =	sdelay $0x3  }
0x96: {  	_ =	strace s3  }
0x97: {  	_ =	strace $0x8FFFFFFF  }
0x98: {  	s19 =	sld [smem:$0x3FDB];
	_ =	sdelay $0x1  }
0x99: {  	s4 =	simm.s32 $_scs_section_size  }
0x9a: {  	s5 =	simm.s32 $_size__tile_overlayer_lowered;
	s6 =	simm.s32 $_tile_overlayer_lowered  }
0x9b: {  	s22 =	simm.s32 $0x1BFF;
	s21 =	sshll.u32 s6, $0x1;
	s3 =	sadd.s32 s4, s19  }
0x9c: {  	s7 =	simm.s32 $0x0;
	s20 =	sshll.u32 s5, $0x1;
	s5 =	sadd.s32 s21, s3  }
0x9d: {  	[timem:s7], [sflag:s22] =	dma.local [hbm:s5], s20  }
0x9e: {  	_ =	swait.ge [sflag:s22], s20  }
0x9f: {  	s4 =	ssub.s32 $0x0, s20;
	[sflag:s22] =	ssyncset.done $0x0  }
0xa0: {  	[sflag:s22] =	ssyncadd.s32 s4;
	_ =	sdelay $0x1  }
0xa1: {  	s23 =	simm.s32 $0x1B8B  }
0xa2: {  	_ =	swait.ge [sflag:s23], $0x1  }
0xa3: {  	[sflag:s23] =	ssyncset.done $0x0  }
0xa4: {  	s25 =	simm.s32 $0x1B8E;
	s24 =	sld [smem:$0x3FFE];
	[sflag:s23] =	ssyncadd.s32 $0xFFFFFFFF  }
0xa5: {  	s26 =	simm.s32 $execute0_lowered;
	[smem:$0x3FD2] =	sst s25  }
0xa6: {  	s5 =	sshll.u32 s26, $0x1;
	_ =	strace $0x80000046;
	[dreg:$0x1] =	wrdreg $0xFFFFFFFF  }
0xa7: {  	s28 =	simm.s32 $_size_execute0_lowered;
	s3 =	sadd.s32 s3, s5;
	[dreg:$0x0] =	wrdreg $0x0  }
0xa8: {  	s5 =	sshll.u32 s28, $0x1;
	[dreg:$0x2] =	wrdreg s3  }
0xa9: {  	[dreg:$0x3] =	wrdreg s5  }
0xaa: {  	[dreg:$0x4] =	wrdreg $0xC0  }
0xab: {  	_ =	task [dreg:s7], $0x5FFFF  }
0xac: {  	[dreg:$0x1] =	wrdreg $0xFFFFFFFF  }
0xad: {  	[dreg:$0x0] =	wrdreg $0x60  }
0xae: {  	[dreg:$0x2] =	wrdreg s24  }
0xaf: {  	[dreg:$0x3] =	wrdreg s2  }
0xb0: {  	[dreg:$0x4] =	wrdreg $0xA  }
0xb1: {  	_ =	task.clear_ibuf [dreg:s7], $0x5FFFF;
	_ =	strace $0x90000046  }
0xb2: {  	s29 =	simm.s32 $0xA;
	_ =	strace $0x80000048  }
0xb3: {  	_ =	swait.ge [sflag:s29], $0x1  }
0xb4: {  	[sflag:s29] =	ssyncadd.s32 $0xFFFFFFFF  }
0xb5: {  	_ =	strace $0x90000048  }
0xb6: {  	_ =	sfence  }
0xb7: {  	s30 =	sld [smem:$0x0];
	_ =	sdelay $0x2  }
0xb8: {  	s31 =	sshll.u32 s1, $0xD;
	s1 =	sshrl.u32 s1, $0x2  }
0xb9: {  	s3 =	sand.u32 $0x4000, s31;
	s1 =	sadd.s32 s1, s30  }
0xba: {  	s0 =	sor.u32 s3, s0;
	s1 =	sshll.u32 s1, $0x11  }
0xbb: {  	s0 =	sor.u32 s1, s0  }
0xbc: {  	s0 =	sadd.s32 $0x8F2B, s0  }
0xbd: {  	[sflag:s0] =	ssyncadd.remote.s32 $0x1  }
0xbe: {  	_ =	sfence.sel $0xFFFF  }
0xbf: {  	[dreg:$0x0] =	wrdreg $0xFFFFFFFF;
	(pc) =	sbr.abs _section_cstart, $3  }
0xc0: {  	[dreg:$0x1] =	wrdreg $0xFFFFFFFF  }
0xc1: {  	_ =	task.clear_ibuf [dreg:s7], $0x2FFFF;
	_ =	strace $0x9FFFFFFF  }
0xc2: {  	(tm) =	ssettm $0x7FFFFFFF  }
0xc3: {  	_ =	shalt  }
tec
execute0_lowered:
.L_overlay_start_1:
0x0: {  	(tag) =	ssettag $0x1  }
0x1: {  	s1 =	srdreg.scid;
	s6 =	rddreg [dreg:$0x0]  }
0x2: {  	s0 =	stileid.u32;
	s2 =	rddreg [dreg:$0x1];
	s3 =	simm.s32 $0x0  }
0x3: {  	s12 =	simm.s32 $0x1400;
	s13 =	simm.s32 $0x80;
	s14 =	simm.s32 $0x2800  }
0x4: {  	s15 =	simm.s32 $0x6800;
	s16 =	simm.s32 $0xA800;
	s17 =	simm.s32 $0xE800  }
0x5: {  	s18 =	simm.s32 $0x1;
	s5 =	sand.u32 $0x1, s1;
	s30 =	sshll.u32 s0, $0x1  }
0x6: {  	s19 =	simm.s32 $0x2;
	s20 =	simm.s32 $0x3;
	s9 =	sor.u32 s5, s30  }
0x7: {  	s21 =	simm.s32 $0x4;
	[smem:$0x7FF] =	sst s3;
	s4 =	smul.u32 $0x1400, s9  }
0x8: {  	s22 =	simm.s32 $0x0;
	s1 =	rddreg [dreg:$0x2];
	_ =	strace $0x80000047  }
0x9: {  	s8 =	ssub.s32 $0x2, s5;
	s5 =	sadd.s32 $0xEA00, s6;
	s7 =	sshrl.u32 s4, $0x3  }
0xa: {  	s31 =	sshrl.u32 s8, $0x1;
	s9 =	smul.u32 $0xA0000, s9;
	s10 =	sadd.s32 s7, s6  }
0xb: {  	s11 =	ssub.s32 s8, s31;
	s6 =	sadd.s32 $0x3AC00, s6;
	s7 =	sadd.s32 $0x35C00, s10  }
0xc: {  	s8 =	sadd.s32 $0x4A00, s10;
	s10 =	smax.u32 s11, $0x1;
	s11 =	simm.s32 $0x5  }
.LBB2_1:
0xd: {  	[tilespmem:s3], [sflag:$0x5] =	stream.linear.gather [hbm4b:s7+s3], $0x1400, $0x38;
	[tilespmem:$0x12800] =	vst v63  }
0xe: {  	_ =	swait.ge [sflag:s11], $0x1400  }
0xf: {  	[sflag:s11] =	ssyncset.done $0x0  }
0x10: {  	[sflag:s11] =	ssyncadd.s32 $0xFFFFEC00  }
0x11: {  	[tilespmem:s12], [sflag:$0x5] =	stream.linear.gather [hbm4b:s8+s3], $0x1400, $0x38;
	[tilespmem:$0x12800] =	vst v63  }
0x12: {  	_ =	swait.ge [sflag:s11], $0x1400  }
0x13: {  	[sflag:s11] =	ssyncset.done $0x0  }
0x14: {  	[sflag:s11] =	ssyncadd.s32 $0xFFFFEC00  }
0x15: {  	[tilespmem:s14], [sflag:$0x1] =	stream.indirect.gather [hbm4b:s5+s13], $0x80, s3, s13, $0xb8;
	[tilespmem:$0x12800] =	vst v63  }
0x16: {  	s24 =	simm.s32 $0x0  }
0x17: {  	[tilespmem:s15], [sflag:$0x2] =	stream.indirect.gather [hbm4b:s2+s13], $0x80, s12, s13, $0xb8;
	[tilespmem:$0x12800] =	vst v63  }
.LBB2_2:
0x18: {  	s25 =	sshll.u32 s24, $0x8  }
0x19: {  	s23 =	sor.u32 $0x80, s25  }
0x1a: {  	[tilespmem:s16], [sflag:$0x3] =	stream.indirect.gather [hbm4b:s5+s13], $0x80, s23, s13, $0xb8;
	[tilespmem:$0x12800] =	vst v63  }
0x1b: {  	s26 =	sadd.s32 $0x1480, s25  }
0x1c: {  	[tilespmem:s17], [sflag:$0x4] =	stream.indirect.gather [hbm4b:s2+s13], $0x80, s26, s13, $0xb8;
	[tilespmem:$0x12800] =	vst v63  }
0x1d: {  	_ =	swait.ge [sflag:s18], $0x4000  }
0x1e: {  	[sflag:s18] =	ssyncset.done $0x0  }
0x1f: {  	[sflag:s18] =	ssyncadd.s32 $0xFFFFC000  }
0x20: {  	_ =	swait.ge [sflag:s19], $0x4000  }
0x21: {  	[sflag:s19] =	ssyncset.done $0x0  }
0x22: {  	s26 =	simm.s32 $0x0;
	[sflag:s19] =	ssyncadd.s32 $0xFFFFC000  }
0x23: {  	v7 =	vld [tilespmem:s26+$0x6800]  }
0x24: {  	v11 =	vld [tilespmem:s26+$0x6810]  }
0x25: {  	v5 =	vld [tilespmem:s26+$0x6820]  }
0x26: {  	v4 =	vld [tilespmem:s26+$0x6830]  }
0x27: {  	v3 =	vld [tilespmem:s26+$0x6840]  }
0x28: {  	v2 =	vld [tilespmem:s26+$0x6850]  }
0x29: {  	v1 =	vld [tilespmem:s26+$0x6860]  }
0x2a: {  	v0 =	vld [tilespmem:s26+$0x6870]  }
0x2b: {  	v12 =	vld [tilespmem:s26+$0x2800]  }
0x2c: {  	v13 =	vld [tilespmem:s26+$0x2810]  }
0x2d: {  	v10 =	vld [tilespmem:s26+$0x2820]  }
0x2e: {  	v9 =	vld [tilespmem:s26+$0x2830]  }
0x2f: {  	v8 =	vld [tilespmem:s26+$0x2840]  }
0x30: {  	v6 =	vld [tilespmem:s26+$0x2850];
	v12 =	vadd.f32 v7, v12  }
0x31: {  	s28 =	simm.s32 $0x200;
	v11 =	vadd.f32 v11, v13;
	v7 =	vld [tilespmem:s26+$0x2860]  }
.LBB2_3:
0x32: {  	s29 =	sshra.s32 s28, $0x2;
	p0 =	sne.s32 s28, $0xFE00;
	[tilespmem:s26+$0x2800] =	vst v12;
	v5 =	vadd.f32 v5, v10;
	v10 =	vld [tilespmem:s26+$0x2870]  }
0x33: {  	v12 =	vld [tilespmem:s29+$0x6800];
	[tilespmem:s26+$0x2810] =	vst v11;
	v4 =	vadd.f32 v4, v9  }
0x34: {  	v11 =	vld [tilespmem:s29+$0x6810];
	[tilespmem:s26+$0x2820] =	vst v5;
	v3 =	vadd.f32 v3, v8  }
0x35: {  	v5 =	vld [tilespmem:s29+$0x6820];
	[tilespmem:s26+$0x2830] =	vst v4;
	v2 =	vadd.f32 v2, v6  }
0x36: {  	v4 =	vld [tilespmem:s29+$0x6830];
	[tilespmem:s26+$0x2840] =	vst v3;
	v1 =	vadd.f32 v1, v7  }
0x37: {  	v3 =	vld [tilespmem:s29+$0x6840];
	[tilespmem:s26+$0x2850] =	vst v2;
	v0 =	vadd.f32 v0, v10  }
0x38: {  	v2 =	vld [tilespmem:s29+$0x6850];
	[tilespmem:s26+$0x2860] =	vst v1  }
0x39: {  	v1 =	vld [tilespmem:s29+$0x6860];
	[tilespmem:s26+$0x2870] =	vst v0;
	s26 =	smov.u32 s29  }
0x3a: {  	v0 =	vld [tilespmem:s26+$0x6870]  }
0x3b: {  	v6 =	vld [tilespmem:s26+$0x2800]  }
0x3c: {  	v7 =	vld [tilespmem:s26+$0x2810]  }
.Ltmp0:
0x3d: {  	v10 =	vld [tilespmem:s26+$0x2820];
	(pc) =	sbr.rel @p0 .LBB2_3-.Ltmp0, $4  }
0x3e: {  	v9 =	vld [tilespmem:s26+$0x2830]  }
0x3f: {  	v8 =	vld [tilespmem:s26+$0x2840]  }
0x40: {  	v12 =	vadd.f32 v12, v6;
	v6 =	vld [tilespmem:s26+$0x2850]  }
0x41: {  	s28 =	sadd.s32 $0x200, s28;
	v11 =	vadd.f32 v11, v7;
	v7 =	vld [tilespmem:s26+$0x2860]  }
0x42: {  	[tilespmem:s26+$0x2800] =	vst v12;
	v5 =	vadd.f32 v5, v10;
	v10 =	vld [tilespmem:s26+$0x2870]  }
0x43: {  	[tilespmem:s26+$0x2810] =	vst v11;
	v4 =	vadd.f32 v4, v9  }
0x44: {  	[tilespmem:s26+$0x2820] =	vst v5;
	v3 =	vadd.f32 v3, v8  }
0x45: {  	[tilespmem:s26+$0x2830] =	vst v4;
	v2 =	vadd.f32 v2, v6  }
0x46: {  	s28 =	sshll.u32 s24, $0xF;
	[tilespmem:s26+$0x2840] =	vst v3;
	v1 =	vadd.f32 v1, v7  }
0x47: {  	s28 =	sadd.s32 s9, s28;
	[tilespmem:s26+$0x2850] =	vst v2;
	v0 =	vadd.f32 v0, v10  }
0x48: {  	s28 =	sshrl.u32 s28, $0x3;
	[tilespmem:s26+$0x2860] =	vst v1  }
0x49: {  	s31 =	sadd.s32 s6, s28;
	[tilespmem:s26+$0x2870] =	vst v0  }
0x4a: {  	[hbm4b:s31+s3] =	stream.linear.scatter [tilespmem:s14], [sflag:$0x5], $0x4000, $0x38;
	[tilespmem:$0x12800] =	vst v63  }
0x4b: {  	p0 =	seq.s32 s24, $0x13;
	_ =	swait.ge [sflag:s11], $0x4000  }
0x4c: {  	s29 =	simm.s32 @!p0 $0x2800;
	[sflag:s11] =	ssyncset.done $0x0  }
0x4d: {  	s28 =	simm.s32 @!p0 $0x80;
	s26 =	sadd.s32 @!p0 $0x100, s25;
	[sflag:s11] =	ssyncadd.s32 $0xFFFFC000  }
0x4e: {  	[tilespmem:s29], [sflag:$0x1] =	stream.indirect.gather @!p0 [hbm4b:s5+s28], $0x80, s26, s28, $0xb8;
	[tilespmem:$0x12800] =	vst v63  }
0x4f: {  	s25 =	sadd.s32 @!p0 $0x1500, s25;
	s26 =	simm.s32 @!p0 $0x6800  }
0x50: {  	[tilespmem:s26], [sflag:$0x2] =	stream.indirect.gather @!p0 [hbm4b:s2+s28], $0x80, s25, s28, $0xb8;
	[tilespmem:$0x12800] =	vst v63  }
0x51: {  	_ =	swait.ge [sflag:s20], $0x4000  }
0x52: {  	[sflag:s20] =	ssyncset.done $0x0  }
0x53: {  	[sflag:s20] =	ssyncadd.s32 $0xFFFFC000  }
0x54: {  	_ =	swait.ge [sflag:s21], $0x4000  }
0x55: {  	[sflag:s21] =	ssyncset.done $0x0  }
0x56: {  	s25 =	simm.s32 $0x0;
	[sflag:s21] =	ssyncadd.s32 $0xFFFFC000  }
0x57: {  	v7 =	vld [tilespmem:s25+$0xE800]  }
0x58: {  	v11 =	vld [tilespmem:s25+$0xE810]  }
0x59: {  	v5 =	vld [tilespmem:s25+$0xE820]  }
0x5a: {  	v4 =	vld [tilespmem:s25+$0xE830]  }
0x5b: {  	v3 =	vld [tilespmem:s25+$0xE840]  }
0x5c: {  	v2 =	vld [tilespmem:s25+$0xE850]  }
0x5d: {  	v1 =	vld [tilespmem:s25+$0xE860]  }
0x5e: {  	v0 =	vld [tilespmem:s25+$0xE870]  }
0x5f: {  	v12 =	vld [tilespmem:s25+$0xA800]  }
0x60: {  	v13 =	vld [tilespmem:s25+$0xA810]  }
0x61: {  	v10 =	vld [tilespmem:s25+$0xA820]  }
0x62: {  	v9 =	vld [tilespmem:s25+$0xA830]  }
0x63: {  	v8 =	vld [tilespmem:s25+$0xA840]  }
0x64: {  	v6 =	vld [tilespmem:s25+$0xA850];
	v12 =	vadd.f32 v7, v12  }
0x65: {  	s24 =	sadd.s32 $0x1, s24;
	s26 =	simm.s32 $0x200;
	v11 =	vadd.f32 v11, v13;
	v7 =	vld [tilespmem:s25+$0xA860]  }
.LBB2_5:
0x66: {  	s28 =	sshra.s32 s26, $0x2;
	p0 =	sne.s32 s26, $0xFE00;
	[tilespmem:s25+$0xA800] =	vst v12;
	v5 =	vadd.f32 v5, v10;
	v10 =	vld [tilespmem:s25+$0xA870]  }
0x67: {  	v12 =	vld [tilespmem:s28+$0xE800];
	[tilespmem:s25+$0xA810] =	vst v11;
	v4 =	vadd.f32 v4, v9  }
0x68: {  	v11 =	vld [tilespmem:s28+$0xE810];
	[tilespmem:s25+$0xA820] =	vst v5;
	v3 =	vadd.f32 v3, v8  }
0x69: {  	v5 =	vld [tilespmem:s28+$0xE820];
	[tilespmem:s25+$0xA830] =	vst v4;
	v2 =	vadd.f32 v2, v6  }
0x6a: {  	v4 =	vld [tilespmem:s28+$0xE830];
	[tilespmem:s25+$0xA840] =	vst v3;
	v1 =	vadd.f32 v1, v7  }
0x6b: {  	v3 =	vld [tilespmem:s28+$0xE840];
	[tilespmem:s25+$0xA850] =	vst v2;
	v0 =	vadd.f32 v0, v10  }
0x6c: {  	v2 =	vld [tilespmem:s28+$0xE850];
	[tilespmem:s25+$0xA860] =	vst v1  }
0x6d: {  	v1 =	vld [tilespmem:s28+$0xE860];
	[tilespmem:s25+$0xA870] =	vst v0;
	s25 =	smov.u32 s28  }
0x6e: {  	v0 =	vld [tilespmem:s25+$0xE870]  }
0x6f: {  	v6 =	vld [tilespmem:s25+$0xA800]  }
0x70: {  	v7 =	vld [tilespmem:s25+$0xA810]  }
.Ltmp1:
0x71: {  	v10 =	vld [tilespmem:s25+$0xA820];
	(pc) =	sbr.rel @p0 .LBB2_5-.Ltmp1, $4  }
0x72: {  	v9 =	vld [tilespmem:s25+$0xA830]  }
0x73: {  	v8 =	vld [tilespmem:s25+$0xA840]  }
0x74: {  	v12 =	vadd.f32 v12, v6;
	v6 =	vld [tilespmem:s25+$0xA850]  }
0x75: {  	s26 =	sadd.s32 $0x200, s26;
	v11 =	vadd.f32 v11, v7;
	v7 =	vld [tilespmem:s25+$0xA860]  }
0x76: {  	[tilespmem:s25+$0xA800] =	vst v12;
	v5 =	vadd.f32 v5, v10;
	v63 =	vld [tilespmem:s25+$0xA870]  }
0x77: {  	[tilespmem:s25+$0xA810] =	vst v11;
	v4 =	vadd.f32 v4, v9  }
0x78: {  	[tilespmem:s25+$0xA820] =	vst v5;
	v3 =	vadd.f32 v3, v8  }
0x79: {  	[tilespmem:s25+$0xA830] =	vst v4;
	v2 =	vadd.f32 v2, v6  }
0x7a: {  	[tilespmem:s25+$0xA840] =	vst v3;
	v1 =	vadd.f32 v1, v7  }
0x7b: {  	s23 =	sadd.s32 s4, s23;
	[tilespmem:s25+$0xA850] =	vst v2;
	v0 =	vadd.f32 v0, v63  }
0x7c: {  	p0 =	sne.s32 s24, $0x14;
	s23 =	sshll.u32 s23, $0x4;
	[tilespmem:s25+$0xA860] =	vst v1  }
.Ltmp2:
0x7d: {  	s23 =	sadd.s32 s6, s23;
	[tilespmem:s25+$0xA870] =	vst v0;
	(pc) =	sbr.rel @p0 .LBB2_2-.Ltmp2, $4  }
0x7e: {  	[hbm4b:s23+s3] =	stream.linear.scatter [tilespmem:s16], [sflag:$0x5], $0x4000, $0x38;
	[tilespmem:$0x12800] =	vst v63  }
0x7f: {  	_ =	swait.ge [sflag:s11], $0x4000  }
0x80: {  	[sflag:s11] =	ssyncset.done $0x0  }
0x81: {  	[sflag:s11] =	ssyncadd.s32 $0xFFFFC000  }
0x82: {  	s22 =	sadd.s32 $0x1, s22  }
0x83: {  	p0 =	sne.s32 s22, s10  }
.Ltmp3:
0x84: {  	_ = 	snop;
	(pc) =	sbr.rel @p0 .LBB2_1-.Ltmp3, $1  }
0x85: {  	_ =	sdelay $0x3  }
0x86: {  	_ =	sfence.sel $0x180000  }
0x87: {  	[bflag:$0x0] =	sbarrier.arrive $0xFFFF  }
0x88: {  	p0 =	sne.s32 s0, $0x0;
	_ =	strace $0x90000047  }
0x89: {  	s0 =	sadd.s32 @!p0 $0x100000, s1;
	[bflag:$0x2] =	sbarrier.arrive $0xFFFF  }
0x8a: {  	[sflag:s0] =	ssyncadd.tile.s32 @!p0 $0x1;
	_ =	shalt  }
.Lfunc_end2:
_tile_overlayer_lowered:
.L_overlay_start_2:
0x8b: {  	(tag) =	ssettag $0x2  }
0x8c: {  	s0 =	rddreg [dreg:$0x0];
	s2 =	stileid.u32  }
0x8d: {  	s1 =	rddreg [dreg:$0x1];
	p0 =	sne.s32 s2, $0x0  }
0x8e: {  	s3 =	rddreg [dreg:$0x2];
	[bflag:$0x3] =	sbarrier.arrive $0xFFFF;
	s2 =	simm.s32 @!p0 $0x1C05  }
0x8f: {  	[timem:s3], [sflag:s2] =	dma.local @!p0 [hbm:s0], s1  }
0x90: {  	s0 =	simm.s32 @!p0 $0x5  }
0x91: {  	_ =	swait.ge @!p0 [sflag:s0], s1  }
0x92: {  	s1 =	ssub.s32 @!p0 $0x0, s1;
	[sflag:s0] =	ssyncset.done @!p0 $0x0  }
0x93: {  	[sflag:s0] =	ssyncadd.s32 @!p0 s1  }
0x94: {  	[bflag:$0x3] =	sbarrier.arrive $0xFFFF  }
0x95: {  	_ =	shalt  }

// kernel: kernel.15.cloned.1.call-start
scs
__scs_entry_jumppad:
0x0: {  	(pc) =	sbr.rel $0x88, $3  }
0x1: {  	(tag) =	ssettag $0x0;
	lr =	simm.s32 $0x1  }
0x2: {  	[smem:$0x3F8C] =	sst lr;
	_ =	strace $0xD0000000  }
0x3: {  	_ = 	snop  }
0x4: {  	_ = 	snop  }
0x5: {  	_ = 	snop  }
0x6: {  	_ = 	snop  }
0x7: {  	_ = 	snop  }
__scs_overlays_trampoline_lowered:
0x8: {  	[smem:$0x3F9B] =	sst s0  }
0x9: {  	[smem:$0x3F9C] =	sst s1  }
0xa: {  	[smem:$0x3F9D] =	sst s2  }
0xb: {  	[smem:$0x3F9E] =	sst s3  }
0xc: {  	[smem:$0x3F9F] =	sst s4  }
0xd: {  	[smem:$0x3FA0] =	sst s5  }
0xe: {  	[smem:$0x3FA1] =	sst s6  }
0xf: {  	[smem:$0x3FA2] =	sst s7  }
0x10: {  	[smem:$0x3FA3] =	sst s8  }
0x11: {  	[smem:$0x3FA4] =	sst s9;
	s0 =	simm.s32 @!p0 $0x0  }
0x12: {  	s1 =	sld [smem:$0x3F8A];
	s0 =	simm.s32 @p0 $0x1  }
0x13: {  	[smem:$0x3FA5] =	sst s0;
	s0 =	simm.s32 @!p1 $0x0  }
0x14: {  	s2 =	sld [smem:$0x3F89];
	s0 =	simm.s32 @p1 $0x1  }
0x15: {  	[smem:$0x3FA6] =	sst s0;
	s0 =	simm.s32 @!p2 $0x0  }
0x16: {  	s3 =	sld [smem:$0x3FDB];
	s0 =	simm.s32 @p2 $0x1  }
0x17: {  	s4 =	simm.s32 $0x1BF5;
	[smem:$0x3FA8] =	sst s0  }
0x18: {  	s0 =	sld [smem:$0x3F8B];
	_ =	swait.ge [sflag:s4], $0x0  }
0x19: {  	s7 =	sld [smem:$0x3F8C]  }
0x1a: {  	s8 =	sadd.s32 $0xFFFFE003, lr  }
0x1b: {  	s9 =	sadd.s32 $0xFFFFFEF7, lr;
	s5 =	simm.s32 $0xFFFFFFFF;
	p2 =	slt.u32 s8, $0xFFFFF086  }
0x1c: {  	p1 =	slt.u32 s9, $0xF7A;
	s5 =	simm.s32 @!p2 $0x0  }
0x1d: {  	s5 =	simm.s32 @p1 $0x1;
	p0 =	seq.s32 s7, s2  }
0x1e: {  	s7 =	smul.u32 @!p0 $0xF7A, s2;
	p2 =	seq.s32 @!p0 s5, $0x0  }
0x1f: {  	s9 =	smul.u32 $0xF7A, s1;
	s8 =	simm.s32 @!p0 $0x1BF5;
	p2 =	por !p2, p0  }
0x20: {  	[sflag:s8] =	ssyncset.s32 @!p0 $0xFFFFF086;
	s6 =	sadd.s32 @!p0 s3, s7;
	s7 =	simm.s32 @!p0 $0x108  }
0x21: {  	s3 =	sadd.s32 s3, s9;
	s6 =	sadd.s32 @!p0 $0x88, s6;
	s7 =	simm.s32 @p2 $0x1082  }
0x22: {  	[simem:s7], [sflag:s8] =	dma.local @!p0 [hbm:s6], $0xF7A  }
0x23: {  	s9 =	sor.u32 $0xD0000000, s2;
	s6 =	simm.s32 $0x108;
	_ =	swait.ge @!p0 [sflag:s8], $0x0  }
0x24: {  	s3 =	sadd.s32 $0x88, s3;
	s6 =	simm.s32 @!p1 $0x1082;
	[sflag:s4] =	ssyncset.s32 $0xFFFFF086  }
0x25: {  	[simem:s6], [sflag:s4] =	dma.local [hbm:s3], $0xF7A  }
0x26: {  	[smem:$0x3F8C] =	sst s1;
	(tag) =	ssettag s2;
	_ =	strace s9  }
0x27: {  	s1 =	sld [smem:$0x3F9C]  }
0x28: {  	s2 =	sld [smem:$0x3F9D]  }
0x29: {  	s4 =	sld [smem:$0x3F9F]  }
0x2a: {  	p0 =	seq.s32 s5, $0x0;
	s5 =	sld [smem:$0x3FA0]  }
0x2b: {  	s6 =	sld [smem:$0x3FA1]  }
0x2c: {  	s7 =	sld [smem:$0x3FA2]  }
0x2d: {  	s3 =	simm.s32 $0x108;
	s8 =	sld [smem:$0x3FA3]  }
0x2e: {  	s3 =	simm.s32 @!p0 $0x1082;
	s9 =	sld [smem:$0x3FA4]  }
0x2f: {  	lr =	sadd.s32 s0, s3;
	s0 =	sld [smem:$0x3F9B]  }
0x30: {  	s3 =	sld [smem:$0x3F9E]  }
0x31: {  	[smem:$0x3FA7] =	sst s10  }
0x32: {  	s10 =	sld [smem:$0x3FA5];
	_ =	sdelay $0x3  }
0x33: {  	p0 =	seq.s32 s10, $0x1;
	s10 =	sld [smem:$0x3FA7];
	_ =	sdelay $0x3  }
0x34: {  	[smem:$0x3FA7] =	sst s10  }
0x35: {  	s10 =	sld [smem:$0x3FA6];
	_ =	sdelay $0x3  }
0x36: {  	p1 =	seq.s32 s10, $0x1;
	s10 =	sld [smem:$0x3FA7];
	_ =	sdelay $0x3  }
0x37: {  	[smem:$0x3FA7] =	sst s10  }
0x38: {  	s10 =	sld [smem:$0x3FA8]  }
0x39: {  	_ = 	snop;
	(pc) =	sbr.ind lr, $3  }
0x3a: {  	_ = 	snop  }
0x3b: {  	_ = 	snop  }
0x3c: {  	p2 =	seq.s32 s10, $0x1;
	s10 =	sld [smem:$0x3FA7]  }
0x3d: {  	_ =	shalt  }
0x3e: {  	_ =	shalt  }
0x3f: {  	_ =	shalt  }
0x40: {  	_ =	shalt  }
0x41: {  	_ =	shalt  }
0x42: {  	_ =	shalt  }
0x43: {  	_ =	shalt  }
0x44: {  	_ =	shalt  }
0x45: {  	_ =	shalt  }
0x46: {  	_ =	shalt  }
0x47: {  	_ =	shalt  }
0x48: {  	_ =	shalt  }
0x49: {  	_ =	shalt  }
0x4a: {  	_ =	shalt  }
0x4b: {  	_ =	shalt  }
0x4c: {  	_ =	shalt  }
0x4d: {  	_ =	shalt  }
0x4e: {  	_ =	shalt  }
0x4f: {  	_ =	shalt  }
0x50: {  	_ =	shalt  }
0x51: {  	_ =	shalt  }
0x52: {  	_ =	shalt  }
0x53: {  	_ =	shalt  }
0x54: {  	_ =	shalt  }
0x55: {  	_ =	shalt  }
0x56: {  	_ =	shalt  }
0x57: {  	_ =	shalt  }
0x58: {  	_ =	shalt  }
0x59: {  	_ =	shalt  }
0x5a: {  	_ =	shalt  }
0x5b: {  	_ =	shalt  }
0x5c: {  	_ =	shalt  }
0x5d: {  	_ =	shalt  }
0x5e: {  	_ =	shalt  }
0x5f: {  	_ =	shalt  }
0x60: {  	_ =	shalt  }
0x61: {  	_ =	shalt  }
0x62: {  	_ =	shalt  }
0x63: {  	_ =	shalt  }
0x64: {  	_ =	shalt  }
0x65: {  	_ =	shalt  }
0x66: {  	_ =	shalt  }
0x67: {  	_ =	shalt  }
0x68: {  	_ =	shalt  }
0x69: {  	_ =	shalt  }
0x6a: {  	_ =	shalt  }
0x6b: {  	_ =	shalt  }
0x6c: {  	_ =	shalt  }
0x6d: {  	_ =	shalt  }
0x6e: {  	_ =	shalt  }
0x6f: {  	_ =	shalt  }
0x70: {  	_ =	shalt  }
0x71: {  	_ =	shalt  }
0x72: {  	_ =	shalt  }
0x73: {  	_ =	shalt  }
0x74: {  	_ =	shalt  }
0x75: {  	_ =	shalt  }
0x76: {  	_ =	shalt  }
0x77: {  	_ =	shalt  }
0x78: {  	_ =	shalt  }
0x79: {  	_ =	shalt  }
0x7a: {  	_ =	shalt  }
0x7b: {  	_ =	shalt  }
0x7c: {  	_ =	shalt  }
0x7d: {  	_ =	shalt  }
0x7e: {  	_ =	shalt  }
0x7f: {  	_ =	shalt  }
0x80: {  	_ =	shalt  }
0x81: {  	_ =	shalt  }
0x82: {  	_ =	shalt  }
0x83: {  	_ =	shalt  }
0x84: {  	_ =	shalt  }
0x85: {  	_ =	shalt  }
0x86: {  	_ =	shalt  }
0x87: {  	_ =	shalt  }
.Lfunc_end0:
.L_simem_size_0:
called_computation.2_lowered:
.L_overlay_start_0:
0x88: {  	s2 =	sld [smem:$0x3FD9]  }
0x89: {  	s3 =	sld [smem:$0x3FFE];
	_ =	sdelay $0x1  }
0x8a: {  	s1 =	srdreg.scid  }
0x8b: {  	s0 =	sand.u32 $0x1, s1  }
0x8c: {  	s17 =	sshll.u32 s0, $0xA;
	s2 =	sadd.s32 s3, s2  }
0x8d: {  	s2 =	sadd.s32 s2, s17  }
0x8e: {  	[smem:$0x3FB3] =	sst s2  }
0x8f: {  	_ = 	snop  }
0x90: {  	s2 =	sld [smem:$0x3FD0];
	(tm) =	ssettm $0x1  }
0x91: {  	s18 =	sld [smem:$0x3FFB];
	_ =	sdelay $0x3  }
0x92: {  	_ =	strace s18  }
0x93: {  	s3 =	sld [smem:$0x3FFC];
	_ =	sdelay $0x3  }
0x94: {  	_ =	strace s3  }
0x95: {  	s3 =	sld [smem:$0x3FFD];
	_ =	sdelay $0x3  }
0x96: {  	_ =	strace s3  }
0x97: {  	_ =	strace $0x8FFFFFFF  }
0x98: {  	s19 =	sld [smem:$0x3FDB];
	_ =	sdelay $0x1  }
0x99: {  	s4 =	simm.s32 $_scs_section_size  }
0x9a: {  	s5 =	simm.s32 $_size__tile_overlayer_lowered;
	s6 =	simm.s32 $_tile_overlayer_lowered  }
0x9b: {  	s22 =	simm.s32 $0x1BFF;
	s21 =	sshll.u32 s6, $0x1;
	s3 =	sadd.s32 s4, s19  }
0x9c: {  	s7 =	simm.s32 $0x0;
	s20 =	sshll.u32 s5, $0x1;
	s5 =	sadd.s32 s21, s3  }
0x9d: {  	[timem:s7], [sflag:s22] =	dma.local [hbm:s5], s20  }
0x9e: {  	_ =	swait.ge [sflag:s22], s20  }
0x9f: {  	s4 =	ssub.s32 $0x0, s20;
	[sflag:s22] =	ssyncset.done $0x0  }
0xa0: {  	[sflag:s22] =	ssyncadd.s32 s4;
	_ =	sdelay $0x1  }
0xa1: {  	s23 =	simm.s32 $0x1B8B  }
0xa2: {  	_ =	swait.ge [sflag:s23], $0x1  }
0xa3: {  	[sflag:s23] =	ssyncset.done $0x0  }
0xa4: {  	s25 =	simm.s32 $0x1B8E;
	s24 =	sld [smem:$0x3FFE];
	[sflag:s23] =	ssyncadd.s32 $0xFFFFFFFF  }
0xa5: {  	s26 =	simm.s32 $execute0_lowered;
	[smem:$0x3FD2] =	sst s25  }
0xa6: {  	s5 =	sshll.u32 s26, $0x1;
	_ =	strace $0x8000004C;
	[dreg:$0x1] =	wrdreg $0xFFFFFFFF  }
0xa7: {  	s28 =	simm.s32 $_size_execute0_lowered;
	s3 =	sadd.s32 s3, s5;
	[dreg:$0x0] =	wrdreg $0x0  }
0xa8: {  	s5 =	sshll.u32 s28, $0x1;
	[dreg:$0x2] =	wrdreg s3  }
0xa9: {  	[dreg:$0x3] =	wrdreg s5  }
0xaa: {  	[dreg:$0x4] =	wrdreg $0xC0  }
0xab: {  	_ =	task [dreg:s7], $0x5FFFF  }
0xac: {  	[dreg:$0x1] =	wrdreg $0xFFFFFFFF  }
0xad: {  	[dreg:$0x0] =	wrdreg $0x60  }
0xae: {  	[dreg:$0x2] =	wrdreg s24  }
0xaf: {  	[dreg:$0x3] =	wrdreg s2  }
0xb0: {  	[dreg:$0x4] =	wrdreg $0x63000  }
0xb1: {  	[dreg:$0x5] =	wrdreg $0x9  }
0xb2: {  	_ =	task.clear_ibuf [dreg:s7], $0x6FFFF;
	_ =	strace $0x9000004C  }
0xb3: {  	s29 =	simm.s32 $0x9;
	_ =	strace $0x8000004E  }
0xb4: {  	_ =	swait.ge [sflag:s29], $0x1  }
0xb5: {  	[sflag:s29] =	ssyncadd.s32 $0xFFFFFFFF  }
0xb6: {  	_ =	strace $0x9000004E  }
0xb7: {  	_ =	sfence  }
0xb8: {  	s30 =	sld [smem:$0x0];
	_ =	sdelay $0x2  }
0xb9: {  	s31 =	sshll.u32 s1, $0xD;
	s1 =	sshrl.u32 s1, $0x2  }
0xba: {  	s3 =	sand.u32 $0x4000, s31;
	s1 =	sadd.s32 s1, s30  }
0xbb: {  	s0 =	sor.u32 s3, s0;
	s1 =	sshll.u32 s1, $0x11  }
0xbc: {  	s0 =	sor.u32 s1, s0  }
0xbd: {  	s0 =	sadd.s32 $0x8F2B, s0  }
0xbe: {  	[sflag:s0] =	ssyncadd.remote.s32 $0x1  }
0xbf: {  	_ =	sfence.sel $0xFFFF  }
0xc0: {  	[dreg:$0x0] =	wrdreg $0xFFFFFFFF;
	(pc) =	sbr.abs _section_cstart, $3  }
0xc1: {  	[dreg:$0x1] =	wrdreg $0xFFFFFFFF  }
0xc2: {  	_ =	task.clear_ibuf [dreg:s7], $0x2FFFF;
	_ =	strace $0x9FFFFFFF  }
0xc3: {  	(tm) =	ssettm $0x7FFFFFFF  }
tec
execute0_lowered:
.L_overlay_start_1:
0x0: {  	(tag) =	ssettag $0x1  }
0x1: {  	s0 =	rddreg [dreg:$0x0]  }
0x2: {  	s1 =	rddreg [dreg:$0x1]  }
0x3: {  	s2 =	rddreg [dreg:$0x2];
	s3 =	simm.s32 $0x0  }
0x4: {  	s4 =	srdreg.scid;
	s7 =	stileid.u32;
	s30 =	simm.s32 $0x100  }
0x5: {  	s31 =	simm.s32 $0x300;
	s28 =	simm.s32 $0x1;
	[smem:$0x7FF] =	sst s3  }
0x6: {  	s29 =	simm.s32 $0x2;
	s5 =	sadd.s32 $0x563A00, s0;
	s6 =	sadd.s32 $0x2BAC00, s0  }
0x7: {  	s17 =	sand.u32 $0x1, s4;
	s8 =	sadd.s32 $0x2CF200, s0;
	s19 =	sshll.u32 s7, $0x7  }
0x8: {  	s13 =	sadd.s32 $0x2E3800, s0;
	s21 =	ssub.s32 $0x92, s7;
	s10 =	sshll.u32 s7, $0x6  }
0x9: {  	s11 =	sshllo.u32 s7, $0x1;
	s14 =	sshll.u32 s7, $0x2;
	s16 =	smul.u32 $0xC000, s7  }
0xa: {  	s12 =	sshll.u32 s7, $0x1;
	s24 =	sxor.u32 $0xF, s7;
	s26 =	sshll.u32 s7, $0xA  }
0xb: {  	_ =	strace $0x8000004D;
	s9 =	ssub.s32 $0x2, s17;
	[dreg:$0xa] =	wrdreg s24  }
0xc: {  	s0 =	sadd.s32 s19, s0;
	s10 =	sor.u32 $0x1C03, s10;
	[dreg:$0x4] =	wrdreg s30  }
0xd: {  	s15 =	sshll.u32 s11, $0x1;
	s22 =	sadd.s32 s13, s14;
	[dreg:$0x5] =	wrdreg s31  }
0xe: {  	s24 =	simm.s32 $0x180;
	[dreg:$0x6] =	wrdreg s17;
	s20 =	sshrl.u32 s9, $0x1  }
0xf: {  	[dreg:$0x8] =	wrdreg s22;
	s23 =	sadd.s32 s13, s15;
	s25 =	sshrl.u32 s16, $0x2  }
0x10: {  	s0 =	sadd.s32 $0x2E3A00, s0;
	s4 =	ssub.s32 s9, s20;
	[dreg:$0x9] =	wrdreg s23  }
.Ltmp0:
0x11: {  	s9 =	sshrl.u32 s21, $0x4;
	[dreg:$0xd] =	wrdreg s0;
	(pc) =	sbr.rel .LBB2_1-.Ltmp0, $4  }
0x12: {  	s0 =	sadd.s32 s26, s2;
	s20 =	simm.s32 $0x3;
	[dreg:$0x7] =	wrdreg s9  }
0x13: {  	s23 =	simm.s32 $0x80;
	s4 =	smax.u32 s4, $0x1;
	[dreg:$0xe] =	wrdreg s0  }
0x14: {  	s26 =	simm.s32 $0x3300;
	[dreg:$0xb] =	wrdreg s4;
	s4 =	sadd.s32 s25, s2  }
0x15: {  	v0 =	vlaneseq.u32;
	s25 =	simm.s32 $0x60;
	[dreg:$0xc] =	wrdreg s4;
	s4 =	simm.s32 $0x0  }
.LBB2_14:
0x16: {  	s4 =	rddreg [dreg:$0xf]  }
0x17: {  	s0 =	rddreg [dreg:$0xb];
	s4 =	sadd.s32 $0x1, s4  }
0x18: {  	p0 =	sne.s32 s4, s0  }
.Ltmp1:
0x19: {  	_ = 	snop;
	(pc) =	sbr.rel @!p0 .LBB2_15-.Ltmp1, $1  }
0x1a: {  	_ =	sdelay $0x3  }
.LBB2_1:
0x1b: {  	[dreg:$0xf] =	wrdreg s4;
	p1 =	por $0x1, $0x1;
	s31 =	simm.s32 $0x0  }
.LBB2_2:
0x1c: {  	s4 =	rddreg [dreg:$0xc]  }
0x1d: {  	s0 =	sshrl.u32 s4, $0x3  }
0x1e: {  	[spmem:s0], [sflag:s10] =	dma.local [hbm:s1], $0x600  }
0x1f: {  	s0 =	rddreg [dreg:$0x7]  }
0x20: {  	p2 =	sne.s32 s0, $0x1  }
.Ltmp2:
0x21: {  	_ = 	snop;
	(pc) =	sbr.rel @!p2 .LBB2_4-.Ltmp2, $3  }
0x22: {  	_ =	sdelay $0x1  }
0x23: {  	p0 =	por p1, p1;
	_ =	swait.ge [sflag:s20], $0x600  }
0x24: {  	s4 =	sadd.s32 $0x30000, s4;
	s0 =	sadd.s32 $0xFFFFFFFF, s0;
	[sflag:s20] =	ssyncset.done $0x0  }
.LBB2_3:
0x25: {  	s13 =	sshrl.u32 s4, $0x3;
	[sflag:s20] =	ssyncadd.s32 $0xFFFFFA00;
	p1 =	sne.s32 s0, $0x1  }
0x26: {  	[spmem:s13], [sflag:s10] =	dma.local [hbm:s1], $0x600  }
.Ltmp3:
0x27: {  	_ = 	snop;
	(pc) =	sbr.rel @p1 .LBB2_3-.Ltmp3, $4  }
0x28: {  	_ = 	snop  }
0x29: {  	s0 =	sadd.s32 $0xFFFFFFFF, s0  }
0x2a: {  	_ =	swait.ge [sflag:s20], $0x600  }
0x2b: {  	s4 =	sadd.s32 $0x30000, s4;
	[sflag:s20] =	ssyncset.done $0x0  }
.LBB2_4:
0x2c: {  	[sflag:s20] =	ssyncadd.s32 $0xFFFFFA00  }
0x2d: {  	[bflag:$0x0] =	sbarrier.arrive $0xFFFF  }
0x2e: {  	s4 =	simm.s32 $0x200;
	s0 =	rddreg [dreg:$0x8]  }
0x2f: {  	[tilespmem:s4], [sflag:$0x3] =	stream.linear.gather [hbm4b:s0+s3], $0x10, $0x38;
	[tilespmem:$0x1EC00] =	vst v63  }
0x30: {  	_ =	swait.ge [sflag:s20], $0x10  }
0x31: {  	[sflag:s20] =	ssyncset.done $0x0  }
0x32: {  	s21 =	simm.s32 $0x280;
	s19 =	rddreg [dreg:$0x9];
	[sflag:s20] =	ssyncadd.s32 $0xFFFFFFF0  }
0x33: {  	[tilespmem:s21], [sflag:$0x3] =	stream.linear.gather [hbm4b:s19+s3], $0x10, $0x38;
	[tilespmem:$0x1EC00] =	vst v63  }
0x34: {  	_ =	swait.ge [sflag:s20], $0x10  }
0x35: {  	[sflag:s20] =	ssyncset.done $0x0  }
0x36: {  	[sflag:s20] =	ssyncadd.s32 $0xFFFFFFF0  }
0x37: {  	v1 =	vld [tilespmem:$0x200]  }
0x38: {  	v2 =	vld [tilespmem:$0x280];
	_ =	sdelay $0x1  }
0x39: {  	s0 =	sor.u32 s17, s31  }
0x3a: {  	v3 =	vmov s0  }
0x3b: {  	vm0 =	veq.s32 v3, v0;
	v1 =	vxor.u32 $0x80000000, v1  }
0x3c: {  	v2 =	vxor.u32 $0x80000000, v2;
	v1 =	vnsel vm0, $0x80000000, v1  }
0x3d: {  	(xrf0) =	vmax.scan.msk.u32 $0xffff, v1;
	v1 =	vnsel vm0, $0x80000000, v2  }
0x3e: {  	(xrf0) =	vmax.scan.msk.u32 $0xffff, v1;
	_ =	sdelay $0x4  }
0x3f: {  	v1, _, _ =	vpop (xrf0)  }
0x40: {  	(v2sf) =	vpush v1, $0xF;
	v1, _, _ =	vpop (xrf0)  }
0x41: {  	(v2sf) =	vpush v1, $0xF;
	_ =	sdelay $0xd  }
0x42: {  	s22 =	spop (v2sf)  }
0x43: {  	s16 =	sxor.u32 $0x80000000, s22;
	s30 =	spop (v2sf)  }
0x44: {  	s4 =	sadd.s32 s30, s16  }
0x45: {  	s4 =	sadd.s32 $0x80000000, s4  }
0x46: {  	p1 =	slt.s32 s4, $0x1  }
0x47: {  	p2 =	sgt.s32 @!p1 s16, $0x0  }
0x48: {  	s13 =	smov.u32 s12;
	p2 =	por !p2, p1  }
0x49: {  	s14 =	sshra.s32 @!p1 s16, $0x1F;
	s13 =	smov.u32 @p2 s11  }
0x4a: {  	s14 =	sand.u32 @!p1 s14, s16;
	s13 =	sshll.u32 @!p1 s13, $0x2  }
0x4b: {  	s14 =	smul.u32 @!p1 $0xFFFFFFA0, s14;
	s13 =	sor.u32 @!p1 s0, s13  }
0x4c: {  	s13 =	smul.u32 @!p1 $0x1460, s13;
	_ =	sdelay $0x1  }
0x4d: {  	s13 =	sadd.s32 @!p1 s14, s13  }
0x4e: {  	s13 =	sshrl.u32 @!p1 s13, $0x3  }
0x4f: {  	s15 =	simm.s32 @!p1 $0x0;
	s14 =	sadd.s32 @!p1 s6, s13  }
0x50: {  	[tilespmem:s15], [sflag:$0x3] =	stream.linear.gather @!p1 [hbm4b:s14+s15], $0x60, $0x38;
	[tilespmem:$0x1EC00] =	vst v63  }
0x51: {  	s14 =	simm.s32 @!p1 $0x3  }
0x52: {  	_ =	swait.ge @!p1 [sflag:s14], $0x60  }
0x53: {  	[sflag:s14] =	ssyncset.done @!p1 $0x0  }
0x54: {  	s21 =	simm.s32 @!p1 $0x100;
	s13 =	sadd.s32 @!p1 s8, s13;
	[sflag:s14] =	ssyncadd.s32 @!p1 $0xFFFFFFA0  }
0x55: {  	[tilespmem:s21], [sflag:$0x3] =	stream.linear.gather @!p1 [hbm4b:s13+s15], $0x60, $0x38;
	[tilespmem:$0x1EC00] =	vst v63  }
0x56: {  	_ =	swait.ge @!p1 [sflag:s14], $0x60  }
0x57: {  	s13 =	sshrl.u32 s4, $0x1;
	[sflag:s14] =	ssyncset.done @!p1 $0x0  }
0x58: {  	s21 =	simm.s32 @!p1 $0x300;
	[sflag:s14] =	ssyncadd.s32 @!p1 $0xFFFFFFA0;
	s14 =	simm.s32 @!p1 $0x60  }
0x59: {  	[tilespmem:s21], [sflag:$0x1] =	stream.indirect.gather @!p1 [hbm4b:s5+s14], $0x80, s15, s14, $0xb8;
	[tilespmem:$0x1EC00] =	vst v63  }
0x5a: {  	p1 =	seq.s32 s13, $0x0  }
.Ltmp4:
0x5b: {  	_ = 	snop;
	(pc) =	sbr.rel @p1 .LBB2_11-.Ltmp4, $1  }
0x5c: {  	_ =	sdelay $0x3  }
0x5d: {  	s13 =	sadd.s32 $0xFFFFFFFF, s13  }
0x5e: {  	p2 =	sne.s32 s13, $0x0  }
.Ltmp5:
0x5f: {  	p1 =	sgt.s32 s16, $0x1;
	s14 =	smov.u32 s11;
	(pc) =	sbr.rel @!p2 .LBB2_10-.Ltmp5, $4  }
0x60: {  	s15 =	smov.u32 s16;
	s14 =	smov.u32 @p1 s12  }
0x61: {  	s30 =	sadd.s32 s31, s17;
	s15 =	simm.s32 @p1 $0x0;
	s14 =	sshll.u32 s14, $0x2  }
0x62: {  	s21 =	simm.s32 $0x60;
	s18 =	sadd.s32 s14, s30;
	s14 =	smul.u32 $0x60, s15  }
0x63: {  	s22 =	simm.s32 $0x1;
	p1 =	por $0x0, $0x0;
	s15 =	smul.u32 $0x1460, s18  }
0x64: {  	_ = 	snop  }
0x65: {  	s14 =	ssub.s32 s15, s14  }
0x66: {  	s14 =	sadd.s32 $0x60, s14  }
0x67: {  	s14 =	sshrl.u32 s14, $0x3  }
0x68: {  	s19 =	sadd.s32 s6, s14  }
0x69: {  	[tilespmem:s23], [sflag:$0x3] =	stream.linear.gather [hbm4b:s19+s3], $0x60, $0x38;
	[tilespmem:$0x1EC00] =	vst v63  }
0x6a: {  	_ =	swait.ge [sflag:s20], $0x60  }
0x6b: {  	p1 =	sle.s32 s4, $0x2;
	[sflag:s20] =	ssyncset.done $0x0  }
0x6c: {  	p2 =	sgt.s32 @!p1 s16, $0x2;
	s14 =	sadd.s32 s8, s14;
	[sflag:s20] =	ssyncadd.s32 $0xFFFFFFA0  }
0x6d: {  	[tilespmem:s24], [sflag:$0x3] =	stream.linear.gather [hbm4b:s14+s3], $0x60, $0x38;
	[tilespmem:$0x1EC00] =	vst v63  }
0x6e: {  	p2 =	por !p2, p1;
	s14 =	smov.u32 s12  }
0x6f: {  	s15 =	smov.u32 s16;
	_ =	swait.ge [sflag:s20], $0x60;
	s14 =	smov.u32 @p2 s11  }
0x70: {  	s15 =	simm.s32 @!p2 $0x0;
	[sflag:s20] =	ssyncset.done $0x0;
	s14 =	sshll.u32 @!p1 s14, $0x2  }
0x71: {  	s15 =	smul.u32 @!p1 $0x60, s15;
	[sflag:s20] =	ssyncadd.s32 $0xFFFFFFA0;
	s14 =	sadd.s32 @!p1 s14, s30  }
0x72: {  	[tilespmem:s26], [sflag:$0x2] =	stream.indirect.gather [hbm4b:s5+s25], $0x80, s23, s25, $0xb8;
	[tilespmem:$0x1EC00] =	vst v63  }
0x73: {  	s14 =	smul.u32 @!p1 $0x1460, s14  }
0x74: {  	_ =	swait.ge [sflag:s28], $0x3000  }
0x75: {  	s18 =	rddreg [dreg:$0x5];
	[sflag:s28] =	ssyncset.done $0x0;
	s14 =	ssub.s32 @!p1 s14, s15  }
0x76: {  	s21 =	rddreg [dreg:$0x4];
	[sflag:s28] =	ssyncadd.s32 $0xFFFFD000;
	s14 =	sadd.s32 @!p1 $0x60, s14  }
0x77: {  	[spmem:s2] =	stream.indirect.scatter.add.f32 [tilespmem:s18], [sflag:$0x3], $0x80, s21, s25, $0xb8;
	[tilespmem:$0x1EC00] =	vst v63  }
0x78: {  	s13 =	sadd.s32 $0xFFFFFFFF, s13;
	s14 =	sadd.s32 @!p1 $0x60, s14;
	_ =	swait.ge [sflag:s20], $0x3000  }
0x79: {  	s15 =	simm.s32 @!p1 $0x3;
	s14 =	sshrl.u32 @!p1 s14, $0x3;
	[sflag:s20] =	ssyncset.done $0x0  }
0x7a: {  	s18 =	simm.s32 @!p1 $0x0;
	s21 =	sadd.s32 @!p1 s6, s14;
	[sflag:s20] =	ssyncadd.s32 $0xFFFFD000  }
0x7b: {  	[tilespmem:s18], [sflag:$0x3] =	stream.linear.gather @!p1 [hbm4b:s21+s18], $0x60, $0x38;
	[tilespmem:$0x1EC00] =	vst v63  }
0x7c: {  	p3 =	sgt.s32 s16, $0x3;
	s9 =	smov.u32 s16;
	_ =	swait.ge @!p1 [sflag:s15], $0x60  }
0x7d: {  	s9 =	simm.s32 @p3 $0x0;
	s22 =	simm.s32 @!p1 $0x60;
	[sflag:s15] =	ssyncset.done @!p1 $0x0  }
0x7e: {  	s14 =	sadd.s32 @!p1 s8, s14;
	s21 =	simm.s32 @!p1 $0x100;
	[sflag:s15] =	ssyncadd.s32 @!p1 $0xFFFFFFA0  }
0x7f: {  	[tilespmem:s21], [sflag:$0x3] =	stream.linear.gather @!p1 [hbm4b:s14+s18], $0x60, $0x38;
	[tilespmem:$0x1EC00] =	vst v63  }
0x80: {  	p2 =	sne.s32 s13, $0x0;
	s21 =	smov.u32 s11;
	_ =	swait.ge @!p1 [sflag:s15], $0x60  }
.Ltmp6:
0x81: {  	s21 =	smov.u32 @p3 s12;
	[sflag:s15] =	ssyncset.done @!p1 $0x0;
	(pc) =	sbr.rel @!p2 .LBB2_7-.Ltmp6, $4  }
0x82: {  	s14 =	simm.s32 @!p1 $0x300;
	s21 =	sshll.u32 s21, $0x2;
	[sflag:s15] =	ssyncadd.s32 @!p1 $0xFFFFFFA0  }
0x83: {  	[tilespmem:s14], [sflag:$0x1] =	stream.indirect.gather @!p1 [hbm4b:s5+s22], $0x80, s18, s22, $0xb8;
	[tilespmem:$0x1EC00] =	vst v63  }
0x84: {  	s21 =	sadd.s32 s21, s30;
	s22 =	simm.s32 $0x3;
	s14 =	smul.u32 $0x60, s9  }
0x85: {  	s15 =	smul.u32 $0x1460, s21;
	s21 =	simm.s32 $0x120;
	p1 =	por $0x1, $0x1  }
.LBB2_8:
0x86: {  	_ =	swait.ge [sflag:s29], $0x3000  }
0x87: {  	[sflag:s29] =	ssyncset.done $0x0  }
0x88: {  	s9 =	ssub.s32 s15, s14;
	[sflag:s29] =	ssyncadd.s32 $0xFFFFD000  }
0x89: {  	[spmem:s2] =	stream.indirect.scatter.add.f32 [tilespmem:s26], [sflag:$0x3], $0x80, s24, s25, $0xb8;
	[tilespmem:$0x1EC00] =	vst v63  }
0x8a: {  	s9 =	sadd.s32 s9, s21;
	_ =	swait.ge [sflag:s20], $0x3000  }
0x8b: {  	s9 =	sshrl.u32 s9, $0x3;
	[sflag:s20] =	ssyncset.done $0x0  }
0x8c: {  	s18 =	sadd.s32 s6, s9;
	[sflag:s20] =	ssyncadd.s32 $0xFFFFD000  }
0x8d: {  	[tilespmem:s23], [sflag:$0x3] =	stream.linear.gather [hbm4b:s18+s3], $0x60, $0x38;
	[tilespmem:$0x1EC00] =	vst v63  }
0x8e: {  	s14 =	sadd.s32 $0x1, s22;
	_ =	swait.ge [sflag:s20], $0x60  }
0x8f: {  	p3 =	sge.s32 s14, s4;
	[sflag:s20] =	ssyncset.done $0x0  }
0x90: {  	p4 =	slt.s32 @!p3 s14, s16;
	s9 =	sadd.s32 s8, s9;
	[sflag:s20] =	ssyncadd.s32 $0xFFFFFFA0  }
0x91: {  	[tilespmem:s24], [sflag:$0x3] =	stream.linear.gather [hbm4b:s9+s3], $0x60, $0x38;
	[tilespmem:$0x1EC00] =	vst v63  }
0x92: {  	p4 =	por !p4, p3;
	s9 =	smov.u32 s12  }
0x93: {  	s14 =	smov.u32 s16;
	_ =	swait.ge [sflag:s20], $0x60;
	s9 =	smov.u32 @p4 s11  }
0x94: {  	s14 =	simm.s32 @!p4 $0x0;
	[sflag:s20] =	ssyncset.done $0x0;
	s9 =	sshll.u32 @!p3 s9, $0x2  }
0x95: {  	s14 =	smul.u32 @!p3 $0x60, s14;
	[sflag:s20] =	ssyncadd.s32 $0xFFFFFFA0;
	s9 =	sadd.s32 @!p3 s9, s30  }
0x96: {  	[tilespmem:s26], [sflag:$0x2] =	stream.indirect.gather [hbm4b:s5+s25], $0x80, s23, s25, $0xb8;
	[tilespmem:$0x1EC00] =	vst v63  }
0x97: {  	s13 =	sadd.s32 $0xFFFFFFFF, s13;
	s9 =	smul.u32 @!p3 $0x1460, s9  }
0x98: {  	p2 =	sne.s32 s13, $0x0;
	_ =	swait.ge [sflag:s28], $0x3000  }
0x99: {  	s19 =	rddreg [dreg:$0x5];
	[sflag:s28] =	ssyncset.done $0x0;
	s9 =	ssub.s32 @!p3 s9, s14  }
0x9a: {  	s18 =	rddreg [dreg:$0x4];
	[sflag:s28] =	ssyncadd.s32 $0xFFFFD000;
	s9 =	sadd.s32 @!p3 s9, s21  }
0x9b: {  	[spmem:s2] =	stream.indirect.scatter.add.f32 [tilespmem:s19], [sflag:$0x3], $0x80, s18, s25, $0xb8;
	[tilespmem:$0x1EC00] =	vst v63  }
0x9c: {  	s22 =	sadd.s32 $0x2, s22;
	s9 =	sadd.s32 @!p3 $0x60, s9;
	_ =	swait.ge [sflag:s20], $0x3000  }
0x9d: {  	s17 =	simm.s32 @!p3 $0x0;
	s9 =	sshrl.u32 @!p3 s9, $0x3;
	[sflag:s20] =	ssyncset.done $0x0  }
0x9e: {  	s18 =	simm.s32 @!p3 $0x3;
	s14 =	sadd.s32 @!p3 s6, s9;
	[sflag:s20] =	ssyncadd.s32 $0xFFFFD000  }
0x9f: {  	[tilespmem:s17], [sflag:$0x3] =	stream.linear.gather @!p3 [hbm4b:s14+s17], $0x60, $0x38;
	[tilespmem:$0x1EC00] =	vst v63  }
0xa0: {  	s15 =	smov.u32 s16;
	p4 =	slt.s32 s22, s16;
	_ =	swait.ge @!p3 [sflag:s18], $0x60  }
0xa1: {  	s7 =	simm.s32 @!p3 $0x100;
	s15 =	simm.s32 @p4 $0x0;
	[sflag:s18] =	ssyncset.done @!p3 $0x0  }
0xa2: {  	s9 =	sadd.s32 @!p3 s8, s9;
	s14 =	smov.u32 s11;
	[sflag:s18] =	ssyncadd.s32 @!p3 $0xFFFFFFA0  }
0xa3: {  	[tilespmem:s7], [sflag:$0x3] =	stream.linear.gather @!p3 [hbm4b:s9+s17], $0x60, $0x38;
	[tilespmem:$0x1EC00] =	vst v63  }
.Ltmp7:
0xa4: {  	s21 =	sadd.s32 $0xC0, s21;
	s14 =	smov.u32 @p4 s12;
	(pc) =	sbr.rel @p2 .LBB2_8-.Ltmp7, $4  }
0xa5: {  	s19 =	simm.s32 @!p3 $0x300;
	s14 =	sshll.u32 s14, $0x2;
	_ =	swait.ge @!p3 [sflag:s18], $0x60  }
0xa6: {  	s7 =	sadd.s32 s14, s30;
	s14 =	smul.u32 $0x60, s15;
	[sflag:s18] =	ssyncset.done @!p3 $0x0  }
0xa7: {  	s9 =	simm.s32 @!p3 $0x60;
	s15 =	smul.u32 $0x1460, s7;
	[sflag:s18] =	ssyncadd.s32 @!p3 $0xFFFFFFA0  }
0xa8: {  	[tilespmem:s19], [sflag:$0x1] =	stream.indirect.gather @!p3 [hbm4b:s5+s9], $0x80, s17, s9, $0xb8;
	[tilespmem:$0x1EC00] =	vst v63  }
0xa9: {  	s17 =	rddreg [dreg:$0x6]  }
.LBB2_10:
0xaa: {  	_ =	swait.ge @p1 [sflag:s29], $0x3000  }
0xab: {  	[sflag:s29] =	ssyncset.done @p1 $0x0  }
0xac: {  	s7 =	ssub.s32 s15, s14;
	[sflag:s29] =	ssyncadd.s32 @p1 $0xFFFFD000  }
0xad: {  	[spmem:s2] =	stream.indirect.scatter.add.f32 @p1 [tilespmem:s26], [sflag:$0x3], $0x80, s24, s25, $0xb8;
	[tilespmem:$0x1EC00] =	vst v63  }
0xae: {  	s7 =	sadd.s32 s7, s21;
	_ =	swait.ge @p1 [sflag:s20], $0x3000  }
0xaf: {  	s7 =	sshrl.u32 s7, $0x3;
	[sflag:s20] =	ssyncset.done @p1 $0x0  }
0xb0: {  	s9 =	sadd.s32 s6, s7;
	[sflag:s20] =	ssyncadd.s32 @p1 $0xFFFFD000  }
0xb1: {  	[tilespmem:s23], [sflag:$0x3] =	stream.linear.gather [hbm4b:s9+s3], $0x60, $0x38;
	[tilespmem:$0x1EC00] =	vst v63  }
0xb2: {  	s9 =	sadd.s32 $0x1, s22;
	_ =	swait.ge [sflag:s20], $0x60  }
0xb3: {  	p1 =	sge.s32 s9, s4;
	[sflag:s20] =	ssyncset.done $0x0  }
0xb4: {  	s7 =	sadd.s32 s8, s7;
	p2 =	slt.s32 @!p1 s9, s16;
	[sflag:s20] =	ssyncadd.s32 $0xFFFFFFA0  }
0xb5: {  	[tilespmem:s24], [sflag:$0x3] =	stream.linear.gather [hbm4b:s7+s3], $0x60, $0x38;
	[tilespmem:$0x1EC00] =	vst v63  }
0xb6: {  	p2 =	por !p2, p1;
	s7 =	smov.u32 s12  }
0xb7: {  	_ =	swait.ge [sflag:s20], $0x60;
	s7 =	smov.u32 @p2 s11  }
0xb8: {  	s16 =	simm.s32 @!p2 $0x0;
	[sflag:s20] =	ssyncset.done $0x0;
	s7 =	sshll.u32 @!p1 s7, $0x2  }
0xb9: {  	s9 =	smul.u32 @!p1 $0x60, s16;
	[sflag:s20] =	ssyncadd.s32 $0xFFFFFFA0;
	s7 =	sadd.s32 @!p1 s7, s30  }
0xba: {  	[tilespmem:s26], [sflag:$0x2] =	stream.indirect.gather [hbm4b:s5+s25], $0x80, s23, s25, $0xb8;
	[tilespmem:$0x1EC00] =	vst v63  }
0xbb: {  	s7 =	smul.u32 @!p1 $0x1460, s7  }
0xbc: {  	_ =	swait.ge [sflag:s28], $0x3000  }
0xbd: {  	s13 =	rddreg [dreg:$0x5];
	[sflag:s28] =	ssyncset.done $0x0;
	s7 =	ssub.s32 @!p1 s7, s9  }
0xbe: {  	s30 =	rddreg [dreg:$0x4];
	[sflag:s28] =	ssyncadd.s32 $0xFFFFD000;
	s7 =	sadd.s32 @!p1 s7, s21  }
0xbf: {  	[spmem:s2] =	stream.indirect.scatter.add.f32 [tilespmem:s13], [sflag:$0x3], $0x80, s30, s25, $0xb8;
	[tilespmem:$0x1EC00] =	vst v63  }
0xc0: {  	s7 =	sadd.s32 @!p1 $0x60, s7;
	_ =	swait.ge [sflag:s20], $0x3000  }
0xc1: {  	s9 =	simm.s32 @!p1 $0x3;
	s7 =	sshrl.u32 @!p1 s7, $0x3;
	[sflag:s20] =	ssyncset.done $0x0  }
0xc2: {  	s13 =	simm.s32 @!p1 $0x0;
	s14 =	sadd.s32 @!p1 s6, s7;
	[sflag:s20] =	ssyncadd.s32 $0xFFFFD000  }
0xc3: {  	[tilespmem:s13], [sflag:$0x3] =	stream.linear.gather @!p1 [hbm4b:s14+s13], $0x60, $0x38;
	[tilespmem:$0x1EC00] =	vst v63  }
0xc4: {  	_ =	swait.ge @!p1 [sflag:s9], $0x60  }
0xc5: {  	[sflag:s9] =	ssyncset.done @!p1 $0x0  }
0xc6: {  	s7 =	sadd.s32 @!p1 s8, s7;
	s14 =	simm.s32 @!p1 $0x100;
	[sflag:s9] =	ssyncadd.s32 @!p1 $0xFFFFFFA0  }
0xc7: {  	[tilespmem:s14], [sflag:$0x3] =	stream.linear.gather @!p1 [hbm4b:s7+s13], $0x60, $0x38;
	[tilespmem:$0x1EC00] =	vst v63  }
0xc8: {  	_ =	swait.ge @!p1 [sflag:s9], $0x60  }
0xc9: {  	[sflag:s9] =	ssyncset.done @!p1 $0x0  }
0xca: {  	s7 =	simm.s32 @!p1 $0x300;
	s14 =	simm.s32 @!p1 $0x60;
	[sflag:s9] =	ssyncadd.s32 @!p1 $0xFFFFFFA0  }
0xcb: {  	[tilespmem:s7], [sflag:$0x1] =	stream.indirect.gather @!p1 [hbm4b:s5+s14], $0x80, s13, s14, $0xb8;
	[tilespmem:$0x1EC00] =	vst v63  }
0xcc: {  	_ =	swait.ge [sflag:s29], $0x3000  }
0xcd: {  	[sflag:s29] =	ssyncset.done $0x0  }
0xce: {  	[sflag:s29] =	ssyncadd.s32 $0xFFFFD000  }
0xcf: {  	[spmem:s2] =	stream.indirect.scatter.add.f32 [tilespmem:s26], [sflag:$0x3], $0x80, s24, s25, $0xb8;
	[tilespmem:$0x1EC00] =	vst v63  }
0xd0: {  	_ =	swait.ge [sflag:s20], $0x3000  }
0xd1: {  	[sflag:s20] =	ssyncset.done $0x0  }
0xd2: {  	[sflag:s20] =	ssyncadd.s32 $0xFFFFD000  }
.LBB2_11:
0xd3: {  	s4 =	sand.u32 $0x1, s4  }
0xd4: {  	p1 =	seq.s32 s4, $0x0  }
0xd5: {  	s4 =	simm.s32 @!p1 $0x1  }
0xd6: {  	_ =	swait.ge @!p1 [sflag:s4], $0x3000  }
0xd7: {  	s7 =	simm.s32 @!p1 $0x100;
	[sflag:s4] =	ssyncset.done @!p1 $0x0  }
0xd8: {  	s9 =	simm.s32 @!p1 $0x300;
	[sflag:s4] =	ssyncadd.s32 @!p1 $0xFFFFD000;
	s4 =	simm.s32 @!p1 $0x60  }
0xd9: {  	[spmem:s2] =	stream.indirect.scatter.add.f32 @!p1 [tilespmem:s9], [sflag:$0x3], $0x80, s7, s4, $0xb8;
	[tilespmem:$0x1EC00] =	vst v63  }
0xda: {  	s4 =	simm.s32 @!p1 $0x3  }
0xdb: {  	_ =	swait.ge @!p1 [sflag:s4], $0x3000  }
0xdc: {  	[sflag:s4] =	ssyncset.done @!p1 $0x0  }
0xdd: {  	[sflag:s4] =	ssyncadd.s32 @!p1 $0xFFFFD000  }
0xde: {  	p2 =	seq.s32 s0, $0x3;
	s0 =	simm.s32 $0x619;
	[bflag:$0x0] =	sbarrier.arrive $0xFFFF  }
0xdf: {  	s0 =	simm.s32 @!p2 $0x61B;
	s21 =	rddreg [dreg:$0xa]  }
0xe0: {  	s0 =	sadd.s32 s0, s21  }
0xe1: {  	s18 =	sadd.s32 s31, s17;
	s7 =	sshrl.u32 s0, $0x4  }
0xe2: {  	s19 =	smul.u32 $0x30D80, s18;
	s22 =	rddreg [dreg:$0xd];
	p1 =	sne.s32 s7, $0x1  }
.Ltmp8:
0xe3: {  	s30 =	rddreg [dreg:$0xe];
	(pc) =	sbr.rel @!p1 .LBB2_13-.Ltmp8, $4  }
0xe4: {  	s31 =	sshrl.u32 s30, $0x3;
	s0 =	sadd.s32 s19, s22  }
0xe5: {  	[hbm:s0], [sflag:s10] =	dma.local [spmem:s31], $0x80  }
0xe6: {  	_ =	swait.ge [sflag:s20], $0x80  }
0xe7: {  	s13 =	sadd.s32 $0x4000, s30;
	s4 =	sadd.s32 $0xFFFFFFFF, s7;
	[sflag:s20] =	ssyncset.done $0x0  }
.LBB2_12:
0xe8: {  	s7 =	sshrl.u32 s13, $0x3  }
0xe9: {  	[sflag:s20] =	ssyncadd.s32 $0xFFFFFF80;
	s0 =	sadd.s32 $0x800, s0;
	p1 =	sne.s32 s4, $0x1  }
0xea: {  	[hbm:s0], [sflag:s10] =	dma.local [spmem:s7], $0x80  }
.Ltmp9:
0xeb: {  	_ = 	snop;
	(pc) =	sbr.rel @p1 .LBB2_12-.Ltmp9, $4  }
0xec: {  	_ = 	snop  }
0xed: {  	s4 =	sadd.s32 $0xFFFFFFFF, s4  }
0xee: {  	_ =	swait.ge [sflag:s20], $0x80  }
0xef: {  	s13 =	sadd.s32 $0x4000, s13;
	[sflag:s20] =	ssyncset.done $0x0  }
.LBB2_13:
.Ltmp10:
0xf0: {  	(pc) =	sbr.rel @p0 .LBB2_2-.Ltmp10, $4  }
.Ltmp11:
0xf1: {  	(pc) =	sbr.rel @!p0 .LBB2_14-.Ltmp11, $4  }
0xf2: {  	[sflag:s20] =	ssyncadd.s32 $0xFFFFFF80  }
0xf3: {  	[bflag:$0x0] =	sbarrier.arrive $0xFFFF  }
0xf4: {  	s31 =	simm.s32 $0x2;
	p1 =	por $0x0, $0x0  }
0xf5: {  	_ = 	snop  }
.LBB2_7:
.Ltmp12:
0xf6: {  	(pc) =	sbr.rel .LBB2_10-.Ltmp12, $2  }
0xf7: {  	_ =	sdelay $0x2  }
0xf8: {  	s17 =	rddreg [dreg:$0x6]  }
.LBB2_15:
0xf9: {  	_ =	sfence.sel $0x180000  }
0xfa: {  	[bflag:$0x0] =	sbarrier.arrive $0xFFFF  }
0xfb: {  	_ =	strace $0x9000004D  }
0xfc: {  	s0 =	stileid.u32;
	[bflag:$0x2] =	sbarrier.arrive $0xFFFF  }
0xfd: {  	p0 =	sne.s32 s0, $0x0;
	s0 =	rddreg [dreg:$0x3]  }
0xfe: {  	s0 =	sadd.s32 @!p0 $0x100000, s0  }
0xff: {  	[sflag:s0] =	ssyncadd.tile.s32 @!p0 $0x1;
	_ =	shalt  }
.Lfunc_end2:
_tile_overlayer_lowered:
.L_overlay_start_2:
0x100: {  	(tag) =	ssettag $0x2  }
0x101: {  	s0 =	rddreg [dreg:$0x0];
	s2 =	stileid.u32  }
0x102: {  	s1 =	rddreg [dreg:$0x1];
	p0 =	sne.s32 s2, $0x0  }
0x103: {  	s3 =	rddreg [dreg:$0x2];
	[bflag:$0x3] =	sbarrier.arrive $0xFFFF;
	s2 =	simm.s32 @!p0 $0x1C03  }
0x104: {  	[timem:s3], [sflag:s2] =	dma.local @!p0 [hbm:s0], s1  }
0x105: {  	s0 =	simm.s32 @!p0 $0x3  }
0x106: {  	_ =	swait.ge @!p0 [sflag:s0], s1  }
0x107: {  	s1 =	ssub.s32 @!p0 $0x0, s1;
	[sflag:s0] =	ssyncset.done @!p0 $0x0  }
0x108: {  	[sflag:s0] =	ssyncadd.s32 @!p0 s1  }
0x109: {  	[bflag:$0x3] =	sbarrier.arrive $0xFFFF  }
0x10a: {  	_ =	shalt  }

// kernel: kernel.9.cloned.1.call-start
scs
__scs_entry_jumppad:
0x0: {  	(pc) =	sbr.rel $0x88, $3  }
0x1: {  	(tag) =	ssettag $0x0;
	lr =	simm.s32 $0x1  }
0x2: {  	[smem:$0x3F8C] =	sst lr;
	_ =	strace $0xD0000000  }
0x3: {  	_ = 	snop  }
0x4: {  	_ = 	snop  }
0x5: {  	_ = 	snop  }
0x6: {  	_ = 	snop  }
0x7: {  	_ = 	snop  }
__scs_overlays_trampoline_lowered:
0x8: {  	[smem:$0x3F9B] =	sst s0  }
0x9: {  	[smem:$0x3F9C] =	sst s1  }
0xa: {  	[smem:$0x3F9D] =	sst s2  }
0xb: {  	[smem:$0x3F9E] =	sst s3  }
0xc: {  	[smem:$0x3F9F] =	sst s4  }
0xd: {  	[smem:$0x3FA0] =	sst s5  }
0xe: {  	[smem:$0x3FA1] =	sst s6  }
0xf: {  	[smem:$0x3FA2] =	sst s7  }
0x10: {  	[smem:$0x3FA3] =	sst s8  }
0x11: {  	[smem:$0x3FA4] =	sst s9;
	s0 =	simm.s32 @!p0 $0x0  }
0x12: {  	s1 =	sld [smem:$0x3F8A];
	s0 =	simm.s32 @p0 $0x1  }
0x13: {  	[smem:$0x3FA5] =	sst s0;
	s0 =	simm.s32 @!p1 $0x0  }
0x14: {  	s2 =	sld [smem:$0x3F89];
	s0 =	simm.s32 @p1 $0x1  }
0x15: {  	[smem:$0x3FA6] =	sst s0;
	s0 =	simm.s32 @!p2 $0x0  }
0x16: {  	s3 =	sld [smem:$0x3FDB];
	s0 =	simm.s32 @p2 $0x1  }
0x17: {  	s4 =	simm.s32 $0x1BF5;
	[smem:$0x3FA8] =	sst s0  }
0x18: {  	s0 =	sld [smem:$0x3F8B];
	_ =	swait.ge [sflag:s4], $0x0  }
0x19: {  	s7 =	sld [smem:$0x3F8C]  }
0x1a: {  	s8 =	sadd.s32 $0xFFFFE003, lr  }
0x1b: {  	s9 =	sadd.s32 $0xFFFFFEF7, lr;
	s5 =	simm.s32 $0xFFFFFFFF;
	p2 =	slt.u32 s8, $0xFFFFF086  }
0x1c: {  	p1 =	slt.u32 s9, $0xF7A;
	s5 =	simm.s32 @!p2 $0x0  }
0x1d: {  	s5 =	simm.s32 @p1 $0x1;
	p0 =	seq.s32 s7, s2  }
0x1e: {  	s7 =	smul.u32 @!p0 $0xF7A, s2;
	p2 =	seq.s32 @!p0 s5, $0x0  }
0x1f: {  	s9 =	smul.u32 $0xF7A, s1;
	s8 =	simm.s32 @!p0 $0x1BF5;
	p2 =	por !p2, p0  }
0x20: {  	[sflag:s8] =	ssyncset.s32 @!p0 $0xFFFFF086;
	s6 =	sadd.s32 @!p0 s3, s7;
	s7 =	simm.s32 @!p0 $0x108  }
0x21: {  	s3 =	sadd.s32 s3, s9;
	s6 =	sadd.s32 @!p0 $0x88, s6;
	s7 =	simm.s32 @p2 $0x1082  }
0x22: {  	[simem:s7], [sflag:s8] =	dma.local @!p0 [hbm:s6], $0xF7A  }
0x23: {  	s9 =	sor.u32 $0xD0000000, s2;
	s6 =	simm.s32 $0x108;
	_ =	swait.ge @!p0 [sflag:s8], $0x0  }
0x24: {  	s3 =	sadd.s32 $0x88, s3;
	s6 =	simm.s32 @!p1 $0x1082;
	[sflag:s4] =	ssyncset.s32 $0xFFFFF086  }
0x25: {  	[simem:s6], [sflag:s4] =	dma.local [hbm:s3], $0xF7A  }
0x26: {  	[smem:$0x3F8C] =	sst s1;
	(tag) =	ssettag s2;
	_ =	strace s9  }
0x27: {  	s1 =	sld [smem:$0x3F9C]  }
0x28: {  	s2 =	sld [smem:$0x3F9D]  }
0x29: {  	s4 =	sld [smem:$0x3F9F]  }
0x2a: {  	p0 =	seq.s32 s5, $0x0;
	s5 =	sld [smem:$0x3FA0]  }
0x2b: {  	s6 =	sld [smem:$0x3FA1]  }
0x2c: {  	s7 =	sld [smem:$0x3FA2]  }
0x2d: {  	s3 =	simm.s32 $0x108;
	s8 =	sld [smem:$0x3FA3]  }
0x2e: {  	s3 =	simm.s32 @!p0 $0x1082;
	s9 =	sld [smem:$0x3FA4]  }
0x2f: {  	lr =	sadd.s32 s0, s3;
	s0 =	sld [smem:$0x3F9B]  }
0x30: {  	s3 =	sld [smem:$0x3F9E]  }
0x31: {  	[smem:$0x3FA7] =	sst s10  }
0x32: {  	s10 =	sld [smem:$0x3FA5];
	_ =	sdelay $0x3  }
0x33: {  	p0 =	seq.s32 s10, $0x1;
	s10 =	sld [smem:$0x3FA7];
	_ =	sdelay $0x3  }
0x34: {  	[smem:$0x3FA7] =	sst s10  }
0x35: {  	s10 =	sld [smem:$0x3FA6];
	_ =	sdelay $0x3  }
0x36: {  	p1 =	seq.s32 s10, $0x1;
	s10 =	sld [smem:$0x3FA7];
	_ =	sdelay $0x3  }
0x37: {  	[smem:$0x3FA7] =	sst s10  }
0x38: {  	s10 =	sld [smem:$0x3FA8]  }
0x39: {  	_ = 	snop;
	(pc) =	sbr.ind lr, $3  }
0x3a: {  	_ = 	snop  }
0x3b: {  	_ = 	snop  }
0x3c: {  	p2 =	seq.s32 s10, $0x1;
	s10 =	sld [smem:$0x3FA7]  }
0x3d: {  	_ =	shalt  }
0x3e: {  	_ =	shalt  }
0x3f: {  	_ =	shalt  }
0x40: {  	_ =	shalt  }
0x41: {  	_ =	shalt  }
0x42: {  	_ =	shalt  }
0x43: {  	_ =	shalt  }
0x44: {  	_ =	shalt  }
0x45: {  	_ =	shalt  }
0x46: {  	_ =	shalt  }
0x47: {  	_ =	shalt  }
0x48: {  	_ =	shalt  }
0x49: {  	_ =	shalt  }
0x4a: {  	_ =	shalt  }
0x4b: {  	_ =	shalt  }
0x4c: {  	_ =	shalt  }
0x4d: {  	_ =	shalt  }
0x4e: {  	_ =	shalt  }
0x4f: {  	_ =	shalt  }
0x50: {  	_ =	shalt  }
0x51: {  	_ =	shalt  }
0x52: {  	_ =	shalt  }
0x53: {  	_ =	shalt  }
0x54: {  	_ =	shalt  }
0x55: {  	_ =	shalt  }
0x56: {  	_ =	shalt  }
0x57: {  	_ =	shalt  }
0x58: {  	_ =	shalt  }
0x59: {  	_ =	shalt  }
0x5a: {  	_ =	shalt  }
0x5b: {  	_ =	shalt  }
0x5c: {  	_ =	shalt  }
0x5d: {  	_ =	shalt  }
0x5e: {  	_ =	shalt  }
0x5f: {  	_ =	shalt  }
0x60: {  	_ =	shalt  }
0x61: {  	_ =	shalt  }
0x62: {  	_ =	shalt  }
0x63: {  	_ =	shalt  }
0x64: {  	_ =	shalt  }
0x65: {  	_ =	shalt  }
0x66: {  	_ =	shalt  }
0x67: {  	_ =	shalt  }
0x68: {  	_ =	shalt  }
0x69: {  	_ =	shalt  }
0x6a: {  	_ =	shalt  }
0x6b: {  	_ =	shalt  }
0x6c: {  	_ =	shalt  }
0x6d: {  	_ =	shalt  }
0x6e: {  	_ =	shalt  }
0x6f: {  	_ =	shalt  }
0x70: {  	_ =	shalt  }
0x71: {  	_ =	shalt  }
0x72: {  	_ =	shalt  }
0x73: {  	_ =	shalt  }
0x74: {  	_ =	shalt  }
0x75: {  	_ =	shalt  }
0x76: {  	_ =	shalt  }
0x77: {  	_ =	shalt  }
0x78: {  	_ =	shalt  }
0x79: {  	_ =	shalt  }
0x7a: {  	_ =	shalt  }
0x7b: {  	_ =	shalt  }
0x7c: {  	_ =	shalt  }
0x7d: {  	_ =	shalt  }
0x7e: {  	_ =	shalt  }
0x7f: {  	_ =	shalt  }
0x80: {  	_ =	shalt  }
0x81: {  	_ =	shalt  }
0x82: {  	_ =	shalt  }
0x83: {  	_ =	shalt  }
0x84: {  	_ =	shalt  }
0x85: {  	_ =	shalt  }
0x86: {  	_ =	shalt  }
0x87: {  	_ =	shalt  }
.Lfunc_end0:
.L_simem_size_0:
called_computation_lowered:
.L_overlay_start_0:
0x88: {  	s2 =	sld [smem:$0x3FD9]  }
0x89: {  	s3 =	sld [smem:$0x3FFE];
	_ =	sdelay $0x1  }
0x8a: {  	s1 =	srdreg.scid  }
0x8b: {  	s0 =	sand.u32 $0x1, s1  }
0x8c: {  	s17 =	sshll.u32 s0, $0xA;
	s2 =	sadd.s32 s3, s2  }
0x8d: {  	s2 =	sadd.s32 s2, s17  }
0x8e: {  	[smem:$0x3FB3] =	sst s2  }
0x8f: {  	_ = 	snop  }
0x90: {  	(tm) =	ssettm $0x1  }
0x91: {  	s18 =	sld [smem:$0x3FFB];
	_ =	sdelay $0x3  }
0x92: {  	_ =	strace s18  }
0x93: {  	s2 =	sld [smem:$0x3FFC];
	_ =	sdelay $0x3  }
0x94: {  	_ =	strace s2  }
0x95: {  	s2 =	sld [smem:$0x3FFD];
	_ =	sdelay $0x3  }
0x96: {  	_ =	strace s2  }
0x97: {  	_ =	strace $0x8FFFFFFF  }
0x98: {  	s19 =	sld [smem:$0x3FDB];
	_ =	sdelay $0x1  }
0x99: {  	s20 =	simm.s32 $_scs_section_size  }
0x9a: {  	s4 =	simm.s32 $_size__tile_overlayer_lowered;
	s5 =	simm.s32 $_tile_overlayer_lowered  }
0x9b: {  	s6 =	simm.s32 $0x1BFF;
	s21 =	sshll.u32 s5, $0x1;
	s3 =	sadd.s32 s20, s19  }
0x9c: {  	s22 =	simm.s32 $0x0;
	s4 =	sshll.u32 s4, $0x1;
	s5 =	sadd.s32 s21, s3  }
0x9d: {  	[timem:s22], [sflag:s6] =	dma.local [hbm:s5], s4  }
0x9e: {  	_ =	swait.ge [sflag:s6], s4  }
0x9f: {  	s4 =	ssub.s32 $0x0, s4;
	[sflag:s6] =	ssyncset.done $0x0  }
0xa0: {  	[sflag:s6] =	ssyncadd.s32 s4;
	_ =	sdelay $0x1  }
0xa1: {  	s23 =	simm.s32 $0x1B8B  }
0xa2: {  	_ =	swait.ge [sflag:s23], $0x1  }
0xa3: {  	[sflag:s23] =	ssyncset.done $0x0  }
0xa4: {  	[sflag:s23] =	ssyncadd.s32 $0xFFFFFFFF  }
0xa5: {  	s4 =	sld [smem:$0x0]  }
0xa6: {  	s5 =	sand.u32 $0xFFFFFFFE, s1  }
0xa7: {  	p0 =	sne.s32 s1, s5  }
0xa8: {  	s5 =	sshll.u32 @p0 s5, $0xE  }
0xa9: {  	s5 =	sadd.s32 @p0 $0x11B8D, s5;
	s6 =	sshll.u32 @p0 s4, $0x11  }
0xaa: {  	s5 =	sor.u32 @p0 s6, s5  }
0xab: {  	[sflag:s5] =	ssyncadd.remote.s32 @p0 $0x1;
	_ =	sdelay $0x1  }
0xac: {  	s5 =	simm.s32 @p0 $0x1B8D  }
0xad: {  	_ =	swait.eq @p0 [sflag:s5], $0x1  }
0xae: {  	[sflag:s5] =	ssyncadd.s32 @p0 $0xFFFFFFFF  }
0xaf: {  	s6 =	sshll.u32 @!p0 s1, $0xE  }
0xb0: {  	s6 =	sor.u32 @!p0 $0x4000, s6;
	s5 =	simm.s32 @!p0 $0x1B8D  }
0xb1: {  	s4 =	sshll.u32 @!p0 s4, $0x11;
	s6 =	sadd.s32 @!p0 $0x11B8D, s6;
	_ =	swait.eq @!p0 [sflag:s5], $0x1  }
0xb2: {  	s4 =	sor.u32 @!p0 s4, s6;
	[sflag:s5] =	ssyncadd.s32 @!p0 $0xFFFFFFFF  }
0xb3: {  	s25 =	simm.s32 $0x1B8E;
	s24 =	sld [smem:$0x3FFE];
	[sflag:s4] =	ssyncadd.remote.s32 @!p0 $0x1  }
0xb4: {  	s26 =	simm.s32 $execute0_lowered;
	[smem:$0x3FD2] =	sst s25  }
0xb5: {  	s5 =	sshll.u32 s26, $0x1;
	_ =	strace $0x80000049;
	[dreg:$0x1] =	wrdreg $0xFFFFFFFF  }
0xb6: {  	s28 =	simm.s32 $_size_execute0_lowered;
	s3 =	sadd.s32 s3, s5;
	[dreg:$0x0] =	wrdreg $0x0  }
0xb7: {  	s5 =	sshll.u32 s28, $0x1;
	[dreg:$0x2] =	wrdreg s3  }
0xb8: {  	[dreg:$0x3] =	wrdreg s5  }
0xb9: {  	[dreg:$0x4] =	wrdreg $0xC0  }
0xba: {  	_ =	task [dreg:s22], $0x5FFFF  }
0xbb: {  	[dreg:$0x1] =	wrdreg $0xFFFFFFFF  }
0xbc: {  	[dreg:$0x0] =	wrdreg $0x60  }
0xbd: {  	[dreg:$0x2] =	wrdreg s24  }
0xbe: {  	[dreg:$0x3] =	wrdreg $0x9  }
0xbf: {  	_ =	task.clear_ibuf [dreg:s22], $0x4FFFF;
	_ =	strace $0x90000049  }
0xc0: {  	s29 =	simm.s32 $0x9;
	_ =	strace $0x8000004B  }
0xc1: {  	_ =	swait.ge [sflag:s29], $0x1  }
0xc2: {  	[sflag:s29] =	ssyncadd.s32 $0xFFFFFFFF  }
0xc3: {  	_ =	strace $0x9000004B  }
0xc4: {  	_ =	sfence  }
0xc5: {  	s30 =	sld [smem:$0x0];
	_ =	sdelay $0x2  }
0xc6: {  	s31 =	sshll.u32 s1, $0xD;
	s1 =	sshrl.u32 s1, $0x2  }
0xc7: {  	s4 =	sand.u32 $0x4000, s31;
	s1 =	sadd.s32 s1, s30  }
0xc8: {  	s0 =	sor.u32 s4, s0;
	s1 =	sshll.u32 s1, $0x11  }
0xc9: {  	s0 =	sor.u32 s1, s0  }
0xca: {  	s0 =	sadd.s32 $0x8F2B, s0  }
0xcb: {  	[sflag:s0] =	ssyncadd.remote.s32 $0x1  }
0xcc: {  	_ =	sfence.sel $0xFFFF  }
0xcd: {  	[dreg:$0x0] =	wrdreg $0xFFFFFFFF;
	(pc) =	sbr.abs _section_cstart, $3  }
0xce: {  	[dreg:$0x1] =	wrdreg $0xFFFFFFFF  }
0xcf: {  	_ =	task.clear_ibuf [dreg:s22], $0x2FFFF;
	_ =	strace $0x9FFFFFFF  }
0xd0: {  	(tm) =	ssettm $0x7FFFFFFF  }
0xd1: {  	_ =	shalt  }
tec
execute0_lowered:
.L_overlay_start_1:
0x0: {  	(tag) =	ssettag $0x1  }
0x1: {  	s0 =	srdreg.scid;
	s10 =	stileid.u32  }
0x2: {  	s0 =	sand.u32 $0x1, s0;
	s1 =	sshll.u32 s10, $0x1;
	s26 =	smul.u32 $0x2800, s10  }
0x3: {  	s1 =	sor.u32 s0, s1;
	s8 =	ssub.s32 $0x2, s0;
	s0 =	smul.u32 $0x1400, s0  }
0x4: {  	s2 =	rddreg [dreg:$0x0];
	s22 =	simm.s32 $0x0;
	s3 =	smul.u32 $0x1400, s1  }
0x5: {  	[smem:$0x7FF] =	sst s22;
	s5 =	sadd.s32 $0x2BAC00, s2;
	s9 =	smul.u32 $0x5180, s1  }
0x6: {  	s6 =	sadd.s32 $0x2CF200, s2;
	s7 =	sshll.u32 s1, $0x1;
	s1 =	smul.u32 $0xA30, s1  }
0x7: {  	_ =	strace $0x8000004A;
	s0 =	sadd.s32 s0, s26;
	s4 =	sshrl.u32 s3, $0x3  }
0x8: {  	s18 =	sshrl.u32 s9, $0x3;
	s19 =	sadd.s32 s5, s1;
	[dreg:$0xd] =	wrdreg s0  }
0x9: {  	s1 =	sadd.s32 s6, s1;
	s4 =	sadd.s32 s4, s2;
	[dreg:$0x3] =	wrdreg s19  }
0xa: {  	[dreg:$0x4] =	wrdreg s1;
	s20 =	sadd.s32 $0x28C, s18;
	s4 =	sadd.s32 $0x9A00, s4  }
0xb: {  	s21 =	sadd.s32 s5, s20;
	[dreg:$0x2] =	wrdreg s4  }
0xc: {  	v2 =	vimm.s32 $0xECA86420;
	v1 =	vlaneseq.u32;
	s23 =	sadd.s32 $0x518, s18;
	s1 =	sadd.s32 s6, s20;
	[dreg:$0x5] =	wrdreg s21  }
0xd: {  	v3 =	vimm.s32 $0x30D8;
	vm0 =	vcmask $0xB08;
	vm1 =	vcmask $0x1310;
	s25 =	sadd.s32 $0x7A4, s18;
	s24 =	sadd.s32 s5, s23;
	[dreg:$0x6] =	wrdreg s1  }
0xe: {  	vm2 =	vcmask $0x1B18;
	vm3 =	vcmask $0x300;
	vm4 =	vcmask $0x2320;
	s17 =	sshrl.u32 s8, $0x1;
	s28 =	sadd.s32 s5, s25;
	[dreg:$0x7] =	wrdreg s24  }
0xf: {  	vm5 =	vcmask $0x2B28;
	vm6 =	vcmask $0x3330;
	vm7 =	vcmask $0x3B38;
	s2 =	sadd.s32 s7, s2;
	s29 =	sadd.s32 s6, s25;
	[dreg:$0x9] =	wrdreg s28  }
0x10: {  	vm8 =	vmmov $0xff;
	vm13 =	vcmask $0x2724;
	vm14 =	vcmask $0x2F2C;
	s7 =	ssub.s32 s8, s17;
	s30 =	sadd.s32 $0x2E3800, s2;
	[dreg:$0xa] =	wrdreg s29  }
0x11: {  	s16 =	simm.s32 $0x1400;
	vm9 =	vmmov $0x1;
	v6 =	vimm.s32 $0x0;
	v4 =	vunpack.c.l.s4.s8 v2;
	s31 =	smax.u32 s7, $0x1;
	[dreg:$0xb] =	wrdreg s30  }
0x12: {  	vm15 =	vcmask $0x3734;
	v2 =	vimm.s32 $0x0;
	v6 =	vsel vm9, $0xFFFFFFFF, v6;
	s17 =	simm.s32 $0x6580;
	s1 =	sadd.s32 s6, s23;
	[dreg:$0xc] =	wrdreg s31  }
0x13: {  	v5 =	vmul.u32 $0x2, v1;
	[tilespmem:$0x1FFF0] =	vst v6;
	v4 =	vunpack.c.0.s8.s32 v4;
	v0 =	vmov s3;
	s23 =	simm.s32 $0x1;
	[dreg:$0x8] =	wrdreg s1;
	s1 =	simm.s32 $0x0  }
.LBB2_1:
0x14: {  	[dreg:$0xe] =	wrdreg s1  }
0x15: {  	s0 =	rddreg [dreg:$0x2]  }
0x16: {  	[tilespmem:s22], [sflag:$0x1] =	stream.linear.gather [hbm4b:s0+s22], $0x1400, $0x38;
	[tilespmem:$0xB780] =	vst v63  }
0x17: {  	_ =	swait.ge [sflag:s23], $0x1400  }
0x18: {  	[sflag:s23] =	ssyncset.done $0x0  }
0x19: {  	s20 =	simm.s32 $0x0;
	[sflag:s23] =	ssyncadd.s32 $0xFFFFEC00  }
0x1a: {  	v6 =	vld [tilespmem:s20+$0x0];
	_ =	sdelay $0x4  }
0x1b: {  	vm9 =	vlt.u32 v6, $0x30D8;
	v7 =	vadd.s32 $0xFFFFCF28, v6  }
0x1c: {  	v9 =	vadd.s32 $0xFFFF9E50, v6;
	v8 =	vsel vm9, $0x1, v2;
	vm10 =	vlt.u32 v7, $0x30D8  }
0x1d: {  	v10 =	vadd.s32 $0xFFFF6D78, v6;
	vm11 =	vlt.u32 v9, $0x30D8;
	v11 =	vsel vm10, $0x1, v2;
	(xrf0) =	vadd.scan.msk.s32 $0xffff, v8  }
0x1e: {  	vm12 =	vlt.u32 v10, $0x30C8;
	v8 =	vsel vm11, $0x1, v2;
	(xrf0) =	vadd.scan.msk.s32 $0xffff, v11  }
0x1f: {  	v11 =	vsel vm12, $0x1, v2;
	(xrf0) =	vadd.scan.msk.s32 $0xffff, v8  }
0x20: {  	s21 =	simm.s32 $0x1460;
	v8 =	vmov s22;
	(xrf0) =	vadd.scan.msk.s32 $0xffff, v11  }
0x21: {  	v12 =	vmov s21;
	v8 =	vadd.s32 $0xFFFFFFFF, v8  }
0x22: {  	v12 =	vadd.s32 $0xFFFFFFFF, v12;
	v8 =	vbroadcast v8, $0x0  }
0x23: {  	s24 =	simm.s32 $0x28C0;
	v12 =	vbroadcast v12, $0x0;
	v13, _, _ =	vpop (xrf0)  }
0x24: {  	s25 =	simm.s32 $0x3D20;
	v11 =	vmov s24;
	v8 =	vadd.s32 v13, v8;
	(v2sf) =	vpush v13, $0xF;
	v62, _, _ =	vpop (xrf0)  }
0x25: {  	v63 =	vmov s25;
	v11 =	vadd.s32 $0xFFFFFFFF, v11;
	(v2sf) =	vpush v62, $0xF;
	v14, _, _ =	vpop (xrf0)  }
0x26: {  	v11 =	vbroadcast v11, $0x0;
	v12 =	vadd.s32 v62, v12;
	(v2sf) =	vpush v14, $0xF;
	v15, _, _ =	vpop (xrf0)  }
0x27: {  	s26 =	rddreg [dreg:$0xd];
	v13 =	vadd.s32 $0xFFFFFFFF, v63;
	(v2sf) =	vpush v15, $0xF  }
0x28: {  	v16 =	vor.u32 s26, v1;
	v13 =	vbroadcast v13, $0x0;
	v11 =	vadd.s32 v14, v11  }
0x29: {  	[tilespmem:v8+s16+$0x0] =	vst.idx.msk vm9, v16  }
0x2a: {  	[tilespmem:v8+s17+$0x0] =	vst.idx.msk vm9, v6;
	v6 =	vadd.s32 v15, v13  }
0x2b: {  	[tilespmem:v12+s16+$0x0] =	vst.idx.msk vm10, v16  }
0x2c: {  	[tilespmem:v12+s17+$0x0] =	vst.idx.msk vm10, v7  }
0x2d: {  	[tilespmem:v11+s16+$0x0] =	vst.idx.msk vm11, v16  }
0x2e: {  	[tilespmem:v11+s17+$0x0] =	vst.idx.msk vm11, v9  }
0x2f: {  	[tilespmem:v6+s16+$0x0] =	vst.idx.msk vm12, v16  }
0x30: {  	s28 =	simm.s32 $0x10;
	[tilespmem:v6+s17+$0x0] =	vst.idx.msk vm12, v10  }
0x31: {  	v8 =	vld [tilespmem:s28+$0x0];
	_ =	sdelay $0x1  }
0x32: {  	s7 =	simm.s32 $0x80;
	s29 =	spop (v2sf)  }
0x33: {  	s3 =	sadd.s32 $0x10, s26;
	s4 =	sadd.s32 $0x0, s29;
	s30 =	spop (v2sf)  }
0x34: {  	v11 =	vmov s4;
	[smem:$0x0] =	sst s4;
	s0 =	sadd.s32 $0x0, s30;
	s31 =	spop (v2sf)  }
0x35: {  	vm9 =	vlt.u32 v8, $0x30D8;
	v9 =	vadd.s32 $0xFFFFCF28, v8;
	v7 =	vadd.s32 $0xFFFF6D78, v8;
	[smem:$0x1] =	sst s0;
	s1 =	sadd.s32 $0x0, s31;
	s2 =	spop (v2sf)  }
0x36: {  	s6 =	sadd.s32 $0x1460, s0;
	v10 =	vadd.s32 $0xFFFF9E50, v8;
	v6 =	vsel vm9, $0x1, v2;
	vm10 =	vlt.u32 v9, $0x30D8;
	[smem:$0x2] =	sst s1;
	s2 =	sadd.s32 $0x0, s2  }
.LBB2_2:
0x37: {  	s8 =	sadd.s32 $0x28C0, s1  }
0x38: {  	v11 =	vadd.s32 $0xFFFFFFFF, v11;
	v12 =	vsel vm10, $0x1, v2;
	vm11 =	vlt.u32 v10, $0x30D8;
	(xrf0) =	vadd.scan.msk.s32 $0xffff, v6;
	[smem:$0x3] =	sst s2;
	s9 =	smov.u32 s7;
	s5 =	sadd.s32 $0x40, s7  }
0x39: {  	p0 =	sne.s32 s7, $0x4FC0;
	vm12 =	vlt.u32 v7, $0x30C8;
	v6 =	vsel vm11, $0x1, v2;
	v13 =	vmov s8;
	(xrf0) =	vadd.scan.msk.s32 $0xffff, v12  }
0x3a: {  	v12 =	vadd.s32 $0xFFFFFFFF, v13;
	v13 =	vsel vm12, $0x1, v2;
	(xrf0) =	vadd.scan.msk.s32 $0xffff, v6  }
0x3b: {  	(xrf0) =	vadd.scan.msk.s32 $0xffff, v13;
	_ =	sdelay $0x1  }
0x3c: {  	v6 =	vbroadcast v11, $0x0;
	v11 =	vmov s6  }
0x3d: {  	v11 =	vadd.s32 $0xFFFFFFFF, v11;
	v13, _, _ =	vpop (xrf0)  }
0x3e: {  	v11 =	vbroadcast v11, $0x0;
	v6 =	vadd.s32 v13, v6;
	(v2sf) =	vpush v13, $0xF;
	v13, _, _ =	vpop (xrf0)  }
0x3f: {  	s6 =	sadd.s32 $0x3D20, s2;
	v12 =	vbroadcast v12, $0x0;
	(v2sf) =	vpush v13, $0xF;
	v14, _, _ =	vpop (xrf0)  }
0x40: {  	v11 =	vadd.s32 v13, v11;
	v13 =	vmov s6;
	(v2sf) =	vpush v14, $0xF;
	v15, _, _ =	vpop (xrf0)  }
0x41: {  	v13 =	vadd.s32 $0xFFFFFFFF, v13;
	(v2sf) =	vpush v15, $0xF  }
0x42: {  	v16 =	vor.u32 s3, v1;
	v12 =	vadd.s32 v14, v12;
	v13 =	vbroadcast v13, $0x0  }
0x43: {  	[tilespmem:v6+s16+$0x0] =	vst.idx.msk vm9, v16  }
0x44: {  	[tilespmem:v6+s17+$0x0] =	vst.idx.msk vm9, v8;
	v6 =	vadd.s32 v15, v13  }
0x45: {  	[tilespmem:v11+s16+$0x0] =	vst.idx.msk vm10, v16  }
0x46: {  	[tilespmem:v11+s17+$0x0] =	vst.idx.msk vm10, v9  }
0x47: {  	[tilespmem:v12+s16+$0x0] =	vst.idx.msk vm11, v16  }
0x48: {  	[tilespmem:v12+s17+$0x0] =	vst.idx.msk vm11, v10  }
0x49: {  	[tilespmem:v6+s16+$0x0] =	vst.idx.msk vm12, v16  }
0x4a: {  	s6 =	sshra.s32 s9, $0x2;
	[tilespmem:v6+s17+$0x0] =	vst.idx.msk vm12, v7  }
0x4b: {  	v8 =	vld [tilespmem:s6+$0x0];
	_ =	sdelay $0x1  }
0x4c: {  	s3 =	sadd.s32 $0x10, s3;
	s6 =	spop (v2sf)  }
.Ltmp0:
0x4d: {  	s4 =	sadd.s32 s4, s6;
	s6 =	spop (v2sf);
	(pc) =	sbr.rel @p0 .LBB2_2-.Ltmp0, $4  }
0x4e: {  	v11 =	vmov s4;
	[smem:$0x0] =	sst s4;
	s0 =	sadd.s32 s0, s6;
	s6 =	spop (v2sf)  }
0x4f: {  	[smem:$0x1] =	sst s0  }
0x50: {  	vm9 =	vlt.u32 v8, $0x30D8;
	v9 =	vadd.s32 $0xFFFFCF28, v8;
	v7 =	vadd.s32 $0xFFFF6D78, v8;
	s1 =	sadd.s32 s6, s1;
	s7 =	spop (v2sf);
	s6 =	sadd.s32 $0x1460, s0  }
0x51: {  	v10 =	vadd.s32 $0xFFFF9E50, v8;
	v6 =	vsel vm9, $0x1, v2;
	vm10 =	vlt.u32 v9, $0x30D8;
	[smem:$0x2] =	sst s1;
	s2 =	sadd.s32 s7, s2;
	s7 =	smov.u32 s5  }
0x52: {  	(xrf0) =	vadd.scan.msk.s32 $0xffff, v6;
	_ =	sdelay $0x5  }
0x53: {  	v12, _, _ =	vpop (xrf0)  }
0x54: {  	(v2sf) =	vpush v12, $0xF  }
0x55: {  	v6 =	vsel vm10, $0x1, v2  }
0x56: {  	vm12 =	vlt.u32 v10, $0x30D8;
	(xrf0) =	vadd.scan.msk.s32 $0xffff, v6  }
0x57: {  	v13 =	vsel vm12, $0x1, v2  }
0x58: {  	vm11 =	vlt.u32 v7, $0x30C8;
	v11 =	vadd.s32 $0xFFFFFFFF, v11;
	(xrf0) =	vadd.scan.msk.s32 $0xffff, v13  }
0x59: {  	v17 =	vmov s6;
	v11 =	vbroadcast v11, $0x0;
	v6 =	vsel vm11, $0x1, v2  }
0x5a: {  	s24 =	sadd.s32 $0x28C0, s1;
	v17 =	vadd.s32 $0xFFFFFFFF, v17;
	(xrf0) =	vadd.scan.msk.s32 $0xffff, v6  }
0x5b: {  	v16 =	vmov s24;
	v27 =	vbroadcast v17, $0x0;
	v11 =	vadd.s32 v12, v11  }
0x5c: {  	s25 =	sadd.s32 $0x3D20, s2;
	v16 =	vadd.s32 $0xFFFFFFFF, v16;
	v26, _, _ =	vpop (xrf0)  }
0x5d: {  	v28 =	vmov s25;
	v16 =	vbroadcast v16, $0x0;
	v12 =	vadd.s32 v26, v27  }
0x5e: {  	v29 =	vor.u32 s3, v1;
	v13 =	vadd.s32 $0xFFFFFFFF, v28;
	(v2sf) =	vpush v26, $0xF;
	v14, _, _ =	vpop (xrf0)  }
0x5f: {  	v13 =	vbroadcast v13, $0x0;
	(v2sf) =	vpush v14, $0xF;
	v14 =	vadd.s32 v14, v16  }
0x60: {  	[tilespmem:v11+s16+$0x0] =	vst.idx.msk vm9, v29;
	v15, _, _ =	vpop (xrf0)  }
0x61: {  	[tilespmem:v11+s17+$0x0] =	vst.idx.msk vm9, v8;
	v30 =	vadd.s32 v15, v13  }
0x62: {  	[tilespmem:v12+s16+$0x0] =	vst.idx.msk vm10, v29  }
0x63: {  	[tilespmem:v12+s17+$0x0] =	vst.idx.msk vm10, v9;
	s5 =	spop (v2sf)  }
0x64: {  	[tilespmem:v14+s16+$0x0] =	vst.idx.msk vm12, v29;
	s9 =	sadd.s32 s4, s5  }
0x65: {  	[tilespmem:v14+s17+$0x0] =	vst.idx.msk vm12, v10;
	v6 =	vmov s9  }
0x66: {  	[tilespmem:v30+s16+$0x0] =	vst.idx.msk vm11, v29;
	v6 =	vadd.s32 $0x5F, v6  }
0x67: {  	[tilespmem:v30+s17+$0x0] =	vst.idx.msk vm11, v7;
	v6 =	vbroadcast v6, $0x0  }
0x68: {  	(v2sf) =	vpush v15, $0xF;
	[tilespmem:s9+$0x1400] =	vst v0  }
0x69: {  	[tilespmem:s9+$0x6580] =	vst v3;
	(v2sf) =	vpush v6, $0xD  }
0x6a: {  	[tilespmem:s9+$0x1410] =	vst v0;
	(v2sf) =	vpush v6, $0xC  }
0x6b: {  	[tilespmem:s9+$0x6590] =	vst v3;
	(v2sf) =	vpush v6, $0xE  }
0x6c: {  	[tilespmem:s9+$0x1420] =	vst v0;
	(v2sf) =	vpush v6, $0xF  }
0x6d: {  	[tilespmem:s9+$0x65A0] =	vst v3;
	(v2sf) =	vpush v6, $0x9  }
0x6e: {  	[tilespmem:s9+$0x1430] =	vst v0;
	(v2sf) =	vpush v6, $0x8  }
0x6f: {  	[tilespmem:s9+$0x65B0] =	vst v3;
	(v2sf) =	vpush v6, $0xA  }
0x70: {  	[tilespmem:s9+$0x1440] =	vst v0;
	(v2sf) =	vpush v6, $0xB  }
0x71: {  	[tilespmem:s9+$0x65C0] =	vst v3;
	(v2sf) =	vpush v6, $0x0  }
0x72: {  	[tilespmem:s9+$0x1450] =	vst v0;
	(v2sf) =	vpush v6, $0x1  }
0x73: {  	s29 =	rddreg [dreg:$0x3];
	[tilespmem:s9+$0x65D0] =	vst v3;
	(v2sf) =	vpush v6, $0x2  }
0x74: {  	[hbm4b:s29+s22] =	stream.linear.scatter [tilespmem:s16], [sflag:$0x1], $0x1460, $0x38;
	(v2sf) =	vpush v6, $0x3;
	[tilespmem:$0xB780] =	vst v63  }
0x75: {  	s8 =	spop (v2sf);
	(v2sf) =	vpush v6, $0x4  }
0x76: {  	s10 =	spop (v2sf);
	(v2sf) =	vpush v6, $0x5  }
0x77: {  	s19 =	spop (v2sf);
	(v2sf) =	vpush v6, $0x6  }
0x78: {  	s20 =	spop (v2sf);
	(v2sf) =	vpush v6, $0x7  }
0x79: {  	s21 =	spop (v2sf)  }
0x7a: {  	s18 =	spop (v2sf)  }
0x7b: {  	s15 =	spop (v2sf)  }
0x7c: {  	s14 =	spop (v2sf)  }
0x7d: {  	s13 =	spop (v2sf)  }
0x7e: {  	s12 =	spop (v2sf)  }
0x7f: {  	s7 =	spop (v2sf)  }
0x80: {  	s4 =	spop (v2sf)  }
0x81: {  	s3 =	spop (v2sf)  }
0x82: {  	s5 =	spop (v2sf)  }
0x83: {  	[smem:$0x3] =	sst s2;
	s6 =	spop (v2sf)  }
0x84: {  	[smem:$0x0] =	sst s9;
	s0 =	sadd.s32 s0, s8;
	s11 =	spop (v2sf)  }
0x85: {  	[smem:$0x1] =	sst s0;
	s26 =	sadd.s32 s10, s1;
	s8 =	spop (v2sf)  }
0x86: {  	[smem:$0x2] =	sst s26;
	s28 =	sadd.s32 s19, s2;
	s10 =	spop (v2sf)  }
0x87: {  	[smem:$0x3] =	sst s28;
	s9 =	spop (v2sf)  }
0x88: {  	_ =	swait.ge [sflag:s23], $0x1460  }
0x89: {  	[sflag:s23] =	ssyncset.done $0x0  }
0x8a: {  	s30 =	rddreg [dreg:$0x4];
	[sflag:s23] =	ssyncadd.s32 $0xFFFFEBA0  }
0x8b: {  	[hbm4b:s30+s22] =	stream.linear.scatter [tilespmem:s17], [sflag:$0x1], $0x1460, $0x38;
	[tilespmem:$0xB780] =	vst v63  }
0x8c: {  	_ =	swait.ge [sflag:s23], $0x1460  }
0x8d: {  	s25 =	smulhi.u32 $0x2AAAAAAB, s20;
	s31 =	sshra.s32 s20, $0x1F;
	[sflag:s23] =	ssyncset.done $0x0  }
0x8e: {  	v7 =	vmov s0;
	s28 =	smul.u32 $0x2AAAAAAB, s31;
	[sflag:s23] =	ssyncadd.s32 $0xFFFFEBA0  }
0x8f: {  	v7 =	vadd.s32 $0x5F, v7;
	s29 =	smulhi.u32 $0x2AAAAAAB, s21;
	[tilespmem:s0+$0x2860] =	vst v0  }
0x90: {  	v7 =	vbroadcast v7, $0x0;
	s31 =	smulhi.u32 $0x2AAAAAAB, s18;
	s19 =	sshra.s32 s18, $0x1F;
	[tilespmem:s0+$0x79E0] =	vst v3  }
0x91: {  	s1 =	smul.u32 $0x2AAAAAAB, s19;
	[tilespmem:s0+$0x2870] =	vst v0  }
0x92: {  	s20 =	smulhi.u32 $0x2AAAAAAB, s15;
	(v2sf) =	vpush v7, $0xD;
	[tilespmem:s0+$0x79F0] =	vst v3  }
0x93: {  	s26 =	smulhi.u32 $0x2AAAAAAB, s13;
	(v2sf) =	vpush v7, $0xC;
	[tilespmem:s0+$0x2880] =	vst v0  }
0x94: {  	s2 =	sshra.s32 s21, $0x1F;
	s21 =	sshra.s32 s15, $0x1F;
	s15 =	smulhi.u32 $0x2AAAAAAB, s12;
	[tilespmem:s0+$0x7A00] =	vst v3  }
0x95: {  	s30 =	smul.u32 $0x2AAAAAAB, s2;
	(v2sf) =	vpush v7, $0xE;
	[tilespmem:s0+$0x2890] =	vst v0  }
0x96: {  	[smem:$0x790] =	sst s1;
	s1 =	smul.u32 $0x2AAAAAAB, s21;
	[tilespmem:s0+$0x7A10] =	vst v3;
	(v2sf) =	vpush v7, $0xF  }
0x97: {  	[smem:$0x795] =	sst s26;
	s26 =	smulhi.u32 $0x2AAAAAAB, s7;
	[tilespmem:s0+$0x28A0] =	vst v0;
	(v2sf) =	vpush v7, $0x9  }
0x98: {  	s24 =	sshra.s32 s14, $0x1F;
	[smem:$0x791] =	sst s20;
	s23 =	smulhi.u32 $0x2AAAAAAB, s14;
	[tilespmem:s0+$0x7A20] =	vst v3;
	(v2sf) =	vpush v7, $0x8  }
0x99: {  	s21 =	sshra.s32 s12, $0x1F;
	[smem:$0x792] =	sst s1;
	s1 =	smul.u32 $0x2AAAAAAB, s24;
	[tilespmem:s0+$0x28B0] =	vst v0;
	(v2sf) =	vpush v7, $0xA  }
0x9a: {  	s2 =	sshra.s32 s13, $0x1F;
	s13 =	rddreg [dreg:$0x5];
	[tilespmem:s0+$0x7A30] =	vst v3;
	s0 =	smul.u32 $0x2AAAAAAB, s21;
	(v2sf) =	vpush v7, $0xB  }
0x9b: {  	s14 =	simm.s32 $0x2860;
	[smem:$0x799] =	sst s26;
	s26 =	smulhi.u32 $0x2AAAAAAB, s6;
	(v2sf) =	vpush v7, $0x0  }
0x9c: {  	[hbm4b:s13+s22] =	stream.linear.scatter [tilespmem:s14], [sflag:$0x1], $0x1460, $0x38;
	(v2sf) =	vpush v7, $0x1;
	[tilespmem:$0xB780] =	vst v63  }
0x9d: {  	[smem:$0x797] =	sst s15;
	s13 =	smulhi.u32 $0x2AAAAAAB, s3;
	(v2sf) =	vpush v7, $0x2  }
0x9e: {  	s6 =	sshra.s32 s6, $0x1F;
	[smem:$0x793] =	sst s23;
	s14 =	smulhi.u32 $0x2AAAAAAB, s5;
	(v2sf) =	vpush v7, $0x3  }
0x9f: {  	s6 =	smul.u32 $0x2AAAAAAB, s6;
	[smem:$0x794] =	sst s1;
	(v2sf) =	vpush v7, $0x4  }
0xa0: {  	s1 =	smul.u32 $0x2AAAAAAB, s2;
	[smem:$0x798] =	sst s0;
	(v2sf) =	vpush v7, $0x5  }
0xa1: {  	[smem:$0x7A1] =	sst s26;
	s19 =	spop (v2sf);
	(v2sf) =	vpush v7, $0x6  }
0xa2: {  	s3 =	sshra.s32 s3, $0x1F;
	[smem:$0x79D] =	sst s13;
	s20 =	spop (v2sf);
	(v2sf) =	vpush v7, $0x7  }
0xa3: {  	s21 =	sshra.s32 s5, $0x1F;
	s3 =	smul.u32 $0x2AAAAAAB, s3;
	[smem:$0x79F] =	sst s14  }
0xa4: {  	s13 =	smul.u32 $0x2AAAAAAB, s21;
	s23 =	spop (v2sf)  }
0xa5: {  	[smem:$0x7A2] =	sst s6;
	s18 =	spop (v2sf)  }
0xa6: {  	[smem:$0x796] =	sst s1;
	s15 =	spop (v2sf)  }
0xa7: {  	s1 =	sshra.s32 s7, $0x1F;
	s7 =	smulhi.u32 $0x2AAAAAAB, s4;
	s12 =	spop (v2sf)  }
0xa8: {  	s4 =	sshra.s32 s4, $0x1F;
	s0 =	smul.u32 $0x2AAAAAAB, s1;
	s2 =	spop (v2sf)  }
0xa9: {  	s4 =	smul.u32 $0x2AAAAAAB, s4;
	s1 =	spop (v2sf)  }
0xaa: {  	[smem:$0x79A] =	sst s0;
	s0 =	spop (v2sf)  }
0xab: {  	[smem:$0x79B] =	sst s7;
	s7 =	spop (v2sf)  }
0xac: {  	[smem:$0x79C] =	sst s4;
	s4 =	spop (v2sf)  }
0xad: {  	[smem:$0x79E] =	sst s3;
	s3 =	spop (v2sf)  }
0xae: {  	s21 =	smulhi.u32 $0x2AAAAAAB, s11;
	s5 =	spop (v2sf)  }
0xaf: {  	[smem:$0x7A0] =	sst s13;
	s14 =	spop (v2sf)  }
0xb0: {  	s24 =	simm.s32 $0x1;
	[smem:$0x7A3] =	sst s21;
	s13 =	spop (v2sf)  }
0xb1: {  	s21 =	sshra.s32 s11, $0x1F;
	s11 =	smulhi.u32 $0x2AAAAAAB, s8;
	s26 =	spop (v2sf)  }
0xb2: {  	s6 =	sshra.s32 s8, $0x1F;
	_ =	swait.ge [sflag:s24], $0x1460  }
0xb3: {  	s6 =	smul.u32 $0x2AAAAAAB, s6;
	[sflag:s24] =	ssyncset.done $0x0;
	[smem:$0x7A4] =	sst s11  }
0xb4: {  	s8 =	rddreg [dreg:$0x6];
	s11 =	simm.s32 $0x79E0;
	[sflag:s24] =	ssyncadd.s32 $0xFFFFEBA0  }
0xb5: {  	[hbm4b:s8+s22] =	stream.linear.scatter [tilespmem:s11], [sflag:$0x1], $0x1460, $0x38;
	[tilespmem:$0xB780] =	vst v63  }
0xb6: {  	s11 =	smulhi.u32 $0x2AAAAAAB, s10  }
0xb7: {  	[smem:$0x7A5] =	sst s6;
	s8 =	sshra.s32 s10, $0x1F;
	s10 =	smulhi.u32 $0x2AAAAAAB, s9  }
0xb8: {  	_ =	swait.ge [sflag:s24], $0x1460;
	s6 =	smul.u32 $0x2AAAAAAB, s8  }
0xb9: {  	[smem:$0x7A6] =	sst s11;
	s11 =	sshra.s32 s9, $0x1F;
	s9 =	smulhi.u32 $0x2AAAAAAB, s19  }
0xba: {  	[smem:$0x7A8] =	sst s10;
	s10 =	smul.u32 $0x2AAAAAAB, s11  }
0xbb: {  	[sflag:s24] =	ssyncset.done $0x0;
	s11 =	sshra.s32 s19, $0x1F;
	s19 =	smulhi.u32 $0x2AAAAAAB, s20  }
0xbc: {  	[smem:$0x7A7] =	sst s6;
	[sflag:s24] =	ssyncadd.s32 $0xFFFFEBA0;
	s6 =	smul.u32 $0x2AAAAAAB, s11  }
0xbd: {  	s8 =	sld [smem:$0x2];
	s11 =	smulhi.u32 $0x2AAAAAAB, s18  }
0xbe: {  	s20 =	sshra.s32 s20, $0x1F;
	[smem:$0x7AB] =	sst s19;
	s19 =	smulhi.u32 $0x2AAAAAAB, s15  }
0xbf: {  	[smem:$0x7AA] =	sst s6;
	s6 =	smul.u32 $0x2AAAAAAB, s20  }
0xc0: {  	[smem:$0x7A9] =	sst s9;
	s9 =	sshra.s32 s23, $0x1F;
	s20 =	smulhi.u32 $0x2AAAAAAB, s23;
	[tilespmem:s8+$0x3CC0] =	vst v0  }
0xc1: {  	s23 =	smul.u32 $0x2AAAAAAB, s9;
	[smem:$0x7AD] =	sst s11;
	[tilespmem:s8+$0x8E40] =	vst v3  }
0xc2: {  	s9 =	sshra.s32 s15, $0x1F;
	s11 =	smulhi.u32 $0x2AAAAAAB, s12;
	[smem:$0x7AF] =	sst s19;
	[tilespmem:s8+$0x3CD0] =	vst v0  }
0xc3: {  	s15 =	sshra.s32 s12, $0x1F;
	s12 =	smulhi.u32 $0x2AAAAAAB, s4;
	[tilespmem:s8+$0x8E50] =	vst v3;
	[smem:$0x7AC] =	sst s6  }
0xc4: {  	s18 =	sshra.s32 s18, $0x1F;
	[tilespmem:s8+$0x3CE0] =	vst v0;
	s19 =	smulhi.u32 $0x2AAAAAAB, s1;
	[smem:$0x7B1] =	sst s11  }
0xc5: {  	[tilespmem:s8+$0x8E60] =	vst v3;
	s6 =	smul.u32 $0x2AAAAAAB, s18;
	[smem:$0x7BB] =	sst s12  }
0xc6: {  	[tilespmem:s8+$0x3CF0] =	vst v0;
	s1 =	sshra.s32 s1, $0x1F;
	s18 =	smulhi.u32 $0x2AAAAAAB, s2;
	[smem:$0x7B5] =	sst s19  }
0xc7: {  	v31 =	vmov s8;
	[tilespmem:s8+$0x8E70] =	vst v3;
	s1 =	smul.u32 $0x2AAAAAAB, s1;
	[smem:$0x7AE] =	sst s6  }
0xc8: {  	[tilespmem:s8+$0x3D00] =	vst v0;
	v8 =	vadd.s32 $0x5F, v31;
	s2 =	sshra.s32 s2, $0x1F;
	[smem:$0x7B3] =	sst s18  }
0xc9: {  	[tilespmem:s8+$0x8E80] =	vst v3;
	v8 =	vbroadcast v8, $0x0;
	s2 =	smul.u32 $0x2AAAAAAB, s2;
	[smem:$0x7B6] =	sst s1  }
0xca: {  	[tilespmem:s8+$0x3D10] =	vst v0;
	s6 =	smul.u32 $0x2AAAAAAB, s9;
	s9 =	rddreg [dreg:$0x7]  }
0xcb: {  	[tilespmem:s8+$0x8E90] =	vst v3;
	s11 =	simm.s32 $0x3CC0;
	s18 =	smulhi.u32 $0x2AAAAAAB, s3;
	(v2sf) =	vpush v8, $0xD;
	[smem:$0x7B4] =	sst s2  }
0xcc: {  	[hbm4b:s9+s22] =	stream.linear.scatter [tilespmem:s11], [sflag:$0x1], $0x1460, $0x38;
	(v2sf) =	vpush v8, $0xC;
	[tilespmem:$0xB780] =	vst v63  }
0xcd: {  	s2 =	smulhi.u32 $0x2AAAAAAB, s0;
	[smem:$0x7B0] =	sst s6;
	(v2sf) =	vpush v8, $0xE  }
0xce: {  	s0 =	sshra.s32 s0, $0x1F;
	s6 =	smul.u32 $0x2AAAAAAB, s15;
	[smem:$0x7BD] =	sst s18;
	(v2sf) =	vpush v8, $0xF  }
0xcf: {  	s8 =	sshra.s32 s7, $0x1F;
	s0 =	smul.u32 $0x2AAAAAAB, s0;
	[smem:$0x7B7] =	sst s2;
	(v2sf) =	vpush v8, $0x9  }
0xd0: {  	s15 =	sshra.s32 s4, $0x1F;
	s4 =	smulhi.u32 $0x2AAAAAAB, s14;
	[smem:$0x7B2] =	sst s6;
	(v2sf) =	vpush v8, $0x8  }
0xd1: {  	[smem:$0x7B8] =	sst s0;
	s0 =	smul.u32 $0x2AAAAAAB, s8;
	(v2sf) =	vpush v8, $0xA  }
0xd2: {  	s2 =	smulhi.u32 $0x2AAAAAAB, s5;
	[smem:$0x7C1] =	sst s4;
	(v2sf) =	vpush v8, $0xB  }
0xd3: {  	[smem:$0x7BA] =	sst s0;
	s0 =	smul.u32 $0x2AAAAAAB, s15;
	(v2sf) =	vpush v8, $0x0  }
0xd4: {  	s19 =	sshra.s32 s3, $0x1F;
	s6 =	smulhi.u32 $0x2AAAAAAB, s7;
	[smem:$0x7BF] =	sst s2;
	(v2sf) =	vpush v8, $0x1  }
0xd5: {  	[smem:$0x7BC] =	sst s0;
	s0 =	smul.u32 $0x2AAAAAAB, s19;
	(v2sf) =	vpush v8, $0x2  }
0xd6: {  	s3 =	sshra.s32 s5, $0x1F;
	s7 =	smulhi.u32 $0x2AAAAAAB, s13;
	[smem:$0x7B9] =	sst s6;
	(v2sf) =	vpush v8, $0x3  }
0xd7: {  	[smem:$0x7BE] =	sst s0;
	s0 =	smul.u32 $0x2AAAAAAB, s3;
	(v2sf) =	vpush v8, $0x4  }
0xd8: {  	[smem:$0x7C3] =	sst s7;
	(v2sf) =	vpush v8, $0x5  }
0xd9: {  	s5 =	sshra.s32 s14, $0x1F;
	[smem:$0x7C0] =	sst s0;
	(v2sf) =	vpush v8, $0x6  }
0xda: {  	s0 =	smul.u32 $0x2AAAAAAB, s5;
	(v2sf) =	vpush v8, $0x7;
	s1 =	spop (v2sf)  }
0xdb: {  	s19 =	smulhi.u32 $0x2AAAAAAB, s26;
	s6 =	spop (v2sf)  }
0xdc: {  	s13 =	sshra.s32 s13, $0x1F;
	[smem:$0x7C2] =	sst s0;
	s8 =	spop (v2sf)  }
0xdd: {  	s0 =	smul.u32 $0x2AAAAAAB, s13;
	s9 =	spop (v2sf)  }
0xde: {  	[smem:$0x7C5] =	sst s19;
	s11 =	spop (v2sf)  }
0xdf: {  	s2 =	sshra.s32 s26, $0x1F;
	[smem:$0x7C4] =	sst s0;
	s12 =	spop (v2sf)  }
0xe0: {  	s0 =	smul.u32 $0x2AAAAAAB, s2;
	s15 =	spop (v2sf)  }
0xe1: {  	s3 =	smulhi.u32 $0x2AAAAAAB, s1;
	s14 =	spop (v2sf)  }
0xe2: {  	s13 =	sshra.s32 s1, $0x1F;
	[smem:$0x7C6] =	sst s0;
	s18 =	spop (v2sf)  }
0xe3: {  	s2 =	smul.u32 $0x2AAAAAAB, s13;
	s4 =	spop (v2sf)  }
0xe4: {  	s19 =	smulhi.u32 $0x2AAAAAAB, s6;
	s7 =	spop (v2sf)  }
0xe5: {  	s6 =	sshra.s32 s6, $0x1F;
	[smem:$0x7C7] =	sst s3;
	s5 =	spop (v2sf)  }
0xe6: {  	s6 =	smul.u32 $0x2AAAAAAB, s6;
	s0 =	spop (v2sf)  }
0xe7: {  	[smem:$0x7C8] =	sst s2;
	s1 =	spop (v2sf)  }
0xe8: {  	[smem:$0x7C9] =	sst s19;
	s2 =	spop (v2sf)  }
0xe9: {  	[smem:$0x7CA] =	sst s6;
	s3 =	spop (v2sf)  }
0xea: {  	s26 =	smulhi.u32 $0x2AAAAAAB, s8;
	_ =	swait.ge [sflag:s24], $0x1460  }
0xeb: {  	s8 =	sshra.s32 s8, $0x1F;
	s19 =	simm.s32 $0x8E40;
	[sflag:s24] =	ssyncset.done $0x0  }
0xec: {  	s6 =	smul.u32 $0x2AAAAAAB, s8;
	s13 =	rddreg [dreg:$0x8];
	[sflag:s24] =	ssyncadd.s32 $0xFFFFEBA0  }
0xed: {  	[hbm4b:s13+s22] =	stream.linear.scatter [tilespmem:s19], [sflag:$0x1], $0x1460, $0x38;
	[tilespmem:$0xB780] =	vst v63  }
0xee: {  	[smem:$0x7CB] =	sst s26;
	s22 =	smulhi.u32 $0x2AAAAAAB, s9  }
0xef: {  	[smem:$0x7CC] =	sst s6;
	s26 =	sshra.s32 s9, $0x1F  }
0xf0: {  	s6 =	smul.u32 $0x2AAAAAAB, s26;
	[smem:$0x7CD] =	sst s22  }
0xf1: {  	s8 =	smulhi.u32 $0x2AAAAAAB, s11;
	_ =	swait.ge [sflag:s24], $0x1460  }
0xf2: {  	s9 =	sshra.s32 s11, $0x1F;
	s11 =	smulhi.u32 $0x2AAAAAAB, s12;
	[smem:$0x7CE] =	sst s6  }
0xf3: {  	[smem:$0x7CF] =	sst s8  }
0xf4: {  	s13 =	sadd.s32 s28, s25;
	[smem:$0x7D1] =	sst s11  }
0xf5: {  	s19 =	sadd.s32 s30, s29;
	[smem:$0x7D9] =	sst s13  }
0xf6: {  	[smem:$0x7DA] =	sst s19  }
0xf7: {  	s22 =	sld [smem:$0x790]  }
0xf8: {  	s28 =	sld [smem:$0x791]  }
0xf9: {  	s29 =	sld [smem:$0x792]  }
0xfa: {  	s30 =	sld [smem:$0x793]  }
0xfb: {  	s11 =	sld [smem:$0x795]  }
0xfc: {  	s20 =	sadd.s32 s23, s20;
	s25 =	sshra.s32 s15, $0x1F;
	s19 =	sld [smem:$0x797]  }
0xfd: {  	[sflag:s24] =	ssyncset.done $0x0;
	s6 =	smul.u32 $0x2AAAAAAB, s9;
	[smem:$0x7E8] =	sst s20  }
0xfe: {  	s13 =	smulhi.u32 $0x2AAAAAAB, s14;
	s23 =	sld [smem:$0x7AE];
	[sflag:s24] =	ssyncadd.s32 $0xFFFFEBA0  }
0xff: {  	s24 =	smulhi.u32 $0x2AAAAAAB, s15;
	s15 =	sshra.s32 s14, $0x1F;
	s14 =	sld [smem:$0x7A0]  }
0x100: {  	[smem:$0x7D0] =	sst s6  }
0x101: {  	s12 =	sshra.s32 s12, $0x1F;
	s26 =	sld [smem:$0x3]  }
0x102: {  	s6 =	smul.u32 $0x2AAAAAAB, s12;
	s12 =	sld [smem:$0x796]  }
0x103: {  	[smem:$0x7D5] =	sst s13  }
0x104: {  	s13 =	sld [smem:$0x79F]  }
0x105: {  	[smem:$0x7D3] =	sst s24  }
0x106: {  	s24 =	sld [smem:$0x799]  }
0x107: {  	s8 =	sadd.s32 s29, s28;
	s28 =	sld [smem:$0x79B]  }
0x108: {  	s29 =	sld [smem:$0x79C]  }
0x109: {  	[smem:$0x7D2] =	sst s6  }
0x10a: {  	[smem:$0x7DC] =	sst s8  }
0x10b: {  	s6 =	sadd.s32 s22, s31;
	s31 =	sld [smem:$0x794]  }
0x10c: {  	s22 =	sld [smem:$0x798]  }
0x10d: {  	[smem:$0x7DB] =	sst s6;
	s6 =	smul.u32 $0x2AAAAAAB, s25  }
0x10e: {  	s25 =	sld [smem:$0x79A]  }
0x10f: {  	[smem:$0x7D4] =	sst s6  }
0x110: {  	s6 =	sadd.s32 s12, s11;
	s11 =	sld [smem:$0x79D]  }
0x111: {  	s8 =	sadd.s32 s31, s30;
	s12 =	sld [smem:$0x79E]  }
0x112: {  	s30 =	smulhi.u32 $0x2AAAAAAB, s18;
	s31 =	sshra.s32 s18, $0x1F;
	s18 =	sld [smem:$0x7A2]  }
0x113: {  	[smem:$0x7DE] =	sst s8  }
0x114: {  	[smem:$0x7DF] =	sst s6  }
0x115: {  	s6 =	smul.u32 $0x2AAAAAAB, s15;
	s15 =	sld [smem:$0x7A1]  }
0x116: {  	s8 =	sadd.s32 s22, s19;
	s19 =	sadd.s32 s29, s28;
	s29 =	sld [smem:$0x7A4]  }
0x117: {  	s28 =	sadd.s32 s14, s13;
	s13 =	sld [smem:$0x7AA]  }
0x118: {  	s14 =	sld [smem:$0x7AB]  }
0x119: {  	[smem:$0x7E0] =	sst s8  }
0x11a: {  	[smem:$0x7D7] =	sst s30  }
0x11b: {  	s8 =	sadd.s32 s25, s24;
	s25 =	sld [smem:$0x7A3]  }
0x11c: {  	s30 =	sld [smem:$0x7A5]  }
0x11d: {  	[smem:$0x7E2] =	sst s8  }
0x11e: {  	[smem:$0x7D6] =	sst s6  }
0x11f: {  	s8 =	sld [smem:$0x7A7]  }
0x120: {  	s24 =	smulhi.u32 $0x2AAAAAAB, s4;
	s22 =	sadd.s32 s12, s11;
	s11 =	sld [smem:$0x7A8]  }
0x121: {  	s12 =	sld [smem:$0x7A9]  }
0x122: {  	s21 =	smul.u32 $0x2AAAAAAB, s21;
	[smem:$0x7D8] =	sst s24  }
0x123: {  	s9 =	sshra.s32 s7, $0x1F;
	s6 =	sadd.s32 s18, s15;
	s15 =	sld [smem:$0x7AC]  }
0x124: {  	s24 =	smul.u32 $0x2AAAAAAB, s9;
	s9 =	sld [smem:$0x7B1]  }
0x125: {  	[smem:$0x7E1] =	sst s6  }
0x126: {  	s6 =	sadd.s32 s21, s25;
	s21 =	sld [smem:$0x7AD]  }
0x127: {  	[smem:$0x7E3] =	sst s6  }
0x128: {  	s6 =	sadd.s32 s30, s29;
	s30 =	smulhi.u32 $0x2AAAAAAB, s7;
	s7 =	sld [smem:$0x7AF]  }
0x129: {  	s18 =	sshra.s32 s5, $0x1F;
	[smem:$0x7E4] =	sst s6  }
0x12a: {  	s25 =	smulhi.u32 $0x2AAAAAAB, s5;
	s6 =	sld [smem:$0x7A6];
	s5 =	sadd.s32 s23, s21  }
0x12b: {  	[smem:$0x7E9] =	sst s5  }
0x12c: {  	s4 =	sshra.s32 s4, $0x1F;
	s5 =	sld [smem:$0x7B7]  }
0x12d: {  	s29 =	smul.u32 $0x2AAAAAAB, s4;
	s4 =	sadd.s32 s8, s6;
	s8 =	sld [smem:$0x7B0]  }
0x12e: {  	s6 =	sadd.s32 s10, s11;
	s10 =	sld [smem:$0x7B2]  }
0x12f: {  	s11 =	sld [smem:$0x7B3]  }
0x130: {  	[smem:$0x7E5] =	sst s4  }
0x131: {  	[smem:$0x7DD] =	sst s6  }
0x132: {  	s6 =	sadd.s32 s13, s12;
	s12 =	sld [smem:$0x7B4]  }
0x133: {  	s13 =	sld [smem:$0x7B5]  }
0x134: {  	s4 =	sadd.s32 s15, s14;
	s14 =	sld [smem:$0x7B6]  }
0x135: {  	[smem:$0x7E6] =	sst s6  }
0x136: {  	[smem:$0x7E7] =	sst s4  }
0x137: {  	s6 =	sld [smem:$0x7B8]  }
0x138: {  	s4 =	sadd.s32 s8, s7;
	s7 =	sld [smem:$0x7B9]  }
0x139: {  	s8 =	sld [smem:$0x7BA]  }
0x13a: {  	[smem:$0x7EB] =	sst s4  }
0x13b: {  	s21 =	smul.u32 $0x2AAAAAAB, s18;
	s4 =	sadd.s32 s10, s9;
	s9 =	sld [smem:$0x7BB]  }
0x13c: {  	s23 =	smulhi.u32 $0x2AAAAAAB, s0;
	s0 =	sshra.s32 s0, $0x1F;
	s10 =	sld [smem:$0x7BC]  }
0x13d: {  	s18 =	smul.u32 $0x2AAAAAAB, s0;
	s0 =	sadd.s32 s14, s13;
	s13 =	sld [smem:$0x7BE]  }
0x13e: {  	[smem:$0x7ED] =	sst s4  }
0x13f: {  	s15 =	sshra.s32 s1, $0x1F;
	[smem:$0x7F0] =	sst s0  }
0x140: {  	v32 =	vmov s26;
	s14 =	smul.u32 $0x2AAAAAAB, s15;
	s4 =	sadd.s32 s12, s11;
	s12 =	sld [smem:$0x7BD]  }
0x141: {  	v9 =	vadd.s32 $0x5F, v32;
	s15 =	smulhi.u32 $0x2AAAAAAB, s2;
	s11 =	sshra.s32 s2, $0x1F;
	s2 =	sld [smem:$0x7BF]  }
0x142: {  	s20 =	smulhi.u32 $0x2AAAAAAB, s1;
	v9 =	vbroadcast v9, $0x0;
	s1 =	sadd.s32 s6, s5;
	s5 =	sld [smem:$0x7C1]  }
0x143: {  	s6 =	sld [smem:$0x7C2]  }
0x144: {  	(v2sf) =	vpush v9, $0xD;
	[smem:$0x7EF] =	sst s4  }
0x145: {  	[smem:$0x7EC] =	sst s1  }
0x146: {  	s4 =	sld [smem:$0x7C0]  }
0x147: {  	(v2sf) =	vpush v9, $0xC;
	s1 =	sadd.s32 s8, s7;
	s7 =	sld [smem:$0x7C3]  }
0x148: {  	s8 =	sld [smem:$0x7C4]  }
0x149: {  	[smem:$0x7EE] =	sst s1;
	s0 =	sadd.s32 s10, s9  }
0x14a: {  	[smem:$0x7F1] =	sst s0  }
0x14b: {  	(v2sf) =	vpush v9, $0xE;
	s1 =	sadd.s32 s13, s12;
	s0 =	sadd.s32 s6, s5;
	s5 =	sld [smem:$0x7C8]  }
0x14c: {  	s12 =	smul.u32 $0x2AAAAAAB, s11;
	[smem:$0x7F2] =	sst s1  }
0x14d: {  	s13 =	smulhi.u32 $0x2AAAAAAB, s3;
	[smem:$0x7F4] =	sst s0  }
0x14e: {  	s3 =	sshra.s32 s3, $0x1F;
	s1 =	sadd.s32 s4, s2;
	s2 =	sld [smem:$0x7C5]  }
0x14f: {  	s11 =	smul.u32 $0x2AAAAAAB, s3;
	s3 =	sld [smem:$0x7C6]  }
0x150: {  	s4 =	sld [smem:$0x7C7]  }
0x151: {  	s0 =	sadd.s32 s8, s7;
	s8 =	sld [smem:$0x7C9]  }
0x152: {  	[smem:$0x7F3] =	sst s1  }
0x153: {  	s9 =	spop (v2sf);
	[smem:$0x7F5] =	sst s0  }
0x154: {  	s10 =	smulhi.u32 $0x2AAAAAAB, s9;
	s0 =	sshra.s32 s9, $0x1F;
	s9 =	sld [smem:$0x7CA]  }
0x155: {  	s1 =	sadd.s32 s3, s2;
	s3 =	sld [smem:$0x7CB]  }
0x156: {  	s6 =	spop (v2sf);
	s2 =	sld [smem:$0x7CD]  }
0x157: {  	s7 =	smul.u32 $0x2AAAAAAB, s0;
	[smem:$0x7EA] =	sst s1  }
0x158: {  	s0 =	sshra.s32 s6, $0x1F;
	s1 =	sadd.s32 s5, s4;
	s4 =	sld [smem:$0x7CC]  }
0x159: {  	[smem:$0x7F6] =	sst s1;
	s1 =	sadd.s32 s9, s8;
	s9 =	smulhi.u32 $0x2AAAAAAB, s6  }
0x15a: {  	s5 =	spop (v2sf);
	s6 =	smul.u32 $0x2AAAAAAB, s0  }
0x15b: {  	s8 =	smulhi.u32 $0x2AAAAAAB, s5;
	s0 =	sshra.s32 s5, $0x1F;
	s5 =	sld [smem:$0x7D0]  }
0x15c: {  	[smem:$0x7F7] =	sst s1  }
0x15d: {  	s1 =	sadd.s32 s4, s3;
	s3 =	sld [smem:$0x7CE]  }
0x15e: {  	s4 =	sld [smem:$0x7CF]  }
0x15f: {  	[smem:$0x7F8] =	sst s1  }
0x160: {  	(v2sf) =	vpush v9, $0xF;
	s1 =	sadd.s32 s3, s2;
	s3 =	sld [smem:$0x7D1]  }
0x161: {  	[smem:$0x7F9] =	sst s1  }
0x162: {  	s1 =	sadd.s32 s5, s4;
	s5 =	sld [smem:$0x7D2]  }
0x163: {  	(v2sf) =	vpush v9, $0x9;
	s2 =	sld [smem:$0x7D3]  }
0x164: {  	[dreg:$0x1f] =	wrdreg s1  }
0x165: {  	(v2sf) =	vpush v9, $0x8;
	s1 =	sadd.s32 s5, s3;
	s3 =	sld [smem:$0x7D4]  }
0x166: {  	(v2sf) =	vpush v9, $0xA  }
0x167: {  	[dreg:$0x1e] =	wrdreg s1  }
0x168: {  	s1 =	sadd.s32 s3, s2;
	s2 =	sld [smem:$0x7D6]  }
0x169: {  	[dreg:$0x1d] =	wrdreg s1  }
0x16a: {  	(v2sf) =	vpush v9, $0xB;
	s1 =	sld [smem:$0x7D5];
	_ =	sdelay $0x1  }
0x16b: {  	(v2sf) =	vpush v9, $0x0  }
0x16c: {  	s31 =	smul.u32 $0x2AAAAAAB, s31;
	s1 =	sadd.s32 s2, s1  }
0x16d: {  	s30 =	sadd.s32 s24, s30;
	(v2sf) =	vpush v9, $0x1;
	s4 =	smul.u32 $0x2AAAAAAB, s0;
	[dreg:$0x1a] =	wrdreg s1  }
0x16e: {  	s25 =	sadd.s32 s21, s25;
	s0 =	spop (v2sf);
	s1 =	sld [smem:$0x7D7]  }
0x16f: {  	s14 =	sadd.s32 s14, s20;
	(v2sf) =	vpush v9, $0x2;
	s5 =	smulhi.u32 $0x2AAAAAAB, s0;
	s0 =	sshra.s32 s0, $0x1F  }
0x170: {  	s18 =	sadd.s32 s18, s23;
	[dreg:$0x1c] =	wrdreg s14;
	(v2sf) =	vpush v9, $0x3;
	s3 =	smul.u32 $0x2AAAAAAB, s0  }
0x171: {  	(v2sf) =	vpush v9, $0x4;
	s0 =	spop (v2sf);
	s1 =	sadd.s32 s31, s1;
	s31 =	sld [smem:$0x7D8]  }
0x172: {  	s2 =	smulhi.u32 $0x2AAAAAAB, s0;
	s0 =	sshra.s32 s0, $0x1F;
	[smem:$0x7FA] =	sst s1  }
0x173: {  	s12 =	sadd.s32 s12, s15;
	s1 =	smul.u32 $0x2AAAAAAB, s0;
	s0 =	spop (v2sf)  }
0x174: {  	[dreg:$0x19] =	wrdreg s12;
	(v2sf) =	vpush v9, $0x5;
	s29 =	sadd.s32 s29, s31;
	s31 =	spop (v2sf)  }
0x175: {  	s20 =	sadd.s32 s11, s13;
	[smem:$0x7FB] =	sst s29;
	s29 =	smulhi.u32 $0x2AAAAAAB, s0  }
0x176: {  	s7 =	sadd.s32 s7, s10;
	(v2sf) =	vpush v9, $0x6;
	s0 =	sshra.s32 s0, $0x1F;
	s21 =	smulhi.u32 $0x2AAAAAAB, s31  }
0x177: {  	[smem:$0x7FD] =	sst s7;
	s24 =	sshra.s32 s31, $0x1F;
	s0 =	smul.u32 $0x2AAAAAAB, s0  }
0x178: {  	s6 =	sadd.s32 s6, s9;
	(v2sf) =	vpush v9, $0x7;
	s31 =	spop (v2sf);
	s23 =	smul.u32 $0x2AAAAAAB, s24  }
0x179: {  	[dreg:$0x14] =	wrdreg s6;
	s14 =	smulhi.u32 $0x2AAAAAAB, s31;
	s31 =	sshra.s32 s31, $0x1F  }
0x17a: {  	s4 =	sadd.s32 s4, s8;
	s24 =	spop (v2sf);
	s12 =	smul.u32 $0x2AAAAAAB, s31  }
0x17b: {  	[dreg:$0x13] =	wrdreg s4;
	s11 =	smulhi.u32 $0x2AAAAAAB, s24;
	s31 =	sshra.s32 s24, $0x1F  }
0x17c: {  	s1 =	sadd.s32 s1, s2;
	s15 =	spop (v2sf);
	s7 =	smul.u32 $0x2AAAAAAB, s31  }
0x17d: {  	[dreg:$0x16] =	wrdreg s1;
	s13 =	smulhi.u32 $0x2AAAAAAB, s15;
	s10 =	sshra.s32 s15, $0x1F  }
0x17e: {  	s24 =	spop (v2sf);
	s0 =	sadd.s32 s0, s29;
	s6 =	smul.u32 $0x2AAAAAAB, s10  }
0x17f: {  	s9 =	spop (v2sf);
	s15 =	sshra.s32 s24, $0x1F;
	[dreg:$0x17] =	wrdreg s0  }
0x180: {  	s31 =	spop (v2sf);
	s4 =	smul.u32 $0x2AAAAAAB, s15  }
0x181: {  	s15 =	sadd.s32 s3, s5;
	s5 =	sadd.s32 s12, s14;
	s14 =	sld [smem:$0x7D9]  }
0x182: {  	s10 =	smulhi.u32 $0x2AAAAAAB, s24;
	[smem:$0x7FC] =	sst s31  }
0x183: {  	s24 =	spop (v2sf);
	[dreg:$0x12] =	wrdreg s5  }
0x184: {  	s8 =	smulhi.u32 $0x2AAAAAAB, s9;
	s9 =	sshra.s32 s9, $0x1F;
	[dreg:$0x1b] =	wrdreg s24  }
0x185: {  	s31 =	spop (v2sf);
	s12 =	sadd.s32 s4, s10;
	s10 =	sld [smem:$0x7DC]  }
0x186: {  	s3 =	smul.u32 $0x2AAAAAAB, s9;
	[dreg:$0xf] =	wrdreg s31  }
0x187: {  	s9 =	spop (v2sf);
	[dreg:$0x11] =	wrdreg s12  }
0x188: {  	s12 =	sld [smem:$0x7DE];
	s1 =	smulhi.u32 $0x2AAAAAAB, s9;
	s24 =	sshra.s32 s9, $0x1F  }
0x189: {  	s9 =	sadd.s32 s7, s11;
	s31 =	smul.u32 $0x2AAAAAAB, s24;
	s24 =	sld [smem:$0x7DA]  }
0x18a: {  	s29 =	sadd.s32 s23, s21;
	s11 =	sadd.s32 s6, s13;
	[dreg:$0x18] =	wrdreg s9  }
0x18b: {  	s13 =	sadd.s32 s3, s8;
	[dreg:$0x15] =	wrdreg s11;
	s21 =	sadd.s32 s31, s1  }
0x18c: {  	s31 =	sshrl.u32 s24, $0x1F;
	s4 =	sshra.s32 s24, $0x4;
	s24 =	sld [smem:$0x7DD]  }
0x18d: {  	[dreg:$0x10] =	wrdreg s13  }
0x18e: {  	s3 =	sshra.s32 s14, $0x4;
	s9 =	sld [smem:$0x7DB]  }
0x18f: {  	s6 =	sshrl.u32 s10, $0x1F;
	s7 =	sshra.s32 s10, $0x4;
	s11 =	sshra.s32 s24, $0x1F  }
0x190: {  	s1 =	sshrl.u32 s14, $0x1F;
	s14 =	sshra.s32 s19, $0x4;
	v34 =	vmov s31;
	s31 =	sld [smem:$0x7DF];
	v33 =	vmov s11  }
0x191: {  	vm9 =	vcmask $0x704;
	s13 =	sshrl.u32 s19, $0x1F;
	s8 =	sshrl.u32 s12, $0x1F;
	s19 =	sshra.s32 s19, $0x1F;
	v10 =	vsel vm3, s14, v33  }
0x192: {  	v35 =	vmov s13;
	s2 =	sshra.s32 s12, $0x4;
	s12 =	sshrl.u32 s22, $0x1F;
	s13 =	sshra.s32 s22, $0x4;
	v10 =	vsel vm9, s19, v10  }
0x193: {  	vm10 =	vcmask $0xF0C;
	v12 =	vnsel vm3, $0x0, v35;
	s10 =	sshrl.u32 s31, $0x1F;
	s14 =	sshra.s32 s22, $0x1F;
	s19 =	sld [smem:$0x7E0];
	v36 =	vsel vm0, s13, v10  }
0x194: {  	v12 =	vsel vm0, s12, v12;
	v11 =	vsel vm0, s1, v34;
	s1 =	sshra.s32 s31, $0x4;
	s31 =	sshrl.u32 s28, $0x1F;
	v39 =	vsel vm10, s14, v36;
	s14 =	sld [smem:$0x7E1]  }
0x195: {  	v38 =	vsel vm1, s31, v12;
	s31 =	sld [smem:$0x7E2]  }
0x196: {  	s5 =	sshrl.u32 s9, $0x1F;
	s0 =	sshra.s32 s9, $0x4;
	s12 =	sld [smem:$0x7E4];
	v40 =	vmov s10  }
0x197: {  	v11 =	vsel vm1, s5, v11;
	v45 =	vmov s1;
	s1 =	sshra.s32 s24, $0x4;
	v13 =	vsel vm0, s8, v40;
	s9 =	sshrl.u32 s19, $0x1F;
	s13 =	sshrl.u32 s14, $0x1F  }
0x198: {  	v37 =	vsel vm2, s6, v11;
	s10 =	sshrl.u32 s31, $0x1F;
	s5 =	sshra.s32 s19, $0x4;
	v13 =	vsel vm1, s9, v13;
	v11 =	vsel vm2, s13, v38;
	s13 =	sld [smem:$0x7E3]  }
0x199: {  	s19 =	sshra.s32 s28, $0x4;
	v42 =	vsel vm2, s10, v13;
	s10 =	sshrl.u32 s24, $0x1F;
	s24 =	sld [smem:$0x7E6]  }
0x19a: {  	vm11 =	vcmask $0x1714;
	s6 =	sshra.s32 s31, $0x4;
	s28 =	sshra.s32 s28, $0x1F;
	v12 =	vsel vm1, s19, v39;
	s31 =	sshra.s32 s14, $0x4  }
0x19b: {  	vm12 =	vcmask $0x1F1C;
	v12 =	vsel vm11, s28, v12;
	s11 =	sshra.s32 s14, $0x1F;
	s14 =	sld [smem:$0x7E5];
	s19 =	sshrl.u32 s13, $0x1F  }
0x19c: {  	v44 =	vmov s4;
	s28 =	sshrl.u32 s12, $0x1F;
	v41 =	vsel vm2, s31, v12;
	s8 =	sshrl.u32 s24, $0x1F;
	v11 =	vsel vm4, s19, v11  }
0x19d: {  	v14 =	vsel vm0, s3, v44;
	v43 =	vsel vm12, s11, v41;
	s3 =	sshra.s32 s24, $0x4;
	s24 =	sld [smem:$0x7EB];
	v11 =	vsel vm5, s28, v11;
	s28 =	sshra.s32 s13, $0x4  }
0x19e: {  	s9 =	sshra.s32 s14, $0x4;
	s11 =	sshra.s32 s14, $0x1F;
	v13 =	vsel vm4, s28, v43;
	s28 =	sld [smem:$0x7E7]  }
0x19f: {  	s31 =	sshra.s32 s13, $0x1F;
	s19 =	sshrl.u32 s14, $0x1F;
	s14 =	sld [smem:$0x7EA]  }
0x1a0: {  	s13 =	sshra.s32 s12, $0x4;
	v13 =	vsel vm13, s31, v13;
	s31 =	sld [smem:$0x7E8]  }
0x1a1: {  	v14 =	vsel vm1, s0, v14;
	v15 =	vsel vm0, s2, v45;
	s2 =	sshrl.u32 s28, $0x1F;
	s0 =	sshra.s32 s28, $0x4;
	s28 =	sld [smem:$0x7EC]  }
0x1a2: {  	v47 =	vsel vm2, s7, v14;
	s7 =	sshra.s32 s24, $0x4;
	v11 =	vsel vm6, s19, v11;
	s19 =	sshra.s32 s12, $0x1F;
	v46 =	vsel vm5, s13, v13  }
0x1a3: {  	v11 =	vsel vm7, s10, v11;
	v49 =	vsel vm14, s19, v46;
	s19 =	sshra.s32 s14, $0x1F;
	s10 =	sshrl.u32 s31, $0x1F;
	s4 =	sshra.s32 s31, $0x4  }
0x1a4: {  	v48 =	vsel vm1, s5, v15;
	v15 =	vsel vm6, s9, v49;
	s9 =	sshrl.u32 s24, $0x1F;
	s24 =	sld [smem:$0x7ED];
	s31 =	sshra.s32 s28, $0x4  }
0x1a5: {  	v50 =	vmov s19;
	s12 =	sshrl.u32 s28, $0x1F;
	s19 =	sshra.s32 s28, $0x1F;
	s28 =	sld [smem:$0x7EE]  }
0x1a6: {  	s13 =	sld [smem:$0x7E9];
	v51 =	vmov s2;
	v15 =	vsel vm15, s11, v15  }
0x1a7: {  	v17 =	vsel vm0, s8, v51;
	v15 =	vsel vm7, s1, v15;
	v16 =	vsel vm3, s31, v50;
	s1 =	sshrl.u32 s24, $0x1F;
	s8 =	sshra.s32 s24, $0x4;
	s24 =	sld [smem:$0x7EF]  }
0x1a8: {  	v16 =	vsel vm9, s19, v16;
	v54 =	vmov s1;
	s1 =	sld [smem:$0x7F4];
	s31 =	sshra.s32 s28, $0x4  }
0x1a9: {  	v14 =	vsel vm2, s6, v48;
	s5 =	sshrl.u32 s13, $0x1F;
	s6 =	sshra.s32 s13, $0x4;
	v19 =	vsel vm0, s31, v16;
	s31 =	sld [smem:$0x7F1]  }
0x1aa: {  	s13 =	sshrl.u32 s28, $0x1F;
	s19 =	sshra.s32 s28, $0x1F;
	s28 =	sld [smem:$0x7F0]  }
0x1ab: {  	v17 =	vsel vm1, s10, v17;
	v18 =	vmov s12;
	v59 =	vmov s8;
	s8 =	sld [smem:$0x7F8];
	s11 =	sshrl.u32 s24, $0x1F  }
0x1ac: {  	v52 =	vsel vm2, s5, v17;
	s5 =	sshra.s32 s24, $0x4;
	v53 =	vsel vm10, s19, v19;
	v19 =	vsel vm0, s9, v54;
	s9 =	sld [smem:$0x7F2];
	s24 =	sshra.s32 s31, $0x4  }
0x1ad: {  	v18 =	vnsel vm3, $0x0, v18;
	s10 =	sshrl.u32 s28, $0x1F;
	s2 =	sshra.s32 s28, $0x4;
	v19 =	vsel vm1, s11, v19;
	v17 =	vsel vm1, s24, v53;
	s24 =	sld [smem:$0x7F3]  }
0x1ae: {  	v18 =	vsel vm0, s13, v18;
	s28 =	sshrl.u32 s31, $0x1F;
	s31 =	sshra.s32 s31, $0x1F;
	v55 =	vsel vm2, s10, v19;
	s10 =	sshrl.u32 s1, $0x1F  }
0x1af: {  	v10 =	vcombine.low v42, v37;
	v18 =	vsel vm1, s28, v18;
	s13 =	sshrl.u32 s9, $0x1F;
	s19 =	sshra.s32 s9, $0x4;
	s12 =	sshra.s32 s9, $0x1F;
	v17 =	vsel vm11, s31, v17  }
0x1b0: {  	v57 =	vmov s0;
	v18 =	vsel vm2, s13, v18;
	s13 =	sshra.s32 s1, $0x4;
	v20 =	vsel vm2, s19, v17;
	s19 =	sld [smem:$0x7F5];
	s28 =	sshrl.u32 s24, $0x1F  }
0x1b1: {  	s31 =	sshra.s32 s24, $0x4;
	s11 =	sshra.s32 s24, $0x1F;
	v56 =	vsel vm12, s12, v20;
	v20 =	vsel vm0, s3, v57;
	s3 =	sld [smem:$0x7F6]  }
0x1b2: {  	v10 =	vperm.xlane v10, v4;
	v13 =	vcombine.low v14, v47;
	s12 =	sshra.s32 s1, $0x1F;
	s1 =	sshrl.u32 s14, $0x1F;
	v20 =	vsel vm1, s4, v20;
	s4 =	sld [smem:$0x7F7]  }
0x1b3: {  	v11 =	vperm.xlane v11, v5;
	v18 =	vsel vm4, s28, v18;
	v19 =	vsel vm4, s31, v56;
	s24 =	sshrl.u32 s19, $0x1F;
	s28 =	sshra.s32 s19, $0x4;
	s31 =	sshra.s32 s19, $0x1F  }
0x1b4: {  	v18 =	vsel vm5, s10, v18;
	v19 =	vsel vm13, s11, v19;
	s11 =	sshra.s32 s14, $0x4;
	v58 =	vsel vm2, s6, v20;
	s6 =	sshrl.u32 s8, $0x1F;
	s19 =	sld [smem:$0x7F9]  }
0x1b5: {  	v47 =	vsub.s32 $0x0, v6;
	v13 =	vperm.xlane v13, v4;
	v18 =	vsel vm6, s24, v18;
	s14 =	sshrl.u32 s3, $0x1F;
	s0 =	sshra.s32 s3, $0x4;
	s24 =	sld [smem:$0x7FA]  }
0x1b6: {  	v39 =	vperm.xlane v15, v5;
	v20 =	vsel vm0, s7, v59;
	v21 =	vsel vm5, s13, v19;
	s13 =	rddreg [dreg:$0x1f];
	s10 =	sshrl.u32 s4, $0x1F;
	s4 =	sshra.s32 s4, $0x4  }
0x1b7: {  	v20 =	vsel vm1, s5, v20;
	v18 =	vsel vm7, s1, v18;
	v21 =	vsel vm14, s12, v21;
	s1 =	sshra.s32 s8, $0x4;
	s12 =	sshra.s32 s20, $0x1F;
	s9 =	sshrl.u32 s13, $0x1F  }
0x1b8: {  	v10 =	vsel vm8, v11, v10;
	v41 =	vsel vm8, v39, v13;
	v60 =	vsel vm2, s2, v20;
	s2 =	sshra.s32 s13, $0x4;
	s13 =	rddreg [dreg:$0x1d];
	s7 =	sshrl.u32 s19, $0x1F  }
0x1b9: {  	v10 =	vadd.s32 v10, v41;
	v42 =	vcombine.low v55, v52;
	v21 =	vsel vm6, s28, v21;
	s3 =	sshra.s32 s19, $0x4;
	s19 =	rddreg [dreg:$0x1e];
	s28 =	sshra.s32 s24, $0x4  }
0x1ba: {  	v45 =	vmul.u32 $0xFFFFFFA0, v10;
	v22 =	vmov s12;
	v23 =	vsel vm15, s31, v21;
	s31 =	sshrl.u32 s24, $0x1F;
	s12 =	sshra.s32 s24, $0x1F;
	s24 =	sld [smem:$0x7FB]  }
0x1bb: {  	v11 =	vperm.xlane v42, v4;
	v62 =	vmov s10;
	v26 =	vmov s4;
	s10 =	sshrl.u32 s15, $0x1F;
	s8 =	sshrl.u32 s19, $0x1F;
	s5 =	sshra.s32 s19, $0x4  }
0x1bc: {  	s19 =	sshrl.u32 s30, $0x1F;
	v22 =	vsel vm3, s28, v22;
	v61 =	vsel vm7, s11, v23;
	v23 =	vsel vm0, s14, v62;
	s11 =	sshrl.u32 s13, $0x1F;
	s14 =	sshra.s32 s30, $0x4  }
0x1bd: {  	v43 =	vcombine.low v60, v58;
	v24 =	vmov s31;
	v22 =	vsel vm9, s12, v22;
	s28 =	sshra.s32 s24, $0x4;
	s31 =	sshrl.u32 s24, $0x1F;
	s12 =	sshra.s32 s24, $0x1F  }
0x1be: {  	v27 =	vmov s5;
	v24 =	vnsel vm3, $0x0, v24;
	s24 =	sshra.s32 s30, $0x1F;
	s30 =	sshrl.u32 s25, $0x1F;
	v22 =	vsel vm0, s28, v22;
	s28 =	rddreg [dreg:$0x1a]  }
0x1bf: {  	v23 =	vsel vm1, s6, v23;
	v24 =	vsel vm0, s31, v24;
	s31 =	sshra.s32 s25, $0x4;
	v22 =	vsel vm10, s12, v22;
	s12 =	sshra.s32 s13, $0x4;
	s13 =	sshrl.u32 s28, $0x1F  }
0x1c0: {  	v27 =	vsel vm0, s2, v27;
	v34 =	vsel vm1, s19, v24;
	s6 =	sshra.s32 s28, $0x4;
	s19 =	sshrl.u32 s18, $0x1F;
	s28 =	rddreg [dreg:$0x1c];
	v25 =	vsel vm1, s14, v22  }
0x1c1: {  	v36 =	vmov s8;
	s14 =	sshra.s32 s25, $0x1F;
	s25 =	sshra.s32 s18, $0x1F;
	v27 =	vsel vm1, s12, v27;
	s12 =	rddreg [dreg:$0x16];
	v35 =	vsel vm11, s24, v25  }
0x1c2: {  	v63 =	vsel vm2, s7, v23;
	v23 =	vsel vm2, s30, v34;
	s30 =	sshrl.u32 s28, $0x1F;
	s8 =	sshra.s32 s28, $0x1F;
	v24 =	vsel vm2, s31, v35;
	s31 =	rddreg [dreg:$0x19]  }
0x1c3: {  	v18 =	vperm.xlane v18, v5;
	s24 =	sshra.s32 s18, $0x4;
	v25 =	vsel vm0, s9, v36;
	s9 =	sshra.s32 s28, $0x4;
	v24 =	vsel vm12, s14, v24;
	s14 =	rddreg [dreg:$0x14]  }
0x1c4: {  	v23 =	vsel vm4, s19, v23;
	s28 =	sshrl.u32 s20, $0x1F;
	v25 =	vsel vm1, s11, v25;
	s19 =	sshrl.u32 s31, $0x1F;
	v24 =	vsel vm4, s24, v24;
	s24 =	sld [smem:$0x7FC]  }
0x1c5: {  	v26 =	vsel vm0, s0, v26;
	v23 =	vsel vm5, s30, v23;
	v25 =	vsel vm2, s13, v25;
	s30 =	sshra.s32 s31, $0x4;
	s18 =	sshra.s32 s31, $0x1F;
	s13 =	rddreg [dreg:$0x13]  }
0x1c6: {  	v26 =	vsel vm1, s1, v26;
	v13 =	vperm.xlane v43, v4;
	s31 =	sshra.s32 s20, $0x4;
	v23 =	vsel vm6, s19, v23;
	s19 =	sld [smem:$0x7FD];
	s20 =	sshrl.u32 s14, $0x1F  }
0x1c7: {  	v26 =	vsel vm2, s3, v26;
	v24 =	vsel vm13, s25, v24;
	v28 =	vmov s20;
	s20 =	rddreg [dreg:$0x15];
	s11 =	smulhi.u32 $0x2AAAAAAB, s24;
	s25 =	sshra.s32 s24, $0x1F  }
0x1c8: {  	v48 =	vperm.xlane v61, v5;
	s3 =	sshrl.u32 s12, $0x1F;
	v27 =	vsel vm2, s6, v27;
	v24 =	vsel vm5, s9, v24;
	s24 =	rddreg [dreg:$0x1b];
	s7 =	smul.u32 $0x2AAAAAAB, s25  }
0x1c9: {  	v46 =	vcombine.low v27, v26;
	v44 =	vcombine.low v25, v63;
	s9 =	rddreg [dreg:$0x18];
	v24 =	vsel vm14, s8, v24;
	s8 =	sshrl.u32 s19, $0x1F;
	s25 =	smulhi.u32 $0x2AAAAAAB, s24  }
0x1ca: {  	v23 =	vsel vm7, s28, v23;
	v24 =	vsel vm6, s30, v24;
	s28 =	sshra.s32 s24, $0x1F;
	s30 =	sshrl.u32 s13, $0x1F;
	v28 =	vsel vm0, s8, v28;
	s8 =	rddreg [dreg:$0x10]  }
0x1cb: {  	v14 =	vperm.xlane v44, v4;
	v49 =	vperm.xlane v23, v5;
	s24 =	sshrl.u32 s20, $0x1F;
	v24 =	vsel vm15, s18, v24;
	s1 =	smul.u32 $0x2AAAAAAB, s28;
	s18 =	rddreg [dreg:$0x17]  }
0x1cc: {  	v11 =	vsel vm8, v18, v11;
	v13 =	vsel vm8, v48, v13;
	s28 =	rddreg [dreg:$0xf];
	s4 =	sshrl.u32 s18, $0x1F;
	v24 =	vsel vm7, s31, v24;
	s31 =	sshrl.u32 s9, $0x1F  }
0x1cd: {  	v50 =	vperm.xlane v46, v4;
	v53 =	vsel vm8, v49, v14;
	v28 =	vsel vm1, s30, v28;
	s6 =	sadd.s32 s7, s11;
	s11 =	sshra.s32 s21, $0x1F;
	s30 =	smulhi.u32 $0x2AAAAAAB, s28  }
0x1ce: {  	s5 =	sshra.s32 s28, $0x1F;
	v28 =	vsel vm2, s10, v28;
	v29 =	vmov s31;
	s0 =	sadd.s32 s1, s25;
	v30 =	vmov s11;
	s25 =	sshra.s32 s9, $0x4  }
0x1cf: {  	s31 =	sshra.s32 s9, $0x1F;
	s9 =	rddreg [dreg:$0x11];
	s5 =	smul.u32 $0x2AAAAAAB, s5;
	v31 =	vmov s4;
	v51 =	vperm.xlane v24, v5;
	v30 =	vsel vm3, s25, v30  }
0x1d0: {  	s11 =	sshra.s32 s20, $0x4;
	s20 =	smov.u32 s20;
	v29 =	vnsel vm3, $0x0, v29;
	s10 =	sshrl.u32 s9, $0x1F;
	v31 =	vsel vm0, s3, v31;
	v30 =	vsel vm9, s31, v30  }
0x1d1: {  	s25 =	sshrl.u32 s8, $0x1F;
	s28 =	sshra.s32 s20, $0x1F;
	v29 =	vsel vm0, s24, v29;
	s24 =	sshrl.u32 s29, $0x1F;
	vm9 =	vne.s32 v45, v47;
	v30 =	vsel vm0, s11, v30  }
0x1d2: {  	s2 =	sadd.s32 s5, s30;
	s31 =	sshra.s32 s9, $0x4;
	s5 =	rddreg [dreg:$0x12];
	v54 =	vsel vm8, v51, v50;
	v29 =	vsel vm1, s10, v29;
	v30 =	vsel vm10, s28, v30  }
0x1d3: {  	v31 =	vsel vm1, s24, v31;
	s7 =	sshrl.u32 s5, $0x1F;
	s11 =	sshra.s32 s9, $0x1F;
	s24 =	sshra.s32 s14, $0x4;
	v29 =	vsel vm2, s25, v29;
	v30 =	vsel vm1, s31, v30  }
0x1d4: {  	v31 =	vsel vm2, s7, v31;
	s25 =	sshra.s32 s8, $0x4;
	v32 =	vmov s24;
	v30 =	vsel vm11, s11, v30  }
0x1d5: {  	s30 =	sshrl.u32 s6, $0x1F;
	vm10 =	vlt.s32 v6, $0x1;
	v6 =	vadd.s32 v11, v13;
	s31 =	sshra.s32 s8, $0x1F;
	v30 =	vsel vm2, s25, v30  }
0x1d6: {  	s10 =	sshrl.u32 s0, $0x1F;
	s20 =	sshrl.u32 s2, $0x1F;
	s9 =	sshra.s32 s6, $0x4;
	v13 =	vadd.s32 v53, v54;
	v29 =	vsel vm4, s30, v29;
	v30 =	vsel vm12, s31, v30  }
0x1d7: {  	[tilespmem:s26+$0x5120] =	vst v0;
	s30 =	sshra.s32 s19, $0x4;
	s8 =	sshra.s32 s18, $0x4;
	v52 =	vcombine.low v31, v28;
	v29 =	vsel vm5, s10, v29;
	s11 =	sshra.s32 s6, $0x1F;
	v30 =	vsel vm4, s9, v30  }
0x1d8: {  	[tilespmem:s26+$0xA2A0] =	vst v3;
	s7 =	sshra.s32 s13, $0x4;
	s13 =	sshra.s32 s0, $0x4;
	v32 =	vsel vm0, s30, v32;
	v33 =	vmov s8;
	s10 =	sshra.s32 s12, $0x4;
	v37 =	vsel vm13, s11, v30  }
0x1d9: {  	[tilespmem:s26+$0x5130] =	vst v0;
	s0 =	sshra.s32 s0, $0x1F;
	s12 =	sshra.s32 s29, $0x4;
	v29 =	vsel vm6, s20, v29;
	v33 =	vsel vm0, s10, v33;
	v12 =	vsel vm5, s13, v37  }
0x1da: {  	[tilespmem:s26+$0xA2B0] =	vst v3;
	s14 =	sshra.s32 s2, $0x4;
	s18 =	sshra.s32 s15, $0x4;
	s19 =	sshra.s32 s5, $0x4;
	v32 =	vsel vm1, s7, v32;
	v38 =	vsel vm1, s12, v33;
	v12 =	vsel vm14, s0, v12  }
0x1db: {  	[tilespmem:s26+$0x5140] =	vst v0;
	s2 =	sshra.s32 s2, $0x1F;
	s28 =	sshrl.u32 s21, $0x1F;
	v40 =	vsel vm2, s18, v32;
	v30 =	vsel vm2, s19, v38;
	v12 =	vsel vm6, s14, v12  }
0x1dc: {  	[tilespmem:s26+$0xA2C0] =	vst v3;
	s20 =	sshra.s32 s21, $0x4;
	v29 =	vsel vm7, s28, v29;
	v15 =	vcombine.low v30, v40;
	v12 =	vsel vm15, s2, v12  }
0x1dd: {  	[tilespmem:s26+$0x5150] =	vst v0;
	v11 =	vperm.xlane v52, v4;
	v55 =	vperm.xlane v29, v5;
	v12 =	vsel vm7, s20, v12  }
0x1de: {  	[tilespmem:s26+$0xA2D0] =	vst v3;
	vm9 =	vmand vm10, vm9;
	v56 =	vperm.xlane v15, v4;
	v12 =	vperm.xlane v12, v5  }
0x1df: {  	[tilespmem:s26+$0x5160] =	vst v0;
	v58 =	vmul.u32 $0xFFFFFFA0, v6;
	v57 =	vsel vm9, $0xFFFFFFFF, v2;
	vm9 =	vlt.s32 v7, $0x1  }
0x1e0: {  	[tilespmem:s26+$0xA2E0] =	vst v3;
	v7 =	vsub.s32 $0x0, v7;
	v11 =	vsel vm8, v55, v11;
	v12 =	vsel vm8, v12, v56  }
0x1e1: {  	[tilespmem:s26+$0x5170] =	vst v0;
	s23 =	simm.s32 $0x1;
	vm10 =	vne.s32 v58, v7;
	v7 =	vmul.u32 $0xFFFFFFA0, v13;
	v11 =	vadd.s32 v11, v12  }
0x1e2: {  	[tilespmem:s26+$0xA2F0] =	vst v3;
	s22 =	simm.s32 $0x0;
	v59 =	vsub.s32 $0x0, v8;
	s24 =	simm.s32 $0x5120;
	s21 =	rddreg [dreg:$0x9];
	v60 =	vmul.u32 $0xFFFFFFA0, v11  }
0x1e3: {  	vm9 =	vmand vm9, vm10;
	[hbm4b:s21+s22] =	stream.linear.scatter [tilespmem:s24], [sflag:$0x1], $0x1460, $0x38;
	vm11 =	vne.s32 v7, v59;
	v7 =	vsub.s32 $0x0, v9;
	[tilespmem:$0xB780] =	vst v63  }
0x1e4: {  	_ =	swait.ge [sflag:s23], $0x1460;
	vm12 =	vne.s32 v60, v7;
	v7 =	vsel vm9, $0xFFFFFFFF, v2  }
0x1e5: {  	v6 =	vadd.s32 v7, v6;
	v7 =	vld [tilespmem:$0x1FFF0];
	_ =	sdelay $0x1  }
0x1e6: {  	vm10 =	vlt.s32 v8, $0x1  }
0x1e7: {  	vm10 =	vmand vm10, vm11;
	vm11 =	vlt.s32 v9, $0x1  }
0x1e8: {  	v10 =	vadd.s32 v57, v10;
	vm9 =	vmand vm11, vm12  }
0x1e9: {  	[sflag:s23] =	ssyncset.done $0x0;
	v61 =	vsel vm10, $0xFFFFFFFF, v2;
	v62 =	vsel vm9, $0xFFFFFFFF, v2;
	vm9 =	vnez.u8 v7  }
0x1ea: {  	s26 =	simm.s32 $0xA2A0;
	s25 =	rddreg [dreg:$0xa];
	[sflag:s23] =	ssyncadd.s32 $0xFFFFEBA0;
	v8 =	vadd.s32 v61, v13;
	v7 =	vnsel vm9, $0x0, v10;
	vm9 =	vcmask $0x308  }
0x1eb: {  	[hbm4b:s25+s22] =	stream.linear.scatter [tilespmem:s26], [sflag:$0x1], $0x1460, $0x38;
	v63 =	vadd.s32 v62, v11;
	v6 =	vsel vm9, $0x0, v6;
	vm9 =	vcmask $0x70C;
	[tilespmem:$0xB780] =	vst v63  }
0x1ec: {  	_ =	swait.ge [sflag:s23], $0x1460;
	v6 =	vadd.s32 v7, v6;
	v7 =	vsel vm9, $0x0, v8;
	vm9 =	vcmask $0xB10  }
0x1ed: {  	[sflag:s23] =	ssyncset.done $0x0;
	v6 =	vadd.s32 v7, v6;
	v7 =	vsel vm9, $0x0, v63  }
0x1ee: {  	[sflag:s23] =	ssyncadd.s32 $0xFFFFEBA0;
	v6 =	vadd.s32 v7, v6  }
0x1ef: {  	s29 =	simm.s32 $0xB700;
	s28 =	rddreg [dreg:$0xb];
	[tilespmem:$0xB700] =	vst v6  }
0x1f0: {  	[hbm4b:s28+s22] =	stream.linear.scatter [tilespmem:s29], [sflag:$0x1], $0x10, $0x38;
	[tilespmem:$0xB780] =	vst v63  }
0x1f1: {  	_ =	swait.ge [sflag:s23], $0x10  }
0x1f2: {  	s30 =	rddreg [dreg:$0xe]  }
0x1f3: {  	s31 =	rddreg [dreg:$0xc];
	s1 =	sadd.s32 $0x1, s30  }
0x1f4: {  	p0 =	sne.s32 s1, s31  }
.Ltmp1:
0x1f5: {  	_ = 	snop;
	(pc) =	sbr.rel @p0 .LBB2_1-.Ltmp1, $3  }
0x1f6: {  	_ =	sdelay $0x1  }
0x1f7: {  	[sflag:s23] =	ssyncset.done $0x0  }
0x1f8: {  	[sflag:s23] =	ssyncadd.s32 $0xFFFFFFF0  }
0x1f9: {  	_ =	sfence.sel $0x180000  }
0x1fa: {  	[bflag:$0x0] =	sbarrier.arrive $0xFFFF  }
0x1fb: {  	_ =	strace $0x9000004A  }
0x1fc: {  	s0 =	stileid.u32;
	[bflag:$0x2] =	sbarrier.arrive $0xFFFF  }
0x1fd: {  	p0 =	sne.s32 s0, $0x0;
	s0 =	rddreg [dreg:$0x1]  }
0x1fe: {  	s0 =	sadd.s32 @!p0 $0x100000, s0  }
0x1ff: {  	[sflag:s0] =	ssyncadd.tile.s32 @!p0 $0x1;
	_ =	shalt  }
.Lfunc_end2:
_tile_overlayer_lowered:
.L_overlay_start_2:
0x200: {  	(tag) =	ssettag $0x2  }
0x201: {  	s0 =	rddreg [dreg:$0x0];
	s2 =	stileid.u32  }
0x202: {  	s1 =	rddreg [dreg:$0x1];
	p0 =	sne.s32 s2, $0x0  }
0x203: {  	s3 =	rddreg [dreg:$0x2];
	[bflag:$0x3] =	sbarrier.arrive $0xFFFF;
	s2 =	simm.s32 @!p0 $0x1C01  }
0x204: {  	[timem:s3], [sflag:s2] =	dma.local @!p0 [hbm:s0], s1  }
0x205: {  	s0 =	simm.s32 @!p0 $0x1  }
0x206: {  	_ =	swait.ge @!p0 [sflag:s0], s1  }
0x207: {  	s1 =	ssub.s32 @!p0 $0x0, s1;
	[sflag:s0] =	ssyncset.done @!p0 $0x0  }
0x208: {  	[sflag:s0] =	ssyncadd.s32 @!p0 s1  }
0x209: {  	[bflag:$0x3] =	sbarrier.arrive $0xFFFF  }
0x20a: {  	_ =	shalt  }

</sc_bundles>
